<compile_context>
chip_gen: v7x
topology: tpu7x:2x2x1
jax: 0.10.2.dev20260603
libtpu: 0.0.44.dev20260713+nightly
codegen_flags: <defaults>
</compile_context>

<pallas_src>
import functools

import jax
import jax.numpy as jnp
from jax import lax
from jax.experimental import pallas as pl
from jax.experimental.pallas import tpu as pltpu
from jax.experimental.pallas import tpu_sc as plsc

B = 16384
M = 1000000
NC = 2
NS = 16
L = 16
NW = NC * NS
SPW = B // NW
NVEC = B // L
RNG = 31264
MPAD = NW * RNG
TAIL = M - (NW - 1) * RNG

D1 = 0.1
D9 = 0.9
MARGIN = 0.2

_mesh = plsc.VectorSubcoreMesh(
    core_axis_name="c", subcore_axis_name="s", num_cores=NC, num_subcores=NS)


def _wid():
    return lax.axis_index("s") * NC + lax.axis_index("c")


def _f32(shape):
    return jax.ShapeDtypeStruct(shape, jnp.float32)


@functools.partial(
    pl.kernel,
    out_type=(
        jax.ShapeDtypeStruct((MPAD,), jnp.int32),
        _f32((B,)), _f32((B,)), _f32((B,)),
        _f32((B,)), _f32((B,)),
    ),
    mesh=_mesh,
    compiler_params=pltpu.CompilerParams(needs_layout_passes=False),
    scratch_types=(
        pltpu.VMEM((B,), jnp.int32),
        pltpu.VMEM((RNG,), jnp.int32),
        pltpu.VMEM((SPW,), jnp.float32),
        pltpu.VMEM((SPW,), jnp.float32),
        pltpu.VMEM((SPW,), jnp.float32),
        pltpu.VMEM((SPW,), jnp.float32),
        pltpu.VMEM((SPW,), jnp.float32),
        pltpu.VMEM((SPW,), jnp.float32),
        pltpu.VMEM((SPW,), jnp.float32),
        pltpu.VMEM((SPW,), jnp.float32),
        pltpu.VMEM((SPW,), jnp.float32),
        pltpu.VMEM((SPW,), jnp.float32),
        pltpu.VMEM((SPW,), jnp.float32),
        pltpu.VMEM((SPW,), jnp.float32),
        pltpu.VMEM((SPW,), jnp.float32),
        pltpu.VMEM((SPW,), jnp.float32),
        pltpu.SemaphoreType.DMA,
    ),
)
def _phase_a(ids, x, y, z, da, db, tg, xst, yst, zst,
             win, updx, updy, updz, evp, los,
             ids_v, win_t, slx, sly, slz, sla, slb, slt,
             gx, gy, gz, bux, buy, buz, bev, blo, sem):
    w = _wid()
    base = w * SPW
    slcps = [pltpu.async_copy(x.at[pl.ds(base, SPW)], slx, sem),
             pltpu.async_copy(y.at[pl.ds(base, SPW)], sly, sem),
             pltpu.async_copy(z.at[pl.ds(base, SPW)], slz, sem),
             pltpu.async_copy(da.at[pl.ds(base, SPW)], sla, sem),
             pltpu.async_copy(db.at[pl.ds(base, SPW)], slb, sem),
             pltpu.async_copy(tg.at[pl.ds(base, SPW)], slt, sem)]
    pltpu.sync_copy(ids, ids_v)
    cps = []
    for c in range(4):
        idxs = ids_v.at[pl.ds(base + c * 128, 128)]
        d = pl.ds(c * 128, 128)
        cps.append(pltpu.async_copy(xst.at[idxs], gx.at[d], sem))
        cps.append(pltpu.async_copy(yst.at[idxs], gy.at[d], sem))
        cps.append(pltpu.async_copy(zst.at[idxs], gz.at[d], sem))

    _winner_scan(ids_v, win_t, w)
    wcp = pltpu.async_copy(win_t, win.at[pl.ds(w * RNG, RNG)], sem)
    for cp in slcps:
        cp.wait()
    for cp in cps:
        cp.wait()

    def cbody(j, carry):
        s = pl.ds(j * L, L)
        ex = jnp.exp(slx[s])
        ey = jnp.exp(sly[s])
        ez = jnp.exp(slz[s])
        bux[s] = D1 * ex + D9 * gx[s]
        buy[s] = D1 * ey + D9 * gy[s]
        buz[s] = D1 * ez + D9 * gz[s]
        bev[s] = ex * ey * ez
        blo[s] = jnp.maximum(0.0, -slt[s] * (sla[s] - slb[s]) + MARGIN)
        return carry

    lax.fori_loop(0, SPW // L, cbody, 0)
    pcps = [pltpu.async_copy(bux, updx.at[pl.ds(base, SPW)], sem),
            pltpu.async_copy(buy, updy.at[pl.ds(base, SPW)], sem),
            pltpu.async_copy(buz, updz.at[pl.ds(base, SPW)], sem),
            pltpu.async_copy(bev, evp.at[pl.ds(base, SPW)], sem),
            pltpu.async_copy(blo, los.at[pl.ds(base, SPW)], sem)]
    wcp.wait()
    for cp in pcps:
        cp.wait()


def _winner_scan(ids_v, win_t, w):
    rbase = w * RNG
    iota = lax.iota(jnp.int32, L)

    G = 16

    def wbody(g, carry):
        offs_l, m_l, val_l = [], [], []
        for t in range(G):
            v = g * G + t
            idv = ids_v[pl.ds(v * L, L)]
            off = idv - rbase
            m = (off >= 0) & (off < RNG)
            offs = jnp.where(m, off, 0)
            val = v * L + iota
            plsc.store_scatter(win_t, [offs], val, mask=m)
            offs_l.append(offs)
            m_l.append(m)
            val_l.append(val)
        bad = None
        for t in range(G):
            got = plsc.load_gather(win_t, [offs_l[t]])
            bt = m_l[t] & (got != val_l[t])
            bad = bt if bad is None else (bad | bt)

        @pl.when(jnp.any(bad))
        def _fix():
            for t in range(G):
                for lane in range(L):
                    plsc.store_scatter(win_t, [offs_l[t]], val_l[t],
                                       mask=m_l[t] & (iota == lane))

        return carry

    lax.fori_loop(0, NVEC // G, wbody, 0)


@functools.partial(
    pl.kernel,
    out_type=(
        _f32((B,)),
        _f32((B,)),
        _f32((B,)),
        _f32((NW, L)),
        _f32((NW, L)),
    ),
    mesh=_mesh,
    compiler_params=pltpu.CompilerParams(needs_layout_passes=False),
    scratch_types=(
        pltpu.VMEM((4, 128), jnp.int32),
        pltpu.VMEM((4, 128), jnp.int32),
        pltpu.VMEM((SPW,), jnp.float32),
        pltpu.VMEM((SPW,), jnp.float32),
        pltpu.VMEM((SPW,), jnp.float32),
        pltpu.VMEM((SPW,), jnp.float32),
        pltpu.VMEM((SPW,), jnp.float32),
        pltpu.VMEM((SPW,), jnp.float32),
        pltpu.VMEM((SPW,), jnp.float32),
        pltpu.VMEM((SPW,), jnp.float32),
        pltpu.VMEM((SPW,), jnp.float32),
        pltpu.VMEM((SPW,), jnp.float32),
        pltpu.VMEM((SPW,), jnp.float32),
        pltpu.VMEM((SPW,), jnp.float32),
        pltpu.VMEM((L,), jnp.float32),
        pltpu.VMEM((L,), jnp.float32),
        pltpu.SemaphoreType.DMA,
    ),
)
def _phase_b(ids, evph, losh, updx, updy, updz, winh, sval, sw,
             wout, k2o, k2wo, Sp, Swp,
             ids2d, win2d, sle, sll, kx, ky, kz, ew, lw, gv, gw,
             bw, bk2, bk2w, pS, pSw, sem):
    w_ = _wid()
    base = w_ * SPW
    cps = [pltpu.async_copy(ids.at[pl.ds(base + c * 128, 128)], ids2d.at[c],
                            sem) for c in range(4)]
    cps.append(pltpu.async_copy(evph.at[pl.ds(base, SPW)], sle, sem))
    cps.append(pltpu.async_copy(losh.at[pl.ds(base, SPW)], sll, sem))
    for cp in cps:
        cp.wait()
    cps = [pltpu.async_copy(winh.at[ids2d.at[c]], win2d.at[c], sem)
           for c in range(4)]
    for cp in cps:
        cp.wait()
    cps = []
    for c in range(4):
        iw = win2d.at[c]
        ii = ids2d.at[c]
        d = pl.ds(c * 128, 128)
        cps.append(pltpu.async_copy(updx.at[iw], kx.at[d], sem))
        cps.append(pltpu.async_copy(updy.at[iw], ky.at[d], sem))
        cps.append(pltpu.async_copy(updz.at[iw], kz.at[d], sem))
        cps.append(pltpu.async_copy(evph.at[iw], ew.at[d], sem))
        cps.append(pltpu.async_copy(losh.at[iw], lw.at[d], sem))
        cps.append(pltpu.async_copy(sval.at[ii], gv.at[d], sem))
        cps.append(pltpu.async_copy(sw.at[ii], gw.at[d], sem))
    for cp in cps:
        cp.wait()

    def cbody(j, carry):
        sS, sSw = carry
        s = pl.ds(j * L, L)
        kprod = kx[s] * ky[s] * kz[s]
        wv = sle[s] / kprod
        wwin = ew[s] / kprod
        gws = gw[s]
        nww = D1 * wwin + D9 * gws
        nvv = (D1 * wwin * lw[s] + D9 * gws * gv[s]) / nww
        bw[s] = wv
        bk2[s] = nvv
        bk2w[s] = nww
        return sS + (sll[s] - nvv) * wv, sSw + wv

    zero = jnp.zeros((L,), jnp.float32)
    sS, sSw = lax.fori_loop(0, SPW // L, cbody, (zero, zero))
    pS[...] = sS
    pSw[...] = sSw
    pltpu.sync_copy(bw, wout.at[pl.ds(base, SPW)])
    pltpu.sync_copy(bk2, k2o.at[pl.ds(base, SPW)])
    pltpu.sync_copy(bk2w, k2wo.at[pl.ds(base, SPW)])
    pltpu.sync_copy(pS, Sp.at[w_])
    pltpu.sync_copy(pSw, Swp.at[w_])


@functools.partial(
    pl.kernel,
    out_type=(_f32((M,)), _f32((M,))),
    mesh=_mesh,
    compiler_params=pltpu.CompilerParams(needs_layout_passes=False),
    scratch_types=(
        pltpu.VMEM((B,), jnp.int32),
        pltpu.VMEM((B,), jnp.float32),
        pltpu.VMEM((B,), jnp.float32),
        pltpu.VMEM((RNG,), jnp.float32),
        pltpu.VMEM((RNG,), jnp.float32),
        pltpu.SemaphoreType.DMA,
    ),
)
def _phase_c(ids, k2, k2w, sval, sw,
             oval, ow,
             ids_v, k2v, k2wv, segv, segw, sem):
    w_ = _wid()
    rbase = w_ * RNG
    last = NW - 1
    cps = [pltpu.async_copy(ids, ids_v, sem),
           pltpu.async_copy(k2, k2v, sem),
           pltpu.async_copy(k2w, k2wv, sem)]

    @pl.when(w_ < last)
    def _load_full():
        a = pltpu.async_copy(sval.at[pl.ds(rbase, RNG)], segv, sem)
        b = pltpu.async_copy(sw.at[pl.ds(rbase, RNG)], segw, sem)
        a.wait()
        b.wait()

    @pl.when(w_ == last)
    def _load_tail():
        a = pltpu.async_copy(sval.at[pl.ds(rbase, TAIL)],
                             segv.at[pl.ds(0, TAIL)], sem)
        b = pltpu.async_copy(sw.at[pl.ds(rbase, TAIL)],
                             segw.at[pl.ds(0, TAIL)], sem)
        a.wait()
        b.wait()

    for cp in cps:
        cp.wait()

    def abody(v, carry):
        s = pl.ds(v * L, L)
        idv = ids_v[s]
        off = idv - rbase
        m = (off >= 0) & (off < RNG)
        offs = jnp.where(m, off, 0)
        plsc.store_scatter(segv, [offs], k2v[s], mask=m)
        plsc.store_scatter(segw, [offs], k2wv[s], mask=m)
        return carry

    lax.fori_loop(0, NVEC, abody, 0, unroll=8)

    @pl.when(w_ < last)
    def _store_full():
        a = pltpu.async_copy(segv, oval.at[pl.ds(rbase, RNG)], sem)
        b = pltpu.async_copy(segw, ow.at[pl.ds(rbase, RNG)], sem)
        a.wait()
        b.wait()

    @pl.when(w_ == last)
    def _store_tail():
        a = pltpu.async_copy(segv.at[pl.ds(0, TAIL)],
                             oval.at[pl.ds(rbase, TAIL)], sem)
        b = pltpu.async_copy(segw.at[pl.ds(0, TAIL)],
                             ow.at[pl.ds(rbase, TAIL)], sem)
        a.wait()
        b.wait()


def kernel(dist_a, dist_b, x, y, z, target, ids, xstore, ystore, zstore,
           store_val, store_w):
    win, updx, updy, updz, evp, los = _phase_a(
        ids, x, y, z, dist_a, dist_b, target, xstore, ystore, zstore)
    wout, k2, k2w, Sp, Swp = _phase_b(
        ids, evp, los, updx, updy, updz, win, store_val, store_w)
    oval, ow = _phase_c(ids, k2, k2w, store_val, store_w)
    n = (Swp.sum() + 1e-5) / B
    final = Sp.sum() / n
    return final, wout, oval, ow

# --- scband reference (transcript-rebuilt; emitter-appended) ---
"""Pipeline reference for scband-actor-observer-loss-21887153341468 (READ-ONLY COPY).

The authoritative reference and input builder live on the scoring server;
editing this copy changes nothing except your own understanding.
"""

import jax, jax.numpy as jnp
import numpy as np

B = 16384
M = 1000000
DECAY = 0.9
FINALDECAY = 0.9
MARGIN = 0.2


def setup_inputs(seed: int = 0) -> dict:
    key = jax.random.key(seed)
    ks = jax.random.split(key, 12)
    dist_a = jax.random.normal(ks[0], (B,), dtype=jnp.float32)
    dist_b = jax.random.normal(ks[1], (B,), dtype=jnp.float32)
    x = jax.random.normal(ks[2], (B,), dtype=jnp.float32) * 0.1
    y = jax.random.normal(ks[3], (B,), dtype=jnp.float32) * 0.1
    z = jax.random.normal(ks[4], (B,), dtype=jnp.float32) * 0.1
    target = jnp.where(jax.random.uniform(ks[5], (B,)) < 0.5, -1.0, 1.0).astype(jnp.float32)
    ids = jax.random.randint(ks[6], (B,), 0, M, dtype=jnp.int32)
    # per-video running-softmax normalizer memories (positive)
    xstore = jax.random.uniform(ks[7], (M,), minval=0.5, maxval=1.5, dtype=jnp.float32)
    ystore = jax.random.uniform(ks[8], (M,), minval=0.5, maxval=1.5, dtype=jnp.float32)
    zstore = jax.random.uniform(ks[9], (M,), minval=0.5, maxval=1.5, dtype=jnp.float32)
    # per-video (loss value, weight) memory
    store_val = jax.random.uniform(ks[10], (M,), minval=0.0, maxval=0.5, dtype=jnp.float32)
    store_w = jnp.full((M,), 0.5, dtype=jnp.float32)
    return {
        'dist_a': dist_a, 'dist_b': dist_b, 'x': x, 'y': y, 'z': z,
        'target': target, 'ids': ids,
        'xstore': xstore, 'ystore': ystore, 'zstore': zstore,
        'store_val': store_val, 'store_w': store_w,
    }


def margin_rank_loss(dist_a, dist_b, target, margin):
    # per-sample margin ranking loss (no reduction)
    return jnp.maximum(0.0, -target * (dist_a - dist_b) + margin)


@jax.custom_vjp
def equalize_grad_norm(dist_a, dist_b, x, y, z):
    return dist_a, dist_b, x, y, z


def _eq_fwd(dist_a, dist_b, x, y, z):
    return (dist_a, dist_b, x, y, z), None


def _eq_bwd(_, grads):
    norms = [jnp.sqrt(jnp.sum(g * g)) for g in grads]
    avg = sum(norms) / len(norms)
    return tuple(g * (avg / (n + 1e-5)) for g, n in zip(grads, norms))


equalize_grad_norm.defvjp(_eq_fwd, _eq_bwd)


def video_softmax(v, ids, storage, decay):
    # exp, EMA-update the per-video normalizer memory, then normalize
    ev = jnp.exp(v)
    upd = (1.0 - decay) * jax.lax.stop_gradient(ev) + decay * storage[ids]
    new_storage = storage.at[ids].set(upd)
    k = jax.lax.stop_gradient(new_storage[ids])
    return ev / k


def reference(dist_a, dist_b, x, y, z, target, ids, xstore, ystore, zstore, store_val, store_w):
    x = video_softmax(x, ids, xstore, DECAY)
    y = video_softmax(y, ids, ystore, DECAY)
    z = video_softmax(z, ids, zstore, DECAY)
    dist_a, dist_b, x, y, z = equalize_grad_norm(dist_a, dist_b, x, y, z)
    w = x * y * z
    loss = margin_rank_loss(dist_a, dist_b, target, MARGIN)
    # update per-video (value, weight) memory with detached loss/weights
    l_sg = jax.lax.stop_gradient(loss)
    w_sg = jax.lax.stop_gradient(w)
    old_x = store_val[ids]
    old_w = store_w[ids]
    new_weight = (1.0 - FINALDECAY) * w_sg + FINALDECAY * old_w
    new_val = ((1.0 - FINALDECAY) * w_sg * l_sg + FINALDECAY * old_w * old_x) / new_weight
    new_store_val = store_val.at[ids].set(new_val)
    new_store_w = store_w.at[ids].set(new_weight)
    k = new_store_val[ids]
    n = (w.sum() + 1e-5) / w.shape[0]
    final = ((loss - k) * (w / n)).sum()
    return final, w, new_store_val, new_store_w

if __name__ == "__main__":
    import jax
    _d = setup_inputs()
    print(jax.jit(kernel)(*tuple(_d.values())))

</pallas_src>

<mosaic_0001>
#map = affine_map<(d0, d1) -> (0)>
module attributes {stable_mosaic.version = 14 : i64} {
  func.func @_phase_c(%arg0: i32, %arg1: i32, %arg2: memref<16384xi32, #tpu.memory_space<hbm>>, %arg3: memref<16384xf32, #tpu.memory_space<hbm>>, %arg4: memref<16384xf32, #tpu.memory_space<hbm>>, %arg5: memref<1000000xf32, #tpu.memory_space<hbm>>, %arg6: memref<1000000xf32, #tpu.memory_space<hbm>>, %arg7: memref<1000000xf32, #tpu.memory_space<hbm>>, %arg8: memref<1000000xf32, #tpu.memory_space<hbm>>, %arg9: memref<16384xi32, #tpu.memory_space<vmem>>, %arg10: memref<16384xf32, #tpu.memory_space<vmem>>, %arg11: memref<16384xf32, #tpu.memory_space<vmem>>, %arg12: memref<31264xf32, #tpu.memory_space<vmem>>, %arg13: memref<31264xf32, #tpu.memory_space<vmem>>, %arg14: memref<!tpu.dma_semaphore, #tpu.memory_space<semaphore_mem>>) attributes {dimension_semantics = [#tpu.dimension_semantics<core_parallel>, #tpu.dimension_semantics<subcore_parallel>], iteration_bounds = array<i64: 2, 16>, scalar_prefetch = 0 : i64, scratch_operands = 6 : i64, tpu.core_type = #tpu.core_type<sc_vector_subcore>, window_params = [{transform_indices = #map}, {transform_indices = #map}, {transform_indices = #map}, {transform_indices = #map}, {transform_indices = #map}, {transform_indices = #map}, {transform_indices = #map}]} {
    %mul3A = arith.constant 2 : i32
    %mul3A_0 = arith.muli %arg1, %mul3A : i32
    %add3A = arith.addi %mul3A_0, %arg0 : i32
    %mul3A_1 = arith.constant 31264 : i32
    %mul3A_2 = arith.muli %add3A, %mul3A_1 : i32
    tpu.enqueue_dma source(%arg2 : memref<16384xi32, #tpu.memory_space<hbm>>) target(%arg9 : memref<16384xi32, #tpu.memory_space<vmem>>) target_semaphore(%arg14 : memref<!tpu.dma_semaphore, #tpu.memory_space<semaphore_mem>>)
    tpu.enqueue_dma source(%arg3 : memref<16384xf32, #tpu.memory_space<hbm>>) target(%arg10 : memref<16384xf32, #tpu.memory_space<vmem>>) target_semaphore(%arg14 : memref<!tpu.dma_semaphore, #tpu.memory_space<semaphore_mem>>)
    tpu.enqueue_dma source(%arg4 : memref<16384xf32, #tpu.memory_space<hbm>>) target(%arg11 : memref<16384xf32, #tpu.memory_space<vmem>>) target_semaphore(%arg14 : memref<!tpu.dma_semaphore, #tpu.memory_space<semaphore_mem>>)
    %lt3A = arith.constant 31 : i32
    %lt3A_3 = arith.cmpi slt, %add3A, %lt3A : i32
    %convert_element_type3A = arith.extui %lt3A_3 : i1 to i32
    %cond3A = arith.constant 0 : i32
    %cond3A_4 = arith.cmpi ne, %convert_element_type3A, %cond3A : i32
    scf.if %cond3A_4 {
      %dma_start3A = tpu.memref_slice %arg5[%mul3A_2] : memref<1000000xf32, #tpu.memory_space<hbm>> -> memref<31264xf32, #tpu.memory_space<hbm>>
      %dma_start3A_24 = tpu.memref_slice %arg5[%mul3A_2] : memref<1000000xf32, #tpu.memory_space<hbm>> -> memref<31264xf32, #tpu.memory_space<hbm>>
      tpu.enqueue_dma source(%dma_start3A_24 : memref<31264xf32, #tpu.memory_space<hbm>>) target(%arg12 : memref<31264xf32, #tpu.memory_space<vmem>>) target_semaphore(%arg14 : memref<!tpu.dma_semaphore, #tpu.memory_space<semaphore_mem>>)
      %dma_start3A_25 = tpu.memref_slice %arg6[%mul3A_2] : memref<1000000xf32, #tpu.memory_space<hbm>> -> memref<31264xf32, #tpu.memory_space<hbm>>
      %dma_start3A_26 = tpu.memref_slice %arg6[%mul3A_2] : memref<1000000xf32, #tpu.memory_space<hbm>> -> memref<31264xf32, #tpu.memory_space<hbm>>
      tpu.enqueue_dma source(%dma_start3A_26 : memref<31264xf32, #tpu.memory_space<hbm>>) target(%arg13 : memref<31264xf32, #tpu.memory_space<vmem>>) target_semaphore(%arg14 : memref<!tpu.dma_semaphore, #tpu.memory_space<semaphore_mem>>)
      %dma_wait3A = tpu.memref_slice %arg5[%mul3A_2] : memref<1000000xf32, #tpu.memory_space<hbm>> -> memref<31264xf32, #tpu.memory_space<hbm>>
      %dma_wait3A_27 = tpu.memref_slice %arg5[%mul3A_2] : memref<1000000xf32, #tpu.memory_space<hbm>> -> memref<31264xf32, #tpu.memory_space<hbm>>
      tpu.wait_dma2 semaphore(%arg14 : memref<!tpu.dma_semaphore, #tpu.memory_space<semaphore_mem>>) src(%dma_wait3A_27 : memref<31264xf32, #tpu.memory_space<hbm>>) dst(%arg12 : memref<31264xf32, #tpu.memory_space<vmem>>)
      %dma_wait3A_28 = tpu.memref_slice %arg6[%mul3A_2] : memref<1000000xf32, #tpu.memory_space<hbm>> -> memref<31264xf32, #tpu.memory_space<hbm>>
      %dma_wait3A_29 = tpu.memref_slice %arg6[%mul3A_2] : memref<1000000xf32, #tpu.memory_space<hbm>> -> memref<31264xf32, #tpu.memory_space<hbm>>
      tpu.wait_dma2 semaphore(%arg14 : memref<!tpu.dma_semaphore, #tpu.memory_space<semaphore_mem>>) src(%dma_wait3A_29 : memref<31264xf32, #tpu.memory_space<hbm>>) dst(%arg13 : memref<31264xf32, #tpu.memory_space<vmem>>)
    } else {
    }
    %eq3A = arith.constant 31 : i32
    %eq3A_5 = arith.cmpi eq, %add3A, %eq3A : i32
    %convert_element_type3A_6 = arith.extui %eq3A_5 : i1 to i32
    %cond3A_7 = arith.constant 0 : i32
    %cond3A_8 = arith.cmpi ne, %convert_element_type3A_6, %cond3A_7 : i32
    scf.if %cond3A_8 {
      %dma_start3A = arith.constant 0 : i32
      %dma_start3A_24 = tpu.memref_slice %arg12[%dma_start3A] : memref<31264xf32, #tpu.memory_space<vmem>> -> memref<30816xf32, #tpu.memory_space<vmem>>
      %dma_start3A_25 = tpu.memref_slice %arg5[%mul3A_2] : memref<1000000xf32, #tpu.memory_space<hbm>> -> memref<30816xf32, #tpu.memory_space<hbm>>
      %dma_start3A_26 = arith.constant 0 : i32
      %dma_start3A_27 = tpu.memref_slice %arg12[%dma_start3A_26] : memref<31264xf32, #tpu.memory_space<vmem>> -> memref<30816xf32, #tpu.memory_space<vmem>>
      %dma_start3A_28 = tpu.memref_slice %arg5[%mul3A_2] : memref<1000000xf32, #tpu.memory_space<hbm>> -> memref<30816xf32, #tpu.memory_space<hbm>>
      tpu.enqueue_dma source(%dma_start3A_28 : memref<30816xf32, #tpu.memory_space<hbm>>) target(%dma_start3A_27 : memref<30816xf32, #tpu.memory_space<vmem>>) target_semaphore(%arg14 : memref<!tpu.dma_semaphore, #tpu.memory_space<semaphore_mem>>)
      %dma_start3A_29 = arith.constant 0 : i32
      %dma_start3A_30 = tpu.memref_slice %arg13[%dma_start3A_29] : memref<31264xf32, #tpu.memory_space<vmem>> -> memref<30816xf32, #tpu.memory_space<vmem>>
      %dma_start3A_31 = tpu.memref_slice %arg6[%mul3A_2] : memref<1000000xf32, #tpu.memory_space<hbm>> -> memref<30816xf32, #tpu.memory_space<hbm>>
      %dma_start3A_32 = arith.constant 0 : i32
      %dma_start3A_33 = tpu.memref_slice %arg13[%dma_start3A_32] : memref<31264xf32, #tpu.memory_space<vmem>> -> memref<30816xf32, #tpu.memory_space<vmem>>
      %dma_start3A_34 = tpu.memref_slice %arg6[%mul3A_2] : memref<1000000xf32, #tpu.memory_space<hbm>> -> memref<30816xf32, #tpu.memory_space<hbm>>
      tpu.enqueue_dma source(%dma_start3A_34 : memref<30816xf32, #tpu.memory_space<hbm>>) target(%dma_start3A_33 : memref<30816xf32, #tpu.memory_space<vmem>>) target_semaphore(%arg14 : memref<!tpu.dma_semaphore, #tpu.memory_space<semaphore_mem>>)
      %dma_wait3A = arith.constant 0 : i32
      %dma_wait3A_35 = tpu.memref_slice %arg12[%dma_wait3A] : memref<31264xf32, #tpu.memory_space<vmem>> -> memref<30816xf32, #tpu.memory_space<vmem>>
      %dma_wait3A_36 = tpu.memref_slice %arg5[%mul3A_2] : memref<1000000xf32, #tpu.memory_space<hbm>> -> memref<30816xf32, #tpu.memory_space<hbm>>
      %dma_wait3A_37 = arith.constant 0 : i32
      %dma_wait3A_38 = tpu.memref_slice %arg12[%dma_wait3A_37] : memref<31264xf32, #tpu.memory_space<vmem>> -> memref<30816xf32, #tpu.memory_space<vmem>>
      %dma_wait3A_39 = tpu.memref_slice %arg5[%mul3A_2] : memref<1000000xf32, #tpu.memory_space<hbm>> -> memref<30816xf32, #tpu.memory_space<hbm>>
      tpu.wait_dma2 semaphore(%arg14 : memref<!tpu.dma_semaphore, #tpu.memory_space<semaphore_mem>>) src(%dma_wait3A_39 : memref<30816xf32, #tpu.memory_space<hbm>>) dst(%dma_wait3A_38 : memref<30816xf32, #tpu.memory_space<vmem>>)
      %dma_wait3A_40 = arith.constant 0 : i32
      %dma_wait3A_41 = tpu.memref_slice %arg13[%dma_wait3A_40] : memref<31264xf32, #tpu.memory_space<vmem>> -> memref<30816xf32, #tpu.memory_space<vmem>>
      %dma_wait3A_42 = tpu.memref_slice %arg6[%mul3A_2] : memref<1000000xf32, #tpu.memory_space<hbm>> -> memref<30816xf32, #tpu.memory_space<hbm>>
      %dma_wait3A_43 = arith.constant 0 : i32
      %dma_wait3A_44 = tpu.memref_slice %arg13[%dma_wait3A_43] : memref<31264xf32, #tpu.memory_space<vmem>> -> memref<30816xf32, #tpu.memory_space<vmem>>
      %dma_wait3A_45 = tpu.memref_slice %arg6[%mul3A_2] : memref<1000000xf32, #tpu.memory_space<hbm>> -> memref<30816xf32, #tpu.memory_space<hbm>>
      tpu.wait_dma2 semaphore(%arg14 : memref<!tpu.dma_semaphore, #tpu.memory_space<semaphore_mem>>) src(%dma_wait3A_45 : memref<30816xf32, #tpu.memory_space<hbm>>) dst(%dma_wait3A_44 : memref<30816xf32, #tpu.memory_space<vmem>>)
    } else {
    }
    tpu.wait_dma2 semaphore(%arg14 : memref<!tpu.dma_semaphore, #tpu.memory_space<semaphore_mem>>) src(%arg2 : memref<16384xi32, #tpu.memory_space<hbm>>) dst(%arg9 : memref<16384xi32, #tpu.memory_space<vmem>>)
    tpu.wait_dma2 semaphore(%arg14 : memref<!tpu.dma_semaphore, #tpu.memory_space<semaphore_mem>>) src(%arg3 : memref<16384xf32, #tpu.memory_space<hbm>>) dst(%arg10 : memref<16384xf32, #tpu.memory_space<vmem>>)
    tpu.wait_dma2 semaphore(%arg14 : memref<!tpu.dma_semaphore, #tpu.memory_space<semaphore_mem>>) src(%arg4 : memref<16384xf32, #tpu.memory_space<hbm>>) dst(%arg11 : memref<16384xf32, #tpu.memory_space<vmem>>)
    %scan3A = arith.constant 0 : i32
    %scan3A_9 = arith.constant 0 : i32
    %scan3A_10 = arith.constant 1024 : i32
    %scan3A_11 = arith.addi %scan3A_9, %scan3A_10 : i32
    %scan3A_12 = arith.constant 8 : i32
    scf.for %scan3A_24 = %scan3A_9 to %scan3A_11 step %scan3A_12  : i32 {
      %mul3A_25 = arith.constant 16 : i32
      %mul3A_26 = arith.muli %scan3A_24, %mul3A_25 : i32
      %get3A = arith.index_cast %mul3A_26 : i32 to index
      %get3A_27 = tpu.vector_load %arg9[%get3A] {strides = array<i32>} : memref<16384xi32, #tpu.memory_space<vmem>>, vector<16xi32>,
      %sub3A = vector.broadcast %mul3A_2 : i32 to vector<16xi32>
      %sub3A_28 = arith.subi %get3A_27, %sub3A : vector<16xi32>
      %ge3A = arith.constant 0 : i32
      %ge3A_29 = vector.broadcast %ge3A : i32 to vector<16xi32>
      %ge3A_30 = arith.cmpi sge, %sub3A_28, %ge3A_29 : vector<16xi32>
      %lt3A_31 = arith.constant 31264 : i32
      %lt3A_32 = vector.broadcast %lt3A_31 : i32 to vector<16xi32>
      %lt3A_33 = arith.cmpi slt, %sub3A_28, %lt3A_32 : vector<16xi32>
      %and3A = arith.andi %ge3A_30, %lt3A_33 : vector<16xi1>
      %jit3A = arith.constant 0 : i32
      %broadcast_in_dim3A = vector.broadcast %jit3A : i32 to vector<16xi32>
      %select_n3A = arith.select %and3A, %sub3A_28, %broadcast_in_dim3A : vector<16xi1>, vector<16xi32>
      %get3A_34 = arith.index_cast %mul3A_26 : i32 to index
      %get3A_35 = tpu.vector_load %arg10[%get3A_34] {strides = array<i32>} : memref<16384xf32, #tpu.memory_space<vmem>>, vector<16xf32>,
      tpu.vector_store_idx %arg12[%select_n3A], %get3A_35 masked %and3A : memref<31264xf32, #tpu.memory_space<vmem>>[vector<16xi32>], vector<16xf32>, vector<16xi1>
      %get3A_36 = arith.index_cast %mul3A_26 : i32 to index
      %get3A_37 = tpu.vector_load %arg11[%get3A_36] {strides = array<i32>} : memref<16384xf32, #tpu.memory_space<vmem>>, vector<16xf32>,
      tpu.vector_store_idx %arg13[%select_n3A], %get3A_37 masked %and3A : memref<31264xf32, #tpu.memory_space<vmem>>[vector<16xi32>], vector<16xf32>, vector<16xi1>
      %scan3A_38 = arith.constant 1 : i32
      %scan3A_39 = arith.addi %scan3A_24, %scan3A_38 : i32
      %mul3A_40 = arith.constant 16 : i32
      %mul3A_41 = arith.muli %scan3A_39, %mul3A_40 : i32
      %get3A_42 = arith.index_cast %mul3A_41 : i32 to index
      %get3A_43 = tpu.vector_load %arg9[%get3A_42] {strides = array<i32>} : memref<16384xi32, #tpu.memory_space<vmem>>, vector<16xi32>,
      %sub3A_44 = vector.broadcast %mul3A_2 : i32 to vector<16xi32>
      %sub3A_45 = arith.subi %get3A_43, %sub3A_44 : vector<16xi32>
      %ge3A_46 = arith.constant 0 : i32
      %ge3A_47 = vector.broadcast %ge3A_46 : i32 to vector<16xi32>
      %ge3A_48 = arith.cmpi sge, %sub3A_45, %ge3A_47 : vector<16xi32>
      %lt3A_49 = arith.constant 31264 : i32
      %lt3A_50 = vector.broadcast %lt3A_49 : i32 to vector<16xi32>
      %lt3A_51 = arith.cmpi slt, %sub3A_45, %lt3A_50 : vector<16xi32>
      %and3A_52 = arith.andi %ge3A_48, %lt3A_51 : vector<16xi1>
      %jit3A_53 = arith.constant 0 : i32
      %broadcast_in_dim3A_54 = vector.broadcast %jit3A_53 : i32 to vector<16xi32>
      %select_n3A_55 = arith.select %and3A_52, %sub3A_45, %broadcast_in_dim3A_54 : vector<16xi1>, vector<16xi32>
      %get3A_56 = arith.index_cast %mul3A_41 : i32 to index
      %get3A_57 = tpu.vector_load %arg10[%get3A_56] {strides = array<i32>} : memref<16384xf32, #tpu.memory_space<vmem>>, vector<16xf32>,
      tpu.vector_store_idx %arg12[%select_n3A_55], %get3A_57 masked %and3A_52 : memref<31264xf32, #tpu.memory_space<vmem>>[vector<16xi32>], vector<16xf32>, vector<16xi1>
      %get3A_58 = arith.index_cast %mul3A_41 : i32 to index
      %get3A_59 = tpu.vector_load %arg11[%get3A_58] {strides = array<i32>} : memref<16384xf32, #tpu.memory_space<vmem>>, vector<16xf32>,
      tpu.vector_store_idx %arg13[%select_n3A_55], %get3A_59 masked %and3A_52 : memref<31264xf32, #tpu.memory_space<vmem>>[vector<16xi32>], vector<16xf32>, vector<16xi1>
      %scan3A_60 = arith.constant 2 : i32
      %scan3A_61 = arith.addi %scan3A_24, %scan3A_60 : i32
      %mul3A_62 = arith.constant 16 : i32
      %mul3A_63 = arith.muli %scan3A_61, %mul3A_62 : i32
      %get3A_64 = arith.index_cast %mul3A_63 : i32 to index
      %get3A_65 = tpu.vector_load %arg9[%get3A_64] {strides = array<i32>} : memref<16384xi32, #tpu.memory_space<vmem>>, vector<16xi32>,
      %sub3A_66 = vector.broadcast %mul3A_2 : i32 to vector<16xi32>
      %sub3A_67 = arith.subi %get3A_65, %sub3A_66 : vector<16xi32>
      %ge3A_68 = arith.constant 0 : i32
      %ge3A_69 = vector.broadcast %ge3A_68 : i32 to vector<16xi32>
      %ge3A_70 = arith.cmpi sge, %sub3A_67, %ge3A_69 : vector<16xi32>
      %lt3A_71 = arith.constant 31264 : i32
      %lt3A_72 = vector.broadcast %lt3A_71 : i32 to vector<16xi32>
      %lt3A_73 = arith.cmpi slt, %sub3A_67, %lt3A_72 : vector<16xi32>
      %and3A_74 = arith.andi %ge3A_70, %lt3A_73 : vector<16xi1>
      %jit3A_75 = arith.constant 0 : i32
      %broadcast_in_dim3A_76 = vector.broadcast %jit3A_75 : i32 to vector<16xi32>
      %select_n3A_77 = arith.select %and3A_74, %sub3A_67, %broadcast_in_dim3A_76 : vector<16xi1>, vector<16xi32>
      %get3A_78 = arith.index_cast %mul3A_63 : i32 to index
      %get3A_79 = tpu.vector_load %arg10[%get3A_78] {strides = array<i32>} : memref<16384xf32, #tpu.memory_space<vmem>>, vector<16xf32>,
      tpu.vector_store_idx %arg12[%select_n3A_77], %get3A_79 masked %and3A_74 : memref<31264xf32, #tpu.memory_space<vmem>>[vector<16xi32>], vector<16xf32>, vector<16xi1>
      %get3A_80 = arith.index_cast %mul3A_63 : i32 to index
      %get3A_81 = tpu.vector_load %arg11[%get3A_80] {strides = array<i32>} : memref<16384xf32, #tpu.memory_space<vmem>>, vector<16xf32>,
      tpu.vector_store_idx %arg13[%select_n3A_77], %get3A_81 masked %and3A_74 : memref<31264xf32, #tpu.memory_space<vmem>>[vector<16xi32>], vector<16xf32>, vector<16xi1>
      %scan3A_82 = arith.constant 3 : i32
      %scan3A_83 = arith.addi %scan3A_24, %scan3A_82 : i32
      %mul3A_84 = arith.constant 16 : i32
      %mul3A_85 = arith.muli %scan3A_83, %mul3A_84 : i32
      %get3A_86 = arith.index_cast %mul3A_85 : i32 to index
      %get3A_87 = tpu.vector_load %arg9[%get3A_86] {strides = array<i32>} : memref<16384xi32, #tpu.memory_space<vmem>>, vector<16xi32>,
      %sub3A_88 = vector.broadcast %mul3A_2 : i32 to vector<16xi32>
      %sub3A_89 = arith.subi %get3A_87, %sub3A_88 : vector<16xi32>
      %ge3A_90 = arith.constant 0 : i32
      %ge3A_91 = vector.broadcast %ge3A_90 : i32 to vector<16xi32>
      %ge3A_92 = arith.cmpi sge, %sub3A_89, %ge3A_91 : vector<16xi32>
      %lt3A_93 = arith.constant 31264 : i32
      %lt3A_94 = vector.broadcast %lt3A_93 : i32 to vector<16xi32>
      %lt3A_95 = arith.cmpi slt, %sub3A_89, %lt3A_94 : vector<16xi32>
      %and3A_96 = arith.andi %ge3A_92, %lt3A_95 : vector<16xi1>
      %jit3A_97 = arith.constant 0 : i32
      %broadcast_in_dim3A_98 = vector.broadcast %jit3A_97 : i32 to vector<16xi32>
      %select_n3A_99 = arith.select %and3A_96, %sub3A_89, %broadcast_in_dim3A_98 : vector<16xi1>, vector<16xi32>
      %get3A_100 = arith.index_cast %mul3A_85 : i32 to index
      %get3A_101 = tpu.vector_load %arg10[%get3A_100] {strides = array<i32>} : memref<16384xf32, #tpu.memory_space<vmem>>, vector<16xf32>,
      tpu.vector_store_idx %arg12[%select_n3A_99], %get3A_101 masked %and3A_96 : memref<31264xf32, #tpu.memory_space<vmem>>[vector<16xi32>], vector<16xf32>, vector<16xi1>
      %get3A_102 = arith.index_cast %mul3A_85 : i32 to index
      %get3A_103 = tpu.vector_load %arg11[%get3A_102] {strides = array<i32>} : memref<16384xf32, #tpu.memory_space<vmem>>, vector<16xf32>,
      tpu.vector_store_idx %arg13[%select_n3A_99], %get3A_103 masked %and3A_96 : memref<31264xf32, #tpu.memory_space<vmem>>[vector<16xi32>], vector<16xf32>, vector<16xi1>
      %scan3A_104 = arith.constant 4 : i32
      %scan3A_105 = arith.addi %scan3A_24, %scan3A_104 : i32
      %mul3A_106 = arith.constant 16 : i32
      %mul3A_107 = arith.muli %scan3A_105, %mul3A_106 : i32
      %get3A_108 = arith.index_cast %mul3A_107 : i32 to index
      %get3A_109 = tpu.vector_load %arg9[%get3A_108] {strides = array<i32>} : memref<16384xi32, #tpu.memory_space<vmem>>, vector<16xi32>,
      %sub3A_110 = vector.broadcast %mul3A_2 : i32 to vector<16xi32>
      %sub3A_111 = arith.subi %get3A_109, %sub3A_110 : vector<16xi32>
      %ge3A_112 = arith.constant 0 : i32
      %ge3A_113 = vector.broadcast %ge3A_112 : i32 to vector<16xi32>
      %ge3A_114 = arith.cmpi sge, %sub3A_111, %ge3A_113 : vector<16xi32>
      %lt3A_115 = arith.constant 31264 : i32
      %lt3A_116 = vector.broadcast %lt3A_115 : i32 to vector<16xi32>
      %lt3A_117 = arith.cmpi slt, %sub3A_111, %lt3A_116 : vector<16xi32>
      %and3A_118 = arith.andi %ge3A_114, %lt3A_117 : vector<16xi1>
      %jit3A_119 = arith.constant 0 : i32
      %broadcast_in_dim3A_120 = vector.broadcast %jit3A_119 : i32 to vector<16xi32>
      %select_n3A_121 = arith.select %and3A_118, %sub3A_111, %broadcast_in_dim3A_120 : vector<16xi1>, vector<16xi32>
      %get3A_122 = arith.index_cast %mul3A_107 : i32 to index
      %get3A_123 = tpu.vector_load %arg10[%get3A_122] {strides = array<i32>} : memref<16384xf32, #tpu.memory_space<vmem>>, vector<16xf32>,
      tpu.vector_store_idx %arg12[%select_n3A_121], %get3A_123 masked %and3A_118 : memref<31264xf32, #tpu.memory_space<vmem>>[vector<16xi32>], vector<16xf32>, vector<16xi1>
      %get3A_124 = arith.index_cast %mul3A_107 : i32 to index
      %get3A_125 = tpu.vector_load %arg11[%get3A_124] {strides = array<i32>} : memref<16384xf32, #tpu.memory_space<vmem>>, vector<16xf32>,
      tpu.vector_store_idx %arg13[%select_n3A_121], %get3A_125 masked %and3A_118 : memref<31264xf32, #tpu.memory_space<vmem>>[vector<16xi32>], vector<16xf32>, vector<16xi1>
      %scan3A_126 = arith.constant 5 : i32
      %scan3A_127 = arith.addi %scan3A_24, %scan3A_126 : i32
      %mul3A_128 = arith.constant 16 : i32
      %mul3A_129 = arith.muli %scan3A_127, %mul3A_128 : i32
      %get3A_130 = arith.index_cast %mul3A_129 : i32 to index
      %get3A_131 = tpu.vector_load %arg9[%get3A_130] {strides = array<i32>} : memref<16384xi32, #tpu.memory_space<vmem>>, vector<16xi32>,
      %sub3A_132 = vector.broadcast %mul3A_2 : i32 to vector<16xi32>
      %sub3A_133 = arith.subi %get3A_131, %sub3A_132 : vector<16xi32>
      %ge3A_134 = arith.constant 0 : i32
      %ge3A_135 = vector.broadcast %ge3A_134 : i32 to vector<16xi32>
      %ge3A_136 = arith.cmpi sge, %sub3A_133, %ge3A_135 : vector<16xi32>
      %lt3A_137 = arith.constant 31264 : i32
      %lt3A_138 = vector.broadcast %lt3A_137 : i32 to vector<16xi32>
      %lt3A_139 = arith.cmpi slt, %sub3A_133, %lt3A_138 : vector<16xi32>
      %and3A_140 = arith.andi %ge3A_136, %lt3A_139 : vector<16xi1>
      %jit3A_141 = arith.constant 0 : i32
      %broadcast_in_dim3A_142 = vector.broadcast %jit3A_141 : i32 to vector<16xi32>
      %select_n3A_143 = arith.select %and3A_140, %sub3A_133, %broadcast_in_dim3A_142 : vector<16xi1>, vector<16xi32>
      %get3A_144 = arith.index_cast %mul3A_129 : i32 to index
      %get3A_145 = tpu.vector_load %arg10[%get3A_144] {strides = array<i32>} : memref<16384xf32, #tpu.memory_space<vmem>>, vector<16xf32>,
      tpu.vector_store_idx %arg12[%select_n3A_143], %get3A_145 masked %and3A_140 : memref<31264xf32, #tpu.memory_space<vmem>>[vector<16xi32>], vector<16xf32>, vector<16xi1>
      %get3A_146 = arith.index_cast %mul3A_129 : i32 to index
      %get3A_147 = tpu.vector_load %arg11[%get3A_146] {strides = array<i32>} : memref<16384xf32, #tpu.memory_space<vmem>>, vector<16xf32>,
      tpu.vector_store_idx %arg13[%select_n3A_143], %get3A_147 masked %and3A_140 : memref<31264xf32, #tpu.memory_space<vmem>>[vector<16xi32>], vector<16xf32>, vector<16xi1>
      %scan3A_148 = arith.constant 6 : i32
      %scan3A_149 = arith.addi %scan3A_24, %scan3A_148 : i32
      %mul3A_150 = arith.constant 16 : i32
      %mul3A_151 = arith.muli %scan3A_149, %mul3A_150 : i32
      %get3A_152 = arith.index_cast %mul3A_151 : i32 to index
      %get3A_153 = tpu.vector_load %arg9[%get3A_152] {strides = array<i32>} : memref<16384xi32, #tpu.memory_space<vmem>>, vector<16xi32>,
      %sub3A_154 = vector.broadcast %mul3A_2 : i32 to vector<16xi32>
      %sub3A_155 = arith.subi %get3A_153, %sub3A_154 : vector<16xi32>
      %ge3A_156 = arith.constant 0 : i32
      %ge3A_157 = vector.broadcast %ge3A_156 : i32 to vector<16xi32>
      %ge3A_158 = arith.cmpi sge, %sub3A_155, %ge3A_157 : vector<16xi32>
      %lt3A_159 = arith.constant 31264 : i32
      %lt3A_160 = vector.broadcast %lt3A_159 : i32 to vector<16xi32>
      %lt3A_161 = arith.cmpi slt, %sub3A_155, %lt3A_160 : vector<16xi32>
      %and3A_162 = arith.andi %ge3A_158, %lt3A_161 : vector<16xi1>
      %jit3A_163 = arith.constant 0 : i32
      %broadcast_in_dim3A_164 = vector.broadcast %jit3A_163 : i32 to vector<16xi32>
      %select_n3A_165 = arith.select %and3A_162, %sub3A_155, %broadcast_in_dim3A_164 : vector<16xi1>, vector<16xi32>
      %get3A_166 = arith.index_cast %mul3A_151 : i32 to index
      %get3A_167 = tpu.vector_load %arg10[%get3A_166] {strides = array<i32>} : memref<16384xf32, #tpu.memory_space<vmem>>, vector<16xf32>,
      tpu.vector_store_idx %arg12[%select_n3A_165], %get3A_167 masked %and3A_162 : memref<31264xf32, #tpu.memory_space<vmem>>[vector<16xi32>], vector<16xf32>, vector<16xi1>
      %get3A_168 = arith.index_cast %mul3A_151 : i32 to index
      %get3A_169 = tpu.vector_load %arg11[%get3A_168] {strides = array<i32>} : memref<16384xf32, #tpu.memory_space<vmem>>, vector<16xf32>,
      tpu.vector_store_idx %arg13[%select_n3A_165], %get3A_169 masked %and3A_162 : memref<31264xf32, #tpu.memory_space<vmem>>[vector<16xi32>], vector<16xf32>, vector<16xi1>
      %scan3A_170 = arith.constant 7 : i32
      %scan3A_171 = arith.addi %scan3A_24, %scan3A_170 : i32
      %mul3A_172 = arith.constant 16 : i32
      %mul3A_173 = arith.muli %scan3A_171, %mul3A_172 : i32
      %get3A_174 = arith.index_cast %mul3A_173 : i32 to index
      %get3A_175 = tpu.vector_load %arg9[%get3A_174] {strides = array<i32>} : memref<16384xi32, #tpu.memory_space<vmem>>, vector<16xi32>,
      %sub3A_176 = vector.broadcast %mul3A_2 : i32 to vector<16xi32>
      %sub3A_177 = arith.subi %get3A_175, %sub3A_176 : vector<16xi32>
      %ge3A_178 = arith.constant 0 : i32
      %ge3A_179 = vector.broadcast %ge3A_178 : i32 to vector<16xi32>
      %ge3A_180 = arith.cmpi sge, %sub3A_177, %ge3A_179 : vector<16xi32>
      %lt3A_181 = arith.constant 31264 : i32
      %lt3A_182 = vector.broadcast %lt3A_181 : i32 to vector<16xi32>
      %lt3A_183 = arith.cmpi slt, %sub3A_177, %lt3A_182 : vector<16xi32>
      %and3A_184 = arith.andi %ge3A_180, %lt3A_183 : vector<16xi1>
      %jit3A_185 = arith.constant 0 : i32
      %broadcast_in_dim3A_186 = vector.broadcast %jit3A_185 : i32 to vector<16xi32>
      %select_n3A_187 = arith.select %and3A_184, %sub3A_177, %broadcast_in_dim3A_186 : vector<16xi1>, vector<16xi32>
      %get3A_188 = arith.index_cast %mul3A_173 : i32 to index
      %get3A_189 = tpu.vector_load %arg10[%get3A_188] {strides = array<i32>} : memref<16384xf32, #tpu.memory_space<vmem>>, vector<16xf32>,
      tpu.vector_store_idx %arg12[%select_n3A_187], %get3A_189 masked %and3A_184 : memref<31264xf32, #tpu.memory_space<vmem>>[vector<16xi32>], vector<16xf32>, vector<16xi1>
      %get3A_190 = arith.index_cast %mul3A_173 : i32 to index
      %get3A_191 = tpu.vector_load %arg11[%get3A_190] {strides = array<i32>} : memref<16384xf32, #tpu.memory_space<vmem>>, vector<16xf32>,
      tpu.vector_store_idx %arg13[%select_n3A_187], %get3A_191 masked %and3A_184 : memref<31264xf32, #tpu.memory_space<vmem>>[vector<16xi32>], vector<16xf32>, vector<16xi1>
    }
    %scan3A_13 = arith.constant 1024 : i32
    %lt3A_14 = arith.constant 31 : i32
    %lt3A_15 = arith.cmpi slt, %add3A, %lt3A_14 : i32
    %convert_element_type3A_16 = arith.extui %lt3A_15 : i1 to i32
    %cond3A_17 = arith.constant 0 : i32
    %cond3A_18 = arith.cmpi ne, %convert_element_type3A_16, %cond3A_17 : i32
    scf.if %cond3A_18 {
      %dma_start3A = tpu.memref_slice %arg7[%mul3A_2] : memref<1000000xf32, #tpu.memory_space<hbm>> -> memref<31264xf32, #tpu.memory_space<hbm>>
      %dma_start3A_24 = tpu.memref_slice %arg7[%mul3A_2] : memref<1000000xf32, #tpu.memory_space<hbm>> -> memref<31264xf32, #tpu.memory_space<hbm>>
      tpu.enqueue_dma source(%arg12 : memref<31264xf32, #tpu.memory_space<vmem>>) target(%dma_start3A_24 : memref<31264xf32, #tpu.memory_space<hbm>>) target_semaphore(%arg14 : memref<!tpu.dma_semaphore, #tpu.memory_space<semaphore_mem>>)
      %dma_start3A_25 = tpu.memref_slice %arg8[%mul3A_2] : memref<1000000xf32, #tpu.memory_space<hbm>> -> memref<31264xf32, #tpu.memory_space<hbm>>
      %dma_start3A_26 = tpu.memref_slice %arg8[%mul3A_2] : memref<1000000xf32, #tpu.memory_space<hbm>> -> memref<31264xf32, #tpu.memory_space<hbm>>
      tpu.enqueue_dma source(%arg13 : memref<31264xf32, #tpu.memory_space<vmem>>) target(%dma_start3A_26 : memref<31264xf32, #tpu.memory_space<hbm>>) target_semaphore(%arg14 : memref<!tpu.dma_semaphore, #tpu.memory_space<semaphore_mem>>)
      %dma_wait3A = tpu.memref_slice %arg7[%mul3A_2] : memref<1000000xf32, #tpu.memory_space<hbm>> -> memref<31264xf32, #tpu.memory_space<hbm>>
      %dma_wait3A_27 = tpu.memref_slice %arg7[%mul3A_2] : memref<1000000xf32, #tpu.memory_space<hbm>> -> memref<31264xf32, #tpu.memory_space<hbm>>
      tpu.wait_dma2 semaphore(%arg14 : memref<!tpu.dma_semaphore, #tpu.memory_space<semaphore_mem>>) src(%arg12 : memref<31264xf32, #tpu.memory_space<vmem>>) dst(%dma_wait3A_27 : memref<31264xf32, #tpu.memory_space<hbm>>)
      %dma_wait3A_28 = tpu.memref_slice %arg8[%mul3A_2] : memref<1000000xf32, #tpu.memory_space<hbm>> -> memref<31264xf32, #tpu.memory_space<hbm>>
      %dma_wait3A_29 = tpu.memref_slice %arg8[%mul3A_2] : memref<1000000xf32, #tpu.memory_space<hbm>> -> memref<31264xf32, #tpu.memory_space<hbm>>
      tpu.wait_dma2 semaphore(%arg14 : memref<!tpu.dma_semaphore, #tpu.memory_space<semaphore_mem>>) src(%arg13 : memref<31264xf32, #tpu.memory_space<vmem>>) dst(%dma_wait3A_29 : memref<31264xf32, #tpu.memory_space<hbm>>)
    } else {
    }
    %eq3A_19 = arith.constant 31 : i32
    %eq3A_20 = arith.cmpi eq, %add3A, %eq3A_19 : i32
    %convert_element_type3A_21 = arith.extui %eq3A_20 : i1 to i32
    %cond3A_22 = arith.constant 0 : i32
    %cond3A_23 = arith.cmpi ne, %convert_element_type3A_21, %cond3A_22 : i32
    scf.if %cond3A_23 {
      %dma_start3A = arith.constant 0 : i32
      %dma_start3A_24 = tpu.memref_slice %arg12[%dma_start3A] : memref<31264xf32, #tpu.memory_space<vmem>> -> memref<30816xf32, #tpu.memory_space<vmem>>
      %dma_start3A_25 = tpu.memref_slice %arg7[%mul3A_2] : memref<1000000xf32, #tpu.memory_space<hbm>> -> memref<30816xf32, #tpu.memory_space<hbm>>
      %dma_start3A_26 = tpu.memref_slice %arg7[%mul3A_2] : memref<1000000xf32, #tpu.memory_space<hbm>> -> memref<30816xf32, #tpu.memory_space<hbm>>
      %dma_start3A_27 = arith.constant 0 : i32
      %dma_start3A_28 = tpu.memref_slice %arg12[%dma_start3A_27] : memref<31264xf32, #tpu.memory_space<vmem>> -> memref<30816xf32, #tpu.memory_space<vmem>>
      tpu.enqueue_dma source(%dma_start3A_28 : memref<30816xf32, #tpu.memory_space<vmem>>) target(%dma_start3A_26 : memref<30816xf32, #tpu.memory_space<hbm>>) target_semaphore(%arg14 : memref<!tpu.dma_semaphore, #tpu.memory_space<semaphore_mem>>)
      %dma_start3A_29 = arith.constant 0 : i32
      %dma_start3A_30 = tpu.memref_slice %arg13[%dma_start3A_29] : memref<31264xf32, #tpu.memory_space<vmem>> -> memref<30816xf32, #tpu.memory_space<vmem>>
      %dma_start3A_31 = tpu.memref_slice %arg8[%mul3A_2] : memref<1000000xf32, #tpu.memory_space<hbm>> -> memref<30816xf32, #tpu.memory_space<hbm>>
      %dma_start3A_32 = tpu.memref_slice %arg8[%mul3A_2] : memref<1000000xf32, #tpu.memory_space<hbm>> -> memref<30816xf32, #tpu.memory_space<hbm>>
      %dma_start3A_33 = arith.constant 0 : i32
      %dma_start3A_34 = tpu.memref_slice %arg13[%dma_start3A_33] : memref<31264xf32, #tpu.memory_space<vmem>> -> memref<30816xf32, #tpu.memory_space<vmem>>
      tpu.enqueue_dma source(%dma_start3A_34 : memref<30816xf32, #tpu.memory_space<vmem>>) target(%dma_start3A_32 : memref<30816xf32, #tpu.memory_space<hbm>>) target_semaphore(%arg14 : memref<!tpu.dma_semaphore, #tpu.memory_space<semaphore_mem>>)
      %dma_wait3A = arith.constant 0 : i32
      %dma_wait3A_35 = tpu.memref_slice %arg12[%dma_wait3A] : memref<31264xf32, #tpu.memory_space<vmem>> -> memref<30816xf32, #tpu.memory_space<vmem>>
      %dma_wait3A_36 = tpu.memref_slice %arg7[%mul3A_2] : memref<1000000xf32, #tpu.memory_space<hbm>> -> memref<30816xf32, #tpu.memory_space<hbm>>
      %dma_wait3A_37 = tpu.memref_slice %arg7[%mul3A_2] : memref<1000000xf32, #tpu.memory_space<hbm>> -> memref<30816xf32, #tpu.memory_space<hbm>>
      %dma_wait3A_38 = arith.constant 0 : i32
      %dma_wait3A_39 = tpu.memref_slice %arg12[%dma_wait3A_38] : memref<31264xf32, #tpu.memory_space<vmem>> -> memref<30816xf32, #tpu.memory_space<vmem>>
      tpu.wait_dma2 semaphore(%arg14 : memref<!tpu.dma_semaphore, #tpu.memory_space<semaphore_mem>>) src(%dma_wait3A_39 : memref<30816xf32, #tpu.memory_space<vmem>>) dst(%dma_wait3A_37 : memref<30816xf32, #tpu.memory_space<hbm>>)
      %dma_wait3A_40 = arith.constant 0 : i32
      %dma_wait3A_41 = tpu.memref_slice %arg13[%dma_wait3A_40] : memref<31264xf32, #tpu.memory_space<vmem>> -> memref<30816xf32, #tpu.memory_space<vmem>>
      %dma_wait3A_42 = tpu.memref_slice %arg8[%mul3A_2] : memref<1000000xf32, #tpu.memory_space<hbm>> -> memref<30816xf32, #tpu.memory_space<hbm>>
      %dma_wait3A_43 = tpu.memref_slice %arg8[%mul3A_2] : memref<1000000xf32, #tpu.memory_space<hbm>> -> memref<30816xf32, #tpu.memory_space<hbm>>
      %dma_wait3A_44 = arith.constant 0 : i32
      %dma_wait3A_45 = tpu.memref_slice %arg13[%dma_wait3A_44] : memref<31264xf32, #tpu.memory_space<vmem>> -> memref<30816xf32, #tpu.memory_space<vmem>>
      tpu.wait_dma2 semaphore(%arg14 : memref<!tpu.dma_semaphore, #tpu.memory_space<semaphore_mem>>) src(%dma_wait3A_45 : memref<30816xf32, #tpu.memory_space<vmem>>) dst(%dma_wait3A_43 : memref<30816xf32, #tpu.memory_space<hbm>>)
    } else {
    }
    return
  }
}

#map = affine_map<(d0, d1) -> (0)>
module attributes {stable_mosaic.version = 14 : i64} {
  func.func @_phase_a(%arg0: i32, %arg1: i32, %arg2: memref<16384xi32, #tpu.memory_space<hbm>>, %arg3: memref<16384xf32, #tpu.memory_space<hbm>>, %arg4: memref<16384xf32, #tpu.memory_space<hbm>>, %arg5: memref<16384xf32, #tpu.memory_space<hbm>>, %arg6: memref<16384xf32, #tpu.memory_space<hbm>>, %arg7: memref<16384xf32, #tpu.memory_space<hbm>>, %arg8: memref<16384xf32, #tpu.memory_space<hbm>>, %arg9: memref<1000000xf32, #tpu.memory_space<hbm>>, %arg10: memref<1000000xf32, #tpu.memory_space<hbm>>, %arg11: memref<1000000xf32, #tpu.memory_space<hbm>>, %arg12: memref<1000448xi32, #tpu.memory_space<hbm>>, %arg13: memref<16384xf32, #tpu.memory_space<hbm>>, %arg14: memref<16384xf32, #tpu.memory_space<hbm>>, %arg15: memref<16384xf32, #tpu.memory_space<hbm>>, %arg16: memref<16384xf32, #tpu.memory_space<hbm>>, %arg17: memref<16384xf32, #tpu.memory_space<hbm>>, %arg18: memref<16384xi32, #tpu.memory_space<vmem>>, %arg19: memref<31264xi32, #tpu.memory_space<vmem>>, %arg20: memref<512xf32, #tpu.memory_space<vmem>>, %arg21: memref<512xf32, #tpu.memory_space<vmem>>, %arg22: memref<512xf32, #tpu.memory_space<vmem>>, %arg23: memref<512xf32, #tpu.memory_space<vmem>>, %arg24: memref<512xf32, #tpu.memory_space<vmem>>, %arg25: memref<512xf32, #tpu.memory_space<vmem>>, %arg26: memref<512xf32, #tpu.memory_space<vmem>>, %arg27: memref<512xf32, #tpu.memory_space<vmem>>, %arg28: memref<512xf32, #tpu.memory_space<vmem>>, %arg29: memref<512xf32, #tpu.memory_space<vmem>>, %arg30: memref<512xf32, #tpu.memory_space<vmem>>, %arg31: memref<512xf32, #tpu.memory_space<vmem>>, %arg32: memref<512xf32, #tpu.memory_space<vmem>>, %arg33: memref<512xf32, #tpu.memory_space<vmem>>, %arg34: memref<!tpu.dma_semaphore, #tpu.memory_space<semaphore_mem>>) attributes {dimension_semantics = [#tpu.dimension_semantics<core_parallel>, #tpu.dimension_semantics<subcore_parallel>], iteration_bounds = array<i64: 2, 16>, scalar_prefetch = 0 : i64, scratch_operands = 17 : i64, tpu.core_type = #tpu.core_type<sc_vector_subcore>, window_params = [{transform_indices = #map}, {transform_indices = #map}, {transform_indices = #map}, {transform_indices = #map}, {transform_indices = #map}, {transform_indices = #map}, {transform_indices = #map}, {transform_indices = #map}, {transform_indices = #map}, {transform_indices = #map}, {transform_indices = #map}, {transform_indices = #map}, {transform_indices = #map}, {transform_indices = #map}, {transform_indices = #map}, {transform_indices = #map}]} {
    %mul3A = arith.constant 2 : i32
    %mul3A_0 = arith.muli %arg1, %mul3A : i32
    %add3A = arith.addi %mul3A_0, %arg0 : i32
    %mul3A_1 = arith.constant 512 : i32
    %mul3A_2 = arith.muli %add3A, %mul3A_1 : i32
    %dma_start3A = tpu.memref_slice %arg3[%mul3A_2] : memref<16384xf32, #tpu.memory_space<hbm>> -> memref<512xf32, #tpu.memory_space<hbm>>
    %dma_start3A_3 = tpu.memref_slice %arg3[%mul3A_2] : memref<16384xf32, #tpu.memory_space<hbm>> -> memref<512xf32, #tpu.memory_space<hbm>>
    tpu.enqueue_dma source(%dma_start3A_3 : memref<512xf32, #tpu.memory_space<hbm>>) target(%arg20 : memref<512xf32, #tpu.memory_space<vmem>>) target_semaphore(%arg34 : memref<!tpu.dma_semaphore, #tpu.memory_space<semaphore_mem>>)
    %dma_start3A_4 = tpu.memref_slice %arg4[%mul3A_2] : memref<16384xf32, #tpu.memory_space<hbm>> -> memref<512xf32, #tpu.memory_space<hbm>>
    %dma_start3A_5 = tpu.memref_slice %arg4[%mul3A_2] : memref<16384xf32, #tpu.memory_space<hbm>> -> memref<512xf32, #tpu.memory_space<hbm>>
    tpu.enqueue_dma source(%dma_start3A_5 : memref<512xf32, #tpu.memory_space<hbm>>) target(%arg21 : memref<512xf32, #tpu.memory_space<vmem>>) target_semaphore(%arg34 : memref<!tpu.dma_semaphore, #tpu.memory_space<semaphore_mem>>)
    %dma_start3A_6 = tpu.memref_slice %arg5[%mul3A_2] : memref<16384xf32, #tpu.memory_space<hbm>> -> memref<512xf32, #tpu.memory_space<hbm>>
    %dma_start3A_7 = tpu.memref_slice %arg5[%mul3A_2] : memref<16384xf32, #tpu.memory_space<hbm>> -> memref<512xf32, #tpu.memory_space<hbm>>
    tpu.enqueue_dma source(%dma_start3A_7 : memref<512xf32, #tpu.memory_space<hbm>>) target(%arg22 : memref<512xf32, #tpu.memory_space<vmem>>) target_semaphore(%arg34 : memref<!tpu.dma_semaphore, #tpu.memory_space<semaphore_mem>>)
    %dma_start3A_8 = tpu.memref_slice %arg6[%mul3A_2] : memref<16384xf32, #tpu.memory_space<hbm>> -> memref<512xf32, #tpu.memory_space<hbm>>
    %dma_start3A_9 = tpu.memref_slice %arg6[%mul3A_2] : memref<16384xf32, #tpu.memory_space<hbm>> -> memref<512xf32, #tpu.memory_space<hbm>>
    tpu.enqueue_dma source(%dma_start3A_9 : memref<512xf32, #tpu.memory_space<hbm>>) target(%arg23 : memref<512xf32, #tpu.memory_space<vmem>>) target_semaphore(%arg34 : memref<!tpu.dma_semaphore, #tpu.memory_space<semaphore_mem>>)
    %dma_start3A_10 = tpu.memref_slice %arg7[%mul3A_2] : memref<16384xf32, #tpu.memory_space<hbm>> -> memref<512xf32, #tpu.memory_space<hbm>>
    %dma_start3A_11 = tpu.memref_slice %arg7[%mul3A_2] : memref<16384xf32, #tpu.memory_space<hbm>> -> memref<512xf32, #tpu.memory_space<hbm>>
    tpu.enqueue_dma source(%dma_start3A_11 : memref<512xf32, #tpu.memory_space<hbm>>) target(%arg24 : memref<512xf32, #tpu.memory_space<vmem>>) target_semaphore(%arg34 : memref<!tpu.dma_semaphore, #tpu.memory_space<semaphore_mem>>)
    %dma_start3A_12 = tpu.memref_slice %arg8[%mul3A_2] : memref<16384xf32, #tpu.memory_space<hbm>> -> memref<512xf32, #tpu.memory_space<hbm>>
    %dma_start3A_13 = tpu.memref_slice %arg8[%mul3A_2] : memref<16384xf32, #tpu.memory_space<hbm>> -> memref<512xf32, #tpu.memory_space<hbm>>
    tpu.enqueue_dma source(%dma_start3A_13 : memref<512xf32, #tpu.memory_space<hbm>>) target(%arg25 : memref<512xf32, #tpu.memory_space<vmem>>) target_semaphore(%arg34 : memref<!tpu.dma_semaphore, #tpu.memory_space<semaphore_mem>>)
    "tpu.region"() ({
      %run_scoped3A = tpu.sem_alloc : memref<!tpu.dma_semaphore, #tpu.memory_space<semaphore_mem>>
      tpu.enqueue_dma source(%arg2 : memref<16384xi32, #tpu.memory_space<hbm>>) target(%arg18 : memref<16384xi32, #tpu.memory_space<vmem>>) target_semaphore(%run_scoped3A : memref<!tpu.dma_semaphore, #tpu.memory_space<semaphore_mem>>)
      tpu.wait_dma2 semaphore(%run_scoped3A : memref<!tpu.dma_semaphore, #tpu.memory_space<semaphore_mem>>) src(%arg2 : memref<16384xi32, #tpu.memory_space<hbm>>) dst(%arg18 : memref<16384xi32, #tpu.memory_space<vmem>>)
      tpu.yield
    }) : () -> ()
    %add3A_14 = arith.constant 0 : i32
    %add3A_15 = arith.addi %mul3A_2, %add3A_14 : i32
    %dma_start3A_16 = arith.constant 0 : i32
    %dma_start3A_17 = tpu.memref_slice %arg26[%dma_start3A_16] : memref<512xf32, #tpu.memory_space<vmem>> -> memref<128xf32, #tpu.memory_space<vmem>>
    %dma_start3A_18 = tpu.memref_slice %arg18[%add3A_15] : memref<16384xi32, #tpu.memory_space<vmem>> -> memref<128xi32, #tpu.memory_space<vmem>>
    %dma_start3A_19 = arith.constant 0 : i32
    %dma_start3A_20 = tpu.memref_slice %arg9[%dma_start3A_19] : memref<1000000xf32, #tpu.memory_space<hbm>> -> memref<1000000xf32, #tpu.memory_space<hbm>>
    tpu.enqueue_indirect_dma source(%dma_start3A_20 : memref<1000000xf32, #tpu.memory_space<hbm>>) target(%dma_start3A_17 : memref<128xf32, #tpu.memory_space<vmem>>) offsets(%dma_start3A_18 : memref<128xi32, #tpu.memory_space<vmem>>) semaphore(%arg34 : memref<!tpu.dma_semaphore, #tpu.memory_space<semaphore_mem>>)
    %dma_start3A_21 = arith.constant 0 : i32
    %dma_start3A_22 = tpu.memref_slice %arg27[%dma_start3A_21] : memref<512xf32, #tpu.memory_space<vmem>> -> memref<128xf32, #tpu.memory_space<vmem>>
    %dma_start3A_23 = tpu.memref_slice %arg18[%add3A_15] : memref<16384xi32, #tpu.memory_space<vmem>> -> memref<128xi32, #tpu.memory_space<vmem>>
    %dma_start3A_24 = arith.constant 0 : i32
    %dma_start3A_25 = tpu.memref_slice %arg10[%dma_start3A_24] : memref<1000000xf32, #tpu.memory_space<hbm>> -> memref<1000000xf32, #tpu.memory_space<hbm>>
    tpu.enqueue_indirect_dma source(%dma_start3A_25 : memref<1000000xf32, #tpu.memory_space<hbm>>) target(%dma_start3A_22 : memref<128xf32, #tpu.memory_space<vmem>>) offsets(%dma_start3A_23 : memref<128xi32, #tpu.memory_space<vmem>>) semaphore(%arg34 : memref<!tpu.dma_semaphore, #tpu.memory_space<semaphore_mem>>)
    %dma_start3A_26 = arith.constant 0 : i32
    %dma_start3A_27 = tpu.memref_slice %arg28[%dma_start3A_26] : memref<512xf32, #tpu.memory_space<vmem>> -> memref<128xf32, #tpu.memory_space<vmem>>
    %dma_start3A_28 = tpu.memref_slice %arg18[%add3A_15] : memref<16384xi32, #tpu.memory_space<vmem>> -> memref<128xi32, #tpu.memory_space<vmem>>
    %dma_start3A_29 = arith.constant 0 : i32
    %dma_start3A_30 = tpu.memref_slice %arg11[%dma_start3A_29] : memref<1000000xf32, #tpu.memory_space<hbm>> -> memref<1000000xf32, #tpu.memory_space<hbm>>
    tpu.enqueue_indirect_dma source(%dma_start3A_30 : memref<1000000xf32, #tpu.memory_space<hbm>>) target(%dma_start3A_27 : memref<128xf32, #tpu.memory_space<vmem>>) offsets(%dma_start3A_28 : memref<128xi32, #tpu.memory_space<vmem>>) semaphore(%arg34 : memref<!tpu.dma_semaphore, #tpu.memory_space<semaphore_mem>>)
    %add3A_31 = arith.constant 128 : i32
    %add3A_32 = arith.addi %mul3A_2, %add3A_31 : i32
    %dma_start3A_33 = arith.constant 128 : i32
    %dma_start3A_34 = tpu.memref_slice %arg26[%dma_start3A_33] : memref<512xf32, #tpu.memory_space<vmem>> -> memref<128xf32, #tpu.memory_space<vmem>>
    %dma_start3A_35 = tpu.memref_slice %arg18[%add3A_32] : memref<16384xi32, #tpu.memory_space<vmem>> -> memref<128xi32, #tpu.memory_space<vmem>>
    %dma_start3A_36 = arith.constant 0 : i32
    %dma_start3A_37 = tpu.memref_slice %arg9[%dma_start3A_36] : memref<1000000xf32, #tpu.memory_space<hbm>> -> memref<1000000xf32, #tpu.memory_space<hbm>>
    tpu.enqueue_indirect_dma source(%dma_start3A_37 : memref<1000000xf32, #tpu.memory_space<hbm>>) target(%dma_start3A_34 : memref<128xf32, #tpu.memory_space<vmem>>) offsets(%dma_start3A_35 : memref<128xi32, #tpu.memory_space<vmem>>) semaphore(%arg34 : memref<!tpu.dma_semaphore, #tpu.memory_space<semaphore_mem>>)
    %dma_start3A_38 = arith.constant 128 : i32
    %dma_start3A_39 = tpu.memref_slice %arg27[%dma_start3A_38] : memref<512xf32, #tpu.memory_space<vmem>> -> memref<128xf32, #tpu.memory_space<vmem>>
    %dma_start3A_40 = tpu.memref_slice %arg18[%add3A_32] : memref<16384xi32, #tpu.memory_space<vmem>> -> memref<128xi32, #tpu.memory_space<vmem>>
    %dma_start3A_41 = arith.constant 0 : i32
    %dma_start3A_42 = tpu.memref_slice %arg10[%dma_start3A_41] : memref<1000000xf32, #tpu.memory_space<hbm>> -> memref<1000000xf32, #tpu.memory_space<hbm>>
    tpu.enqueue_indirect_dma source(%dma_start3A_42 : memref<1000000xf32, #tpu.memory_space<hbm>>) target(%dma_start3A_39 : memref<128xf32, #tpu.memory_space<vmem>>) offsets(%dma_start3A_40 : memref<128xi32, #tpu.memory_space<vmem>>) semaphore(%arg34 : memref<!tpu.dma_semaphore, #tpu.memory_space<semaphore_mem>>)
    %dma_start3A_43 = arith.constant 128 : i32
    %dma_start3A_44 = tpu.memref_slice %arg28[%dma_start3A_43] : memref<512xf32, #tpu.memory_space<vmem>> -> memref<128xf32, #tpu.memory_space<vmem>>
    %dma_start3A_45 = tpu.memref_slice %arg18[%add3A_32] : memref<16384xi32, #tpu.memory_space<vmem>> -> memref<128xi32, #tpu.memory_space<vmem>>
    %dma_start3A_46 = arith.constant 0 : i32
    %dma_start3A_47 = tpu.memref_slice %arg11[%dma_start3A_46] : memref<1000000xf32, #tpu.memory_space<hbm>> -> memref<1000000xf32, #tpu.memory_space<hbm>>
    tpu.enqueue_indirect_dma source(%dma_start3A_47 : memref<1000000xf32, #tpu.memory_space<hbm>>) target(%dma_start3A_44 : memref<128xf32, #tpu.memory_space<vmem>>) offsets(%dma_start3A_45 : memref<128xi32, #tpu.memory_space<vmem>>) semaphore(%arg34 : memref<!tpu.dma_semaphore, #tpu.memory_space<semaphore_mem>>)
    %add3A_48 = arith.constant 256 : i32
    %add3A_49 = arith.addi %mul3A_2, %add3A_48 : i32
    %dma_start3A_50 = arith.constant 256 : i32
    %dma_start3A_51 = tpu.memref_slice %arg26[%dma_start3A_50] : memref<512xf32, #tpu.memory_space<vmem>> -> memref<128xf32, #tpu.memory_space<vmem>>
    %dma_start3A_52 = tpu.memref_slice %arg18[%add3A_49] : memref<16384xi32, #tpu.memory_space<vmem>> -> memref<128xi32, #tpu.memory_space<vmem>>
    %dma_start3A_53 = arith.constant 0 : i32
    %dma_start3A_54 = tpu.memref_slice %arg9[%dma_start3A_53] : memref<1000000xf32, #tpu.memory_space<hbm>> -> memref<1000000xf32, #tpu.memory_space<hbm>>
    tpu.enqueue_indirect_dma source(%dma_start3A_54 : memref<1000000xf32, #tpu.memory_space<hbm>>) target(%dma_start3A_51 : memref<128xf32, #tpu.memory_space<vmem>>) offsets(%dma_start3A_52 : memref<128xi32, #tpu.memory_space<vmem>>) semaphore(%arg34 : memref<!tpu.dma_semaphore, #tpu.memory_space<semaphore_mem>>)
    %dma_start3A_55 = arith.constant 256 : i32
    %dma_start3A_56 = tpu.memref_slice %arg27[%dma_start3A_55] : memref<512xf32, #tpu.memory_space<vmem>> -> memref<128xf32, #tpu.memory_space<vmem>>
    %dma_start3A_57 = tpu.memref_slice %arg18[%add3A_49] : memref<16384xi32, #tpu.memory_space<vmem>> -> memref<128xi32, #tpu.memory_space<vmem>>
    %dma_start3A_58 = arith.constant 0 : i32
    %dma_start3A_59 = tpu.memref_slice %arg10[%dma_start3A_58] : memref<1000000xf32, #tpu.memory_space<hbm>> -> memref<1000000xf32, #tpu.memory_space<hbm>>
    tpu.enqueue_indirect_dma source(%dma_start3A_59 : memref<1000000xf32, #tpu.memory_space<hbm>>) target(%dma_start3A_56 : memref<128xf32, #tpu.memory_space<vmem>>) offsets(%dma_start3A_57 : memref<128xi32, #tpu.memory_space<vmem>>) semaphore(%arg34 : memref<!tpu.dma_semaphore, #tpu.memory_space<semaphore_mem>>)
    %dma_start3A_60 = arith.constant 256 : i32
    %dma_start3A_61 = tpu.memref_slice %arg28[%dma_start3A_60] : memref<512xf32, #tpu.memory_space<vmem>> -> memref<128xf32, #tpu.memory_space<vmem>>
    %dma_start3A_62 = tpu.memref_slice %arg18[%add3A_49] : memref<16384xi32, #tpu.memory_space<vmem>> -> memref<128xi32, #tpu.memory_space<vmem>>
    %dma_start3A_63 = arith.constant 0 : i32
    %dma_start3A_64 = tpu.memref_slice %arg11[%dma_start3A_63] : memref<1000000xf32, #tpu.memory_space<hbm>> -> memref<1000000xf32, #tpu.memory_space<hbm>>
    tpu.enqueue_indirect_dma source(%dma_start3A_64 : memref<1000000xf32, #tpu.memory_space<hbm>>) target(%dma_start3A_61 : memref<128xf32, #tpu.memory_space<vmem>>) offsets(%dma_start3A_62 : memref<128xi32, #tpu.memory_space<vmem>>) semaphore(%arg34 : memref<!tpu.dma_semaphore, #tpu.memory_space<semaphore_mem>>)
    %add3A_65 = arith.constant 384 : i32
    %add3A_66 = arith.addi %mul3A_2, %add3A_65 : i32
    %dma_start3A_67 = arith.constant 384 : i32
    %dma_start3A_68 = tpu.memref_slice %arg26[%dma_start3A_67] : memref<512xf32, #tpu.memory_space<vmem>> -> memref<128xf32, #tpu.memory_space<vmem>>
    %dma_start3A_69 = tpu.memref_slice %arg18[%add3A_66] : memref<16384xi32, #tpu.memory_space<vmem>> -> memref<128xi32, #tpu.memory_space<vmem>>
    %dma_start3A_70 = arith.constant 0 : i32
    %dma_start3A_71 = tpu.memref_slice %arg9[%dma_start3A_70] : memref<1000000xf32, #tpu.memory_space<hbm>> -> memref<1000000xf32, #tpu.memory_space<hbm>>
    tpu.enqueue_indirect_dma source(%dma_start3A_71 : memref<1000000xf32, #tpu.memory_space<hbm>>) target(%dma_start3A_68 : memref<128xf32, #tpu.memory_space<vmem>>) offsets(%dma_start3A_69 : memref<128xi32, #tpu.memory_space<vmem>>) semaphore(%arg34 : memref<!tpu.dma_semaphore, #tpu.memory_space<semaphore_mem>>)
    %dma_start3A_72 = arith.constant 384 : i32
    %dma_start3A_73 = tpu.memref_slice %arg27[%dma_start3A_72] : memref<512xf32, #tpu.memory_space<vmem>> -> memref<128xf32, #tpu.memory_space<vmem>>
    %dma_start3A_74 = tpu.memref_slice %arg18[%add3A_66] : memref<16384xi32, #tpu.memory_space<vmem>> -> memref<128xi32, #tpu.memory_space<vmem>>
    %dma_start3A_75 = arith.constant 0 : i32
    %dma_start3A_76 = tpu.memref_slice %arg10[%dma_start3A_75] : memref<1000000xf32, #tpu.memory_space<hbm>> -> memref<1000000xf32, #tpu.memory_space<hbm>>
    tpu.enqueue_indirect_dma source(%dma_start3A_76 : memref<1000000xf32, #tpu.memory_space<hbm>>) target(%dma_start3A_73 : memref<128xf32, #tpu.memory_space<vmem>>) offsets(%dma_start3A_74 : memref<128xi32, #tpu.memory_space<vmem>>) semaphore(%arg34 : memref<!tpu.dma_semaphore, #tpu.memory_space<semaphore_mem>>)
    %dma_start3A_77 = arith.constant 384 : i32
    %dma_start3A_78 = tpu.memref_slice %arg28[%dma_start3A_77] : memref<512xf32, #tpu.memory_space<vmem>> -> memref<128xf32, #tpu.memory_space<vmem>>
    %dma_start3A_79 = tpu.memref_slice %arg18[%add3A_66] : memref<16384xi32, #tpu.memory_space<vmem>> -> memref<128xi32, #tpu.memory_space<vmem>>
    %dma_start3A_80 = arith.constant 0 : i32
    %dma_start3A_81 = tpu.memref_slice %arg11[%dma_start3A_80] : memref<1000000xf32, #tpu.memory_space<hbm>> -> memref<1000000xf32, #tpu.memory_space<hbm>>
    tpu.enqueue_indirect_dma source(%dma_start3A_81 : memref<1000000xf32, #tpu.memory_space<hbm>>) target(%dma_start3A_78 : memref<128xf32, #tpu.memory_space<vmem>>) offsets(%dma_start3A_79 : memref<128xi32, #tpu.memory_space<vmem>>) semaphore(%arg34 : memref<!tpu.dma_semaphore, #tpu.memory_space<semaphore_mem>>)
    %mul3A_82 = arith.constant 31264 : i32
    %mul3A_83 = arith.muli %add3A, %mul3A_82 : i32
    %iota3A = tpu.iota {dimensions = array<i32: 0>} : vector<16xi32>
    %scan3A = arith.constant 0 : i32
    %scan3A_84 = arith.constant 0 : i32
    %scan3A_85 = arith.constant 64 : i32
    %scan3A_86 = arith.addi %scan3A_84, %scan3A_85 : i32
    %scan3A_87 = arith.constant 1 : i32
    scf.for %scan3A_192 = %scan3A_84 to %scan3A_86 step %scan3A_87  : i32 {
      %mul3A_193 = arith.constant 16 : i32
      %mul3A_194 = arith.muli %scan3A_192, %mul3A_193 : i32
      %add3A_195 = arith.constant 0 : i32
      %add3A_196 = arith.addi %mul3A_194, %add3A_195 : i32
      %mul3A_197 = arith.constant 16 : i32
      %mul3A_198 = arith.muli %add3A_196, %mul3A_197 : i32
      %get3A = arith.index_cast %mul3A_198 : i32 to index
      %get3A_199 = tpu.vector_load %arg18[%get3A] {strides = array<i32>} : memref<16384xi32, #tpu.memory_space<vmem>>, vector<16xi32>,
      %sub3A = vector.broadcast %mul3A_83 : i32 to vector<16xi32>
      %sub3A_200 = arith.subi %get3A_199, %sub3A : vector<16xi32>
      %ge3A = arith.constant 0 : i32
      %ge3A_201 = vector.broadcast %ge3A : i32 to vector<16xi32>
      %ge3A_202 = arith.cmpi sge, %sub3A_200, %ge3A_201 : vector<16xi32>
      %lt3A = arith.constant 31264 : i32
      %lt3A_203 = vector.broadcast %lt3A : i32 to vector<16xi32>
      %lt3A_204 = arith.cmpi slt, %sub3A_200, %lt3A_203 : vector<16xi32>
      %and3A = arith.andi %ge3A_202, %lt3A_204 : vector<16xi1>
      %jit3A = arith.constant 0 : i32
      %broadcast_in_dim3A = vector.broadcast %jit3A : i32 to vector<16xi32>
      %select_n3A = arith.select %and3A, %sub3A_200, %broadcast_in_dim3A : vector<16xi1>, vector<16xi32>
      %mul3A_205 = arith.constant 16 : i32
      %mul3A_206 = arith.muli %add3A_196, %mul3A_205 : i32
      %add3A_207 = vector.broadcast %mul3A_206 : i32 to vector<16xi32>
      %add3A_208 = arith.addi %add3A_207, %iota3A : vector<16xi32>
      tpu.vector_store_idx %arg19[%select_n3A], %add3A_208 masked %and3A : memref<31264xi32, #tpu.memory_space<vmem>>[vector<16xi32>], vector<16xi32>, vector<16xi1>
      %mul3A_209 = arith.constant 16 : i32
      %mul3A_210 = arith.muli %scan3A_192, %mul3A_209 : i32
      %add3A_211 = arith.constant 1 : i32
      %add3A_212 = arith.addi %mul3A_210, %add3A_211 : i32
      %mul3A_213 = arith.constant 16 : i32
      %mul3A_214 = arith.muli %add3A_212, %mul3A_213 : i32
      %get3A_215 = arith.index_cast %mul3A_214 : i32 to index
      %get3A_216 = tpu.vector_load %arg18[%get3A_215] {strides = array<i32>} : memref<16384xi32, #tpu.memory_space<vmem>>, vector<16xi32>,
      %sub3A_217 = vector.broadcast %mul3A_83 : i32 to vector<16xi32>
      %sub3A_218 = arith.subi %get3A_216, %sub3A_217 : vector<16xi32>
      %ge3A_219 = arith.constant 0 : i32
      %ge3A_220 = vector.broadcast %ge3A_219 : i32 to vector<16xi32>
      %ge3A_221 = arith.cmpi sge, %sub3A_218, %ge3A_220 : vector<16xi32>
      %lt3A_222 = arith.constant 31264 : i32
      %lt3A_223 = vector.broadcast %lt3A_222 : i32 to vector<16xi32>
      %lt3A_224 = arith.cmpi slt, %sub3A_218, %lt3A_223 : vector<16xi32>
      %and3A_225 = arith.andi %ge3A_221, %lt3A_224 : vector<16xi1>
      %jit3A_226 = arith.constant 0 : i32
      %broadcast_in_dim3A_227 = vector.broadcast %jit3A_226 : i32 to vector<16xi32>
      %select_n3A_228 = arith.select %and3A_225, %sub3A_218, %broadcast_in_dim3A_227 : vector<16xi1>, vector<16xi32>
      %mul3A_229 = arith.constant 16 : i32
      %mul3A_230 = arith.muli %add3A_212, %mul3A_229 : i32
      %add3A_231 = vector.broadcast %mul3A_230 : i32 to vector<16xi32>
      %add3A_232 = arith.addi %add3A_231, %iota3A : vector<16xi32>
      tpu.vector_store_idx %arg19[%select_n3A_228], %add3A_232 masked %and3A_225 : memref<31264xi32, #tpu.memory_space<vmem>>[vector<16xi32>], vector<16xi32>, vector<16xi1>
      %mul3A_233 = arith.constant 16 : i32
      %mul3A_234 = arith.muli %scan3A_192, %mul3A_233 : i32
      %add3A_235 = arith.constant 2 : i32
      %add3A_236 = arith.addi %mul3A_234, %add3A_235 : i32
      %mul3A_237 = arith.constant 16 : i32
      %mul3A_238 = arith.muli %add3A_236, %mul3A_237 : i32
      %get3A_239 = arith.index_cast %mul3A_238 : i32 to index
      %get3A_240 = tpu.vector_load %arg18[%get3A_239] {strides = array<i32>} : memref<16384xi32, #tpu.memory_space<vmem>>, vector<16xi32>,
      %sub3A_241 = vector.broadcast %mul3A_83 : i32 to vector<16xi32>
      %sub3A_242 = arith.subi %get3A_240, %sub3A_241 : vector<16xi32>
      %ge3A_243 = arith.constant 0 : i32
      %ge3A_244 = vector.broadcast %ge3A_243 : i32 to vector<16xi32>
      %ge3A_245 = arith.cmpi sge, %sub3A_242, %ge3A_244 : vector<16xi32>
      %lt3A_246 = arith.constant 31264 : i32
      %lt3A_247 = vector.broadcast %lt3A_246 : i32 to vector<16xi32>
      %lt3A_248 = arith.cmpi slt, %sub3A_242, %lt3A_247 : vector<16xi32>
      %and3A_249 = arith.andi %ge3A_245, %lt3A_248 : vector<16xi1>
      %jit3A_250 = arith.constant 0 : i32
      %broadcast_in_dim3A_251 = vector.broadcast %jit3A_250 : i32 to vector<16xi32>
      %select_n3A_252 = arith.select %and3A_249, %sub3A_242, %broadcast_in_dim3A_251 : vector<16xi1>, vector<16xi32>
      %mul3A_253 = arith.constant 16 : i32
      %mul3A_254 = arith.muli %add3A_236, %mul3A_253 : i32
      %add3A_255 = vector.broadcast %mul3A_254 : i32 to vector<16xi32>
      %add3A_256 = arith.addi %add3A_255, %iota3A : vector<16xi32>
      tpu.vector_store_idx %arg19[%select_n3A_252], %add3A_256 masked %and3A_249 : memref<31264xi32, #tpu.memory_space<vmem>>[vector<16xi32>], vector<16xi32>, vector<16xi1>
      %mul3A_257 = arith.constant 16 : i32
      %mul3A_258 = arith.muli %scan3A_192, %mul3A_257 : i32
      %add3A_259 = arith.constant 3 : i32
      %add3A_260 = arith.addi %mul3A_258, %add3A_259 : i32
      %mul3A_261 = arith.constant 16 : i32
      %mul3A_262 = arith.muli %add3A_260, %mul3A_261 : i32
      %get3A_263 = arith.index_cast %mul3A_262 : i32 to index
      %get3A_264 = tpu.vector_load %arg18[%get3A_263] {strides = array<i32>} : memref<16384xi32, #tpu.memory_space<vmem>>, vector<16xi32>,
      %sub3A_265 = vector.broadcast %mul3A_83 : i32 to vector<16xi32>
      %sub3A_266 = arith.subi %get3A_264, %sub3A_265 : vector<16xi32>
      %ge3A_267 = arith.constant 0 : i32
      %ge3A_268 = vector.broadcast %ge3A_267 : i32 to vector<16xi32>
      %ge3A_269 = arith.cmpi sge, %sub3A_266, %ge3A_268 : vector<16xi32>
      %lt3A_270 = arith.constant 31264 : i32
      %lt3A_271 = vector.broadcast %lt3A_270 : i32 to vector<16xi32>
      %lt3A_272 = arith.cmpi slt, %sub3A_266, %lt3A_271 : vector<16xi32>
      %and3A_273 = arith.andi %ge3A_269, %lt3A_272 : vector<16xi1>
      %jit3A_274 = arith.constant 0 : i32
      %broadcast_in_dim3A_275 = vector.broadcast %jit3A_274 : i32 to vector<16xi32>
      %select_n3A_276 = arith.select %and3A_273, %sub3A_266, %broadcast_in_dim3A_275 : vector<16xi1>, vector<16xi32>
      %mul3A_277 = arith.constant 16 : i32
      %mul3A_278 = arith.muli %add3A_260, %mul3A_277 : i32
      %add3A_279 = vector.broadcast %mul3A_278 : i32 to vector<16xi32>
      %add3A_280 = arith.addi %add3A_279, %iota3A : vector<16xi32>
      tpu.vector_store_idx %arg19[%select_n3A_276], %add3A_280 masked %and3A_273 : memref<31264xi32, #tpu.memory_space<vmem>>[vector<16xi32>], vector<16xi32>, vector<16xi1>
      %mul3A_281 = arith.constant 16 : i32
      %mul3A_282 = arith.muli %scan3A_192, %mul3A_281 : i32
      %add3A_283 = arith.constant 4 : i32
      %add3A_284 = arith.addi %mul3A_282, %add3A_283 : i32
      %mul3A_285 = arith.constant 16 : i32
      %mul3A_286 = arith.muli %add3A_284, %mul3A_285 : i32
      %get3A_287 = arith.index_cast %mul3A_286 : i32 to index
      %get3A_288 = tpu.vector_load %arg18[%get3A_287] {strides = array<i32>} : memref<16384xi32, #tpu.memory_space<vmem>>, vector<16xi32>,
      %sub3A_289 = vector.broadcast %mul3A_83 : i32 to vector<16xi32>
      %sub3A_290 = arith.subi %get3A_288, %sub3A_289 : vector<16xi32>
      %ge3A_291 = arith.constant 0 : i32
      %ge3A_292 = vector.broadcast %ge3A_291 : i32 to vector<16xi32>
      %ge3A_293 = arith.cmpi sge, %sub3A_290, %ge3A_292 : vector<16xi32>
      %lt3A_294 = arith.constant 31264 : i32
      %lt3A_295 = vector.broadcast %lt3A_294 : i32 to vector<16xi32>
      %lt3A_296 = arith.cmpi slt, %sub3A_290, %lt3A_295 : vector<16xi32>
      %and3A_297 = arith.andi %ge3A_293, %lt3A_296 : vector<16xi1>
      %jit3A_298 = arith.constant 0 : i32
      %broadcast_in_dim3A_299 = vector.broadcast %jit3A_298 : i32 to vector<16xi32>
      %select_n3A_300 = arith.select %and3A_297, %sub3A_290, %broadcast_in_dim3A_299 : vector<16xi1>, vector<16xi32>
      %mul3A_301 = arith.constant 16 : i32
      %mul3A_302 = arith.muli %add3A_284, %mul3A_301 : i32
      %add3A_303 = vector.broadcast %mul3A_302 : i32 to vector<16xi32>
      %add3A_304 = arith.addi %add3A_303, %iota3A : vector<16xi32>
      tpu.vector_store_idx %arg19[%select_n3A_300], %add3A_304 masked %and3A_297 : memref<31264xi32, #tpu.memory_space<vmem>>[vector<16xi32>], vector<16xi32>, vector<16xi1>
      %mul3A_305 = arith.constant 16 : i32
      %mul3A_306 = arith.muli %scan3A_192, %mul3A_305 : i32
      %add3A_307 = arith.constant 5 : i32
      %add3A_308 = arith.addi %mul3A_306, %add3A_307 : i32
      %mul3A_309 = arith.constant 16 : i32
      %mul3A_310 = arith.muli %add3A_308, %mul3A_309 : i32
      %get3A_311 = arith.index_cast %mul3A_310 : i32 to index
      %get3A_312 = tpu.vector_load %arg18[%get3A_311] {strides = array<i32>} : memref<16384xi32, #tpu.memory_space<vmem>>, vector<16xi32>,
      %sub3A_313 = vector.broadcast %mul3A_83 : i32 to vector<16xi32>
      %sub3A_314 = arith.subi %get3A_312, %sub3A_313 : vector<16xi32>
      %ge3A_315 = arith.constant 0 : i32
      %ge3A_316 = vector.broadcast %ge3A_315 : i32 to vector<16xi32>
      %ge3A_317 = arith.cmpi sge, %sub3A_314, %ge3A_316 : vector<16xi32>
      %lt3A_318 = arith.constant 31264 : i32
      %lt3A_319 = vector.broadcast %lt3A_318 : i32 to vector<16xi32>
      %lt3A_320 = arith.cmpi slt, %sub3A_314, %lt3A_319 : vector<16xi32>
      %and3A_321 = arith.andi %ge3A_317, %lt3A_320 : vector<16xi1>
      %jit3A_322 = arith.constant 0 : i32
      %broadcast_in_dim3A_323 = vector.broadcast %jit3A_322 : i32 to vector<16xi32>
      %select_n3A_324 = arith.select %and3A_321, %sub3A_314, %broadcast_in_dim3A_323 : vector<16xi1>, vector<16xi32>
      %mul3A_325 = arith.constant 16 : i32
      %mul3A_326 = arith.muli %add3A_308, %mul3A_325 : i32
      %add3A_327 = vector.broadcast %mul3A_326 : i32 to vector<16xi32>
      %add3A_328 = arith.addi %add3A_327, %iota3A : vector<16xi32>
      tpu.vector_store_idx %arg19[%select_n3A_324], %add3A_328 masked %and3A_321 : memref<31264xi32, #tpu.memory_space<vmem>>[vector<16xi32>], vector<16xi32>, vector<16xi1>
      %mul3A_329 = arith.constant 16 : i32
      %mul3A_330 = arith.muli %scan3A_192, %mul3A_329 : i32
      %add3A_331 = arith.constant 6 : i32
      %add3A_332 = arith.addi %mul3A_330, %add3A_331 : i32
      %mul3A_333 = arith.constant 16 : i32
      %mul3A_334 = arith.muli %add3A_332, %mul3A_333 : i32
      %get3A_335 = arith.index_cast %mul3A_334 : i32 to index
      %get3A_336 = tpu.vector_load %arg18[%get3A_335] {strides = array<i32>} : memref<16384xi32, #tpu.memory_space<vmem>>, vector<16xi32>,
      %sub3A_337 = vector.broadcast %mul3A_83 : i32 to vector<16xi32>
      %sub3A_338 = arith.subi %get3A_336, %sub3A_337 : vector<16xi32>
      %ge3A_339 = arith.constant 0 : i32
      %ge3A_340 = vector.broadcast %ge3A_339 : i32 to vector<16xi32>
      %ge3A_341 = arith.cmpi sge, %sub3A_338, %ge3A_340 : vector<16xi32>
      %lt3A_342 = arith.constant 31264 : i32
      %lt3A_343 = vector.broadcast %lt3A_342 : i32 to vector<16xi32>
      %lt3A_344 = arith.cmpi slt, %sub3A_338, %lt3A_343 : vector<16xi32>
      %and3A_345 = arith.andi %ge3A_341, %lt3A_344 : vector<16xi1>
      %jit3A_346 = arith.constant 0 : i32
      %broadcast_in_dim3A_347 = vector.broadcast %jit3A_346 : i32 to vector<16xi32>
      %select_n3A_348 = arith.select %and3A_345, %sub3A_338, %broadcast_in_dim3A_347 : vector<16xi1>, vector<16xi32>
      %mul3A_349 = arith.constant 16 : i32
      %mul3A_350 = arith.muli %add3A_332, %mul3A_349 : i32
      %add3A_351 = vector.broadcast %mul3A_350 : i32 to vector<16xi32>
      %add3A_352 = arith.addi %add3A_351, %iota3A : vector<16xi32>
      tpu.vector_store_idx %arg19[%select_n3A_348], %add3A_352 masked %and3A_345 : memref<31264xi32, #tpu.memory_space<vmem>>[vector<16xi32>], vector<16xi32>, vector<16xi1>
      %mul3A_353 = arith.constant 16 : i32
      %mul3A_354 = arith.muli %scan3A_192, %mul3A_353 : i32
      %add3A_355 = arith.constant 7 : i32
      %add3A_356 = arith.addi %mul3A_354, %add3A_355 : i32
      %mul3A_357 = arith.constant 16 : i32
      %mul3A_358 = arith.muli %add3A_356, %mul3A_357 : i32
      %get3A_359 = arith.index_cast %mul3A_358 : i32 to index
      %get3A_360 = tpu.vector_load %arg18[%get3A_359] {strides = array<i32>} : memref<16384xi32, #tpu.memory_space<vmem>>, vector<16xi32>,
      %sub3A_361 = vector.broadcast %mul3A_83 : i32 to vector<16xi32>
      %sub3A_362 = arith.subi %get3A_360, %sub3A_361 : vector<16xi32>
      %ge3A_363 = arith.constant 0 : i32
      %ge3A_364 = vector.broadcast %ge3A_363 : i32 to vector<16xi32>
      %ge3A_365 = arith.cmpi sge, %sub3A_362, %ge3A_364 : vector<16xi32>
      %lt3A_366 = arith.constant 31264 : i32
      %lt3A_367 = vector.broadcast %lt3A_366 : i32 to vector<16xi32>
      %lt3A_368 = arith.cmpi slt, %sub3A_362, %lt3A_367 : vector<16xi32>
      %and3A_369 = arith.andi %ge3A_365, %lt3A_368 : vector<16xi1>
      %jit3A_370 = arith.constant 0 : i32
      %broadcast_in_dim3A_371 = vector.broadcast %jit3A_370 : i32 to vector<16xi32>
      %select_n3A_372 = arith.select %and3A_369, %sub3A_362, %broadcast_in_dim3A_371 : vector<16xi1>, vector<16xi32>
      %mul3A_373 = arith.constant 16 : i32
      %mul3A_374 = arith.muli %add3A_356, %mul3A_373 : i32
      %add3A_375 = vector.broadcast %mul3A_374 : i32 to vector<16xi32>
      %add3A_376 = arith.addi %add3A_375, %iota3A : vector<16xi32>
      tpu.vector_store_idx %arg19[%select_n3A_372], %add3A_376 masked %and3A_369 : memref<31264xi32, #tpu.memory_space<vmem>>[vector<16xi32>], vector<16xi32>, vector<16xi1>
      %mul3A_377 = arith.constant 16 : i32
      %mul3A_378 = arith.muli %scan3A_192, %mul3A_377 : i32
      %add3A_379 = arith.constant 8 : i32
      %add3A_380 = arith.addi %mul3A_378, %add3A_379 : i32
      %mul3A_381 = arith.constant 16 : i32
      %mul3A_382 = arith.muli %add3A_380, %mul3A_381 : i32
      %get3A_383 = arith.index_cast %mul3A_382 : i32 to index
      %get3A_384 = tpu.vector_load %arg18[%get3A_383] {strides = array<i32>} : memref<16384xi32, #tpu.memory_space<vmem>>, vector<16xi32>,
      %sub3A_385 = vector.broadcast %mul3A_83 : i32 to vector<16xi32>
      %sub3A_386 = arith.subi %get3A_384, %sub3A_385 : vector<16xi32>
      %ge3A_387 = arith.constant 0 : i32
      %ge3A_388 = vector.broadcast %ge3A_387 : i32 to vector<16xi32>
      %ge3A_389 = arith.cmpi sge, %sub3A_386, %ge3A_388 : vector<16xi32>
      %lt3A_390 = arith.constant 31264 : i32
      %lt3A_391 = vector.broadcast %lt3A_390 : i32 to vector<16xi32>
      %lt3A_392 = arith.cmpi slt, %sub3A_386, %lt3A_391 : vector<16xi32>
      %and3A_393 = arith.andi %ge3A_389, %lt3A_392 : vector<16xi1>
      %jit3A_394 = arith.constant 0 : i32
      %broadcast_in_dim3A_395 = vector.broadcast %jit3A_394 : i32 to vector<16xi32>
      %select_n3A_396 = arith.select %and3A_393, %sub3A_386, %broadcast_in_dim3A_395 : vector<16xi1>, vector<16xi32>
      %mul3A_397 = arith.constant 16 : i32
      %mul3A_398 = arith.muli %add3A_380, %mul3A_397 : i32
      %add3A_399 = vector.broadcast %mul3A_398 : i32 to vector<16xi32>
      %add3A_400 = arith.addi %add3A_399, %iota3A : vector<16xi32>
      tpu.vector_store_idx %arg19[%select_n3A_396], %add3A_400 masked %and3A_393 : memref<31264xi32, #tpu.memory_space<vmem>>[vector<16xi32>], vector<16xi32>, vector<16xi1>
      %mul3A_401 = arith.constant 16 : i32
      %mul3A_402 = arith.muli %scan3A_192, %mul3A_401 : i32
      %add3A_403 = arith.constant 9 : i32
      %add3A_404 = arith.addi %mul3A_402, %add3A_403 : i32
      %mul3A_405 = arith.constant 16 : i32
      %mul3A_406 = arith.muli %add3A_404, %mul3A_405 : i32
      %get3A_407 = arith.index_cast %mul3A_406 : i32 to index
      %get3A_408 = tpu.vector_load %arg18[%get3A_407] {strides = array<i32>} : memref<16384xi32, #tpu.memory_space<vmem>>, vector<16xi32>,
      %sub3A_409 = vector.broadcast %mul3A_83 : i32 to vector<16xi32>
      %sub3A_410 = arith.subi %get3A_408, %sub3A_409 : vector<16xi32>
      %ge3A_411 = arith.constant 0 : i32
      %ge3A_412 = vector.broadcast %ge3A_411 : i32 to vector<16xi32>
      %ge3A_413 = arith.cmpi sge, %sub3A_410, %ge3A_412 : vector<16xi32>
      %lt3A_414 = arith.constant 31264 : i32
      %lt3A_415 = vector.broadcast %lt3A_414 : i32 to vector<16xi32>
      %lt3A_416 = arith.cmpi slt, %sub3A_410, %lt3A_415 : vector<16xi32>
      %and3A_417 = arith.andi %ge3A_413, %lt3A_416 : vector<16xi1>
      %jit3A_418 = arith.constant 0 : i32
      %broadcast_in_dim3A_419 = vector.broadcast %jit3A_418 : i32 to vector<16xi32>
      %select_n3A_420 = arith.select %and3A_417, %sub3A_410, %broadcast_in_dim3A_419 : vector<16xi1>, vector<16xi32>
      %mul3A_421 = arith.constant 16 : i32
      %mul3A_422 = arith.muli %add3A_404, %mul3A_421 : i32
      %add3A_423 = vector.broadcast %mul3A_422 : i32 to vector<16xi32>
      %add3A_424 = arith.addi %add3A_423, %iota3A : vector<16xi32>
      tpu.vector_store_idx %arg19[%select_n3A_420], %add3A_424 masked %and3A_417 : memref<31264xi32, #tpu.memory_space<vmem>>[vector<16xi32>], vector<16xi32>, vector<16xi1>
      %mul3A_425 = arith.constant 16 : i32
      %mul3A_426 = arith.muli %scan3A_192, %mul3A_425 : i32
      %add3A_427 = arith.constant 10 : i32
      %add3A_428 = arith.addi %mul3A_426, %add3A_427 : i32
      %mul3A_429 = arith.constant 16 : i32
      %mul3A_430 = arith.muli %add3A_428, %mul3A_429 : i32
      %get3A_431 = arith.index_cast %mul3A_430 : i32 to index
      %get3A_432 = tpu.vector_load %arg18[%get3A_431] {strides = array<i32>} : memref<16384xi32, #tpu.memory_space<vmem>>, vector<16xi32>,
      %sub3A_433 = vector.broadcast %mul3A_83 : i32 to vector<16xi32>
      %sub3A_434 = arith.subi %get3A_432, %sub3A_433 : vector<16xi32>
      %ge3A_435 = arith.constant 0 : i32
      %ge3A_436 = vector.broadcast %ge3A_435 : i32 to vector<16xi32>
      %ge3A_437 = arith.cmpi sge, %sub3A_434, %ge3A_436 : vector<16xi32>
      %lt3A_438 = arith.constant 31264 : i32
      %lt3A_439 = vector.broadcast %lt3A_438 : i32 to vector<16xi32>
      %lt3A_440 = arith.cmpi slt, %sub3A_434, %lt3A_439 : vector<16xi32>
      %and3A_441 = arith.andi %ge3A_437, %lt3A_440 : vector<16xi1>
      %jit3A_442 = arith.constant 0 : i32
      %broadcast_in_dim3A_443 = vector.broadcast %jit3A_442 : i32 to vector<16xi32>
      %select_n3A_444 = arith.select %and3A_441, %sub3A_434, %broadcast_in_dim3A_443 : vector<16xi1>, vector<16xi32>
      %mul3A_445 = arith.constant 16 : i32
      %mul3A_446 = arith.muli %add3A_428, %mul3A_445 : i32
      %add3A_447 = vector.broadcast %mul3A_446 : i32 to vector<16xi32>
      %add3A_448 = arith.addi %add3A_447, %iota3A : vector<16xi32>
      tpu.vector_store_idx %arg19[%select_n3A_444], %add3A_448 masked %and3A_441 : memref<31264xi32, #tpu.memory_space<vmem>>[vector<16xi32>], vector<16xi32>, vector<16xi1>
      %mul3A_449 = arith.constant 16 : i32
      %mul3A_450 = arith.muli %scan3A_192, %mul3A_449 : i32
      %add3A_451 = arith.constant 11 : i32
      %add3A_452 = arith.addi %mul3A_450, %add3A_451 : i32
      %mul3A_453 = arith.constant 16 : i32
      %mul3A_454 = arith.muli %add3A_452, %mul3A_453 : i32
      %get3A_455 = arith.index_cast %mul3A_454 : i32 to index
      %get3A_456 = tpu.vector_load %arg18[%get3A_455] {strides = array<i32>} : memref<16384xi32, #tpu.memory_space<vmem>>, vector<16xi32>,
      %sub3A_457 = vector.broadcast %mul3A_83 : i32 to vector<16xi32>
      %sub3A_458 = arith.subi %get3A_456, %sub3A_457 : vector<16xi32>
      %ge3A_459 = arith.constant 0 : i32
      %ge3A_460 = vector.broadcast %ge3A_459 : i32 to vector<16xi32>
      %ge3A_461 = arith.cmpi sge, %sub3A_458, %ge3A_460 : vector<16xi32>
      %lt3A_462 = arith.constant 31264 : i32
      %lt3A_463 = vector.broadcast %lt3A_462 : i32 to vector<16xi32>
      %lt3A_464 = arith.cmpi slt, %sub3A_458, %lt3A_463 : vector<16xi32>
      %and3A_465 = arith.andi %ge3A_461, %lt3A_464 : vector<16xi1>
      %jit3A_466 = arith.constant 0 : i32
      %broadcast_in_dim3A_467 = vector.broadcast %jit3A_466 : i32 to vector<16xi32>
      %select_n3A_468 = arith.select %and3A_465, %sub3A_458, %broadcast_in_dim3A_467 : vector<16xi1>, vector<16xi32>
      %mul3A_469 = arith.constant 16 : i32
      %mul3A_470 = arith.muli %add3A_452, %mul3A_469 : i32
      %add3A_471 = vector.broadcast %mul3A_470 : i32 to vector<16xi32>
      %add3A_472 = arith.addi %add3A_471, %iota3A : vector<16xi32>
      tpu.vector_store_idx %arg19[%select_n3A_468], %add3A_472 masked %and3A_465 : memref<31264xi32, #tpu.memory_space<vmem>>[vector<16xi32>], vector<16xi32>, vector<16xi1>
      %mul3A_473 = arith.constant 16 : i32
      %mul3A_474 = arith.muli %scan3A_192, %mul3A_473 : i32
      %add3A_475 = arith.constant 12 : i32
      %add3A_476 = arith.addi %mul3A_474, %add3A_475 : i32
      %mul3A_477 = arith.constant 16 : i32
      %mul3A_478 = arith.muli %add3A_476, %mul3A_477 : i32
      %get3A_479 = arith.index_cast %mul3A_478 : i32 to index
      %get3A_480 = tpu.vector_load %arg18[%get3A_479] {strides = array<i32>} : memref<16384xi32, #tpu.memory_space<vmem>>, vector<16xi32>,
      %sub3A_481 = vector.broadcast %mul3A_83 : i32 to vector<16xi32>
      %sub3A_482 = arith.subi %get3A_480, %sub3A_481 : vector<16xi32>
      %ge3A_483 = arith.constant 0 : i32
      %ge3A_484 = vector.broadcast %ge3A_483 : i32 to vector<16xi32>
      %ge3A_485 = arith.cmpi sge, %sub3A_482, %ge3A_484 : vector<16xi32>
      %lt3A_486 = arith.constant 31264 : i32
      %lt3A_487 = vector.broadcast %lt3A_486 : i32 to vector<16xi32>
      %lt3A_488 = arith.cmpi slt, %sub3A_482, %lt3A_487 : vector<16xi32>
      %and3A_489 = arith.andi %ge3A_485, %lt3A_488 : vector<16xi1>
      %jit3A_490 = arith.constant 0 : i32
      %broadcast_in_dim3A_491 = vector.broadcast %jit3A_490 : i32 to vector<16xi32>
      %select_n3A_492 = arith.select %and3A_489, %sub3A_482, %broadcast_in_dim3A_491 : vector<16xi1>, vector<16xi32>
      %mul3A_493 = arith.constant 16 : i32
      %mul3A_494 = arith.muli %add3A_476, %mul3A_493 : i32
      %add3A_495 = vector.broadcast %mul3A_494 : i32 to vector<16xi32>
      %add3A_496 = arith.addi %add3A_495, %iota3A : vector<16xi32>
      tpu.vector_store_idx %arg19[%select_n3A_492], %add3A_496 masked %and3A_489 : memref<31264xi32, #tpu.memory_space<vmem>>[vector<16xi32>], vector<16xi32>, vector<16xi1>
      %mul3A_497 = arith.constant 16 : i32
      %mul3A_498 = arith.muli %scan3A_192, %mul3A_497 : i32
      %add3A_499 = arith.constant 13 : i32
      %add3A_500 = arith.addi %mul3A_498, %add3A_499 : i32
      %mul3A_501 = arith.constant 16 : i32
      %mul3A_502 = arith.muli %add3A_500, %mul3A_501 : i32
      %get3A_503 = arith.index_cast %mul3A_502 : i32 to index
      %get3A_504 = tpu.vector_load %arg18[%get3A_503] {strides = array<i32>} : memref<16384xi32, #tpu.memory_space<vmem>>, vector<16xi32>,
      %sub3A_505 = vector.broadcast %mul3A_83 : i32 to vector<16xi32>
      %sub3A_506 = arith.subi %get3A_504, %sub3A_505 : vector<16xi32>
      %ge3A_507 = arith.constant 0 : i32
      %ge3A_508 = vector.broadcast %ge3A_507 : i32 to vector<16xi32>
      %ge3A_509 = arith.cmpi sge, %sub3A_506, %ge3A_508 : vector<16xi32>
      %lt3A_510 = arith.constant 31264 : i32
      %lt3A_511 = vector.broadcast %lt3A_510 : i32 to vector<16xi32>
      %lt3A_512 = arith.cmpi slt, %sub3A_506, %lt3A_511 : vector<16xi32>
      %and3A_513 = arith.andi %ge3A_509, %lt3A_512 : vector<16xi1>
      %jit3A_514 = arith.constant 0 : i32
      %broadcast_in_dim3A_515 = vector.broadcast %jit3A_514 : i32 to vector<16xi32>
      %select_n3A_516 = arith.select %and3A_513, %sub3A_506, %broadcast_in_dim3A_515 : vector<16xi1>, vector<16xi32>
      %mul3A_517 = arith.constant 16 : i32
      %mul3A_518 = arith.muli %add3A_500, %mul3A_517 : i32
      %add3A_519 = vector.broadcast %mul3A_518 : i32 to vector<16xi32>
      %add3A_520 = arith.addi %add3A_519, %iota3A : vector<16xi32>
      tpu.vector_store_idx %arg19[%select_n3A_516], %add3A_520 masked %and3A_513 : memref<31264xi32, #tpu.memory_space<vmem>>[vector<16xi32>], vector<16xi32>, vector<16xi1>
      %mul3A_521 = arith.constant 16 : i32
      %mul3A_522 = arith.muli %scan3A_192, %mul3A_521 : i32
      %add3A_523 = arith.constant 14 : i32
      %add3A_524 = arith.addi %mul3A_522, %add3A_523 : i32
      %mul3A_525 = arith.constant 16 : i32
      %mul3A_526 = arith.muli %add3A_524, %mul3A_525 : i32
      %get3A_527 = arith.index_cast %mul3A_526 : i32 to index
      %get3A_528 = tpu.vector_load %arg18[%get3A_527] {strides = array<i32>} : memref<16384xi32, #tpu.memory_space<vmem>>, vector<16xi32>,
      %sub3A_529 = vector.broadcast %mul3A_83 : i32 to vector<16xi32>
      %sub3A_530 = arith.subi %get3A_528, %sub3A_529 : vector<16xi32>
      %ge3A_531 = arith.constant 0 : i32
      %ge3A_532 = vector.broadcast %ge3A_531 : i32 to vector<16xi32>
      %ge3A_533 = arith.cmpi sge, %sub3A_530, %ge3A_532 : vector<16xi32>
      %lt3A_534 = arith.constant 31264 : i32
      %lt3A_535 = vector.broadcast %lt3A_534 : i32 to vector<16xi32>
      %lt3A_536 = arith.cmpi slt, %sub3A_530, %lt3A_535 : vector<16xi32>
      %and3A_537 = arith.andi %ge3A_533, %lt3A_536 : vector<16xi1>
      %jit3A_538 = arith.constant 0 : i32
      %broadcast_in_dim3A_539 = vector.broadcast %jit3A_538 : i32 to vector<16xi32>
      %select_n3A_540 = arith.select %and3A_537, %sub3A_530, %broadcast_in_dim3A_539 : vector<16xi1>, vector<16xi32>
      %mul3A_541 = arith.constant 16 : i32
      %mul3A_542 = arith.muli %add3A_524, %mul3A_541 : i32
      %add3A_543 = vector.broadcast %mul3A_542 : i32 to vector<16xi32>
      %add3A_544 = arith.addi %add3A_543, %iota3A : vector<16xi32>
      tpu.vector_store_idx %arg19[%select_n3A_540], %add3A_544 masked %and3A_537 : memref<31264xi32, #tpu.memory_space<vmem>>[vector<16xi32>], vector<16xi32>, vector<16xi1>
      %mul3A_545 = arith.constant 16 : i32
      %mul3A_546 = arith.muli %scan3A_192, %mul3A_545 : i32
      %add3A_547 = arith.constant 15 : i32
      %add3A_548 = arith.addi %mul3A_546, %add3A_547 : i32
      %mul3A_549 = arith.constant 16 : i32
      %mul3A_550 = arith.muli %add3A_548, %mul3A_549 : i32
      %get3A_551 = arith.index_cast %mul3A_550 : i32 to index
      %get3A_552 = tpu.vector_load %arg18[%get3A_551] {strides = array<i32>} : memref<16384xi32, #tpu.memory_space<vmem>>, vector<16xi32>,
      %sub3A_553 = vector.broadcast %mul3A_83 : i32 to vector<16xi32>
      %sub3A_554 = arith.subi %get3A_552, %sub3A_553 : vector<16xi32>
      %ge3A_555 = arith.constant 0 : i32
      %ge3A_556 = vector.broadcast %ge3A_555 : i32 to vector<16xi32>
      %ge3A_557 = arith.cmpi sge, %sub3A_554, %ge3A_556 : vector<16xi32>
      %lt3A_558 = arith.constant 31264 : i32
      %lt3A_559 = vector.broadcast %lt3A_558 : i32 to vector<16xi32>
      %lt3A_560 = arith.cmpi slt, %sub3A_554, %lt3A_559 : vector<16xi32>
      %and3A_561 = arith.andi %ge3A_557, %lt3A_560 : vector<16xi1>
      %jit3A_562 = arith.constant 0 : i32
      %broadcast_in_dim3A_563 = vector.broadcast %jit3A_562 : i32 to vector<16xi32>
      %select_n3A_564 = arith.select %and3A_561, %sub3A_554, %broadcast_in_dim3A_563 : vector<16xi1>, vector<16xi32>
      %mul3A_565 = arith.constant 16 : i32
      %mul3A_566 = arith.muli %add3A_548, %mul3A_565 : i32
      %add3A_567 = vector.broadcast %mul3A_566 : i32 to vector<16xi32>
      %add3A_568 = arith.addi %add3A_567, %iota3A : vector<16xi32>
      tpu.vector_store_idx %arg19[%select_n3A_564], %add3A_568 masked %and3A_561 : memref<31264xi32, #tpu.memory_space<vmem>>[vector<16xi32>], vector<16xi32>, vector<16xi1>
      %gather3A = tpu.vector_load_idx %arg19[%select_n3A] : memref<31264xi32, #tpu.memory_space<vmem>>[vector<16xi32>], vector<16xi32>,
      %ne3A = arith.cmpi ne, %gather3A, %add3A_208 : vector<16xi32>
      %and3A_569 = arith.andi %and3A, %ne3A : vector<16xi1>
      %gather3A_570 = tpu.vector_load_idx %arg19[%select_n3A_228] : memref<31264xi32, #tpu.memory_space<vmem>>[vector<16xi32>], vector<16xi32>,
      %ne3A_571 = arith.cmpi ne, %gather3A_570, %add3A_232 : vector<16xi32>
      %and3A_572 = arith.andi %and3A_225, %ne3A_571 : vector<16xi1>
      %or3A = arith.ori %and3A_569, %and3A_572 : vector<16xi1>
      %gather3A_573 = tpu.vector_load_idx %arg19[%select_n3A_252] : memref<31264xi32, #tpu.memory_space<vmem>>[vector<16xi32>], vector<16xi32>,
      %ne3A_574 = arith.cmpi ne, %gather3A_573, %add3A_256 : vector<16xi32>
      %and3A_575 = arith.andi %and3A_249, %ne3A_574 : vector<16xi1>
      %or3A_576 = arith.ori %or3A, %and3A_575 : vector<16xi1>
      %gather3A_577 = tpu.vector_load_idx %arg19[%select_n3A_276] : memref<31264xi32, #tpu.memory_space<vmem>>[vector<16xi32>], vector<16xi32>,
      %ne3A_578 = arith.cmpi ne, %gather3A_577, %add3A_280 : vector<16xi32>
      %and3A_579 = arith.andi %and3A_273, %ne3A_578 : vector<16xi1>
      %or3A_580 = arith.ori %or3A_576, %and3A_579 : vector<16xi1>
      %gather3A_581 = tpu.vector_load_idx %arg19[%select_n3A_300] : memref<31264xi32, #tpu.memory_space<vmem>>[vector<16xi32>], vector<16xi32>,
      %ne3A_582 = arith.cmpi ne, %gather3A_581, %add3A_304 : vector<16xi32>
      %and3A_583 = arith.andi %and3A_297, %ne3A_582 : vector<16xi1>
      %or3A_584 = arith.ori %or3A_580, %and3A_583 : vector<16xi1>
      %gather3A_585 = tpu.vector_load_idx %arg19[%select_n3A_324] : memref<31264xi32, #tpu.memory_space<vmem>>[vector<16xi32>], vector<16xi32>,
      %ne3A_586 = arith.cmpi ne, %gather3A_585, %add3A_328 : vector<16xi32>
      %and3A_587 = arith.andi %and3A_321, %ne3A_586 : vector<16xi1>
      %or3A_588 = arith.ori %or3A_584, %and3A_587 : vector<16xi1>
      %gather3A_589 = tpu.vector_load_idx %arg19[%select_n3A_348] : memref<31264xi32, #tpu.memory_space<vmem>>[vector<16xi32>], vector<16xi32>,
      %ne3A_590 = arith.cmpi ne, %gather3A_589, %add3A_352 : vector<16xi32>
      %and3A_591 = arith.andi %and3A_345, %ne3A_590 : vector<16xi1>
      %or3A_592 = arith.ori %or3A_588, %and3A_591 : vector<16xi1>
      %gather3A_593 = tpu.vector_load_idx %arg19[%select_n3A_372] : memref<31264xi32, #tpu.memory_space<vmem>>[vector<16xi32>], vector<16xi32>,
      %ne3A_594 = arith.cmpi ne, %gather3A_593, %add3A_376 : vector<16xi32>
      %and3A_595 = arith.andi %and3A_369, %ne3A_594 : vector<16xi1>
      %or3A_596 = arith.ori %or3A_592, %and3A_595 : vector<16xi1>
      %gather3A_597 = tpu.vector_load_idx %arg19[%select_n3A_396] : memref<31264xi32, #tpu.memory_space<vmem>>[vector<16xi32>], vector<16xi32>,
      %ne3A_598 = arith.cmpi ne, %gather3A_597, %add3A_400 : vector<16xi32>
      %and3A_599 = arith.andi %and3A_393, %ne3A_598 : vector<16xi1>
      %or3A_600 = arith.ori %or3A_596, %and3A_599 : vector<16xi1>
      %gather3A_601 = tpu.vector_load_idx %arg19[%select_n3A_420] : memref<31264xi32, #tpu.memory_space<vmem>>[vector<16xi32>], vector<16xi32>,
      %ne3A_602 = arith.cmpi ne, %gather3A_601, %add3A_424 : vector<16xi32>
      %and3A_603 = arith.andi %and3A_417, %ne3A_602 : vector<16xi1>
      %or3A_604 = arith.ori %or3A_600, %and3A_603 : vector<16xi1>
      %gather3A_605 = tpu.vector_load_idx %arg19[%select_n3A_444] : memref<31264xi32, #tpu.memory_space<vmem>>[vector<16xi32>], vector<16xi32>,
      %ne3A_606 = arith.cmpi ne, %gather3A_605, %add3A_448 : vector<16xi32>
      %and3A_607 = arith.andi %and3A_441, %ne3A_606 : vector<16xi1>
      %or3A_608 = arith.ori %or3A_604, %and3A_607 : vector<16xi1>
      %gather3A_609 = tpu.vector_load_idx %arg19[%select_n3A_468] : memref<31264xi32, #tpu.memory_space<vmem>>[vector<16xi32>], vector<16xi32>,
      %ne3A_610 = arith.cmpi ne, %gather3A_609, %add3A_472 : vector<16xi32>
      %and3A_611 = arith.andi %and3A_465, %ne3A_610 : vector<16xi1>
      %or3A_612 = arith.ori %or3A_608, %and3A_611 : vector<16xi1>
      %gather3A_613 = tpu.vector_load_idx %arg19[%select_n3A_492] : memref<31264xi32, #tpu.memory_space<vmem>>[vector<16xi32>], vector<16xi32>,
      %ne3A_614 = arith.cmpi ne, %gather3A_613, %add3A_496 : vector<16xi32>
      %and3A_615 = arith.andi %and3A_489, %ne3A_614 : vector<16xi1>
      %or3A_616 = arith.ori %or3A_612, %and3A_615 : vector<16xi1>
      %gather3A_617 = tpu.vector_load_idx %arg19[%select_n3A_516] : memref<31264xi32, #tpu.memory_space<vmem>>[vector<16xi32>], vector<16xi32>,
      %ne3A_618 = arith.cmpi ne, %gather3A_617, %add3A_520 : vector<16xi32>
      %and3A_619 = arith.andi %and3A_513, %ne3A_618 : vector<16xi1>
      %or3A_620 = arith.ori %or3A_616, %and3A_619 : vector<16xi1>
      %gather3A_621 = tpu.vector_load_idx %arg19[%select_n3A_540] : memref<31264xi32, #tpu.memory_space<vmem>>[vector<16xi32>], vector<16xi32>,
      %ne3A_622 = arith.cmpi ne, %gather3A_621, %add3A_544 : vector<16xi32>
      %and3A_623 = arith.andi %and3A_537, %ne3A_622 : vector<16xi1>
      %or3A_624 = arith.ori %or3A_620, %and3A_623 : vector<16xi1>
      %gather3A_625 = tpu.vector_load_idx %arg19[%select_n3A_564] : memref<31264xi32, #tpu.memory_space<vmem>>[vector<16xi32>], vector<16xi32>,
      %ne3A_626 = arith.cmpi ne, %gather3A_625, %add3A_568 : vector<16xi32>
      %and3A_627 = arith.andi %and3A_561, %ne3A_626 : vector<16xi1>
      %or3A_628 = arith.ori %or3A_624, %and3A_627 : vector<16xi1>
      %reduce_or3A = arith.constant 1.000000e+00 : f32
      %reduce_or3A_629 = arith.constant 0.000000e+00 : f32
      %reduce_or3A_630 = vector.broadcast %reduce_or3A : f32 to vector<16xf32>
      %reduce_or3A_631 = vector.broadcast %reduce_or3A_629 : f32 to vector<16xf32>
      %reduce_or3A_632 = arith.select %or3A_628, %reduce_or3A_630, %reduce_or3A_631 : vector<16xi1>, vector<16xf32>
      %reduce_or3A_633 = arith.constant true
      %reduce_or3A_634 = vector.broadcast %reduce_or3A_633 : i1 to vector<16xi1>
      %reduce_or3A_635 = tpu.scan <max>, %reduce_or3A_632 masked %reduce_or3A_634 : vector<16xf32>, vector<16xi1> -> vector<16xf32>
      %reduce_or3A_636 = vector.extract %reduce_or3A_635[15] : f32 from vector<16xf32>
      %reduce_or3A_637 = arith.constant 0.000000e+00 : f32
      %reduce_or3A_638 = arith.cmpf ogt, %reduce_or3A_636, %reduce_or3A_637 : f32
      %convert_element_type3A = arith.extui %reduce_or3A_638 : i1 to i32
      %cond3A = arith.constant 0 : i32
      %cond3A_639 = arith.cmpi ne, %convert_element_type3A, %cond3A : i32
      scf.if %cond3A_639 {
        %eq3A = arith.constant 0 : i32
        %eq3A_640 = vector.broadcast %eq3A : i32 to vector<16xi32>
        %eq3A_641 = arith.cmpi eq, %iota3A, %eq3A_640 : vector<16xi32>
        %and3A_642 = arith.andi %and3A, %eq3A_641 : vector<16xi1>
        tpu.vector_store_idx %arg19[%select_n3A], %add3A_208 masked %and3A_642 : memref<31264xi32, #tpu.memory_space<vmem>>[vector<16xi32>], vector<16xi32>, vector<16xi1>
        %eq3A_643 = arith.constant 1 : i32
        %eq3A_644 = vector.broadcast %eq3A_643 : i32 to vector<16xi32>
        %eq3A_645 = arith.cmpi eq, %iota3A, %eq3A_644 : vector<16xi32>
        %and3A_646 = arith.andi %and3A, %eq3A_645 : vector<16xi1>
        tpu.vector_store_idx %arg19[%select_n3A], %add3A_208 masked %and3A_646 : memref<31264xi32, #tpu.memory_space<vmem>>[vector<16xi32>], vector<16xi32>, vector<16xi1>
        %eq3A_647 = arith.constant 2 : i32
        %eq3A_648 = vector.broadcast %eq3A_647 : i32 to vector<16xi32>
        %eq3A_649 = arith.cmpi eq, %iota3A, %eq3A_648 : vector<16xi32>
        %and3A_650 = arith.andi %and3A, %eq3A_649 : vector<16xi1>
        tpu.vector_store_idx %arg19[%select_n3A], %add3A_208 masked %and3A_650 : memref<31264xi32, #tpu.memory_space<vmem>>[vector<16xi32>], vector<16xi32>, vector<16xi1>
        %eq3A_651 = arith.constant 3 : i32
        %eq3A_652 = vector.broadcast %eq3A_651 : i32 to vector<16xi32>
        %eq3A_653 = arith.cmpi eq, %iota3A, %eq3A_652 : vector<16xi32>
        %and3A_654 = arith.andi %and3A, %eq3A_653 : vector<16xi1>
        tpu.vector_store_idx %arg19[%select_n3A], %add3A_208 masked %and3A_654 : memref<31264xi32, #tpu.memory_space<vmem>>[vector<16xi32>], vector<16xi32>, vector<16xi1>
        %eq3A_655 = arith.constant 4 : i32
        %eq3A_656 = vector.broadcast %eq3A_655 : i32 to vector<16xi32>
        %eq3A_657 = arith.cmpi eq, %iota3A, %eq3A_656 : vector<16xi32>
        %and3A_658 = arith.andi %and3A, %eq3A_657 : vector<16xi1>
        tpu.vector_store_idx %arg19[%select_n3A], %add3A_208 masked %and3A_658 : memref<31264xi32, #tpu.memory_space<vmem>>[vector<16xi32>], vector<16xi32>, vector<16xi1>
        %eq3A_659 = arith.constant 5 : i32
        %eq3A_660 = vector.broadcast %eq3A_659 : i32 to vector<16xi32>
        %eq3A_661 = arith.cmpi eq, %iota3A, %eq3A_660 : vector<16xi32>
        %and3A_662 = arith.andi %and3A, %eq3A_661 : vector<16xi1>
        tpu.vector_store_idx %arg19[%select_n3A], %add3A_208 masked %and3A_662 : memref<31264xi32, #tpu.memory_space<vmem>>[vector<16xi32>], vector<16xi32>, vector<16xi1>
        %eq3A_663 = arith.constant 6 : i32
        %eq3A_664 = vector.broadcast %eq3A_663 : i32 to vector<16xi32>
        %eq3A_665 = arith.cmpi eq, %iota3A, %eq3A_664 : vector<16xi32>
        %and3A_666 = arith.andi %and3A, %eq3A_665 : vector<16xi1>
        tpu.vector_store_idx %arg19[%select_n3A], %add3A_208 masked %and3A_666 : memref<31264xi32, #tpu.memory_space<vmem>>[vector<16xi32>], vector<16xi32>, vector<16xi1>
        %eq3A_667 = arith.constant 7 : i32
        %eq3A_668 = vector.broadcast %eq3A_667 : i32 to vector<16xi32>
        %eq3A_669 = arith.cmpi eq, %iota3A, %eq3A_668 : vector<16xi32>
        %and3A_670 = arith.andi %and3A, %eq3A_669 : vector<16xi1>
        tpu.vector_store_idx %arg19[%select_n3A], %add3A_208 masked %and3A_670 : memref<31264xi32, #tpu.memory_space<vmem>>[vector<16xi32>], vector<16xi32>, vector<16xi1>
        %eq3A_671 = arith.constant 8 : i32
        %eq3A_672 = vector.broadcast %eq3A_671 : i32 to vector<16xi32>
        %eq3A_673 = arith.cmpi eq, %iota3A, %eq3A_672 : vector<16xi32>
        %and3A_674 = arith.andi %and3A, %eq3A_673 : vector<16xi1>
        tpu.vector_store_idx %arg19[%select_n3A], %add3A_208 masked %and3A_674 : memref<31264xi32, #tpu.memory_space<vmem>>[vector<16xi32>], vector<16xi32>, vector<16xi1>
        %eq3A_675 = arith.constant 9 : i32
        %eq3A_676 = vector.broadcast %eq3A_675 : i32 to vector<16xi32>
        %eq3A_677 = arith.cmpi eq, %iota3A, %eq3A_676 : vector<16xi32>
        %and3A_678 = arith.andi %and3A, %eq3A_677 : vector<16xi1>
        tpu.vector_store_idx %arg19[%select_n3A], %add3A_208 masked %and3A_678 : memref<31264xi32, #tpu.memory_space<vmem>>[vector<16xi32>], vector<16xi32>, vector<16xi1>
        %eq3A_679 = arith.constant 10 : i32
        %eq3A_680 = vector.broadcast %eq3A_679 : i32 to vector<16xi32>
        %eq3A_681 = arith.cmpi eq, %iota3A, %eq3A_680 : vector<16xi32>
        %and3A_682 = arith.andi %and3A, %eq3A_681 : vector<16xi1>
        tpu.vector_store_idx %arg19[%select_n3A], %add3A_208 masked %and3A_682 : memref<31264xi32, #tpu.memory_space<vmem>>[vector<16xi32>], vector<16xi32>, vector<16xi1>
        %eq3A_683 = arith.constant 11 : i32
        %eq3A_684 = vector.broadcast %eq3A_683 : i32 to vector<16xi32>
        %eq3A_685 = arith.cmpi eq, %iota3A, %eq3A_684 : vector<16xi32>
        %and3A_686 = arith.andi %and3A, %eq3A_685 : vector<16xi1>
        tpu.vector_store_idx %arg19[%select_n3A], %add3A_208 masked %and3A_686 : memref<31264xi32, #tpu.memory_space<vmem>>[vector<16xi32>], vector<16xi32>, vector<16xi1>
        %eq3A_687 = arith.constant 12 : i32
        %eq3A_688 = vector.broadcast %eq3A_687 : i32 to vector<16xi32>
        %eq3A_689 = arith.cmpi eq, %iota3A, %eq3A_688 : vector<16xi32>
        %and3A_690 = arith.andi %and3A, %eq3A_689 : vector<16xi1>
        tpu.vector_store_idx %arg19[%select_n3A], %add3A_208 masked %and3A_690 : memref<31264xi32, #tpu.memory_space<vmem>>[vector<16xi32>], vector<16xi32>, vector<16xi1>
        %eq3A_691 = arith.constant 13 : i32
        %eq3A_692 = vector.broadcast %eq3A_691 : i32 to vector<16xi32>
        %eq3A_693 = arith.cmpi eq, %iota3A, %eq3A_692 : vector<16xi32>
        %and3A_694 = arith.andi %and3A, %eq3A_693 : vector<16xi1>
        tpu.vector_store_idx %arg19[%select_n3A], %add3A_208 masked %and3A_694 : memref<31264xi32, #tpu.memory_space<vmem>>[vector<16xi32>], vector<16xi32>, vector<16xi1>
        %eq3A_695 = arith.constant 14 : i32
        %eq3A_696 = vector.broadcast %eq3A_695 : i32 to vector<16xi32>
        %eq3A_697 = arith.cmpi eq, %iota3A, %eq3A_696 : vector<16xi32>
        %and3A_698 = arith.andi %and3A, %eq3A_697 : vector<16xi1>
        tpu.vector_store_idx %arg19[%select_n3A], %add3A_208 masked %and3A_698 : memref<31264xi32, #tpu.memory_space<vmem>>[vector<16xi32>], vector<16xi32>, vector<16xi1>
        %eq3A_699 = arith.constant 15 : i32
        %eq3A_700 = vector.broadcast %eq3A_699 : i32 to vector<16xi32>
        %eq3A_701 = arith.cmpi eq, %iota3A, %eq3A_700 : vector<16xi32>
        %and3A_702 = arith.andi %and3A, %eq3A_701 : vector<16xi1>
        tpu.vector_store_idx %arg19[%select_n3A], %add3A_208 masked %and3A_702 : memref<31264xi32, #tpu.memory_space<vmem>>[vector<16xi32>], vector<16xi32>, vector<16xi1>
        %eq3A_703 = arith.constant 0 : i32
        %eq3A_704 = vector.broadcast %eq3A_703 : i32 to vector<16xi32>
        %eq3A_705 = arith.cmpi eq, %iota3A, %eq3A_704 : vector<16xi32>
        %and3A_706 = arith.andi %and3A_225, %eq3A_705 : vector<16xi1>
        tpu.vector_store_idx %arg19[%select_n3A_228], %add3A_232 masked %and3A_706 : memref<31264xi32, #tpu.memory_space<vmem>>[vector<16xi32>], vector<16xi32>, vector<16xi1>
        %eq3A_707 = arith.constant 1 : i32
        %eq3A_708 = vector.broadcast %eq3A_707 : i32 to vector<16xi32>
        %eq3A_709 = arith.cmpi eq, %iota3A, %eq3A_708 : vector<16xi32>
        %and3A_710 = arith.andi %and3A_225, %eq3A_709 : vector<16xi1>
        tpu.vector_store_idx %arg19[%select_n3A_228], %add3A_232 masked %and3A_710 : memref<31264xi32, #tpu.memory_space<vmem>>[vector<16xi32>], vector<16xi32>, vector<16xi1>
        %eq3A_711 = arith.constant 2 : i32
        %eq3A_712 = vector.broadcast %eq3A_711 : i32 to vector<16xi32>
        %eq3A_713 = arith.cmpi eq, %iota3A, %eq3A_712 : vector<16xi32>
        %and3A_714 = arith.andi %and3A_225, %eq3A_713 : vector<16xi1>
        tpu.vector_store_idx %arg19[%select_n3A_228], %add3A_232 masked %and3A_714 : memref<31264xi32, #tpu.memory_space<vmem>>[vector<16xi32>], vector<16xi32>, vector<16xi1>
        %eq3A_715 = arith.constant 3 : i32
        %eq3A_716 = vector.broadcast %eq3A_715 : i32 to vector<16xi32>
        %eq3A_717 = arith.cmpi eq, %iota3A, %eq3A_716 : vector<16xi32>
        %and3A_718 = arith.andi %and3A_225, %eq3A_717 : vector<16xi1>
        tpu.vector_store_idx %arg19[%select_n3A_228], %add3A_232 masked %and3A_718 : memref<31264xi32, #tpu.memory_space<vmem>>[vector<16xi32>], vector<16xi32>, vector<16xi1>
        %eq3A_719 = arith.constant 4 : i32
        %eq3A_720 = vector.broadcast %eq3A_719 : i32 to vector<16xi32>
        %eq3A_721 = arith.cmpi eq, %iota3A, %eq3A_720 : vector<16xi32>
        %and3A_722 = arith.andi %and3A_225, %eq3A_721 : vector<16xi1>
        tpu.vector_store_idx %arg19[%select_n3A_228], %add3A_232 masked %and3A_722 : memref<31264xi32, #tpu.memory_space<vmem>>[vector<16xi32>], vector<16xi32>, vector<16xi1>
        %eq3A_723 = arith.constant 5 : i32
        %eq3A_724 = vector.broadcast %eq3A_723 : i32 to vector<16xi32>
        %eq3A_725 = arith.cmpi eq, %iota3A, %eq3A_724 : vector<16xi32>
        %and3A_726 = arith.andi %and3A_225, %eq3A_725 : vector<16xi1>
        tpu.vector_store_idx %arg19[%select_n3A_228], %add3A_232 masked %and3A_726 : memref<31264xi32, #tpu.memory_space<vmem>>[vector<16xi32>], vector<16xi32>, vector<16xi1>
        %eq3A_727 = arith.constant 6 : i32
        %eq3A_728 = vector.broadcast %eq3A_727 : i32 to vector<16xi32>
        %eq3A_729 = arith.cmpi eq, %iota3A, %eq3A_728 : vector<16xi32>
        %and3A_730 = arith.andi %and3A_225, %eq3A_729 : vector<16xi1>
        tpu.vector_store_idx %arg19[%select_n3A_228], %add3A_232 masked %and3A_730 : memref<31264xi32, #tpu.memory_space<vmem>>[vector<16xi32>], vector<16xi32>, vector<16xi1>
        %eq3A_731 = arith.constant 7 : i32
        %eq3A_732 = vector.broadcast %eq3A_731 : i32 to vector<16xi32>
        %eq3A_733 = arith.cmpi eq, %iota3A, %eq3A_732 : vector<16xi32>
        %and3A_734 = arith.andi %and3A_225, %eq3A_733 : vector<16xi1>
        tpu.vector_store_idx %arg19[%select_n3A_228], %add3A_232 masked %and3A_734 : memref<31264xi32, #tpu.memory_space<vmem>>[vector<16xi32>], vector<16xi32>, vector<16xi1>
        %eq3A_735 = arith.constant 8 : i32
        %eq3A_736 = vector.broadcast %eq3A_735 : i32 to vector<16xi32>
        %eq3A_737 = arith.cmpi eq, %iota3A, %eq3A_736 : vector<16xi32>
        %and3A_738 = arith.andi %and3A_225, %eq3A_737 : vector<16xi1>
        tpu.vector_store_idx %arg19[%select_n3A_228], %add3A_232 masked %and3A_738 : memref<31264xi32, #tpu.memory_space<vmem>>[vector<16xi32>], vector<16xi32>, vector<16xi1>
        %eq3A_739 = arith.constant 9 : i32
        %eq3A_740 = vector.broadcast %eq3A_739 : i32 to vector<16xi32>
        %eq3A_741 = arith.cmpi eq, %iota3A, %eq3A_740 : vector<16xi32>
        %and3A_742 = arith.andi %and3A_225, %eq3A_741 : vector<16xi1>
        tpu.vector_store_idx %arg19[%select_n3A_228], %add3A_232 masked %and3A_742 : memref<31264xi32, #tpu.memory_space<vmem>>[vector<16xi32>], vector<16xi32>, vector<16xi1>
        %eq3A_743 = arith.constant 10 : i32
        %eq3A_744 = vector.broadcast %eq3A_743 : i32 to vector<16xi32>
        %eq3A_745 = arith.cmpi eq, %iota3A, %eq3A_744 : vector<16xi32>
        %and3A_746 = arith.andi %and3A_225, %eq3A_745 : vector<16xi1>
        tpu.vector_store_idx %arg19[%select_n3A_228], %add3A_232 masked %and3A_746 : memref<31264xi32, #tpu.memory_space<vmem>>[vector<16xi32>], vector<16xi32>, vector<16xi1>
        %eq3A_747 = arith.constant 11 : i32
        %eq3A_748 = vector.broadcast %eq3A_747 : i32 to vector<16xi32>
        %eq3A_749 = arith.cmpi eq, %iota3A, %eq3A_748 : vector<16xi32>
        %and3A_750 = arith.andi %and3A_225, %eq3A_749 : vector<16xi1>
        tpu.vector_store_idx %arg19[%select_n3A_228], %add3A_232 masked %and3A_750 : memref<31264xi32, #tpu.memory_space<vmem>>[vector<16xi32>], vector<16xi32>, vector<16xi1>
        %eq3A_751 = arith.constant 12 : i32
        %eq3A_752 = vector.broadcast %eq3A_751 : i32 to vector<16xi32>
        %eq3A_753 = arith.cmpi eq, %iota3A, %eq3A_752 : vector<16xi32>
        %and3A_754 = arith.andi %and3A_225, %eq3A_753 : vector<16xi1>
        tpu.vector_store_idx %arg19[%select_n3A_228], %add3A_232 masked %and3A_754 : memref<31264xi32, #tpu.memory_space<vmem>>[vector<16xi32>], vector<16xi32>, vector<16xi1>
        %eq3A_755 = arith.constant 13 : i32
        %eq3A_756 = vector.broadcast %eq3A_755 : i32 to vector<16xi32>
        %eq3A_757 = arith.cmpi eq, %iota3A, %eq3A_756 : vector<16xi32>
        %and3A_758 = arith.andi %and3A_225, %eq3A_757 : vector<16xi1>
        tpu.vector_store_idx %arg19[%select_n3A_228], %add3A_232 masked %and3A_758 : memref<31264xi32, #tpu.memory_space<vmem>>[vector<16xi32>], vector<16xi32>, vector<16xi1>
        %eq3A_759 = arith.constant 14 : i32
        %eq3A_760 = vector.broadcast %eq3A_759 : i32 to vector<16xi32>
        %eq3A_761 = arith.cmpi eq, %iota3A, %eq3A_760 : vector<16xi32>
        %and3A_762 = arith.andi %and3A_225, %eq3A_761 : vector<16xi1>
        tpu.vector_store_idx %arg19[%select_n3A_228], %add3A_232 masked %and3A_762 : memref<31264xi32, #tpu.memory_space<vmem>>[vector<16xi32>], vector<16xi32>, vector<16xi1>
        %eq3A_763 = arith.constant 15 : i32
        %eq3A_764 = vector.broadcast %eq3A_763 : i32 to vector<16xi32>
        %eq3A_765 = arith.cmpi eq, %iota3A, %eq3A_764 : vector<16xi32>
        %and3A_766 = arith.andi %and3A_225, %eq3A_765 : vector<16xi1>
        tpu.vector_store_idx %arg19[%select_n3A_228], %add3A_232 masked %and3A_766 : memref<31264xi32, #tpu.memory_space<vmem>>[vector<16xi32>], vector<16xi32>, vector<16xi1>
        %eq3A_767 = arith.constant 0 : i32
        %eq3A_768 = vector.broadcast %eq3A_767 : i32 to vector<16xi32>
        %eq3A_769 = arith.cmpi eq, %iota3A, %eq3A_768 : vector<16xi32>
        %and3A_770 = arith.andi %and3A_249, %eq3A_769 : vector<16xi1>
        tpu.vector_store_idx %arg19[%select_n3A_252], %add3A_256 masked %and3A_770 : memref<31264xi32, #tpu.memory_space<vmem>>[vector<16xi32>], vector<16xi32>, vector<16xi1>
        %eq3A_771 = arith.constant 1 : i32
        %eq3A_772 = vector.broadcast %eq3A_771 : i32 to vector<16xi32>
        %eq3A_773 = arith.cmpi eq, %iota3A, %eq3A_772 : vector<16xi32>
        %and3A_774 = arith.andi %and3A_249, %eq3A_773 : vector<16xi1>
        tpu.vector_store_idx %arg19[%select_n3A_252], %add3A_256 masked %and3A_774 : memref<31264xi32, #tpu.memory_space<vmem>>[vector<16xi32>], vector<16xi32>, vector<16xi1>
        %eq3A_775 = arith.constant 2 : i32
        %eq3A_776 = vector.broadcast %eq3A_775 : i32 to vector<16xi32>
        %eq3A_777 = arith.cmpi eq, %iota3A, %eq3A_776 : vector<16xi32>
        %and3A_778 = arith.andi %and3A_249, %eq3A_777 : vector<16xi1>
        tpu.vector_store_idx %arg19[%select_n3A_252], %add3A_256 masked %and3A_778 : memref<31264xi32, #tpu.memory_space<vmem>>[vector<16xi32>], vector<16xi32>, vector<16xi1>
        %eq3A_779 = arith.constant 3 : i32
        %eq3A_780 = vector.broadcast %eq3A_779 : i32 to vector<16xi32>
        %eq3A_781 = arith.cmpi eq, %iota3A, %eq3A_780 : vector<16xi32>
        %and3A_782 = arith.andi %and3A_249, %eq3A_781 : vector<16xi1>
        tpu.vector_store_idx %arg19[%select_n3A_252], %add3A_256 masked %and3A_782 : memref<31264xi32, #tpu.memory_space<vmem>>[vector<16xi32>], vector<16xi32>, vector<16xi1>
        %eq3A_783 = arith.constant 4 : i32
        %eq3A_784 = vector.broadcast %eq3A_783 : i32 to vector<16xi32>
        %eq3A_785 = arith.cmpi eq, %iota3A, %eq3A_784 : vector<16xi32>
        %and3A_786 = arith.andi %and3A_249, %eq3A_785 : vector<16xi1>
        tpu.vector_store_idx %arg19[%select_n3A_252], %add3A_256 masked %and3A_786 : memref<31264xi32, #tpu.memory_space<vmem>>[vector<16xi32>], vector<16xi32>, vector<16xi1>
        %eq3A_787 = arith.constant 5 : i32
        %eq3A_788 = vector.broadcast %eq3A_787 : i32 to vector<16xi32>
        %eq3A_789 = arith.cmpi eq, %iota3A, %eq3A_788 : vector<16xi32>
        %and3A_790 = arith.andi %and3A_249, %eq3A_789 : vector<16xi1>
        tpu.vector_store_idx %arg19[%select_n3A_252], %add3A_256 masked %and3A_790 : memref<31264xi32, #tpu.memory_space<vmem>>[vector<16xi32>], vector<16xi32>, vector<16xi1>
        %eq3A_791 = arith.constant 6 : i32
        %eq3A_792 = vector.broadcast %eq3A_791 : i32 to vector<16xi32>
        %eq3A_793 = arith.cmpi eq, %iota3A, %eq3A_792 : vector<16xi32>
        %and3A_794 = arith.andi %and3A_249, %eq3A_793 : vector<16xi1>
        tpu.vector_store_idx %arg19[%select_n3A_252], %add3A_256 masked %and3A_794 : memref<31264xi32, #tpu.memory_space<vmem>>[vector<16xi32>], vector<16xi32>, vector<16xi1>
        %eq3A_795 = arith.constant 7 : i32
        %eq3A_796 = vector.broadcast %eq3A_795 : i32 to vector<16xi32>
        %eq3A_797 = arith.cmpi eq, %iota3A, %eq3A_796 : vector<16xi32>
        %and3A_798 = arith.andi %and3A_249, %eq3A_797 : vector<16xi1>
        tpu.vector_store_idx %arg19[%select_n3A_252], %add3A_256 masked %and3A_798 : memref<31264xi32, #tpu.memory_space<vmem>>[vector<16xi32>], vector<16xi32>, vector<16xi1>
        %eq3A_799 = arith.constant 8 : i32
        %eq3A_800 = vector.broadcast %eq3A_799 : i32 to vector<16xi32>
        %eq3A_801 = arith.cmpi eq, %iota3A, %eq3A_800 : vector<16xi32>
        %and3A_802 = arith.andi %and3A_249, %eq3A_801 : vector<16xi1>
        tpu.vector_store_idx %arg19[%select_n3A_252], %add3A_256 masked %and3A_802 : memref<31264xi32, #tpu.memory_space<vmem>>[vector<16xi32>], vector<16xi32>, vector<16xi1>
        %eq3A_803 = arith.constant 9 : i32
        %eq3A_804 = vector.broadcast %eq3A_803 : i32 to vector<16xi32>
        %eq3A_805 = arith.cmpi eq, %iota3A, %eq3A_804 : vector<16xi32>
        %and3A_806 = arith.andi %and3A_249, %eq3A_805 : vector<16xi1>
        tpu.vector_store_idx %arg19[%select_n3A_252], %add3A_256 masked %and3A_806 : memref<31264xi32, #tpu.memory_space<vmem>>[vector<16xi32>], vector<16xi32>, vector<16xi1>
        %eq3A_807 = arith.constant 10 : i32
        %eq3A_808 = vector.broadcast %eq3A_807 : i32 to vector<16xi32>
        %eq3A_809 = arith.cmpi eq, %iota3A, %eq3A_808 : vector<16xi32>
        %and3A_810 = arith.andi %and3A_249, %eq3A_809 : vector<16xi1>
        tpu.vector_store_idx %arg19[%select_n3A_252], %add3A_256 masked %and3A_810 : memref<31264xi32, #tpu.memory_space<vmem>>[vector<16xi32>], vector<16xi32>, vector<16xi1>
        %eq3A_811 = arith.constant 11 : i32
        %eq3A_812 = vector.broadcast %eq3A_811 : i32 to vector<16xi32>
        %eq3A_813 = arith.cmpi eq, %iota3A, %eq3A_812 : vector<16xi32>
        %and3A_814 = arith.andi %and3A_249, %eq3A_813 : vector<16xi1>
        tpu.vector_store_idx %arg19[%select_n3A_252], %add3A_256 masked %and3A_814 : memref<31264xi32, #tpu.memory_space<vmem>>[vector<16xi32>], vector<16xi32>, vector<16xi1>
        %eq3A_815 = arith.constant 12 : i32
        %eq3A_816 = vector.broadcast %eq3A_815 : i32 to vector<16xi32>
        %eq3A_817 = arith.cmpi eq, %iota3A, %eq3A_816 : vector<16xi32>
        %and3A_818 = arith.andi %and3A_249, %eq3A_817 : vector<16xi1>
        tpu.vector_store_idx %arg19[%select_n3A_252], %add3A_256 masked %and3A_818 : memref<31264xi32, #tpu.memory_space<vmem>>[vector<16xi32>], vector<16xi32>, vector<16xi1>
        %eq3A_819 = arith.constant 13 : i32
        %eq3A_820 = vector.broadcast %eq3A_819 : i32 to vector<16xi32>
        %eq3A_821 = arith.cmpi eq, %iota3A, %eq3A_820 : vector<16xi32>
        %and3A_822 = arith.andi %and3A_249, %eq3A_821 : vector<16xi1>
        tpu.vector_store_idx %arg19[%select_n3A_252], %add3A_256 masked %and3A_822 : memref<31264xi32, #tpu.memory_space<vmem>>[vector<16xi32>], vector<16xi32>, vector<16xi1>
        %eq3A_823 = arith.constant 14 : i32
        %eq3A_824 = vector.broadcast %eq3A_823 : i32 to vector<16xi32>
        %eq3A_825 = arith.cmpi eq, %iota3A, %eq3A_824 : vector<16xi32>
        %and3A_826 = arith.andi %and3A_249, %eq3A_825 : vector<16xi1>
        tpu.vector_store_idx %arg19[%select_n3A_252], %add3A_256 masked %and3A_826 : memref<31264xi32, #tpu.memory_space<vmem>>[vector<16xi32>], vector<16xi32>, vector<16xi1>
        %eq3A_827 = arith.constant 15 : i32
        %eq3A_828 = vector.broadcast %eq3A_827 : i32 to vector<16xi32>
        %eq3A_829 = arith.cmpi eq, %iota3A, %eq3A_828 : vector<16xi32>
        %and3A_830 = arith.andi %and3A_249, %eq3A_829 : vector<16xi1>
        tpu.vector_store_idx %arg19[%select_n3A_252], %add3A_256 masked %and3A_830 : memref<31264xi32, #tpu.memory_space<vmem>>[vector<16xi32>], vector<16xi32>, vector<16xi1>
        %eq3A_831 = arith.constant 0 : i32
        %eq3A_832 = vector.broadcast %eq3A_831 : i32 to vector<16xi32>
        %eq3A_833 = arith.cmpi eq, %iota3A, %eq3A_832 : vector<16xi32>
        %and3A_834 = arith.andi %and3A_273, %eq3A_833 : vector<16xi1>
        tpu.vector_store_idx %arg19[%select_n3A_276], %add3A_280 masked %and3A_834 : memref<31264xi32, #tpu.memory_space<vmem>>[vector<16xi32>], vector<16xi32>, vector<16xi1>
        %eq3A_835 = arith.constant 1 : i32
        %eq3A_836 = vector.broadcast %eq3A_835 : i32 to vector<16xi32>
        %eq3A_837 = arith.cmpi eq, %iota3A, %eq3A_836 : vector<16xi32>
        %and3A_838 = arith.andi %and3A_273, %eq3A_837 : vector<16xi1>
        tpu.vector_store_idx %arg19[%select_n3A_276], %add3A_280 masked %and3A_838 : memref<31264xi32, #tpu.memory_space<vmem>>[vector<16xi32>], vector<16xi32>, vector<16xi1>
        %eq3A_839 = arith.constant 2 : i32
        %eq3A_840 = vector.broadcast %eq3A_839 : i32 to vector<16xi32>
        %eq3A_841 = arith.cmpi eq, %iota3A, %eq3A_840 : vector<16xi32>
        %and3A_842 = arith.andi %and3A_273, %eq3A_841 : vector<16xi1>
        tpu.vector_store_idx %arg19[%select_n3A_276], %add3A_280 masked %and3A_842 : memref<31264xi32, #tpu.memory_space<vmem>>[vector<16xi32>], vector<16xi32>, vector<16xi1>
        %eq3A_843 = arith.constant 3 : i32
        %eq3A_844 = vector.broadcast %eq3A_843 : i32 to vector<16xi32>
        %eq3A_845 = arith.cmpi eq, %iota3A, %eq3A_844 : vector<16xi32>
        %and3A_846 = arith.andi %and3A_273, %eq3A_845 : vector<16xi1>
        tpu.vector_store_idx %arg19[%select_n3A_276], %add3A_280 masked %and3A_846 : memref<31264xi32, #tpu.memory_space<vmem>>[vector<16xi32>], vector<16xi32>, vector<16xi1>
        %eq3A_847 = arith.constant 4 : i32
        %eq3A_848 = vector.broadcast %eq3A_847 : i32 to vector<16xi32>
        %eq3A_849 = arith.cmpi eq, %iota3A, %eq3A_848 : vector<16xi32>
        %and3A_850 = arith.andi %and3A_273, %eq3A_849 : vector<16xi1>
        tpu.vector_store_idx %arg19[%select_n3A_276], %add3A_280 masked %and3A_850 : memref<31264xi32, #tpu.memory_space<vmem>>[vector<16xi32>], vector<16xi32>, vector<16xi1>
        %eq3A_851 = arith.constant 5 : i32
        %eq3A_852 = vector.broadcast %eq3A_851 : i32 to vector<16xi32>
        %eq3A_853 = arith.cmpi eq, %iota3A, %eq3A_852 : vector<16xi32>
        %and3A_854 = arith.andi %and3A_273, %eq3A_853 : vector<16xi1>
        tpu.vector_store_idx %arg19[%select_n3A_276], %add3A_280 masked %and3A_854 : memref<31264xi32, #tpu.memory_space<vmem>>[vector<16xi32>], vector<16xi32>, vector<16xi1>
        %eq3A_855 = arith.constant 6 : i32
        %eq3A_856 = vector.broadcast %eq3A_855 : i32 to vector<16xi32>
        %eq3A_857 = arith.cmpi eq, %iota3A, %eq3A_856 : vector<16xi32>
        %and3A_858 = arith.andi %and3A_273, %eq3A_857 : vector<16xi1>
        tpu.vector_store_idx %arg19[%select_n3A_276], %add3A_280 masked %and3A_858 : memref<31264xi32, #tpu.memory_space<vmem>>[vector<16xi32>], vector<16xi32>, vector<16xi1>
        %eq3A_859 = arith.constant 7 : i32
        %eq3A_860 = vector.broadcast %eq3A_859 : i32 to vector<16xi32>
        %eq3A_861 = arith.cmpi eq, %iota3A, %eq3A_860 : vector<16xi32>
        %and3A_862 = arith.andi %and3A_273, %eq3A_861 : vector<16xi1>
        tpu.vector_store_idx %arg19[%select_n3A_276], %add3A_280 masked %and3A_862 : memref<31264xi32, #tpu.memory_space<vmem>>[vector<16xi32>], vector<16xi32>, vector<16xi1>
        %eq3A_863 = arith.constant 8 : i32
        %eq3A_864 = vector.broadcast %eq3A_863 : i32 to vector<16xi32>
        %eq3A_865 = arith.cmpi eq, %iota3A, %eq3A_864 : vector<16xi32>
        %and3A_866 = arith.andi %and3A_273, %eq3A_865 : vector<16xi1>
        tpu.vector_store_idx %arg19[%select_n3A_276], %add3A_280 masked %and3A_866 : memref<31264xi32, #tpu.memory_space<vmem>>[vector<16xi32>], vector<16xi32>, vector<16xi1>
        %eq3A_867 = arith.constant 9 : i32
        %eq3A_868 = vector.broadcast %eq3A_867 : i32 to vector<16xi32>
        %eq3A_869 = arith.cmpi eq, %iota3A, %eq3A_868 : vector<16xi32>
        %and3A_870 = arith.andi %and3A_273, %eq3A_869 : vector<16xi1>
        tpu.vector_store_idx %arg19[%select_n3A_276], %add3A_280 masked %and3A_870 : memref<31264xi32, #tpu.memory_space<vmem>>[vector<16xi32>], vector<16xi32>, vector<16xi1>
        %eq3A_871 = arith.constant 10 : i32
        %eq3A_872 = vector.broadcast %eq3A_871 : i32 to vector<16xi32>
        %eq3A_873 = arith.cmpi eq, %iota3A, %eq3A_872 : vector<16xi32>
        %and3A_874 = arith.andi %and3A_273, %eq3A_873 : vector<16xi1>
        tpu.vector_store_idx %arg19[%select_n3A_276], %add3A_280 masked %and3A_874 : memref<31264xi32, #tpu.memory_space<vmem>>[vector<16xi32>], vector<16xi32>, vector<16xi1>
        %eq3A_875 = arith.constant 11 : i32
        %eq3A_876 = vector.broadcast %eq3A_875 : i32 to vector<16xi32>
        %eq3A_877 = arith.cmpi eq, %iota3A, %eq3A_876 : vector<16xi32>
        %and3A_878 = arith.andi %and3A_273, %eq3A_877 : vector<16xi1>
        tpu.vector_store_idx %arg19[%select_n3A_276], %add3A_280 masked %and3A_878 : memref<31264xi32, #tpu.memory_space<vmem>>[vector<16xi32>], vector<16xi32>, vector<16xi1>
        %eq3A_879 = arith.constant 12 : i32
        %eq3A_880 = vector.broadcast %eq3A_879 : i32 to vector<16xi32>
        %eq3A_881 = arith.cmpi eq, %iota3A, %eq3A_880 : vector<16xi32>
        %and3A_882 = arith.andi %and3A_273, %eq3A_881 : vector<16xi1>
        tpu.vector_store_idx %arg19[%select_n3A_276], %add3A_280 masked %and3A_882 : memref<31264xi32, #tpu.memory_space<vmem>>[vector<16xi32>], vector<16xi32>, vector<16xi1>
        %eq3A_883 = arith.constant 13 : i32
        %eq3A_884 = vector.broadcast %eq3A_883 : i32 to vector<16xi32>
        %eq3A_885 = arith.cmpi eq, %iota3A, %eq3A_884 : vector<16xi32>
        %and3A_886 = arith.andi %and3A_273, %eq3A_885 : vector<16xi1>
        tpu.vector_store_idx %arg19[%select_n3A_276], %add3A_280 masked %and3A_886 : memref<31264xi32, #tpu.memory_space<vmem>>[vector<16xi32>], vector<16xi32>, vector<16xi1>
        %eq3A_887 = arith.constant 14 : i32
        %eq3A_888 = vector.broadcast %eq3A_887 : i32 to vector<16xi32>
        %eq3A_889 = arith.cmpi eq, %iota3A, %eq3A_888 : vector<16xi32>
        %and3A_890 = arith.andi %and3A_273, %eq3A_889 : vector<16xi1>
        tpu.vector_store_idx %arg19[%select_n3A_276], %add3A_280 masked %and3A_890 : memref<31264xi32, #tpu.memory_space<vmem>>[vector<16xi32>], vector<16xi32>, vector<16xi1>
        %eq3A_891 = arith.constant 15 : i32
        %eq3A_892 = vector.broadcast %eq3A_891 : i32 to vector<16xi32>
        %eq3A_893 = arith.cmpi eq, %iota3A, %eq3A_892 : vector<16xi32>
        %and3A_894 = arith.andi %and3A_273, %eq3A_893 : vector<16xi1>
        tpu.vector_store_idx %arg19[%select_n3A_276], %add3A_280 masked %and3A_894 : memref<31264xi32, #tpu.memory_space<vmem>>[vector<16xi32>], vector<16xi32>, vector<16xi1>
        %eq3A_895 = arith.constant 0 : i32
        %eq3A_896 = vector.broadcast %eq3A_895 : i32 to vector<16xi32>
        %eq3A_897 = arith.cmpi eq, %iota3A, %eq3A_896 : vector<16xi32>
        %and3A_898 = arith.andi %and3A_297, %eq3A_897 : vector<16xi1>
        tpu.vector_store_idx %arg19[%select_n3A_300], %add3A_304 masked %and3A_898 : memref<31264xi32, #tpu.memory_space<vmem>>[vector<16xi32>], vector<16xi32>, vector<16xi1>
        %eq3A_899 = arith.constant 1 : i32
        %eq3A_900 = vector.broadcast %eq3A_899 : i32 to vector<16xi32>
        %eq3A_901 = arith.cmpi eq, %iota3A, %eq3A_900 : vector<16xi32>
        %and3A_902 = arith.andi %and3A_297, %eq3A_901 : vector<16xi1>
        tpu.vector_store_idx %arg19[%select_n3A_300], %add3A_304 masked %and3A_902 : memref<31264xi32, #tpu.memory_space<vmem>>[vector<16xi32>], vector<16xi32>, vector<16xi1>
        %eq3A_903 = arith.constant 2 : i32
        %eq3A_904 = vector.broadcast %eq3A_903 : i32 to vector<16xi32>
        %eq3A_905 = arith.cmpi eq, %iota3A, %eq3A_904 : vector<16xi32>
        %and3A_906 = arith.andi %and3A_297, %eq3A_905 : vector<16xi1>
        tpu.vector_store_idx %arg19[%select_n3A_300], %add3A_304 masked %and3A_906 : memref<31264xi32, #tpu.memory_space<vmem>>[vector<16xi32>], vector<16xi32>, vector<16xi1>
        %eq3A_907 = arith.constant 3 : i32
        %eq3A_908 = vector.broadcast %eq3A_907 : i32 to vector<16xi32>
        %eq3A_909 = arith.cmpi eq, %iota3A, %eq3A_908 : vector<16xi32>
        %and3A_910 = arith.andi %and3A_297, %eq3A_909 : vector<16xi1>
        tpu.vector_store_idx %arg19[%select_n3A_300], %add3A_304 masked %and3A_910 : memref<31264xi32, #tpu.memory_space<vmem>>[vector<16xi32>], vector<16xi32>, vector<16xi1>
        %eq3A_911 = arith.constant 4 : i32
        %eq3A_912 = vector.broadcast %eq3A_911 : i32 to vector<16xi32>
        %eq3A_913 = arith.cmpi eq, %iota3A, %eq3A_912 : vector<16xi32>
        %and3A_914 = arith.andi %and3A_297, %eq3A_913 : vector<16xi1>
        tpu.vector_store_idx %arg19[%select_n3A_300], %add3A_304 masked %and3A_914 : memref<31264xi32, #tpu.memory_space<vmem>>[vector<16xi32>], vector<16xi32>, vector<16xi1>
        %eq3A_915 = arith.constant 5 : i32
        %eq3A_916 = vector.broadcast %eq3A_915 : i32 to vector<16xi32>
        %eq3A_917 = arith.cmpi eq, %iota3A, %eq3A_916 : vector<16xi32>
        %and3A_918 = arith.andi %and3A_297, %eq3A_917 : vector<16xi1>
        tpu.vector_store_idx %arg19[%select_n3A_300], %add3A_304 masked %and3A_918 : memref<31264xi32, #tpu.memory_space<vmem>>[vector<16xi32>], vector<16xi32>, vector<16xi1>
        %eq3A_919 = arith.constant 6 : i32
        %eq3A_920 = vector.broadcast %eq3A_919 : i32 to vector<16xi32>
        %eq3A_921 = arith.cmpi eq, %iota3A, %eq3A_920 : vector<16xi32>
        %and3A_922 = arith.andi %and3A_297, %eq3A_921 : vector<16xi1>
        tpu.vector_store_idx %arg19[%select_n3A_300], %add3A_304 masked %and3A_922 : memref<31264xi32, #tpu.memory_space<vmem>>[vector<16xi32>], vector<16xi32>, vector<16xi1>
        %eq3A_923 = arith.constant 7 : i32
        %eq3A_924 = vector.broadcast %eq3A_923 : i32 to vector<16xi32>
        %eq3A_925 = arith.cmpi eq, %iota3A, %eq3A_924 : vector<16xi32>
        %and3A_926 = arith.andi %and3A_297, %eq3A_925 : vector<16xi1>
        tpu.vector_store_idx %arg19[%select_n3A_300], %add3A_304 masked %and3A_926 : memref<31264xi32, #tpu.memory_space<vmem>>[vector<16xi32>], vector<16xi32>, vector<16xi1>
        %eq3A_927 = arith.constant 8 : i32
        %eq3A_928 = vector.broadcast %eq3A_927 : i32 to vector<16xi32>
        %eq3A_929 = arith.cmpi eq, %iota3A, %eq3A_928 : vector<16xi32>
        %and3A_930 = arith.andi %and3A_297, %eq3A_929 : vector<16xi1>
        tpu.vector_store_idx %arg19[%select_n3A_300], %add3A_304 masked %and3A_930 : memref<31264xi32, #tpu.memory_space<vmem>>[vector<16xi32>], vector<16xi32>, vector<16xi1>
        %eq3A_931 = arith.constant 9 : i32
        %eq3A_932 = vector.broadcast %eq3A_931 : i32 to vector<16xi32>
        %eq3A_933 = arith.cmpi eq, %iota3A, %eq3A_932 : vector<16xi32>
        %and3A_934 = arith.andi %and3A_297, %eq3A_933 : vector<16xi1>
        tpu.vector_store_idx %arg19[%select_n3A_300], %add3A_304 masked %and3A_934 : memref<31264xi32, #tpu.memory_space<vmem>>[vector<16xi32>], vector<16xi32>, vector<16xi1>
        %eq3A_935 = arith.constant 10 : i32
        %eq3A_936 = vector.broadcast %eq3A_935 : i32 to vector<16xi32>
        %eq3A_937 = arith.cmpi eq, %iota3A, %eq3A_936 : vector<16xi32>
        %and3A_938 = arith.andi %and3A_297, %eq3A_937 : vector<16xi1>
        tpu.vector_store_idx %arg19[%select_n3A_300], %add3A_304 masked %and3A_938 : memref<31264xi32, #tpu.memory_space<vmem>>[vector<16xi32>], vector<16xi32>, vector<16xi1>
        %eq3A_939 = arith.constant 11 : i32
        %eq3A_940 = vector.broadcast %eq3A_939 : i32 to vector<16xi32>
        %eq3A_941 = arith.cmpi eq, %iota3A, %eq3A_940 : vector<16xi32>
        %and3A_942 = arith.andi %and3A_297, %eq3A_941 : vector<16xi1>
        tpu.vector_store_idx %arg19[%select_n3A_300], %add3A_304 masked %and3A_942 : memref<31264xi32, #tpu.memory_space<vmem>>[vector<16xi32>], vector<16xi32>, vector<16xi1>
        %eq3A_943 = arith.constant 12 : i32
        %eq3A_944 = vector.broadcast %eq3A_943 : i32 to vector<16xi32>
        %eq3A_945 = arith.cmpi eq, %iota3A, %eq3A_944 : vector<16xi32>
        %and3A_946 = arith.andi %and3A_297, %eq3A_945 : vector<16xi1>
        tpu.vector_store_idx %arg19[%select_n3A_300], %add3A_304 masked %and3A_946 : memref<31264xi32, #tpu.memory_space<vmem>>[vector<16xi32>], vector<16xi32>, vector<16xi1>
        %eq3A_947 = arith.constant 13 : i32
        %eq3A_948 = vector.broadcast %eq3A_947 : i32 to vector<16xi32>
        %eq3A_949 = arith.cmpi eq, %iota3A, %eq3A_948 : vector<16xi32>
        %and3A_950 = arith.andi %and3A_297, %eq3A_949 : vector<16xi1>
        tpu.vector_store_idx %arg19[%select_n3A_300], %add3A_304 masked %and3A_950 : memref<31264xi32, #tpu.memory_space<vmem>>[vector<16xi32>], vector<16xi32>, vector<16xi1>
        %eq3A_951 = arith.constant 14 : i32
        %eq3A_952 = vector.broadcast %eq3A_951 : i32 to vector<16xi32>
        %eq3A_953 = arith.cmpi eq, %iota3A, %eq3A_952 : vector<16xi32>
        %and3A_954 = arith.andi %and3A_297, %eq3A_953 : vector<16xi1>
        tpu.vector_store_idx %arg19[%select_n3A_300], %add3A_304 masked %and3A_954 : memref<31264xi32, #tpu.memory_space<vmem>>[vector<16xi32>], vector<16xi32>, vector<16xi1>
        %eq3A_955 = arith.constant 15 : i32
        %eq3A_956 = vector.broadcast %eq3A_955 : i32 to vector<16xi32>
        %eq3A_957 = arith.cmpi eq, %iota3A, %eq3A_956 : vector<16xi32>
        %and3A_958 = arith.andi %and3A_297, %eq3A_957 : vector<16xi1>
        tpu.vector_store_idx %arg19[%select_n3A_300], %add3A_304 masked %and3A_958 : memref<31264xi32, #tpu.memory_space<vmem>>[vector<16xi32>], vector<16xi32>, vector<16xi1>
        %eq3A_959 = arith.constant 0 : i32
        %eq3A_960 = vector.broadcast %eq3A_959 : i32 to vector<16xi32>
        %eq3A_961 = arith.cmpi eq, %iota3A, %eq3A_960 : vector<16xi32>
        %and3A_962 = arith.andi %and3A_321, %eq3A_961 : vector<16xi1>
        tpu.vector_store_idx %arg19[%select_n3A_324], %add3A_328 masked %and3A_962 : memref<31264xi32, #tpu.memory_space<vmem>>[vector<16xi32>], vector<16xi32>, vector<16xi1>
        %eq3A_963 = arith.constant 1 : i32
        %eq3A_964 = vector.broadcast %eq3A_963 : i32 to vector<16xi32>
        %eq3A_965 = arith.cmpi eq, %iota3A, %eq3A_964 : vector<16xi32>
        %and3A_966 = arith.andi %and3A_321, %eq3A_965 : vector<16xi1>
        tpu.vector_store_idx %arg19[%select_n3A_324], %add3A_328 masked %and3A_966 : memref<31264xi32, #tpu.memory_space<vmem>>[vector<16xi32>], vector<16xi32>, vector<16xi1>
        %eq3A_967 = arith.constant 2 : i32
        %eq3A_968 = vector.broadcast %eq3A_967 : i32 to vector<16xi32>
        %eq3A_969 = arith.cmpi eq, %iota3A, %eq3A_968 : vector<16xi32>
        %and3A_970 = arith.andi %and3A_321, %eq3A_969 : vector<16xi1>
        tpu.vector_store_idx %arg19[%select_n3A_324], %add3A_328 masked %and3A_970 : memref<31264xi32, #tpu.memory_space<vmem>>[vector<16xi32>], vector<16xi32>, vector<16xi1>
        %eq3A_971 = arith.constant 3 : i32
        %eq3A_972 = vector.broadcast %eq3A_971 : i32 to vector<16xi32>
        %eq3A_973 = arith.cmpi eq, %iota3A, %eq3A_972 : vector<16xi32>
        %and3A_974 = arith.andi %and3A_321, %eq3A_973 : vector<16xi1>
        tpu.vector_store_idx %arg19[%select_n3A_324], %add3A_328 masked %and3A_974 : memref<31264xi32, #tpu.memory_space<vmem>>[vector<16xi32>], vector<16xi32>, vector<16xi1>
        %eq3A_975 = arith.constant 4 : i32
        %eq3A_976 = vector.broadcast %eq3A_975 : i32 to vector<16xi32>
        %eq3A_977 = arith.cmpi eq, %iota3A, %eq3A_976 : vector<16xi32>
        %and3A_978 = arith.andi %and3A_321, %eq3A_977 : vector<16xi1>
        tpu.vector_store_idx %arg19[%select_n3A_324], %add3A_328 masked %and3A_978 : memref<31264xi32, #tpu.memory_space<vmem>>[vector<16xi32>], vector<16xi32>, vector<16xi1>
        %eq3A_979 = arith.constant 5 : i32
        %eq3A_980 = vector.broadcast %eq3A_979 : i32 to vector<16xi32>
        %eq3A_981 = arith.cmpi eq, %iota3A, %eq3A_980 : vector<16xi32>
        %and3A_982 = arith.andi %and3A_321, %eq3A_981 : vector<16xi1>
        tpu.vector_store_idx %arg19[%select_n3A_324], %add3A_328 masked %and3A_982 : memref<31264xi32, #tpu.memory_space<vmem>>[vector<16xi32>], vector<16xi32>, vector<16xi1>
        %eq3A_983 = arith.constant 6 : i32
        %eq3A_984 = vector.broadcast %eq3A_983 : i32 to vector<16xi32>
        %eq3A_985 = arith.cmpi eq, %iota3A, %eq3A_984 : vector<16xi32>
        %and3A_986 = arith.andi %and3A_321, %eq3A_985 : vector<16xi1>
        tpu.vector_store_idx %arg19[%select_n3A_324], %add3A_328 masked %and3A_986 : memref<31264xi32, #tpu.memory_space<vmem>>[vector<16xi32>], vector<16xi32>, vector<16xi1>
        %eq3A_987 = arith.constant 7 : i32
        %eq3A_988 = vector.broadcast %eq3A_987 : i32 to vector<16xi32>
        %eq3A_989 = arith.cmpi eq, %iota3A, %eq3A_988 : vector<16xi32>
        %and3A_990 = arith.andi %and3A_321, %eq3A_989 : vector<16xi1>
        tpu.vector_store_idx %arg19[%select_n3A_324], %add3A_328 masked %and3A_990 : memref<31264xi32, #tpu.memory_space<vmem>>[vector<16xi32>], vector<16xi32>, vector<16xi1>
        %eq3A_991 = arith.constant 8 : i32
        %eq3A_992 = vector.broadcast %eq3A_991 : i32 to vector<16xi32>
        %eq3A_993 = arith.cmpi eq, %iota3A, %eq3A_992 : vector<16xi32>
        %and3A_994 = arith.andi %and3A_321, %eq3A_993 : vector<16xi1>
        tpu.vector_store_idx %arg19[%select_n3A_324], %add3A_328 masked %and3A_994 : memref<31264xi32, #tpu.memory_space<vmem>>[vector<16xi32>], vector<16xi32>, vector<16xi1>
        %eq3A_995 = arith.constant 9 : i32
        %eq3A_996 = vector.broadcast %eq3A_995 : i32 to vector<16xi32>
        %eq3A_997 = arith.cmpi eq, %iota3A, %eq3A_996 : vector<16xi32>
        %and3A_998 = arith.andi %and3A_321, %eq3A_997 : vector<16xi1>
        tpu.vector_store_idx %arg19[%select_n3A_324], %add3A_328 masked %and3A_998 : memref<31264xi32, #tpu.memory_space<vmem>>[vector<16xi32>], vector<16xi32>, vector<16xi1>
        %eq3A_999 = arith.constant 10 : i32
        %eq3A_1000 = vector.broadcast %eq3A_999 : i32 to vector<16xi32>
        %eq3A_1001 = arith.cmpi eq, %iota3A, %eq3A_1000 : vector<16xi32>
        %and3A_1002 = arith.andi %and3A_321, %eq3A_1001 : vector<16xi1>
        tpu.vector_store_idx %arg19[%select_n3A_324], %add3A_328 masked %and3A_1002 : memref<31264xi32, #tpu.memory_space<vmem>>[vector<16xi32>], vector<16xi32>, vector<16xi1>
        %eq3A_1003 = arith.constant 11 : i32
        %eq3A_1004 = vector.broadcast %eq3A_1003 : i32 to vector<16xi32>
        %eq3A_1005 = arith.cmpi eq, %iota3A, %eq3A_1004 : vector<16xi32>
        %and3A_1006 = arith.andi %and3A_321, %eq3A_1005 : vector<16xi1>
        tpu.vector_store_idx %arg19[%select_n3A_324], %add3A_328 masked %and3A_1006 : memref<31264xi32, #tpu.memory_space<vmem>>[vector<16xi32>], vector<16xi32>, vector<16xi1>
        %eq3A_1007 = arith.constant 12 : i32
        %eq3A_1008 = vector.broadcast %eq3A_1007 : i32 to vector<16xi32>
        %eq3A_1009 = arith.cmpi eq, %iota3A, %eq3A_1008 : vector<16xi32>
        %and3A_1010 = arith.andi %and3A_321, %eq3A_1009 : vector<16xi1>
        tpu.vector_store_idx %arg19[%select_n3A_324], %add3A_328 masked %and3A_1010 : memref<31264xi32, #tpu.memory_space<vmem>>[vector<16xi32>], vector<16xi32>, vector<16xi1>
        %eq3A_1011 = arith.constant 13 : i32
        %eq3A_1012 = vector.broadcast %eq3A_1011 : i32 to vector<16xi32>
        %eq3A_1013 = arith.cmpi eq, %iota3A, %eq3A_1012 : vector<16xi32>
        %and3A_1014 = arith.andi %and3A_321, %eq3A_1013 : vector<16xi1>
        tpu.vector_store_idx %arg19[%select_n3A_324], %add3A_328 masked %and3A_1014 : memref<31264xi32, #tpu.memory_space<vmem>>[vector<16xi32>], vector<16xi32>, vector<16xi1>
        %eq3A_1015 = arith.constant 14 : i32
        %eq3A_1016 = vector.broadcast %eq3A_1015 : i32 to vector<16xi32>
        %eq3A_1017 = arith.cmpi eq, %iota3A, %eq3A_1016 : vector<16xi32>
        %and3A_1018 = arith.andi %and3A_321, %eq3A_1017 : vector<16xi1>
        tpu.vector_store_idx %arg19[%select_n3A_324], %add3A_328 masked %and3A_1018 : memref<31264xi32, #tpu.memory_space<vmem>>[vector<16xi32>], vector<16xi32>, vector<16xi1>
        %eq3A_1019 = arith.constant 15 : i32
        %eq3A_1020 = vector.broadcast %eq3A_1019 : i32 to vector<16xi32>
        %eq3A_1021 = arith.cmpi eq, %iota3A, %eq3A_1020 : vector<16xi32>
        %and3A_1022 = arith.andi %and3A_321, %eq3A_1021 : vector<16xi1>
        tpu.vector_store_idx %arg19[%select_n3A_324], %add3A_328 masked %and3A_1022 : memref<31264xi32, #tpu.memory_space<vmem>>[vector<16xi32>], vector<16xi32>, vector<16xi1>
        %eq3A_1023 = arith.constant 0 : i32
        %eq3A_1024 = vector.broadcast %eq3A_1023 : i32 to vector<16xi32>
        %eq3A_1025 = arith.cmpi eq, %iota3A, %eq3A_1024 : vector<16xi32>
        %and3A_1026 = arith.andi %and3A_345, %eq3A_1025 : vector<16xi1>
        tpu.vector_store_idx %arg19[%select_n3A_348], %add3A_352 masked %and3A_1026 : memref<31264xi32, #tpu.memory_space<vmem>>[vector<16xi32>], vector<16xi32>, vector<16xi1>
        %eq3A_1027 = arith.constant 1 : i32
        %eq3A_1028 = vector.broadcast %eq3A_1027 : i32 to vector<16xi32>
        %eq3A_1029 = arith.cmpi eq, %iota3A, %eq3A_1028 : vector<16xi32>
        %and3A_1030 = arith.andi %and3A_345, %eq3A_1029 : vector<16xi1>
        tpu.vector_store_idx %arg19[%select_n3A_348], %add3A_352 masked %and3A_1030 : memref<31264xi32, #tpu.memory_space<vmem>>[vector<16xi32>], vector<16xi32>, vector<16xi1>
        %eq3A_1031 = arith.constant 2 : i32
        %eq3A_1032 = vector.broadcast %eq3A_1031 : i32 to vector<16xi32>
        %eq3A_1033 = arith.cmpi eq, %iota3A, %eq3A_1032 : vector<16xi32>
        %and3A_1034 = arith.andi %and3A_345, %eq3A_1033 : vector<16xi1>
        tpu.vector_store_idx %arg19[%select_n3A_348], %add3A_352 masked %and3A_1034 : memref<31264xi32, #tpu.memory_space<vmem>>[vector<16xi32>], vector<16xi32>, vector<16xi1>
        %eq3A_1035 = arith.constant 3 : i32
        %eq3A_1036 = vector.broadcast %eq3A_1035 : i32 to vector<16xi32>
        %eq3A_1037 = arith.cmpi eq, %iota3A, %eq3A_1036 : vector<16xi32>
        %and3A_1038 = arith.andi %and3A_345, %eq3A_1037 : vector<16xi1>
        tpu.vector_store_idx %arg19[%select_n3A_348], %add3A_352 masked %and3A_1038 : memref<31264xi32, #tpu.memory_space<vmem>>[vector<16xi32>], vector<16xi32>, vector<16xi1>
        %eq3A_1039 = arith.constant 4 : i32
        %eq3A_1040 = vector.broadcast %eq3A_1039 : i32 to vector<16xi32>
        %eq3A_1041 = arith.cmpi eq, %iota3A, %eq3A_1040 : vector<16xi32>
        %and3A_1042 = arith.andi %and3A_345, %eq3A_1041 : vector<16xi1>
        tpu.vector_store_idx %arg19[%select_n3A_348], %add3A_352 masked %and3A_1042 : memref<31264xi32, #tpu.memory_space<vmem>>[vector<16xi32>], vector<16xi32>, vector<16xi1>
        %eq3A_1043 = arith.constant 5 : i32
        %eq3A_1044 = vector.broadcast %eq3A_1043 : i32 to vector<16xi32>
        %eq3A_1045 = arith.cmpi eq, %iota3A, %eq3A_1044 : vector<16xi32>
        %and3A_1046 = arith.andi %and3A_345, %eq3A_1045 : vector<16xi1>
        tpu.vector_store_idx %arg19[%select_n3A_348], %add3A_352 masked %and3A_1046 : memref<31264xi32, #tpu.memory_space<vmem>>[vector<16xi32>], vector<16xi32>, vector<16xi1>
        %eq3A_1047 = arith.constant 6 : i32
        %eq3A_1048 = vector.broadcast %eq3A_1047 : i32 to vector<16xi32>
        %eq3A_1049 = arith.cmpi eq, %iota3A, %eq3A_1048 : vector<16xi32>
        %and3A_1050 = arith.andi %and3A_345, %eq3A_1049 : vector<16xi1>
        tpu.vector_store_idx %arg19[%select_n3A_348], %add3A_352 masked %and3A_1050 : memref<31264xi32, #tpu.memory_space<vmem>>[vector<16xi32>], vector<16xi32>, vector<16xi1>
        %eq3A_1051 = arith.constant 7 : i32
        %eq3A_1052 = vector.broadcast %eq3A_1051 : i32 to vector<16xi32>
        %eq3A_1053 = arith.cmpi eq, %iota3A, %eq3A_1052 : vector<16xi32>
        %and3A_1054 = arith.andi %and3A_345, %eq3A_1053 : vector<16xi1>
        tpu.vector_store_idx %arg19[%select_n3A_348], %add3A_352 masked %and3A_1054 : memref<31264xi32, #tpu.memory_space<vmem>>[vector<16xi32>], vector<16xi32>, vector<16xi1>
        %eq3A_1055 = arith.constant 8 : i32
        %eq3A_1056 = vector.broadcast %eq3A_1055 : i32 to vector<16xi32>
        %eq3A_1057 = arith.cmpi eq, %iota3A, %eq3A_1056 : vector<16xi32>
        %and3A_1058 = arith.andi %and3A_345, %eq3A_1057 : vector<16xi1>
        tpu.vector_store_idx %arg19[%select_n3A_348], %add3A_352 masked %and3A_1058 : memref<31264xi32, #tpu.memory_space<vmem>>[vector<16xi32>], vector<16xi32>, vector<16xi1>
        %eq3A_1059 = arith.constant 9 : i32
        %eq3A_1060 = vector.broadcast %eq3A_1059 : i32 to vector<16xi32>
        %eq3A_1061 = arith.cmpi eq, %iota3A, %eq3A_1060 : vector<16xi32>
        %and3A_1062 = arith.andi %and3A_345, %eq3A_1061 : vector<16xi1>
        tpu.vector_store_idx %arg19[%select_n3A_348], %add3A_352 masked %and3A_1062 : memref<31264xi32, #tpu.memory_space<vmem>>[vector<16xi32>], vector<16xi32>, vector<16xi1>
        %eq3A_1063 = arith.constant 10 : i32
        %eq3A_1064 = vector.broadcast %eq3A_1063 : i32 to vector<16xi32>
        %eq3A_1065 = arith.cmpi eq, %iota3A, %eq3A_1064 : vector<16xi32>
        %and3A_1066 = arith.andi %and3A_345, %eq3A_1065 : vector<16xi1>
        tpu.vector_store_idx %arg19[%select_n3A_348], %add3A_352 masked %and3A_1066 : memref<31264xi32, #tpu.memory_space<vmem>>[vector<16xi32>], vector<16xi32>, vector<16xi1>
        %eq3A_1067 = arith.constant 11 : i32
        %eq3A_1068 = vector.broadcast %eq3A_1067 : i32 to vector<16xi32>
        %eq3A_1069 = arith.cmpi eq, %iota3A, %eq3A_1068 : vector<16xi32>
        %and3A_1070 = arith.andi %and3A_345, %eq3A_1069 : vector<16xi1>
        tpu.vector_store_idx %arg19[%select_n3A_348], %add3A_352 masked %and3A_1070 : memref<31264xi32, #tpu.memory_space<vmem>>[vector<16xi32>], vector<16xi32>, vector<16xi1>
        %eq3A_1071 = arith.constant 12 : i32
        %eq3A_1072 = vector.broadcast %eq3A_1071 : i32 to vector<16xi32>
        %eq3A_1073 = arith.cmpi eq, %iota3A, %eq3A_1072 : vector<16xi32>
        %and3A_1074 = arith.andi %and3A_345, %eq3A_1073 : vector<16xi1>
        tpu.vector_store_idx %arg19[%select_n3A_348], %add3A_352 masked %and3A_1074 : memref<31264xi32, #tpu.memory_space<vmem>>[vector<16xi32>], vector<16xi32>, vector<16xi1>
        %eq3A_1075 = arith.constant 13 : i32
        %eq3A_1076 = vector.broadcast %eq3A_1075 : i32 to vector<16xi32>
        %eq3A_1077 = arith.cmpi eq, %iota3A, %eq3A_1076 : vector<16xi32>
        %and3A_1078 = arith.andi %and3A_345, %eq3A_1077 : vector<16xi1>
        tpu.vector_store_idx %arg19[%select_n3A_348], %add3A_352 masked %and3A_1078 : memref<31264xi32, #tpu.memory_space<vmem>>[vector<16xi32>], vector<16xi32>, vector<16xi1>
        %eq3A_1079 = arith.constant 14 : i32
        %eq3A_1080 = vector.broadcast %eq3A_1079 : i32 to vector<16xi32>
        %eq3A_1081 = arith.cmpi eq, %iota3A, %eq3A_1080 : vector<16xi32>
        %and3A_1082 = arith.andi %and3A_345, %eq3A_1081 : vector<16xi1>
        tpu.vector_store_idx %arg19[%select_n3A_348], %add3A_352 masked %and3A_1082 : memref<31264xi32, #tpu.memory_space<vmem>>[vector<16xi32>], vector<16xi32>, vector<16xi1>
        %eq3A_1083 = arith.constant 15 : i32
        %eq3A_1084 = vector.broadcast %eq3A_1083 : i32 to vector<16xi32>
        %eq3A_1085 = arith.cmpi eq, %iota3A, %eq3A_1084 : vector<16xi32>
        %and3A_1086 = arith.andi %and3A_345, %eq3A_1085 : vector<16xi1>
        tpu.vector_store_idx %arg19[%select_n3A_348], %add3A_352 masked %and3A_1086 : memref<31264xi32, #tpu.memory_space<vmem>>[vector<16xi32>], vector<16xi32>, vector<16xi1>
        %eq3A_1087 = arith.constant 0 : i32
        %eq3A_1088 = vector.broadcast %eq3A_1087 : i32 to vector<16xi32>
        %eq3A_1089 = arith.cmpi eq, %iota3A, %eq3A_1088 : vector<16xi32>
        %and3A_1090 = arith.andi %and3A_369, %eq3A_1089 : vector<16xi1>
        tpu.vector_store_idx %arg19[%select_n3A_372], %add3A_376 masked %and3A_1090 : memref<31264xi32, #tpu.memory_space<vmem>>[vector<16xi32>], vector<16xi32>, vector<16xi1>
        %eq3A_1091 = arith.constant 1 : i32
        %eq3A_1092 = vector.broadcast %eq3A_1091 : i32 to vector<16xi32>
        %eq3A_1093 = arith.cmpi eq, %iota3A, %eq3A_1092 : vector<16xi32>
        %and3A_1094 = arith.andi %and3A_369, %eq3A_1093 : vector<16xi1>
        tpu.vector_store_idx %arg19[%select_n3A_372], %add3A_376 masked %and3A_1094 : memref<31264xi32, #tpu.memory_space<vmem>>[vector<16xi32>], vector<16xi32>, vector<16xi1>
        %eq3A_1095 = arith.constant 2 : i32
        %eq3A_1096 = vector.broadcast %eq3A_1095 : i32 to vector<16xi32>
        %eq3A_1097 = arith.cmpi eq, %iota3A, %eq3A_1096 : vector<16xi32>
        %and3A_1098 = arith.andi %and3A_369, %eq3A_1097 : vector<16xi1>
        tpu.vector_store_idx %arg19[%select_n3A_372], %add3A_376 masked %and3A_1098 : memref<31264xi32, #tpu.memory_space<vmem>>[vector<16xi32>], vector<16xi32>, vector<16xi1>
        %eq3A_1099 = arith.constant 3 : i32
        %eq3A_1100 = vector.broadcast %eq3A_1099 : i32 to vector<16xi32>
        %eq3A_1101 = arith.cmpi eq, %iota3A, %eq3A_1100 : vector<16xi32>
        %and3A_1102 = arith.andi %and3A_369, %eq3A_1101 : vector<16xi1>
        tpu.vector_store_idx %arg19[%select_n3A_372], %add3A_376 masked %and3A_1102 : memref<31264xi32, #tpu.memory_space<vmem>>[vector<16xi32>], vector<16xi32>, vector<16xi1>
        %eq3A_1103 = arith.constant 4 : i32
        %eq3A_1104 = vector.broadcast %eq3A_1103 : i32 to vector<16xi32>
        %eq3A_1105 = arith.cmpi eq, %iota3A, %eq3A_1104 : vector<16xi32>
        %and3A_1106 = arith.andi %and3A_369, %eq3A_1105 : vector<16xi1>
        tpu.vector_store_idx %arg19[%select_n3A_372], %add3A_376 masked %and3A_1106 : memref<31264xi32, #tpu.memory_space<vmem>>[vector<16xi32>], vector<16xi32>, vector<16xi1>
        %eq3A_1107 = arith.constant 5 : i32
        %eq3A_1108 = vector.broadcast %eq3A_1107 : i32 to vector<16xi32>
        %eq3A_1109 = arith.cmpi eq, %iota3A, %eq3A_1108 : vector<16xi32>
        %and3A_1110 = arith.andi %and3A_369, %eq3A_1109 : vector<16xi1>
        tpu.vector_store_idx %arg19[%select_n3A_372], %add3A_376 masked %and3A_1110 : memref<31264xi32, #tpu.memory_space<vmem>>[vector<16xi32>], vector<16xi32>, vector<16xi1>
        %eq3A_1111 = arith.constant 6 : i32
        %eq3A_1112 = vector.broadcast %eq3A_1111 : i32 to vector<16xi32>
        %eq3A_1113 = arith.cmpi eq, %iota3A, %eq3A_1112 : vector<16xi32>
        %and3A_1114 = arith.andi %and3A_369, %eq3A_1113 : vector<16xi1>
        tpu.vector_store_idx %arg19[%select_n3A_372], %add3A_376 masked %and3A_1114 : memref<31264xi32, #tpu.memory_space<vmem>>[vector<16xi32>], vector<16xi32>, vector<16xi1>
        %eq3A_1115 = arith.constant 7 : i32
        %eq3A_1116 = vector.broadcast %eq3A_1115 : i32 to vector<16xi32>
        %eq3A_1117 = arith.cmpi eq, %iota3A, %eq3A_1116 : vector<16xi32>
        %and3A_1118 = arith.andi %and3A_369, %eq3A_1117 : vector<16xi1>
        tpu.vector_store_idx %arg19[%select_n3A_372], %add3A_376 masked %and3A_1118 : memref<31264xi32, #tpu.memory_space<vmem>>[vector<16xi32>], vector<16xi32>, vector<16xi1>
        %eq3A_1119 = arith.constant 8 : i32
        %eq3A_1120 = vector.broadcast %eq3A_1119 : i32 to vector<16xi32>
        %eq3A_1121 = arith.cmpi eq, %iota3A, %eq3A_1120 : vector<16xi32>
        %and3A_1122 = arith.andi %and3A_369, %eq3A_1121 : vector<16xi1>
        tpu.vector_store_idx %arg19[%select_n3A_372], %add3A_376 masked %and3A_1122 : memref<31264xi32, #tpu.memory_space<vmem>>[vector<16xi32>], vector<16xi32>, vector<16xi1>
        %eq3A_1123 = arith.constant 9 : i32
        %eq3A_1124 = vector.broadcast %eq3A_1123 : i32 to vector<16xi32>
        %eq3A_1125 = arith.cmpi eq, %iota3A, %eq3A_1124 : vector<16xi32>
        %and3A_1126 = arith.andi %and3A_369, %eq3A_1125 : vector<16xi1>
        tpu.vector_store_idx %arg19[%select_n3A_372], %add3A_376 masked %and3A_1126 : memref<31264xi32, #tpu.memory_space<vmem>>[vector<16xi32>], vector<16xi32>, vector<16xi1>
        %eq3A_1127 = arith.constant 10 : i32
        %eq3A_1128 = vector.broadcast %eq3A_1127 : i32 to vector<16xi32>
        %eq3A_1129 = arith.cmpi eq, %iota3A, %eq3A_1128 : vector<16xi32>
        %and3A_1130 = arith.andi %and3A_369, %eq3A_1129 : vector<16xi1>
        tpu.vector_store_idx %arg19[%select_n3A_372], %add3A_376 masked %and3A_1130 : memref<31264xi32, #tpu.memory_space<vmem>>[vector<16xi32>], vector<16xi32>, vector<16xi1>
        %eq3A_1131 = arith.constant 11 : i32
        %eq3A_1132 = vector.broadcast %eq3A_1131 : i32 to vector<16xi32>
        %eq3A_1133 = arith.cmpi eq, %iota3A, %eq3A_1132 : vector<16xi32>
        %and3A_1134 = arith.andi %and3A_369, %eq3A_1133 : vector<16xi1>
        tpu.vector_store_idx %arg19[%select_n3A_372], %add3A_376 masked %and3A_1134 : memref<31264xi32, #tpu.memory_space<vmem>>[vector<16xi32>], vector<16xi32>, vector<16xi1>
        %eq3A_1135 = arith.constant 12 : i32
        %eq3A_1136 = vector.broadcast %eq3A_1135 : i32 to vector<16xi32>
        %eq3A_1137 = arith.cmpi eq, %iota3A, %eq3A_1136 : vector<16xi32>
        %and3A_1138 = arith.andi %and3A_369, %eq3A_1137 : vector<16xi1>
        tpu.vector_store_idx %arg19[%select_n3A_372], %add3A_376 masked %and3A_1138 : memref<31264xi32, #tpu.memory_space<vmem>>[vector<16xi32>], vector<16xi32>, vector<16xi1>
        %eq3A_1139 = arith.constant 13 : i32
        %eq3A_1140 = vector.broadcast %eq3A_1139 : i32 to vector<16xi32>
        %eq3A_1141 = arith.cmpi eq, %iota3A, %eq3A_1140 : vector<16xi32>
        %and3A_1142 = arith.andi %and3A_369, %eq3A_1141 : vector<16xi1>
        tpu.vector_store_idx %arg19[%select_n3A_372], %add3A_376 masked %and3A_1142 : memref<31264xi32, #tpu.memory_space<vmem>>[vector<16xi32>], vector<16xi32>, vector<16xi1>
        %eq3A_1143 = arith.constant 14 : i32
        %eq3A_1144 = vector.broadcast %eq3A_1143 : i32 to vector<16xi32>
        %eq3A_1145 = arith.cmpi eq, %iota3A, %eq3A_1144 : vector<16xi32>
        %and3A_1146 = arith.andi %and3A_369, %eq3A_1145 : vector<16xi1>
        tpu.vector_store_idx %arg19[%select_n3A_372], %add3A_376 masked %and3A_1146 : memref<31264xi32, #tpu.memory_space<vmem>>[vector<16xi32>], vector<16xi32>, vector<16xi1>
        %eq3A_1147 = arith.constant 15 : i32
        %eq3A_1148 = vector.broadcast %eq3A_1147 : i32 to vector<16xi32>
        %eq3A_1149 = arith.cmpi eq, %iota3A, %eq3A_1148 : vector<16xi32>
        %and3A_1150 = arith.andi %and3A_369, %eq3A_1149 : vector<16xi1>
        tpu.vector_store_idx %arg19[%select_n3A_372], %add3A_376 masked %and3A_1150 : memref<31264xi32, #tpu.memory_space<vmem>>[vector<16xi32>], vector<16xi32>, vector<16xi1>
        %eq3A_1151 = arith.constant 0 : i32
        %eq3A_1152 = vector.broadcast %eq3A_1151 : i32 to vector<16xi32>
        %eq3A_1153 = arith.cmpi eq, %iota3A, %eq3A_1152 : vector<16xi32>
        %and3A_1154 = arith.andi %and3A_393, %eq3A_1153 : vector<16xi1>
        tpu.vector_store_idx %arg19[%select_n3A_396], %add3A_400 masked %and3A_1154 : memref<31264xi32, #tpu.memory_space<vmem>>[vector<16xi32>], vector<16xi32>, vector<16xi1>
        %eq3A_1155 = arith.constant 1 : i32
        %eq3A_1156 = vector.broadcast %eq3A_1155 : i32 to vector<16xi32>
        %eq3A_1157 = arith.cmpi eq, %iota3A, %eq3A_1156 : vector<16xi32>
        %and3A_1158 = arith.andi %and3A_393, %eq3A_1157 : vector<16xi1>
        tpu.vector_store_idx %arg19[%select_n3A_396], %add3A_400 masked %and3A_1158 : memref<31264xi32, #tpu.memory_space<vmem>>[vector<16xi32>], vector<16xi32>, vector<16xi1>
        %eq3A_1159 = arith.constant 2 : i32
        %eq3A_1160 = vector.broadcast %eq3A_1159 : i32 to vector<16xi32>
        %eq3A_1161 = arith.cmpi eq, %iota3A, %eq3A_1160 : vector<16xi32>
        %and3A_1162 = arith.andi %and3A_393, %eq3A_1161 : vector<16xi1>
        tpu.vector_store_idx %arg19[%select_n3A_396], %add3A_400 masked %and3A_1162 : memref<31264xi32, #tpu.memory_space<vmem>>[vector<16xi32>], vector<16xi32>, vector<16xi1>
        %eq3A_1163 = arith.constant 3 : i32
        %eq3A_1164 = vector.broadcast %eq3A_1163 : i32 to vector<16xi32>
        %eq3A_1165 = arith.cmpi eq, %iota3A, %eq3A_1164 : vector<16xi32>
        %and3A_1166 = arith.andi %and3A_393, %eq3A_1165 : vector<16xi1>
        tpu.vector_store_idx %arg19[%select_n3A_396], %add3A_400 masked %and3A_1166 : memref<31264xi32, #tpu.memory_space<vmem>>[vector<16xi32>], vector<16xi32>, vector<16xi1>
        %eq3A_1167 = arith.constant 4 : i32
        %eq3A_1168 = vector.broadcast %eq3A_1167 : i32 to vector<16xi32>
        %eq3A_1169 = arith.cmpi eq, %iota3A, %eq3A_1168 : vector<16xi32>
        %and3A_1170 = arith.andi %and3A_393, %eq3A_1169 : vector<16xi1>
        tpu.vector_store_idx %arg19[%select_n3A_396], %add3A_400 masked %and3A_1170 : memref<31264xi32, #tpu.memory_space<vmem>>[vector<16xi32>], vector<16xi32>, vector<16xi1>
        %eq3A_1171 = arith.constant 5 : i32
        %eq3A_1172 = vector.broadcast %eq3A_1171 : i32 to vector<16xi32>
        %eq3A_1173 = arith.cmpi eq, %iota3A, %eq3A_1172 : vector<16xi32>
        %and3A_1174 = arith.andi %and3A_393, %eq3A_1173 : vector<16xi1>
        tpu.vector_store_idx %arg19[%select_n3A_396], %add3A_400 masked %and3A_1174 : memref<31264xi32, #tpu.memory_space<vmem>>[vector<16xi32>], vector<16xi32>, vector<16xi1>
        %eq3A_1175 = arith.constant 6 : i32
        %eq3A_1176 = vector.broadcast %eq3A_1175 : i32 to vector<16xi32>
        %eq3A_1177 = arith.cmpi eq, %iota3A, %eq3A_1176 : vector<16xi32>
        %and3A_1178 = arith.andi %and3A_393, %eq3A_1177 : vector<16xi1>
        tpu.vector_store_idx %arg19[%select_n3A_396], %add3A_400 masked %and3A_1178 : memref<31264xi32, #tpu.memory_space<vmem>>[vector<16xi32>], vector<16xi32>, vector<16xi1>
        %eq3A_1179 = arith.constant 7 : i32
        %eq3A_1180 = vector.broadcast %eq3A_1179 : i32 to vector<16xi32>
        %eq3A_1181 = arith.cmpi eq, %iota3A, %eq3A_1180 : vector<16xi32>
        %and3A_1182 = arith.andi %and3A_393, %eq3A_1181 : vector<16xi1>
        tpu.vector_store_idx %arg19[%select_n3A_396], %add3A_400 masked %and3A_1182 : memref<31264xi32, #tpu.memory_space<vmem>>[vector<16xi32>], vector<16xi32>, vector<16xi1>
        %eq3A_1183 = arith.constant 8 : i32
        %eq3A_1184 = vector.broadcast %eq3A_1183 : i32 to vector<16xi32>
        %eq3A_1185 = arith.cmpi eq, %iota3A, %eq3A_1184 : vector<16xi32>
        %and3A_1186 = arith.andi %and3A_393, %eq3A_1185 : vector<16xi1>
        tpu.vector_store_idx %arg19[%select_n3A_396], %add3A_400 masked %and3A_1186 : memref<31264xi32, #tpu.memory_space<vmem>>[vector<16xi32>], vector<16xi32>, vector<16xi1>
        %eq3A_1187 = arith.constant 9 : i32
        %eq3A_1188 = vector.broadcast %eq3A_1187 : i32 to vector<16xi32>
        %eq3A_1189 = arith.cmpi eq, %iota3A, %eq3A_1188 : vector<16xi32>
        %and3A_1190 = arith.andi %and3A_393, %eq3A_1189 : vector<16xi1>
        tpu.vector_store_idx %arg19[%select_n3A_396], %add3A_400 masked %and3A_1190 : memref<31264xi32, #tpu.memory_space<vmem>>[vector<16xi32>], vector<16xi32>, vector<16xi1>
        %eq3A_1191 = arith.constant 10 : i32
        %eq3A_1192 = vector.broadcast %eq3A_1191 : i32 to vector<16xi32>
        %eq3A_1193 = arith.cmpi eq, %iota3A, %eq3A_1192 : vector<16xi32>
        %and3A_1194 = arith.andi %and3A_393, %eq3A_1193 : vector<16xi1>
        tpu.vector_store_idx %arg19[%select_n3A_396], %add3A_400 masked %and3A_1194 : memref<31264xi32, #tpu.memory_space<vmem>>[vector<16xi32>], vector<16xi32>, vector<16xi1>
        %eq3A_1195 = arith.constant 11 : i32
        %eq3A_1196 = vector.broadcast %eq3A_1195 : i32 to vector<16xi32>
        %eq3A_1197 = arith.cmpi eq, %iota3A, %eq3A_1196 : vector<16xi32>
        %and3A_1198 = arith.andi %and3A_393, %eq3A_1197 : vector<16xi1>
        tpu.vector_store_idx %arg19[%select_n3A_396], %add3A_400 masked %and3A_1198 : memref<31264xi32, #tpu.memory_space<vmem>>[vector<16xi32>], vector<16xi32>, vector<16xi1>
        %eq3A_1199 = arith.constant 12 : i32
        %eq3A_1200 = vector.broadcast %eq3A_1199 : i32 to vector<16xi32>
        %eq3A_1201 = arith.cmpi eq, %iota3A, %eq3A_1200 : vector<16xi32>
        %and3A_1202 = arith.andi %and3A_393, %eq3A_1201 : vector<16xi1>
        tpu.vector_store_idx %arg19[%select_n3A_396], %add3A_400 masked %and3A_1202 : memref<31264xi32, #tpu.memory_space<vmem>>[vector<16xi32>], vector<16xi32>, vector<16xi1>
        %eq3A_1203 = arith.constant 13 : i32
        %eq3A_1204 = vector.broadcast %eq3A_1203 : i32 to vector<16xi32>
        %eq3A_1205 = arith.cmpi eq, %iota3A, %eq3A_1204 : vector<16xi32>
        %and3A_1206 = arith.andi %and3A_393, %eq3A_1205 : vector<16xi1>
        tpu.vector_store_idx %arg19[%select_n3A_396], %add3A_400 masked %and3A_1206 : memref<31264xi32, #tpu.memory_space<vmem>>[vector<16xi32>], vector<16xi32>, vector<16xi1>
        %eq3A_1207 = arith.constant 14 : i32
        %eq3A_1208 = vector.broadcast %eq3A_1207 : i32 to vector<16xi32>
        %eq3A_1209 = arith.cmpi eq, %iota3A, %eq3A_1208 : vector<16xi32>
        %and3A_1210 = arith.andi %and3A_393, %eq3A_1209 : vector<16xi1>
        tpu.vector_store_idx %arg19[%select_n3A_396], %add3A_400 masked %and3A_1210 : memref<31264xi32, #tpu.memory_space<vmem>>[vector<16xi32>], vector<16xi32>, vector<16xi1>
        %eq3A_1211 = arith.constant 15 : i32
        %eq3A_1212 = vector.broadcast %eq3A_1211 : i32 to vector<16xi32>
        %eq3A_1213 = arith.cmpi eq, %iota3A, %eq3A_1212 : vector<16xi32>
        %and3A_1214 = arith.andi %and3A_393, %eq3A_1213 : vector<16xi1>
        tpu.vector_store_idx %arg19[%select_n3A_396], %add3A_400 masked %and3A_1214 : memref<31264xi32, #tpu.memory_space<vmem>>[vector<16xi32>], vector<16xi32>, vector<16xi1>
        %eq3A_1215 = arith.constant 0 : i32
        %eq3A_1216 = vector.broadcast %eq3A_1215 : i32 to vector<16xi32>
        %eq3A_1217 = arith.cmpi eq, %iota3A, %eq3A_1216 : vector<16xi32>
        %and3A_1218 = arith.andi %and3A_417, %eq3A_1217 : vector<16xi1>
        tpu.vector_store_idx %arg19[%select_n3A_420], %add3A_424 masked %and3A_1218 : memref<31264xi32, #tpu.memory_space<vmem>>[vector<16xi32>], vector<16xi32>, vector<16xi1>
        %eq3A_1219 = arith.constant 1 : i32
        %eq3A_1220 = vector.broadcast %eq3A_1219 : i32 to vector<16xi32>
        %eq3A_1221 = arith.cmpi eq, %iota3A, %eq3A_1220 : vector<16xi32>
        %and3A_1222 = arith.andi %and3A_417, %eq3A_1221 : vector<16xi1>
        tpu.vector_store_idx %arg19[%select_n3A_420], %add3A_424 masked %and3A_1222 : memref<31264xi32, #tpu.memory_space<vmem>>[vector<16xi32>], vector<16xi32>, vector<16xi1>
        %eq3A_1223 = arith.constant 2 : i32
        %eq3A_1224 = vector.broadcast %eq3A_1223 : i32 to vector<16xi32>
        %eq3A_1225 = arith.cmpi eq, %iota3A, %eq3A_1224 : vector<16xi32>
        %and3A_1226 = arith.andi %and3A_417, %eq3A_1225 : vector<16xi1>
        tpu.vector_store_idx %arg19[%select_n3A_420], %add3A_424 masked %and3A_1226 : memref<31264xi32, #tpu.memory_space<vmem>>[vector<16xi32>], vector<16xi32>, vector<16xi1>
        %eq3A_1227 = arith.constant 3 : i32
        %eq3A_1228 = vector.broadcast %eq3A_1227 : i32 to vector<16xi32>
        %eq3A_1229 = arith.cmpi eq, %iota3A, %eq3A_1228 : vector<16xi32>
        %and3A_1230 = arith.andi %and3A_417, %eq3A_1229 : vector<16xi1>
        tpu.vector_store_idx %arg19[%select_n3A_420], %add3A_424 masked %and3A_1230 : memref<31264xi32, #tpu.memory_space<vmem>>[vector<16xi32>], vector<16xi32>, vector<16xi1>
        %eq3A_1231 = arith.constant 4 : i32
        %eq3A_1232 = vector.broadcast %eq3A_1231 : i32 to vector<16xi32>
        %eq3A_1233 = arith.cmpi eq, %iota3A, %eq3A_1232 : vector<16xi32>
        %and3A_1234 = arith.andi %and3A_417, %eq3A_1233 : vector<16xi1>
        tpu.vector_store_idx %arg19[%select_n3A_420], %add3A_424 masked %and3A_1234 : memref<31264xi32, #tpu.memory_space<vmem>>[vector<16xi32>], vector<16xi32>, vector<16xi1>
        %eq3A_1235 = arith.constant 5 : i32
        %eq3A_1236 = vector.broadcast %eq3A_1235 : i32 to vector<16xi32>
        %eq3A_1237 = arith.cmpi eq, %iota3A, %eq3A_1236 : vector<16xi32>
        %and3A_1238 = arith.andi %and3A_417, %eq3A_1237 : vector<16xi1>
        tpu.vector_store_idx %arg19[%select_n3A_420], %add3A_424 masked %and3A_1238 : memref<31264xi32, #tpu.memory_space<vmem>>[vector<16xi32>], vector<16xi32>, vector<16xi1>
        %eq3A_1239 = arith.constant 6 : i32
        %eq3A_1240 = vector.broadcast %eq3A_1239 : i32 to vector<16xi32>
        %eq3A_1241 = arith.cmpi eq, %iota3A, %eq3A_1240 : vector<16xi32>
        %and3A_1242 = arith.andi %and3A_417, %eq3A_1241 : vector<16xi1>
        tpu.vector_store_idx %arg19[%select_n3A_420], %add3A_424 masked %and3A_1242 : memref<31264xi32, #tpu.memory_space<vmem>>[vector<16xi32>], vector<16xi32>, vector<16xi1>
        %eq3A_1243 = arith.constant 7 : i32
        %eq3A_1244 = vector.broadcast %eq3A_1243 : i32 to vector<16xi32>
        %eq3A_1245 = arith.cmpi eq, %iota3A, %eq3A_1244 : vector<16xi32>
        %and3A_1246 = arith.andi %and3A_417, %eq3A_1245 : vector<16xi1>
        tpu.vector_store_idx %arg19[%select_n3A_420], %add3A_424 masked %and3A_1246 : memref<31264xi32, #tpu.memory_space<vmem>>[vector<16xi32>], vector<16xi32>, vector<16xi1>
        %eq3A_1247 = arith.constant 8 : i32
        %eq3A_1248 = vector.broadcast %eq3A_1247 : i32 to vector<16xi32>
        %eq3A_1249 = arith.cmpi eq, %iota3A, %eq3A_1248 : vector<16xi32>
        %and3A_1250 = arith.andi %and3A_417, %eq3A_1249 : vector<16xi1>
        tpu.vector_store_idx %arg19[%select_n3A_420], %add3A_424 masked %and3A_1250 : memref<31264xi32, #tpu.memory_space<vmem>>[vector<16xi32>], vector<16xi32>, vector<16xi1>
        %eq3A_1251 = arith.constant 9 : i32
        %eq3A_1252 = vector.broadcast %eq3A_1251 : i32 to vector<16xi32>
        %eq3A_1253 = arith.cmpi eq, %iota3A, %eq3A_1252 : vector<16xi32>
        %and3A_1254 = arith.andi %and3A_417, %eq3A_1253 : vector<16xi1>
        tpu.vector_store_idx %arg19[%select_n3A_420], %add3A_424 masked %and3A_1254 : memref<31264xi32, #tpu.memory_space<vmem>>[vector<16xi32>], vector<16xi32>, vector<16xi1>
        %eq3A_1255 = arith.constant 10 : i32
        %eq3A_1256 = vector.broadcast %eq3A_1255 : i32 to vector<16xi32>
        %eq3A_1257 = arith.cmpi eq, %iota3A, %eq3A_1256 : vector<16xi32>
        %and3A_1258 = arith.andi %and3A_417, %eq3A_1257 : vector<16xi1>
        tpu.vector_store_idx %arg19[%select_n3A_420], %add3A_424 masked %and3A_1258 : memref<31264xi32, #tpu.memory_space<vmem>>[vector<16xi32>], vector<16xi32>, vector<16xi1>
        %eq3A_1259 = arith.constant 11 : i32
        %eq3A_1260 = vector.broadcast %eq3A_1259 : i32 to vector<16xi32>
        %eq3A_1261 = arith.cmpi eq, %iota3A, %eq3A_1260 : vector<16xi32>
        %and3A_1262 = arith.andi %and3A_417, %eq3A_1261 : vector<16xi1>
        tpu.vector_store_idx %arg19[%select_n3A_420], %add3A_424 masked %and3A_1262 : memref<31264xi32, #tpu.memory_space<vmem>>[vector<16xi32>], vector<16xi32>, vector<16xi1>
        %eq3A_1263 = arith.constant 12 : i32
        %eq3A_1264 = vector.broadcast %eq3A_1263 : i32 to vector<16xi32>
        %eq3A_1265 = arith.cmpi eq, %iota3A, %eq3A_1264 : vector<16xi32>
        %and3A_1266 = arith.andi %and3A_417, %eq3A_1265 : vector<16xi1>
        tpu.vector_store_idx %arg19[%select_n3A_420], %add3A_424 masked %and3A_1266 : memref<31264xi32, #tpu.memory_space<vmem>>[vector<16xi32>], vector<16xi32>, vector<16xi1>
        %eq3A_1267 = arith.constant 13 : i32
        %eq3A_1268 = vector.broadcast %eq3A_1267 : i32 to vector<16xi32>
        %eq3A_1269 = arith.cmpi eq, %iota3A, %eq3A_1268 : vector<16xi32>
        %and3A_1270 = arith.andi %and3A_417, %eq3A_1269 : vector<16xi1>
        tpu.vector_store_idx %arg19[%select_n3A_420], %add3A_424 masked %and3A_1270 : memref<31264xi32, #tpu.memory_space<vmem>>[vector<16xi32>], vector<16xi32>, vector<16xi1>
        %eq3A_1271 = arith.constant 14 : i32
        %eq3A_1272 = vector.broadcast %eq3A_1271 : i32 to vector<16xi32>
        %eq3A_1273 = arith.cmpi eq, %iota3A, %eq3A_1272 : vector<16xi32>
        %and3A_1274 = arith.andi %and3A_417, %eq3A_1273 : vector<16xi1>
        tpu.vector_store_idx %arg19[%select_n3A_420], %add3A_424 masked %and3A_1274 : memref<31264xi32, #tpu.memory_space<vmem>>[vector<16xi32>], vector<16xi32>, vector<16xi1>
        %eq3A_1275 = arith.constant 15 : i32
        %eq3A_1276 = vector.broadcast %eq3A_1275 : i32 to vector<16xi32>
        %eq3A_1277 = arith.cmpi eq, %iota3A, %eq3A_1276 : vector<16xi32>
        %and3A_1278 = arith.andi %and3A_417, %eq3A_1277 : vector<16xi1>
        tpu.vector_store_idx %arg19[%select_n3A_420], %add3A_424 masked %and3A_1278 : memref<31264xi32, #tpu.memory_space<vmem>>[vector<16xi32>], vector<16xi32>, vector<16xi1>
        %eq3A_1279 = arith.constant 0 : i32
        %eq3A_1280 = vector.broadcast %eq3A_1279 : i32 to vector<16xi32>
        %eq3A_1281 = arith.cmpi eq, %iota3A, %eq3A_1280 : vector<16xi32>
        %and3A_1282 = arith.andi %and3A_441, %eq3A_1281 : vector<16xi1>
        tpu.vector_store_idx %arg19[%select_n3A_444], %add3A_448 masked %and3A_1282 : memref<31264xi32, #tpu.memory_space<vmem>>[vector<16xi32>], vector<16xi32>, vector<16xi1>
        %eq3A_1283 = arith.constant 1 : i32
        %eq3A_1284 = vector.broadcast %eq3A_1283 : i32 to vector<16xi32>
        %eq3A_1285 = arith.cmpi eq, %iota3A, %eq3A_1284 : vector<16xi32>
        %and3A_1286 = arith.andi %and3A_441, %eq3A_1285 : vector<16xi1>
        tpu.vector_store_idx %arg19[%select_n3A_444], %add3A_448 masked %and3A_1286 : memref<31264xi32, #tpu.memory_space<vmem>>[vector<16xi32>], vector<16xi32>, vector<16xi1>
        %eq3A_1287 = arith.constant 2 : i32
        %eq3A_1288 = vector.broadcast %eq3A_1287 : i32 to vector<16xi32>
        %eq3A_1289 = arith.cmpi eq, %iota3A, %eq3A_1288 : vector<16xi32>
        %and3A_1290 = arith.andi %and3A_441, %eq3A_1289 : vector<16xi1>
        tpu.vector_store_idx %arg19[%select_n3A_444], %add3A_448 masked %and3A_1290 : memref<31264xi32, #tpu.memory_space<vmem>>[vector<16xi32>], vector<16xi32>, vector<16xi1>
        %eq3A_1291 = arith.constant 3 : i32
        %eq3A_1292 = vector.broadcast %eq3A_1291 : i32 to vector<16xi32>
        %eq3A_1293 = arith.cmpi eq, %iota3A, %eq3A_1292 : vector<16xi32>
        %and3A_1294 = arith.andi %and3A_441, %eq3A_1293 : vector<16xi1>
        tpu.vector_store_idx %arg19[%select_n3A_444], %add3A_448 masked %and3A_1294 : memref<31264xi32, #tpu.memory_space<vmem>>[vector<16xi32>], vector<16xi32>, vector<16xi1>
        %eq3A_1295 = arith.constant 4 : i32
        %eq3A_1296 = vector.broadcast %eq3A_1295 : i32 to vector<16xi32>
        %eq3A_1297 = arith.cmpi eq, %iota3A, %eq3A_1296 : vector<16xi32>
        %and3A_1298 = arith.andi %and3A_441, %eq3A_1297 : vector<16xi1>
        tpu.vector_store_idx %arg19[%select_n3A_444], %add3A_448 masked %and3A_1298 : memref<31264xi32, #tpu.memory_space<vmem>>[vector<16xi32>], vector<16xi32>, vector<16xi1>
        %eq3A_1299 = arith.constant 5 : i32
        %eq3A_1300 = vector.broadcast %eq3A_1299 : i32 to vector<16xi32>
        %eq3A_1301 = arith.cmpi eq, %iota3A, %eq3A_1300 : vector<16xi32>
        %and3A_1302 = arith.andi %and3A_441, %eq3A_1301 : vector<16xi1>
        tpu.vector_store_idx %arg19[%select_n3A_444], %add3A_448 masked %and3A_1302 : memref<31264xi32, #tpu.memory_space<vmem>>[vector<16xi32>], vector<16xi32>, vector<16xi1>
        %eq3A_1303 = arith.constant 6 : i32
        %eq3A_1304 = vector.broadcast %eq3A_1303 : i32 to vector<16xi32>
        %eq3A_1305 = arith.cmpi eq, %iota3A, %eq3A_1304 : vector<16xi32>
        %and3A_1306 = arith.andi %and3A_441, %eq3A_1305 : vector<16xi1>
        tpu.vector_store_idx %arg19[%select_n3A_444], %add3A_448 masked %and3A_1306 : memref<31264xi32, #tpu.memory_space<vmem>>[vector<16xi32>], vector<16xi32>, vector<16xi1>
        %eq3A_1307 = arith.constant 7 : i32
        %eq3A_1308 = vector.broadcast %eq3A_1307 : i32 to vector<16xi32>
        %eq3A_1309 = arith.cmpi eq, %iota3A, %eq3A_1308 : vector<16xi32>
        %and3A_1310 = arith.andi %and3A_441, %eq3A_1309 : vector<16xi1>
        tpu.vector_store_idx %arg19[%select_n3A_444], %add3A_448 masked %and3A_1310 : memref<31264xi32, #tpu.memory_space<vmem>>[vector<16xi32>], vector<16xi32>, vector<16xi1>
        %eq3A_1311 = arith.constant 8 : i32
        %eq3A_1312 = vector.broadcast %eq3A_1311 : i32 to vector<16xi32>
        %eq3A_1313 = arith.cmpi eq, %iota3A, %eq3A_1312 : vector<16xi32>
        %and3A_1314 = arith.andi %and3A_441, %eq3A_1313 : vector<16xi1>
        tpu.vector_store_idx %arg19[%select_n3A_444], %add3A_448 masked %and3A_1314 : memref<31264xi32, #tpu.memory_space<vmem>>[vector<16xi32>], vector<16xi32>, vector<16xi1>
        %eq3A_1315 = arith.constant 9 : i32
        %eq3A_1316 = vector.broadcast %eq3A_1315 : i32 to vector<16xi32>
        %eq3A_1317 = arith.cmpi eq, %iota3A, %eq3A_1316 : vector<16xi32>
        %and3A_1318 = arith.andi %and3A_441, %eq3A_1317 : vector<16xi1>
        tpu.vector_store_idx %arg19[%select_n3A_444], %add3A_448 masked %and3A_1318 : memref<31264xi32, #tpu.memory_space<vmem>>[vector<16xi32>], vector<16xi32>, vector<16xi1>
        %eq3A_1319 = arith.constant 10 : i32
        %eq3A_1320 = vector.broadcast %eq3A_1319 : i32 to vector<16xi32>
        %eq3A_1321 = arith.cmpi eq, %iota3A, %eq3A_1320 : vector<16xi32>
        %and3A_1322 = arith.andi %and3A_441, %eq3A_1321 : vector<16xi1>
        tpu.vector_store_idx %arg19[%select_n3A_444], %add3A_448 masked %and3A_1322 : memref<31264xi32, #tpu.memory_space<vmem>>[vector<16xi32>], vector<16xi32>, vector<16xi1>
        %eq3A_1323 = arith.constant 11 : i32
        %eq3A_1324 = vector.broadcast %eq3A_1323 : i32 to vector<16xi32>
        %eq3A_1325 = arith.cmpi eq, %iota3A, %eq3A_1324 : vector<16xi32>
        %and3A_1326 = arith.andi %and3A_441, %eq3A_1325 : vector<16xi1>
        tpu.vector_store_idx %arg19[%select_n3A_444], %add3A_448 masked %and3A_1326 : memref<31264xi32, #tpu.memory_space<vmem>>[vector<16xi32>], vector<16xi32>, vector<16xi1>
        %eq3A_1327 = arith.constant 12 : i32
        %eq3A_1328 = vector.broadcast %eq3A_1327 : i32 to vector<16xi32>
        %eq3A_1329 = arith.cmpi eq, %iota3A, %eq3A_1328 : vector<16xi32>
        %and3A_1330 = arith.andi %and3A_441, %eq3A_1329 : vector<16xi1>
        tpu.vector_store_idx %arg19[%select_n3A_444], %add3A_448 masked %and3A_1330 : memref<31264xi32, #tpu.memory_space<vmem>>[vector<16xi32>], vector<16xi32>, vector<16xi1>
        %eq3A_1331 = arith.constant 13 : i32
        %eq3A_1332 = vector.broadcast %eq3A_1331 : i32 to vector<16xi32>
        %eq3A_1333 = arith.cmpi eq, %iota3A, %eq3A_1332 : vector<16xi32>
        %and3A_1334 = arith.andi %and3A_441, %eq3A_1333 : vector<16xi1>
        tpu.vector_store_idx %arg19[%select_n3A_444], %add3A_448 masked %and3A_1334 : memref<31264xi32, #tpu.memory_space<vmem>>[vector<16xi32>], vector<16xi32>, vector<16xi1>
        %eq3A_1335 = arith.constant 14 : i32
        %eq3A_1336 = vector.broadcast %eq3A_1335 : i32 to vector<16xi32>
        %eq3A_1337 = arith.cmpi eq, %iota3A, %eq3A_1336 : vector<16xi32>
        %and3A_1338 = arith.andi %and3A_441, %eq3A_1337 : vector<16xi1>
        tpu.vector_store_idx %arg19[%select_n3A_444], %add3A_448 masked %and3A_1338 : memref<31264xi32, #tpu.memory_space<vmem>>[vector<16xi32>], vector<16xi32>, vector<16xi1>
        %eq3A_1339 = arith.constant 15 : i32
        %eq3A_1340 = vector.broadcast %eq3A_1339 : i32 to vector<16xi32>
        %eq3A_1341 = arith.cmpi eq, %iota3A, %eq3A_1340 : vector<16xi32>
        %and3A_1342 = arith.andi %and3A_441, %eq3A_1341 : vector<16xi1>
        tpu.vector_store_idx %arg19[%select_n3A_444], %add3A_448 masked %and3A_1342 : memref<31264xi32, #tpu.memory_space<vmem>>[vector<16xi32>], vector<16xi32>, vector<16xi1>
        %eq3A_1343 = arith.constant 0 : i32
        %eq3A_1344 = vector.broadcast %eq3A_1343 : i32 to vector<16xi32>
        %eq3A_1345 = arith.cmpi eq, %iota3A, %eq3A_1344 : vector<16xi32>
        %and3A_1346 = arith.andi %and3A_465, %eq3A_1345 : vector<16xi1>
        tpu.vector_store_idx %arg19[%select_n3A_468], %add3A_472 masked %and3A_1346 : memref<31264xi32, #tpu.memory_space<vmem>>[vector<16xi32>], vector<16xi32>, vector<16xi1>
        %eq3A_1347 = arith.constant 1 : i32
        %eq3A_1348 = vector.broadcast %eq3A_1347 : i32 to vector<16xi32>
        %eq3A_1349 = arith.cmpi eq, %iota3A, %eq3A_1348 : vector<16xi32>
        %and3A_1350 = arith.andi %and3A_465, %eq3A_1349 : vector<16xi1>
        tpu.vector_store_idx %arg19[%select_n3A_468], %add3A_472 masked %and3A_1350 : memref<31264xi32, #tpu.memory_space<vmem>>[vector<16xi32>], vector<16xi32>, vector<16xi1>
        %eq3A_1351 = arith.constant 2 : i32
        %eq3A_1352 = vector.broadcast %eq3A_1351 : i32 to vector<16xi32>
        %eq3A_1353 = arith.cmpi eq, %iota3A, %eq3A_1352 : vector<16xi32>
        %and3A_1354 = arith.andi %and3A_465, %eq3A_1353 : vector<16xi1>
        tpu.vector_store_idx %arg19[%select_n3A_468], %add3A_472 masked %and3A_1354 : memref<31264xi32, #tpu.memory_space<vmem>>[vector<16xi32>], vector<16xi32>, vector<16xi1>
        %eq3A_1355 = arith.constant 3 : i32
        %eq3A_1356 = vector.broadcast %eq3A_1355 : i32 to vector<16xi32>
        %eq3A_1357 = arith.cmpi eq, %iota3A, %eq3A_1356 : vector<16xi32>
        %and3A_1358 = arith.andi %and3A_465, %eq3A_1357 : vector<16xi1>
        tpu.vector_store_idx %arg19[%select_n3A_468], %add3A_472 masked %and3A_1358 : memref<31264xi32, #tpu.memory_space<vmem>>[vector<16xi32>], vector<16xi32>, vector<16xi1>
        %eq3A_1359 = arith.constant 4 : i32
        %eq3A_1360 = vector.broadcast %eq3A_1359 : i32 to vector<16xi32>
        %eq3A_1361 = arith.cmpi eq, %iota3A, %eq3A_1360 : vector<16xi32>
        %and3A_1362 = arith.andi %and3A_465, %eq3A_1361 : vector<16xi1>
        tpu.vector_store_idx %arg19[%select_n3A_468], %add3A_472 masked %and3A_1362 : memref<31264xi32, #tpu.memory_space<vmem>>[vector<16xi32>], vector<16xi32>, vector<16xi1>
        %eq3A_1363 = arith.constant 5 : i32
        %eq3A_1364 = vector.broadcast %eq3A_1363 : i32 to vector<16xi32>
        %eq3A_1365 = arith.cmpi eq, %iota3A, %eq3A_1364 : vector<16xi32>
        %and3A_1366 = arith.andi %and3A_465, %eq3A_1365 : vector<16xi1>
        tpu.vector_store_idx %arg19[%select_n3A_468], %add3A_472 masked %and3A_1366 : memref<31264xi32, #tpu.memory_space<vmem>>[vector<16xi32>], vector<16xi32>, vector<16xi1>
        %eq3A_1367 = arith.constant 6 : i32
        %eq3A_1368 = vector.broadcast %eq3A_1367 : i32 to vector<16xi32>
        %eq3A_1369 = arith.cmpi eq, %iota3A, %eq3A_1368 : vector<16xi32>
        %and3A_1370 = arith.andi %and3A_465, %eq3A_1369 : vector<16xi1>
        tpu.vector_store_idx %arg19[%select_n3A_468], %add3A_472 masked %and3A_1370 : memref<31264xi32, #tpu.memory_space<vmem>>[vector<16xi32>], vector<16xi32>, vector<16xi1>
        %eq3A_1371 = arith.constant 7 : i32
        %eq3A_1372 = vector.broadcast %eq3A_1371 : i32 to vector<16xi32>
        %eq3A_1373 = arith.cmpi eq, %iota3A, %eq3A_1372 : vector<16xi32>
        %and3A_1374 = arith.andi %and3A_465, %eq3A_1373 : vector<16xi1>
        tpu.vector_store_idx %arg19[%select_n3A_468], %add3A_472 masked %and3A_1374 : memref<31264xi32, #tpu.memory_space<vmem>>[vector<16xi32>], vector<16xi32>, vector<16xi1>
        %eq3A_1375 = arith.constant 8 : i32
        %eq3A_1376 = vector.broadcast %eq3A_1375 : i32 to vector<16xi32>
        %eq3A_1377 = arith.cmpi eq, %iota3A, %eq3A_1376 : vector<16xi32>
        %and3A_1378 = arith.andi %and3A_465, %eq3A_1377 : vector<16xi1>
        tpu.vector_store_idx %arg19[%select_n3A_468], %add3A_472 masked %and3A_1378 : memref<31264xi32, #tpu.memory_space<vmem>>[vector<16xi32>], vector<16xi32>, vector<16xi1>
        %eq3A_1379 = arith.constant 9 : i32
        %eq3A_1380 = vector.broadcast %eq3A_1379 : i32 to vector<16xi32>
        %eq3A_1381 = arith.cmpi eq, %iota3A, %eq3A_1380 : vector<16xi32>
        %and3A_1382 = arith.andi %and3A_465, %eq3A_1381 : vector<16xi1>
        tpu.vector_store_idx %arg19[%select_n3A_468], %add3A_472 masked %and3A_1382 : memref<31264xi32, #tpu.memory_space<vmem>>[vector<16xi32>], vector<16xi32>, vector<16xi1>
        %eq3A_1383 = arith.constant 10 : i32
        %eq3A_1384 = vector.broadcast %eq3A_1383 : i32 to vector<16xi32>
        %eq3A_1385 = arith.cmpi eq, %iota3A, %eq3A_1384 : vector<16xi32>
        %and3A_1386 = arith.andi %and3A_465, %eq3A_1385 : vector<16xi1>
        tpu.vector_store_idx %arg19[%select_n3A_468], %add3A_472 masked %and3A_1386 : memref<31264xi32, #tpu.memory_space<vmem>>[vector<16xi32>], vector<16xi32>, vector<16xi1>
        %eq3A_1387 = arith.constant 11 : i32
        %eq3A_1388 = vector.broadcast %eq3A_1387 : i32 to vector<16xi32>
        %eq3A_1389 = arith.cmpi eq, %iota3A, %eq3A_1388 : vector<16xi32>
        %and3A_1390 = arith.andi %and3A_465, %eq3A_1389 : vector<16xi1>
        tpu.vector_store_idx %arg19[%select_n3A_468], %add3A_472 masked %and3A_1390 : memref<31264xi32, #tpu.memory_space<vmem>>[vector<16xi32>], vector<16xi32>, vector<16xi1>
        %eq3A_1391 = arith.constant 12 : i32
        %eq3A_1392 = vector.broadcast %eq3A_1391 : i32 to vector<16xi32>
        %eq3A_1393 = arith.cmpi eq, %iota3A, %eq3A_1392 : vector<16xi32>
        %and3A_1394 = arith.andi %and3A_465, %eq3A_1393 : vector<16xi1>
        tpu.vector_store_idx %arg19[%select_n3A_468], %add3A_472 masked %and3A_1394 : memref<31264xi32, #tpu.memory_space<vmem>>[vector<16xi32>], vector<16xi32>, vector<16xi1>
        %eq3A_1395 = arith.constant 13 : i32
        %eq3A_1396 = vector.broadcast %eq3A_1395 : i32 to vector<16xi32>
        %eq3A_1397 = arith.cmpi eq, %iota3A, %eq3A_1396 : vector<16xi32>
        %and3A_1398 = arith.andi %and3A_465, %eq3A_1397 : vector<16xi1>
        tpu.vector_store_idx %arg19[%select_n3A_468], %add3A_472 masked %and3A_1398 : memref<31264xi32, #tpu.memory_space<vmem>>[vector<16xi32>], vector<16xi32>, vector<16xi1>
        %eq3A_1399 = arith.constant 14 : i32
        %eq3A_1400 = vector.broadcast %eq3A_1399 : i32 to vector<16xi32>
        %eq3A_1401 = arith.cmpi eq, %iota3A, %eq3A_1400 : vector<16xi32>
        %and3A_1402 = arith.andi %and3A_465, %eq3A_1401 : vector<16xi1>
        tpu.vector_store_idx %arg19[%select_n3A_468], %add3A_472 masked %and3A_1402 : memref<31264xi32, #tpu.memory_space<vmem>>[vector<16xi32>], vector<16xi32>, vector<16xi1>
        %eq3A_1403 = arith.constant 15 : i32
        %eq3A_1404 = vector.broadcast %eq3A_1403 : i32 to vector<16xi32>
        %eq3A_1405 = arith.cmpi eq, %iota3A, %eq3A_1404 : vector<16xi32>
        %and3A_1406 = arith.andi %and3A_465, %eq3A_1405 : vector<16xi1>
        tpu.vector_store_idx %arg19[%select_n3A_468], %add3A_472 masked %and3A_1406 : memref<31264xi32, #tpu.memory_space<vmem>>[vector<16xi32>], vector<16xi32>, vector<16xi1>
        %eq3A_1407 = arith.constant 0 : i32
        %eq3A_1408 = vector.broadcast %eq3A_1407 : i32 to vector<16xi32>
        %eq3A_1409 = arith.cmpi eq, %iota3A, %eq3A_1408 : vector<16xi32>
        %and3A_1410 = arith.andi %and3A_489, %eq3A_1409 : vector<16xi1>
        tpu.vector_store_idx %arg19[%select_n3A_492], %add3A_496 masked %and3A_1410 : memref<31264xi32, #tpu.memory_space<vmem>>[vector<16xi32>], vector<16xi32>, vector<16xi1>
        %eq3A_1411 = arith.constant 1 : i32
        %eq3A_1412 = vector.broadcast %eq3A_1411 : i32 to vector<16xi32>
        %eq3A_1413 = arith.cmpi eq, %iota3A, %eq3A_1412 : vector<16xi32>
        %and3A_1414 = arith.andi %and3A_489, %eq3A_1413 : vector<16xi1>
        tpu.vector_store_idx %arg19[%select_n3A_492], %add3A_496 masked %and3A_1414 : memref<31264xi32, #tpu.memory_space<vmem>>[vector<16xi32>], vector<16xi32>, vector<16xi1>
        %eq3A_1415 = arith.constant 2 : i32
        %eq3A_1416 = vector.broadcast %eq3A_1415 : i32 to vector<16xi32>
        %eq3A_1417 = arith.cmpi eq, %iota3A, %eq3A_1416 : vector<16xi32>
        %and3A_1418 = arith.andi %and3A_489, %eq3A_1417 : vector<16xi1>
        tpu.vector_store_idx %arg19[%select_n3A_492], %add3A_496 masked %and3A_1418 : memref<31264xi32, #tpu.memory_space<vmem>>[vector<16xi32>], vector<16xi32>, vector<16xi1>
        %eq3A_1419 = arith.constant 3 : i32
        %eq3A_1420 = vector.broadcast %eq3A_1419 : i32 to vector<16xi32>
        %eq3A_1421 = arith.cmpi eq, %iota3A, %eq3A_1420 : vector<16xi32>
        %and3A_1422 = arith.andi %and3A_489, %eq3A_1421 : vector<16xi1>
        tpu.vector_store_idx %arg19[%select_n3A_492], %add3A_496 masked %and3A_1422 : memref<31264xi32, #tpu.memory_space<vmem>>[vector<16xi32>], vector<16xi32>, vector<16xi1>
        %eq3A_1423 = arith.constant 4 : i32
        %eq3A_1424 = vector.broadcast %eq3A_1423 : i32 to vector<16xi32>
        %eq3A_1425 = arith.cmpi eq, %iota3A, %eq3A_1424 : vector<16xi32>
        %and3A_1426 = arith.andi %and3A_489, %eq3A_1425 : vector<16xi1>
        tpu.vector_store_idx %arg19[%select_n3A_492], %add3A_496 masked %and3A_1426 : memref<31264xi32, #tpu.memory_space<vmem>>[vector<16xi32>], vector<16xi32>, vector<16xi1>
        %eq3A_1427 = arith.constant 5 : i32
        %eq3A_1428 = vector.broadcast %eq3A_1427 : i32 to vector<16xi32>
        %eq3A_1429 = arith.cmpi eq, %iota3A, %eq3A_1428 : vector<16xi32>
        %and3A_1430 = arith.andi %and3A_489, %eq3A_1429 : vector<16xi1>
        tpu.vector_store_idx %arg19[%select_n3A_492], %add3A_496 masked %and3A_1430 : memref<31264xi32, #tpu.memory_space<vmem>>[vector<16xi32>], vector<16xi32>, vector<16xi1>
        %eq3A_1431 = arith.constant 6 : i32
        %eq3A_1432 = vector.broadcast %eq3A_1431 : i32 to vector<16xi32>
        %eq3A_1433 = arith.cmpi eq, %iota3A, %eq3A_1432 : vector<16xi32>
        %and3A_1434 = arith.andi %and3A_489, %eq3A_1433 : vector<16xi1>
        tpu.vector_store_idx %arg19[%select_n3A_492], %add3A_496 masked %and3A_1434 : memref<31264xi32, #tpu.memory_space<vmem>>[vector<16xi32>], vector<16xi32>, vector<16xi1>
        %eq3A_1435 = arith.constant 7 : i32
        %eq3A_1436 = vector.broadcast %eq3A_1435 : i32 to vector<16xi32>
        %eq3A_1437 = arith.cmpi eq, %iota3A, %eq3A_1436 : vector<16xi32>
        %and3A_1438 = arith.andi %and3A_489, %eq3A_1437 : vector<16xi1>
        tpu.vector_store_idx %arg19[%select_n3A_492], %add3A_496 masked %and3A_1438 : memref<31264xi32, #tpu.memory_space<vmem>>[vector<16xi32>], vector<16xi32>, vector<16xi1>
        %eq3A_1439 = arith.constant 8 : i32
        %eq3A_1440 = vector.broadcast %eq3A_1439 : i32 to vector<16xi32>
        %eq3A_1441 = arith.cmpi eq, %iota3A, %eq3A_1440 : vector<16xi32>
        %and3A_1442 = arith.andi %and3A_489, %eq3A_1441 : vector<16xi1>
        tpu.vector_store_idx %arg19[%select_n3A_492], %add3A_496 masked %and3A_1442 : memref<31264xi32, #tpu.memory_space<vmem>>[vector<16xi32>], vector<16xi32>, vector<16xi1>
        %eq3A_1443 = arith.constant 9 : i32
        %eq3A_1444 = vector.broadcast %eq3A_1443 : i32 to vector<16xi32>
        %eq3A_1445 = arith.cmpi eq, %iota3A, %eq3A_1444 : vector<16xi32>
        %and3A_1446 = arith.andi %and3A_489, %eq3A_1445 : vector<16xi1>
        tpu.vector_store_idx %arg19[%select_n3A_492], %add3A_496 masked %and3A_1446 : memref<31264xi32, #tpu.memory_space<vmem>>[vector<16xi32>], vector<16xi32>, vector<16xi1>
        %eq3A_1447 = arith.constant 10 : i32
        %eq3A_1448 = vector.broadcast %eq3A_1447 : i32 to vector<16xi32>
        %eq3A_1449 = arith.cmpi eq, %iota3A, %eq3A_1448 : vector<16xi32>
        %and3A_1450 = arith.andi %and3A_489, %eq3A_1449 : vector<16xi1>
        tpu.vector_store_idx %arg19[%select_n3A_492], %add3A_496 masked %and3A_1450 : memref<31264xi32, #tpu.memory_space<vmem>>[vector<16xi32>], vector<16xi32>, vector<16xi1>
        %eq3A_1451 = arith.constant 11 : i32
        %eq3A_1452 = vector.broadcast %eq3A_1451 : i32 to vector<16xi32>
        %eq3A_1453 = arith.cmpi eq, %iota3A, %eq3A_1452 : vector<16xi32>
        %and3A_1454 = arith.andi %and3A_489, %eq3A_1453 : vector<16xi1>
        tpu.vector_store_idx %arg19[%select_n3A_492], %add3A_496 masked %and3A_1454 : memref<31264xi32, #tpu.memory_space<vmem>>[vector<16xi32>], vector<16xi32>, vector<16xi1>
        %eq3A_1455 = arith.constant 12 : i32
        %eq3A_1456 = vector.broadcast %eq3A_1455 : i32 to vector<16xi32>
        %eq3A_1457 = arith.cmpi eq, %iota3A, %eq3A_1456 : vector<16xi32>
        %and3A_1458 = arith.andi %and3A_489, %eq3A_1457 : vector<16xi1>
        tpu.vector_store_idx %arg19[%select_n3A_492], %add3A_496 masked %and3A_1458 : memref<31264xi32, #tpu.memory_space<vmem>>[vector<16xi32>], vector<16xi32>, vector<16xi1>
        %eq3A_1459 = arith.constant 13 : i32
        %eq3A_1460 = vector.broadcast %eq3A_1459 : i32 to vector<16xi32>
        %eq3A_1461 = arith.cmpi eq, %iota3A, %eq3A_1460 : vector<16xi32>
        %and3A_1462 = arith.andi %and3A_489, %eq3A_1461 : vector<16xi1>
        tpu.vector_store_idx %arg19[%select_n3A_492], %add3A_496 masked %and3A_1462 : memref<31264xi32, #tpu.memory_space<vmem>>[vector<16xi32>], vector<16xi32>, vector<16xi1>
        %eq3A_1463 = arith.constant 14 : i32
        %eq3A_1464 = vector.broadcast %eq3A_1463 : i32 to vector<16xi32>
        %eq3A_1465 = arith.cmpi eq, %iota3A, %eq3A_1464 : vector<16xi32>
        %and3A_1466 = arith.andi %and3A_489, %eq3A_1465 : vector<16xi1>
        tpu.vector_store_idx %arg19[%select_n3A_492], %add3A_496 masked %and3A_1466 : memref<31264xi32, #tpu.memory_space<vmem>>[vector<16xi32>], vector<16xi32>, vector<16xi1>
        %eq3A_1467 = arith.constant 15 : i32
        %eq3A_1468 = vector.broadcast %eq3A_1467 : i32 to vector<16xi32>
        %eq3A_1469 = arith.cmpi eq, %iota3A, %eq3A_1468 : vector<16xi32>
        %and3A_1470 = arith.andi %and3A_489, %eq3A_1469 : vector<16xi1>
        tpu.vector_store_idx %arg19[%select_n3A_492], %add3A_496 masked %and3A_1470 : memref<31264xi32, #tpu.memory_space<vmem>>[vector<16xi32>], vector<16xi32>, vector<16xi1>
        %eq3A_1471 = arith.constant 0 : i32
        %eq3A_1472 = vector.broadcast %eq3A_1471 : i32 to vector<16xi32>
        %eq3A_1473 = arith.cmpi eq, %iota3A, %eq3A_1472 : vector<16xi32>
        %and3A_1474 = arith.andi %and3A_513, %eq3A_1473 : vector<16xi1>
        tpu.vector_store_idx %arg19[%select_n3A_516], %add3A_520 masked %and3A_1474 : memref<31264xi32, #tpu.memory_space<vmem>>[vector<16xi32>], vector<16xi32>, vector<16xi1>
        %eq3A_1475 = arith.constant 1 : i32
        %eq3A_1476 = vector.broadcast %eq3A_1475 : i32 to vector<16xi32>
        %eq3A_1477 = arith.cmpi eq, %iota3A, %eq3A_1476 : vector<16xi32>
        %and3A_1478 = arith.andi %and3A_513, %eq3A_1477 : vector<16xi1>
        tpu.vector_store_idx %arg19[%select_n3A_516], %add3A_520 masked %and3A_1478 : memref<31264xi32, #tpu.memory_space<vmem>>[vector<16xi32>], vector<16xi32>, vector<16xi1>
        %eq3A_1479 = arith.constant 2 : i32
        %eq3A_1480 = vector.broadcast %eq3A_1479 : i32 to vector<16xi32>
        %eq3A_1481 = arith.cmpi eq, %iota3A, %eq3A_1480 : vector<16xi32>
        %and3A_1482 = arith.andi %and3A_513, %eq3A_1481 : vector<16xi1>
        tpu.vector_store_idx %arg19[%select_n3A_516], %add3A_520 masked %and3A_1482 : memref<31264xi32, #tpu.memory_space<vmem>>[vector<16xi32>], vector<16xi32>, vector<16xi1>
        %eq3A_1483 = arith.constant 3 : i32
        %eq3A_1484 = vector.broadcast %eq3A_1483 : i32 to vector<16xi32>
        %eq3A_1485 = arith.cmpi eq, %iota3A, %eq3A_1484 : vector<16xi32>
        %and3A_1486 = arith.andi %and3A_513, %eq3A_1485 : vector<16xi1>
        tpu.vector_store_idx %arg19[%select_n3A_516], %add3A_520 masked %and3A_1486 : memref<31264xi32, #tpu.memory_space<vmem>>[vector<16xi32>], vector<16xi32>, vector<16xi1>
        %eq3A_1487 = arith.constant 4 : i32
        %eq3A_1488 = vector.broadcast %eq3A_1487 : i32 to vector<16xi32>
        %eq3A_1489 = arith.cmpi eq, %iota3A, %eq3A_1488 : vector<16xi32>
        %and3A_1490 = arith.andi %and3A_513, %eq3A_1489 : vector<16xi1>
        tpu.vector_store_idx %arg19[%select_n3A_516], %add3A_520 masked %and3A_1490 : memref<31264xi32, #tpu.memory_space<vmem>>[vector<16xi32>], vector<16xi32>, vector<16xi1>
        %eq3A_1491 = arith.constant 5 : i32
        %eq3A_1492 = vector.broadcast %eq3A_1491 : i32 to vector<16xi32>
        %eq3A_1493 = arith.cmpi eq, %iota3A, %eq3A_1492 : vector<16xi32>
        %and3A_1494 = arith.andi %and3A_513, %eq3A_1493 : vector<16xi1>
        tpu.vector_store_idx %arg19[%select_n3A_516], %add3A_520 masked %and3A_1494 : memref<31264xi32, #tpu.memory_space<vmem>>[vector<16xi32>], vector<16xi32>, vector<16xi1>
        %eq3A_1495 = arith.constant 6 : i32
        %eq3A_1496 = vector.broadcast %eq3A_1495 : i32 to vector<16xi32>
        %eq3A_1497 = arith.cmpi eq, %iota3A, %eq3A_1496 : vector<16xi32>
        %and3A_1498 = arith.andi %and3A_513, %eq3A_1497 : vector<16xi1>
        tpu.vector_store_idx %arg19[%select_n3A_516], %add3A_520 masked %and3A_1498 : memref<31264xi32, #tpu.memory_space<vmem>>[vector<16xi32>], vector<16xi32>, vector<16xi1>
        %eq3A_1499 = arith.constant 7 : i32
        %eq3A_1500 = vector.broadcast %eq3A_1499 : i32 to vector<16xi32>
        %eq3A_1501 = arith.cmpi eq, %iota3A, %eq3A_1500 : vector<16xi32>
        %and3A_1502 = arith.andi %and3A_513, %eq3A_1501 : vector<16xi1>
        tpu.vector_store_idx %arg19[%select_n3A_516], %add3A_520 masked %and3A_1502 : memref<31264xi32, #tpu.memory_space<vmem>>[vector<16xi32>], vector<16xi32>, vector<16xi1>
        %eq3A_1503 = arith.constant 8 : i32
        %eq3A_1504 = vector.broadcast %eq3A_1503 : i32 to vector<16xi32>
        %eq3A_1505 = arith.cmpi eq, %iota3A, %eq3A_1504 : vector<16xi32>
        %and3A_1506 = arith.andi %and3A_513, %eq3A_1505 : vector<16xi1>
        tpu.vector_store_idx %arg19[%select_n3A_516], %add3A_520 masked %and3A_1506 : memref<31264xi32, #tpu.memory_space<vmem>>[vector<16xi32>], vector<16xi32>, vector<16xi1>
        %eq3A_1507 = arith.constant 9 : i32
        %eq3A_1508 = vector.broadcast %eq3A_1507 : i32 to vector<16xi32>
        %eq3A_1509 = arith.cmpi eq, %iota3A, %eq3A_1508 : vector<16xi32>
        %and3A_1510 = arith.andi %and3A_513, %eq3A_1509 : vector<16xi1>
        tpu.vector_store_idx %arg19[%select_n3A_516], %add3A_520 masked %and3A_1510 : memref<31264xi32, #tpu.memory_space<vmem>>[vector<16xi32>], vector<16xi32>, vector<16xi1>
        %eq3A_1511 = arith.constant 10 : i32
        %eq3A_1512 = vector.broadcast %eq3A_1511 : i32 to vector<16xi32>
        %eq3A_1513 = arith.cmpi eq, %iota3A, %eq3A_1512 : vector<16xi32>
        %and3A_1514 = arith.andi %and3A_513, %eq3A_1513 : vector<16xi1>
        tpu.vector_store_idx %arg19[%select_n3A_516], %add3A_520 masked %and3A_1514 : memref<31264xi32, #tpu.memory_space<vmem>>[vector<16xi32>], vector<16xi32>, vector<16xi1>
        %eq3A_1515 = arith.constant 11 : i32
        %eq3A_1516 = vector.broadcast %eq3A_1515 : i32 to vector<16xi32>
        %eq3A_1517 = arith.cmpi eq, %iota3A, %eq3A_1516 : vector<16xi32>
        %and3A_1518 = arith.andi %and3A_513, %eq3A_1517 : vector<16xi1>
        tpu.vector_store_idx %arg19[%select_n3A_516], %add3A_520 masked %and3A_1518 : memref<31264xi32, #tpu.memory_space<vmem>>[vector<16xi32>], vector<16xi32>, vector<16xi1>
        %eq3A_1519 = arith.constant 12 : i32
        %eq3A_1520 = vector.broadcast %eq3A_1519 : i32 to vector<16xi32>
        %eq3A_1521 = arith.cmpi eq, %iota3A, %eq3A_1520 : vector<16xi32>
        %and3A_1522 = arith.andi %and3A_513, %eq3A_1521 : vector<16xi1>
        tpu.vector_store_idx %arg19[%select_n3A_516], %add3A_520 masked %and3A_1522 : memref<31264xi32, #tpu.memory_space<vmem>>[vector<16xi32>], vector<16xi32>, vector<16xi1>
        %eq3A_1523 = arith.constant 13 : i32
        %eq3A_1524 = vector.broadcast %eq3A_1523 : i32 to vector<16xi32>
        %eq3A_1525 = arith.cmpi eq, %iota3A, %eq3A_1524 : vector<16xi32>
        %and3A_1526 = arith.andi %and3A_513, %eq3A_1525 : vector<16xi1>
        tpu.vector_store_idx %arg19[%select_n3A_516], %add3A_520 masked %and3A_1526 : memref<31264xi32, #tpu.memory_space<vmem>>[vector<16xi32>], vector<16xi32>, vector<16xi1>
        %eq3A_1527 = arith.constant 14 : i32
        %eq3A_1528 = vector.broadcast %eq3A_1527 : i32 to vector<16xi32>
        %eq3A_1529 = arith.cmpi eq, %iota3A, %eq3A_1528 : vector<16xi32>
        %and3A_1530 = arith.andi %and3A_513, %eq3A_1529 : vector<16xi1>
        tpu.vector_store_idx %arg19[%select_n3A_516], %add3A_520 masked %and3A_1530 : memref<31264xi32, #tpu.memory_space<vmem>>[vector<16xi32>], vector<16xi32>, vector<16xi1>
        %eq3A_1531 = arith.constant 15 : i32
        %eq3A_1532 = vector.broadcast %eq3A_1531 : i32 to vector<16xi32>
        %eq3A_1533 = arith.cmpi eq, %iota3A, %eq3A_1532 : vector<16xi32>
        %and3A_1534 = arith.andi %and3A_513, %eq3A_1533 : vector<16xi1>
        tpu.vector_store_idx %arg19[%select_n3A_516], %add3A_520 masked %and3A_1534 : memref<31264xi32, #tpu.memory_space<vmem>>[vector<16xi32>], vector<16xi32>, vector<16xi1>
        %eq3A_1535 = arith.constant 0 : i32
        %eq3A_1536 = vector.broadcast %eq3A_1535 : i32 to vector<16xi32>
        %eq3A_1537 = arith.cmpi eq, %iota3A, %eq3A_1536 : vector<16xi32>
        %and3A_1538 = arith.andi %and3A_537, %eq3A_1537 : vector<16xi1>
        tpu.vector_store_idx %arg19[%select_n3A_540], %add3A_544 masked %and3A_1538 : memref<31264xi32, #tpu.memory_space<vmem>>[vector<16xi32>], vector<16xi32>, vector<16xi1>
        %eq3A_1539 = arith.constant 1 : i32
        %eq3A_1540 = vector.broadcast %eq3A_1539 : i32 to vector<16xi32>
        %eq3A_1541 = arith.cmpi eq, %iota3A, %eq3A_1540 : vector<16xi32>
        %and3A_1542 = arith.andi %and3A_537, %eq3A_1541 : vector<16xi1>
        tpu.vector_store_idx %arg19[%select_n3A_540], %add3A_544 masked %and3A_1542 : memref<31264xi32, #tpu.memory_space<vmem>>[vector<16xi32>], vector<16xi32>, vector<16xi1>
        %eq3A_1543 = arith.constant 2 : i32
        %eq3A_1544 = vector.broadcast %eq3A_1543 : i32 to vector<16xi32>
        %eq3A_1545 = arith.cmpi eq, %iota3A, %eq3A_1544 : vector<16xi32>
        %and3A_1546 = arith.andi %and3A_537, %eq3A_1545 : vector<16xi1>
        tpu.vector_store_idx %arg19[%select_n3A_540], %add3A_544 masked %and3A_1546 : memref<31264xi32, #tpu.memory_space<vmem>>[vector<16xi32>], vector<16xi32>, vector<16xi1>
        %eq3A_1547 = arith.constant 3 : i32
        %eq3A_1548 = vector.broadcast %eq3A_1547 : i32 to vector<16xi32>
        %eq3A_1549 = arith.cmpi eq, %iota3A, %eq3A_1548 : vector<16xi32>
        %and3A_1550 = arith.andi %and3A_537, %eq3A_1549 : vector<16xi1>
        tpu.vector_store_idx %arg19[%select_n3A_540], %add3A_544 masked %and3A_1550 : memref<31264xi32, #tpu.memory_space<vmem>>[vector<16xi32>], vector<16xi32>, vector<16xi1>
        %eq3A_1551 = arith.constant 4 : i32
        %eq3A_1552 = vector.broadcast %eq3A_1551 : i32 to vector<16xi32>
        %eq3A_1553 = arith.cmpi eq, %iota3A, %eq3A_1552 : vector<16xi32>
        %and3A_1554 = arith.andi %and3A_537, %eq3A_1553 : vector<16xi1>
        tpu.vector_store_idx %arg19[%select_n3A_540], %add3A_544 masked %and3A_1554 : memref<31264xi32, #tpu.memory_space<vmem>>[vector<16xi32>], vector<16xi32>, vector<16xi1>
        %eq3A_1555 = arith.constant 5 : i32
        %eq3A_1556 = vector.broadcast %eq3A_1555 : i32 to vector<16xi32>
        %eq3A_1557 = arith.cmpi eq, %iota3A, %eq3A_1556 : vector<16xi32>
        %and3A_1558 = arith.andi %and3A_537, %eq3A_1557 : vector<16xi1>
        tpu.vector_store_idx %arg19[%select_n3A_540], %add3A_544 masked %and3A_1558 : memref<31264xi32, #tpu.memory_space<vmem>>[vector<16xi32>], vector<16xi32>, vector<16xi1>
        %eq3A_1559 = arith.constant 6 : i32
        %eq3A_1560 = vector.broadcast %eq3A_1559 : i32 to vector<16xi32>
        %eq3A_1561 = arith.cmpi eq, %iota3A, %eq3A_1560 : vector<16xi32>
        %and3A_1562 = arith.andi %and3A_537, %eq3A_1561 : vector<16xi1>
        tpu.vector_store_idx %arg19[%select_n3A_540], %add3A_544 masked %and3A_1562 : memref<31264xi32, #tpu.memory_space<vmem>>[vector<16xi32>], vector<16xi32>, vector<16xi1>
        %eq3A_1563 = arith.constant 7 : i32
        %eq3A_1564 = vector.broadcast %eq3A_1563 : i32 to vector<16xi32>
        %eq3A_1565 = arith.cmpi eq, %iota3A, %eq3A_1564 : vector<16xi32>
        %and3A_1566 = arith.andi %and3A_537, %eq3A_1565 : vector<16xi1>
        tpu.vector_store_idx %arg19[%select_n3A_540], %add3A_544 masked %and3A_1566 : memref<31264xi32, #tpu.memory_space<vmem>>[vector<16xi32>], vector<16xi32>, vector<16xi1>
        %eq3A_1567 = arith.constant 8 : i32
        %eq3A_1568 = vector.broadcast %eq3A_1567 : i32 to vector<16xi32>
        %eq3A_1569 = arith.cmpi eq, %iota3A, %eq3A_1568 : vector<16xi32>
        %and3A_1570 = arith.andi %and3A_537, %eq3A_1569 : vector<16xi1>
        tpu.vector_store_idx %arg19[%select_n3A_540], %add3A_544 masked %and3A_1570 : memref<31264xi32, #tpu.memory_space<vmem>>[vector<16xi32>], vector<16xi32>, vector<16xi1>
        %eq3A_1571 = arith.constant 9 : i32
        %eq3A_1572 = vector.broadcast %eq3A_1571 : i32 to vector<16xi32>
        %eq3A_1573 = arith.cmpi eq, %iota3A, %eq3A_1572 : vector<16xi32>
        %and3A_1574 = arith.andi %and3A_537, %eq3A_1573 : vector<16xi1>
        tpu.vector_store_idx %arg19[%select_n3A_540], %add3A_544 masked %and3A_1574 : memref<31264xi32, #tpu.memory_space<vmem>>[vector<16xi32>], vector<16xi32>, vector<16xi1>
        %eq3A_1575 = arith.constant 10 : i32
        %eq3A_1576 = vector.broadcast %eq3A_1575 : i32 to vector<16xi32>
        %eq3A_1577 = arith.cmpi eq, %iota3A, %eq3A_1576 : vector<16xi32>
        %and3A_1578 = arith.andi %and3A_537, %eq3A_1577 : vector<16xi1>
        tpu.vector_store_idx %arg19[%select_n3A_540], %add3A_544 masked %and3A_1578 : memref<31264xi32, #tpu.memory_space<vmem>>[vector<16xi32>], vector<16xi32>, vector<16xi1>
        %eq3A_1579 = arith.constant 11 : i32
        %eq3A_1580 = vector.broadcast %eq3A_1579 : i32 to vector<16xi32>
        %eq3A_1581 = arith.cmpi eq, %iota3A, %eq3A_1580 : vector<16xi32>
        %and3A_1582 = arith.andi %and3A_537, %eq3A_1581 : vector<16xi1>
        tpu.vector_store_idx %arg19[%select_n3A_540], %add3A_544 masked %and3A_1582 : memref<31264xi32, #tpu.memory_space<vmem>>[vector<16xi32>], vector<16xi32>, vector<16xi1>
        %eq3A_1583 = arith.constant 12 : i32
        %eq3A_1584 = vector.broadcast %eq3A_1583 : i32 to vector<16xi32>
        %eq3A_1585 = arith.cmpi eq, %iota3A, %eq3A_1584 : vector<16xi32>
        %and3A_1586 = arith.andi %and3A_537, %eq3A_1585 : vector<16xi1>
        tpu.vector_store_idx %arg19[%select_n3A_540], %add3A_544 masked %and3A_1586 : memref<31264xi32, #tpu.memory_space<vmem>>[vector<16xi32>], vector<16xi32>, vector<16xi1>
        %eq3A_1587 = arith.constant 13 : i32
        %eq3A_1588 = vector.broadcast %eq3A_1587 : i32 to vector<16xi32>
        %eq3A_1589 = arith.cmpi eq, %iota3A, %eq3A_1588 : vector<16xi32>
        %and3A_1590 = arith.andi %and3A_537, %eq3A_1589 : vector<16xi1>
        tpu.vector_store_idx %arg19[%select_n3A_540], %add3A_544 masked %and3A_1590 : memref<31264xi32, #tpu.memory_space<vmem>>[vector<16xi32>], vector<16xi32>, vector<16xi1>
        %eq3A_1591 = arith.constant 14 : i32
        %eq3A_1592 = vector.broadcast %eq3A_1591 : i32 to vector<16xi32>
        %eq3A_1593 = arith.cmpi eq, %iota3A, %eq3A_1592 : vector<16xi32>
        %and3A_1594 = arith.andi %and3A_537, %eq3A_1593 : vector<16xi1>
        tpu.vector_store_idx %arg19[%select_n3A_540], %add3A_544 masked %and3A_1594 : memref<31264xi32, #tpu.memory_space<vmem>>[vector<16xi32>], vector<16xi32>, vector<16xi1>
        %eq3A_1595 = arith.constant 15 : i32
        %eq3A_1596 = vector.broadcast %eq3A_1595 : i32 to vector<16xi32>
        %eq3A_1597 = arith.cmpi eq, %iota3A, %eq3A_1596 : vector<16xi32>
        %and3A_1598 = arith.andi %and3A_537, %eq3A_1597 : vector<16xi1>
        tpu.vector_store_idx %arg19[%select_n3A_540], %add3A_544 masked %and3A_1598 : memref<31264xi32, #tpu.memory_space<vmem>>[vector<16xi32>], vector<16xi32>, vector<16xi1>
        %eq3A_1599 = arith.constant 0 : i32
        %eq3A_1600 = vector.broadcast %eq3A_1599 : i32 to vector<16xi32>
        %eq3A_1601 = arith.cmpi eq, %iota3A, %eq3A_1600 : vector<16xi32>
        %and3A_1602 = arith.andi %and3A_561, %eq3A_1601 : vector<16xi1>
        tpu.vector_store_idx %arg19[%select_n3A_564], %add3A_568 masked %and3A_1602 : memref<31264xi32, #tpu.memory_space<vmem>>[vector<16xi32>], vector<16xi32>, vector<16xi1>
        %eq3A_1603 = arith.constant 1 : i32
        %eq3A_1604 = vector.broadcast %eq3A_1603 : i32 to vector<16xi32>
        %eq3A_1605 = arith.cmpi eq, %iota3A, %eq3A_1604 : vector<16xi32>
        %and3A_1606 = arith.andi %and3A_561, %eq3A_1605 : vector<16xi1>
        tpu.vector_store_idx %arg19[%select_n3A_564], %add3A_568 masked %and3A_1606 : memref<31264xi32, #tpu.memory_space<vmem>>[vector<16xi32>], vector<16xi32>, vector<16xi1>
        %eq3A_1607 = arith.constant 2 : i32
        %eq3A_1608 = vector.broadcast %eq3A_1607 : i32 to vector<16xi32>
        %eq3A_1609 = arith.cmpi eq, %iota3A, %eq3A_1608 : vector<16xi32>
        %and3A_1610 = arith.andi %and3A_561, %eq3A_1609 : vector<16xi1>
        tpu.vector_store_idx %arg19[%select_n3A_564], %add3A_568 masked %and3A_1610 : memref<31264xi32, #tpu.memory_space<vmem>>[vector<16xi32>], vector<16xi32>, vector<16xi1>
        %eq3A_1611 = arith.constant 3 : i32
        %eq3A_1612 = vector.broadcast %eq3A_1611 : i32 to vector<16xi32>
        %eq3A_1613 = arith.cmpi eq, %iota3A, %eq3A_1612 : vector<16xi32>
        %and3A_1614 = arith.andi %and3A_561, %eq3A_1613 : vector<16xi1>
        tpu.vector_store_idx %arg19[%select_n3A_564], %add3A_568 masked %and3A_1614 : memref<31264xi32, #tpu.memory_space<vmem>>[vector<16xi32>], vector<16xi32>, vector<16xi1>
        %eq3A_1615 = arith.constant 4 : i32
        %eq3A_1616 = vector.broadcast %eq3A_1615 : i32 to vector<16xi32>
        %eq3A_1617 = arith.cmpi eq, %iota3A, %eq3A_1616 : vector<16xi32>
        %and3A_1618 = arith.andi %and3A_561, %eq3A_1617 : vector<16xi1>
        tpu.vector_store_idx %arg19[%select_n3A_564], %add3A_568 masked %and3A_1618 : memref<31264xi32, #tpu.memory_space<vmem>>[vector<16xi32>], vector<16xi32>, vector<16xi1>
        %eq3A_1619 = arith.constant 5 : i32
        %eq3A_1620 = vector.broadcast %eq3A_1619 : i32 to vector<16xi32>
        %eq3A_1621 = arith.cmpi eq, %iota3A, %eq3A_1620 : vector<16xi32>
        %and3A_1622 = arith.andi %and3A_561, %eq3A_1621 : vector<16xi1>
        tpu.vector_store_idx %arg19[%select_n3A_564], %add3A_568 masked %and3A_1622 : memref<31264xi32, #tpu.memory_space<vmem>>[vector<16xi32>], vector<16xi32>, vector<16xi1>
        %eq3A_1623 = arith.constant 6 : i32
        %eq3A_1624 = vector.broadcast %eq3A_1623 : i32 to vector<16xi32>
        %eq3A_1625 = arith.cmpi eq, %iota3A, %eq3A_1624 : vector<16xi32>
        %and3A_1626 = arith.andi %and3A_561, %eq3A_1625 : vector<16xi1>
        tpu.vector_store_idx %arg19[%select_n3A_564], %add3A_568 masked %and3A_1626 : memref<31264xi32, #tpu.memory_space<vmem>>[vector<16xi32>], vector<16xi32>, vector<16xi1>
        %eq3A_1627 = arith.constant 7 : i32
        %eq3A_1628 = vector.broadcast %eq3A_1627 : i32 to vector<16xi32>
        %eq3A_1629 = arith.cmpi eq, %iota3A, %eq3A_1628 : vector<16xi32>
        %and3A_1630 = arith.andi %and3A_561, %eq3A_1629 : vector<16xi1>
        tpu.vector_store_idx %arg19[%select_n3A_564], %add3A_568 masked %and3A_1630 : memref<31264xi32, #tpu.memory_space<vmem>>[vector<16xi32>], vector<16xi32>, vector<16xi1>
        %eq3A_1631 = arith.constant 8 : i32
        %eq3A_1632 = vector.broadcast %eq3A_1631 : i32 to vector<16xi32>
        %eq3A_1633 = arith.cmpi eq, %iota3A, %eq3A_1632 : vector<16xi32>
        %and3A_1634 = arith.andi %and3A_561, %eq3A_1633 : vector<16xi1>
        tpu.vector_store_idx %arg19[%select_n3A_564], %add3A_568 masked %and3A_1634 : memref<31264xi32, #tpu.memory_space<vmem>>[vector<16xi32>], vector<16xi32>, vector<16xi1>
        %eq3A_1635 = arith.constant 9 : i32
        %eq3A_1636 = vector.broadcast %eq3A_1635 : i32 to vector<16xi32>
        %eq3A_1637 = arith.cmpi eq, %iota3A, %eq3A_1636 : vector<16xi32>
        %and3A_1638 = arith.andi %and3A_561, %eq3A_1637 : vector<16xi1>
        tpu.vector_store_idx %arg19[%select_n3A_564], %add3A_568 masked %and3A_1638 : memref<31264xi32, #tpu.memory_space<vmem>>[vector<16xi32>], vector<16xi32>, vector<16xi1>
        %eq3A_1639 = arith.constant 10 : i32
        %eq3A_1640 = vector.broadcast %eq3A_1639 : i32 to vector<16xi32>
        %eq3A_1641 = arith.cmpi eq, %iota3A, %eq3A_1640 : vector<16xi32>
        %and3A_1642 = arith.andi %and3A_561, %eq3A_1641 : vector<16xi1>
        tpu.vector_store_idx %arg19[%select_n3A_564], %add3A_568 masked %and3A_1642 : memref<31264xi32, #tpu.memory_space<vmem>>[vector<16xi32>], vector<16xi32>, vector<16xi1>
        %eq3A_1643 = arith.constant 11 : i32
        %eq3A_1644 = vector.broadcast %eq3A_1643 : i32 to vector<16xi32>
        %eq3A_1645 = arith.cmpi eq, %iota3A, %eq3A_1644 : vector<16xi32>
        %and3A_1646 = arith.andi %and3A_561, %eq3A_1645 : vector<16xi1>
        tpu.vector_store_idx %arg19[%select_n3A_564], %add3A_568 masked %and3A_1646 : memref<31264xi32, #tpu.memory_space<vmem>>[vector<16xi32>], vector<16xi32>, vector<16xi1>
        %eq3A_1647 = arith.constant 12 : i32
        %eq3A_1648 = vector.broadcast %eq3A_1647 : i32 to vector<16xi32>
        %eq3A_1649 = arith.cmpi eq, %iota3A, %eq3A_1648 : vector<16xi32>
        %and3A_1650 = arith.andi %and3A_561, %eq3A_1649 : vector<16xi1>
        tpu.vector_store_idx %arg19[%select_n3A_564], %add3A_568 masked %and3A_1650 : memref<31264xi32, #tpu.memory_space<vmem>>[vector<16xi32>], vector<16xi32>, vector<16xi1>
        %eq3A_1651 = arith.constant 13 : i32
        %eq3A_1652 = vector.broadcast %eq3A_1651 : i32 to vector<16xi32>
        %eq3A_1653 = arith.cmpi eq, %iota3A, %eq3A_1652 : vector<16xi32>
        %and3A_1654 = arith.andi %and3A_561, %eq3A_1653 : vector<16xi1>
        tpu.vector_store_idx %arg19[%select_n3A_564], %add3A_568 masked %and3A_1654 : memref<31264xi32, #tpu.memory_space<vmem>>[vector<16xi32>], vector<16xi32>, vector<16xi1>
        %eq3A_1655 = arith.constant 14 : i32
        %eq3A_1656 = vector.broadcast %eq3A_1655 : i32 to vector<16xi32>
        %eq3A_1657 = arith.cmpi eq, %iota3A, %eq3A_1656 : vector<16xi32>
        %and3A_1658 = arith.andi %and3A_561, %eq3A_1657 : vector<16xi1>
        tpu.vector_store_idx %arg19[%select_n3A_564], %add3A_568 masked %and3A_1658 : memref<31264xi32, #tpu.memory_space<vmem>>[vector<16xi32>], vector<16xi32>, vector<16xi1>
        %eq3A_1659 = arith.constant 15 : i32
        %eq3A_1660 = vector.broadcast %eq3A_1659 : i32 to vector<16xi32>
        %eq3A_1661 = arith.cmpi eq, %iota3A, %eq3A_1660 : vector<16xi32>
        %and3A_1662 = arith.andi %and3A_561, %eq3A_1661 : vector<16xi1>
        tpu.vector_store_idx %arg19[%select_n3A_564], %add3A_568 masked %and3A_1662 : memref<31264xi32, #tpu.memory_space<vmem>>[vector<16xi32>], vector<16xi32>, vector<16xi1>
      } else {
      }
    }
    %scan3A_88 = arith.constant 64 : i32
    %mul3A_89 = arith.constant 31264 : i32
    %mul3A_90 = arith.muli %add3A, %mul3A_89 : i32
    %dma_start3A_91 = tpu.memref_slice %arg12[%mul3A_90] : memref<1000448xi32, #tpu.memory_space<hbm>> -> memref<31264xi32, #tpu.memory_space<hbm>>
    %dma_start3A_92 = tpu.memref_slice %arg12[%mul3A_90] : memref<1000448xi32, #tpu.memory_space<hbm>> -> memref<31264xi32, #tpu.memory_space<hbm>>
    tpu.enqueue_dma source(%arg19 : memref<31264xi32, #tpu.memory_space<vmem>>) target(%dma_start3A_92 : memref<31264xi32, #tpu.memory_space<hbm>>) target_semaphore(%arg34 : memref<!tpu.dma_semaphore, #tpu.memory_space<semaphore_mem>>)
    %dma_wait3A = tpu.memref_slice %arg3[%mul3A_2] : memref<16384xf32, #tpu.memory_space<hbm>> -> memref<512xf32, #tpu.memory_space<hbm>>
    %dma_wait3A_93 = tpu.memref_slice %arg3[%mul3A_2] : memref<16384xf32, #tpu.memory_space<hbm>> -> memref<512xf32, #tpu.memory_space<hbm>>
    tpu.wait_dma2 semaphore(%arg34 : memref<!tpu.dma_semaphore, #tpu.memory_space<semaphore_mem>>) src(%dma_wait3A_93 : memref<512xf32, #tpu.memory_space<hbm>>) dst(%arg20 : memref<512xf32, #tpu.memory_space<vmem>>)
    %dma_wait3A_94 = tpu.memref_slice %arg4[%mul3A_2] : memref<16384xf32, #tpu.memory_space<hbm>> -> memref<512xf32, #tpu.memory_space<hbm>>
    %dma_wait3A_95 = tpu.memref_slice %arg4[%mul3A_2] : memref<16384xf32, #tpu.memory_space<hbm>> -> memref<512xf32, #tpu.memory_space<hbm>>
    tpu.wait_dma2 semaphore(%arg34 : memref<!tpu.dma_semaphore, #tpu.memory_space<semaphore_mem>>) src(%dma_wait3A_95 : memref<512xf32, #tpu.memory_space<hbm>>) dst(%arg21 : memref<512xf32, #tpu.memory_space<vmem>>)
    %dma_wait3A_96 = tpu.memref_slice %arg5[%mul3A_2] : memref<16384xf32, #tpu.memory_space<hbm>> -> memref<512xf32, #tpu.memory_space<hbm>>
    %dma_wait3A_97 = tpu.memref_slice %arg5[%mul3A_2] : memref<16384xf32, #tpu.memory_space<hbm>> -> memref<512xf32, #tpu.memory_space<hbm>>
    tpu.wait_dma2 semaphore(%arg34 : memref<!tpu.dma_semaphore, #tpu.memory_space<semaphore_mem>>) src(%dma_wait3A_97 : memref<512xf32, #tpu.memory_space<hbm>>) dst(%arg22 : memref<512xf32, #tpu.memory_space<vmem>>)
    %dma_wait3A_98 = tpu.memref_slice %arg6[%mul3A_2] : memref<16384xf32, #tpu.memory_space<hbm>> -> memref<512xf32, #tpu.memory_space<hbm>>
    %dma_wait3A_99 = tpu.memref_slice %arg6[%mul3A_2] : memref<16384xf32, #tpu.memory_space<hbm>> -> memref<512xf32, #tpu.memory_space<hbm>>
    tpu.wait_dma2 semaphore(%arg34 : memref<!tpu.dma_semaphore, #tpu.memory_space<semaphore_mem>>) src(%dma_wait3A_99 : memref<512xf32, #tpu.memory_space<hbm>>) dst(%arg23 : memref<512xf32, #tpu.memory_space<vmem>>)
    %dma_wait3A_100 = tpu.memref_slice %arg7[%mul3A_2] : memref<16384xf32, #tpu.memory_space<hbm>> -> memref<512xf32, #tpu.memory_space<hbm>>
    %dma_wait3A_101 = tpu.memref_slice %arg7[%mul3A_2] : memref<16384xf32, #tpu.memory_space<hbm>> -> memref<512xf32, #tpu.memory_space<hbm>>
    tpu.wait_dma2 semaphore(%arg34 : memref<!tpu.dma_semaphore, #tpu.memory_space<semaphore_mem>>) src(%dma_wait3A_101 : memref<512xf32, #tpu.memory_space<hbm>>) dst(%arg24 : memref<512xf32, #tpu.memory_space<vmem>>)
    %dma_wait3A_102 = tpu.memref_slice %arg8[%mul3A_2] : memref<16384xf32, #tpu.memory_space<hbm>> -> memref<512xf32, #tpu.memory_space<hbm>>
    %dma_wait3A_103 = tpu.memref_slice %arg8[%mul3A_2] : memref<16384xf32, #tpu.memory_space<hbm>> -> memref<512xf32, #tpu.memory_space<hbm>>
    tpu.wait_dma2 semaphore(%arg34 : memref<!tpu.dma_semaphore, #tpu.memory_space<semaphore_mem>>) src(%dma_wait3A_103 : memref<512xf32, #tpu.memory_space<hbm>>) dst(%arg25 : memref<512xf32, #tpu.memory_space<vmem>>)
    %dma_wait3A_104 = arith.constant 0 : i32
    %dma_wait3A_105 = tpu.memref_slice %arg26[%dma_wait3A_104] : memref<512xf32, #tpu.memory_space<vmem>> -> memref<128xf32, #tpu.memory_space<vmem>>
    %dma_wait3A_106 = tpu.memref_slice %arg18[%add3A_15] : memref<16384xi32, #tpu.memory_space<vmem>> -> memref<128xi32, #tpu.memory_space<vmem>>
    %dma_wait3A_107 = arith.constant 0 : i32
    %dma_wait3A_108 = tpu.memref_slice %arg9[%dma_wait3A_107] : memref<1000000xf32, #tpu.memory_space<hbm>> -> memref<1000000xf32, #tpu.memory_space<hbm>>
    tpu.wait_indirect_dma semaphore(%arg34 : memref<!tpu.dma_semaphore, #tpu.memory_space<semaphore_mem>>) src(%dma_wait3A_108 : memref<1000000xf32, #tpu.memory_space<hbm>>) dst(%dma_wait3A_105 : memref<128xf32, #tpu.memory_space<vmem>>)
    %dma_wait3A_109 = arith.constant 0 : i32
    %dma_wait3A_110 = tpu.memref_slice %arg27[%dma_wait3A_109] : memref<512xf32, #tpu.memory_space<vmem>> -> memref<128xf32, #tpu.memory_space<vmem>>
    %dma_wait3A_111 = tpu.memref_slice %arg18[%add3A_15] : memref<16384xi32, #tpu.memory_space<vmem>> -> memref<128xi32, #tpu.memory_space<vmem>>
    %dma_wait3A_112 = arith.constant 0 : i32
    %dma_wait3A_113 = tpu.memref_slice %arg10[%dma_wait3A_112] : memref<1000000xf32, #tpu.memory_space<hbm>> -> memref<1000000xf32, #tpu.memory_space<hbm>>
    tpu.wait_indirect_dma semaphore(%arg34 : memref<!tpu.dma_semaphore, #tpu.memory_space<semaphore_mem>>) src(%dma_wait3A_113 : memref<1000000xf32, #tpu.memory_space<hbm>>) dst(%dma_wait3A_110 : memref<128xf32, #tpu.memory_space<vmem>>)
    %dma_wait3A_114 = arith.constant 0 : i32
    %dma_wait3A_115 = tpu.memref_slice %arg28[%dma_wait3A_114] : memref<512xf32, #tpu.memory_space<vmem>> -> memref<128xf32, #tpu.memory_space<vmem>>
    %dma_wait3A_116 = tpu.memref_slice %arg18[%add3A_15] : memref<16384xi32, #tpu.memory_space<vmem>> -> memref<128xi32, #tpu.memory_space<vmem>>
    %dma_wait3A_117 = arith.constant 0 : i32
    %dma_wait3A_118 = tpu.memref_slice %arg11[%dma_wait3A_117] : memref<1000000xf32, #tpu.memory_space<hbm>> -> memref<1000000xf32, #tpu.memory_space<hbm>>
    tpu.wait_indirect_dma semaphore(%arg34 : memref<!tpu.dma_semaphore, #tpu.memory_space<semaphore_mem>>) src(%dma_wait3A_118 : memref<1000000xf32, #tpu.memory_space<hbm>>) dst(%dma_wait3A_115 : memref<128xf32, #tpu.memory_space<vmem>>)
    %dma_wait3A_119 = arith.constant 128 : i32
    %dma_wait3A_120 = tpu.memref_slice %arg26[%dma_wait3A_119] : memref<512xf32, #tpu.memory_space<vmem>> -> memref<128xf32, #tpu.memory_space<vmem>>
    %dma_wait3A_121 = tpu.memref_slice %arg18[%add3A_32] : memref<16384xi32, #tpu.memory_space<vmem>> -> memref<128xi32, #tpu.memory_space<vmem>>
    %dma_wait3A_122 = arith.constant 0 : i32
    %dma_wait3A_123 = tpu.memref_slice %arg9[%dma_wait3A_122] : memref<1000000xf32, #tpu.memory_space<hbm>> -> memref<1000000xf32, #tpu.memory_space<hbm>>
    tpu.wait_indirect_dma semaphore(%arg34 : memref<!tpu.dma_semaphore, #tpu.memory_space<semaphore_mem>>) src(%dma_wait3A_123 : memref<1000000xf32, #tpu.memory_space<hbm>>) dst(%dma_wait3A_120 : memref<128xf32, #tpu.memory_space<vmem>>)
    %dma_wait3A_124 = arith.constant 128 : i32
    %dma_wait3A_125 = tpu.memref_slice %arg27[%dma_wait3A_124] : memref<512xf32, #tpu.memory_space<vmem>> -> memref<128xf32, #tpu.memory_space<vmem>>
    %dma_wait3A_126 = tpu.memref_slice %arg18[%add3A_32] : memref<16384xi32, #tpu.memory_space<vmem>> -> memref<128xi32, #tpu.memory_space<vmem>>
    %dma_wait3A_127 = arith.constant 0 : i32
    %dma_wait3A_128 = tpu.memref_slice %arg10[%dma_wait3A_127] : memref<1000000xf32, #tpu.memory_space<hbm>> -> memref<1000000xf32, #tpu.memory_space<hbm>>
    tpu.wait_indirect_dma semaphore(%arg34 : memref<!tpu.dma_semaphore, #tpu.memory_space<semaphore_mem>>) src(%dma_wait3A_128 : memref<1000000xf32, #tpu.memory_space<hbm>>) dst(%dma_wait3A_125 : memref<128xf32, #tpu.memory_space<vmem>>)
    %dma_wait3A_129 = arith.constant 128 : i32
    %dma_wait3A_130 = tpu.memref_slice %arg28[%dma_wait3A_129] : memref<512xf32, #tpu.memory_space<vmem>> -> memref<128xf32, #tpu.memory_space<vmem>>
    %dma_wait3A_131 = tpu.memref_slice %arg18[%add3A_32] : memref<16384xi32, #tpu.memory_space<vmem>> -> memref<128xi32, #tpu.memory_space<vmem>>
    %dma_wait3A_132 = arith.constant 0 : i32
    %dma_wait3A_133 = tpu.memref_slice %arg11[%dma_wait3A_132] : memref<1000000xf32, #tpu.memory_space<hbm>> -> memref<1000000xf32, #tpu.memory_space<hbm>>
    tpu.wait_indirect_dma semaphore(%arg34 : memref<!tpu.dma_semaphore, #tpu.memory_space<semaphore_mem>>) src(%dma_wait3A_133 : memref<1000000xf32, #tpu.memory_space<hbm>>) dst(%dma_wait3A_130 : memref<128xf32, #tpu.memory_space<vmem>>)
    %dma_wait3A_134 = arith.constant 256 : i32
    %dma_wait3A_135 = tpu.memref_slice %arg26[%dma_wait3A_134] : memref<512xf32, #tpu.memory_space<vmem>> -> memref<128xf32, #tpu.memory_space<vmem>>
    %dma_wait3A_136 = tpu.memref_slice %arg18[%add3A_49] : memref<16384xi32, #tpu.memory_space<vmem>> -> memref<128xi32, #tpu.memory_space<vmem>>
    %dma_wait3A_137 = arith.constant 0 : i32
    %dma_wait3A_138 = tpu.memref_slice %arg9[%dma_wait3A_137] : memref<1000000xf32, #tpu.memory_space<hbm>> -> memref<1000000xf32, #tpu.memory_space<hbm>>
    tpu.wait_indirect_dma semaphore(%arg34 : memref<!tpu.dma_semaphore, #tpu.memory_space<semaphore_mem>>) src(%dma_wait3A_138 : memref<1000000xf32, #tpu.memory_space<hbm>>) dst(%dma_wait3A_135 : memref<128xf32, #tpu.memory_space<vmem>>)
    %dma_wait3A_139 = arith.constant 256 : i32
    %dma_wait3A_140 = tpu.memref_slice %arg27[%dma_wait3A_139] : memref<512xf32, #tpu.memory_space<vmem>> -> memref<128xf32, #tpu.memory_space<vmem>>
    %dma_wait3A_141 = tpu.memref_slice %arg18[%add3A_49] : memref<16384xi32, #tpu.memory_space<vmem>> -> memref<128xi32, #tpu.memory_space<vmem>>
    %dma_wait3A_142 = arith.constant 0 : i32
    %dma_wait3A_143 = tpu.memref_slice %arg10[%dma_wait3A_142] : memref<1000000xf32, #tpu.memory_space<hbm>> -> memref<1000000xf32, #tpu.memory_space<hbm>>
    tpu.wait_indirect_dma semaphore(%arg34 : memref<!tpu.dma_semaphore, #tpu.memory_space<semaphore_mem>>) src(%dma_wait3A_143 : memref<1000000xf32, #tpu.memory_space<hbm>>) dst(%dma_wait3A_140 : memref<128xf32, #tpu.memory_space<vmem>>)
    %dma_wait3A_144 = arith.constant 256 : i32
    %dma_wait3A_145 = tpu.memref_slice %arg28[%dma_wait3A_144] : memref<512xf32, #tpu.memory_space<vmem>> -> memref<128xf32, #tpu.memory_space<vmem>>
    %dma_wait3A_146 = tpu.memref_slice %arg18[%add3A_49] : memref<16384xi32, #tpu.memory_space<vmem>> -> memref<128xi32, #tpu.memory_space<vmem>>
    %dma_wait3A_147 = arith.constant 0 : i32
    %dma_wait3A_148 = tpu.memref_slice %arg11[%dma_wait3A_147] : memref<1000000xf32, #tpu.memory_space<hbm>> -> memref<1000000xf32, #tpu.memory_space<hbm>>
    tpu.wait_indirect_dma semaphore(%arg34 : memref<!tpu.dma_semaphore, #tpu.memory_space<semaphore_mem>>) src(%dma_wait3A_148 : memref<1000000xf32, #tpu.memory_space<hbm>>) dst(%dma_wait3A_145 : memref<128xf32, #tpu.memory_space<vmem>>)
    %dma_wait3A_149 = arith.constant 384 : i32
    %dma_wait3A_150 = tpu.memref_slice %arg26[%dma_wait3A_149] : memref<512xf32, #tpu.memory_space<vmem>> -> memref<128xf32, #tpu.memory_space<vmem>>
    %dma_wait3A_151 = tpu.memref_slice %arg18[%add3A_66] : memref<16384xi32, #tpu.memory_space<vmem>> -> memref<128xi32, #tpu.memory_space<vmem>>
    %dma_wait3A_152 = arith.constant 0 : i32
    %dma_wait3A_153 = tpu.memref_slice %arg9[%dma_wait3A_152] : memref<1000000xf32, #tpu.memory_space<hbm>> -> memref<1000000xf32, #tpu.memory_space<hbm>>
    tpu.wait_indirect_dma semaphore(%arg34 : memref<!tpu.dma_semaphore, #tpu.memory_space<semaphore_mem>>) src(%dma_wait3A_153 : memref<1000000xf32, #tpu.memory_space<hbm>>) dst(%dma_wait3A_150 : memref<128xf32, #tpu.memory_space<vmem>>)
    %dma_wait3A_154 = arith.constant 384 : i32
    %dma_wait3A_155 = tpu.memref_slice %arg27[%dma_wait3A_154] : memref<512xf32, #tpu.memory_space<vmem>> -> memref<128xf32, #tpu.memory_space<vmem>>
    %dma_wait3A_156 = tpu.memref_slice %arg18[%add3A_66] : memref<16384xi32, #tpu.memory_space<vmem>> -> memref<128xi32, #tpu.memory_space<vmem>>
    %dma_wait3A_157 = arith.constant 0 : i32
    %dma_wait3A_158 = tpu.memref_slice %arg10[%dma_wait3A_157] : memref<1000000xf32, #tpu.memory_space<hbm>> -> memref<1000000xf32, #tpu.memory_space<hbm>>
    tpu.wait_indirect_dma semaphore(%arg34 : memref<!tpu.dma_semaphore, #tpu.memory_space<semaphore_mem>>) src(%dma_wait3A_158 : memref<1000000xf32, #tpu.memory_space<hbm>>) dst(%dma_wait3A_155 : memref<128xf32, #tpu.memory_space<vmem>>)
    %dma_wait3A_159 = arith.constant 384 : i32
    %dma_wait3A_160 = tpu.memref_slice %arg28[%dma_wait3A_159] : memref<512xf32, #tpu.memory_space<vmem>> -> memref<128xf32, #tpu.memory_space<vmem>>
    %dma_wait3A_161 = tpu.memref_slice %arg18[%add3A_66] : memref<16384xi32, #tpu.memory_space<vmem>> -> memref<128xi32, #tpu.memory_space<vmem>>
    %dma_wait3A_162 = arith.constant 0 : i32
    %dma_wait3A_163 = tpu.memref_slice %arg11[%dma_wait3A_162] : memref<1000000xf32, #tpu.memory_space<hbm>> -> memref<1000000xf32, #tpu.memory_space<hbm>>
    tpu.wait_indirect_dma semaphore(%arg34 : memref<!tpu.dma_semaphore, #tpu.memory_space<semaphore_mem>>) src(%dma_wait3A_163 : memref<1000000xf32, #tpu.memory_space<hbm>>) dst(%dma_wait3A_160 : memref<128xf32, #tpu.memory_space<vmem>>)
    %scan3A_164 = arith.constant 0 : i32
    %scan3A_165 = arith.constant 0 : i32
    %scan3A_166 = arith.constant 32 : i32
    %scan3A_167 = arith.addi %scan3A_165, %scan3A_166 : i32
    %scan3A_168 = arith.constant 1 : i32
    scf.for %scan3A_192 = %scan3A_165 to %scan3A_167 step %scan3A_168  : i32 {
      %mul3A_193 = arith.constant 16 : i32
      %mul3A_194 = arith.muli %scan3A_192, %mul3A_193 : i32
      %get3A = arith.index_cast %mul3A_194 : i32 to index
      %get3A_195 = tpu.vector_load %arg20[%get3A] {strides = array<i32>} : memref<512xf32, #tpu.memory_space<vmem>>, vector<16xf32>,
      %exp3A = math.exp %get3A_195 : vector<16xf32>
      %get3A_196 = arith.index_cast %mul3A_194 : i32 to index
      %get3A_197 = tpu.vector_load %arg21[%get3A_196] {strides = array<i32>} : memref<512xf32, #tpu.memory_space<vmem>>, vector<16xf32>,
      %exp3A_198 = math.exp %get3A_197 : vector<16xf32>
      %get3A_199 = arith.index_cast %mul3A_194 : i32 to index
      %get3A_200 = tpu.vector_load %arg22[%get3A_199] {strides = array<i32>} : memref<512xf32, #tpu.memory_space<vmem>>, vector<16xf32>,
      %exp3A_201 = math.exp %get3A_200 : vector<16xf32>
      %mul3A_202 = arith.constant 1.000000e-01 : f32
      %mul3A_203 = vector.broadcast %mul3A_202 : f32 to vector<16xf32>
      %mul3A_204 = arith.mulf %mul3A_203, %exp3A : vector<16xf32>
      %get3A_205 = arith.index_cast %mul3A_194 : i32 to index
      %get3A_206 = tpu.vector_load %arg26[%get3A_205] {strides = array<i32>} : memref<512xf32, #tpu.memory_space<vmem>>, vector<16xf32>,
      %mul3A_207 = arith.constant 0.899999976 : f32
      %mul3A_208 = vector.broadcast %mul3A_207 : f32 to vector<16xf32>
      %mul3A_209 = arith.mulf %mul3A_208, %get3A_206 : vector<16xf32>
      %add3A_210 = arith.addf %mul3A_204, %mul3A_209 : vector<16xf32>
      %swap3A = arith.index_cast %mul3A_194 : i32 to index
      %swap3A_211 = tpu.vector_load %arg29[%swap3A] {strides = array<i32>} : memref<512xf32, #tpu.memory_space<vmem>>, vector<16xf32>,
      tpu.vector_store %arg29[%swap3A], %add3A_210 {strides = array<i32>} : memref<512xf32, #tpu.memory_space<vmem>>, vector<16xf32>,
      %mul3A_212 = arith.constant 1.000000e-01 : f32
      %mul3A_213 = vector.broadcast %mul3A_212 : f32 to vector<16xf32>
      %mul3A_214 = arith.mulf %mul3A_213, %exp3A_198 : vector<16xf32>
      %get3A_215 = arith.index_cast %mul3A_194 : i32 to index
      %get3A_216 = tpu.vector_load %arg27[%get3A_215] {strides = array<i32>} : memref<512xf32, #tpu.memory_space<vmem>>, vector<16xf32>,
      %mul3A_217 = arith.constant 0.899999976 : f32
      %mul3A_218 = vector.broadcast %mul3A_217 : f32 to vector<16xf32>
      %mul3A_219 = arith.mulf %mul3A_218, %get3A_216 : vector<16xf32>
      %add3A_220 = arith.addf %mul3A_214, %mul3A_219 : vector<16xf32>
      %swap3A_221 = arith.index_cast %mul3A_194 : i32 to index
      %swap3A_222 = tpu.vector_load %arg30[%swap3A_221] {strides = array<i32>} : memref<512xf32, #tpu.memory_space<vmem>>, vector<16xf32>,
      tpu.vector_store %arg30[%swap3A_221], %add3A_220 {strides = array<i32>} : memref<512xf32, #tpu.memory_space<vmem>>, vector<16xf32>,
      %mul3A_223 = arith.constant 1.000000e-01 : f32
      %mul3A_224 = vector.broadcast %mul3A_223 : f32 to vector<16xf32>
      %mul3A_225 = arith.mulf %mul3A_224, %exp3A_201 : vector<16xf32>
      %get3A_226 = arith.index_cast %mul3A_194 : i32 to index
      %get3A_227 = tpu.vector_load %arg28[%get3A_226] {strides = array<i32>} : memref<512xf32, #tpu.memory_space<vmem>>, vector<16xf32>,
      %mul3A_228 = arith.constant 0.899999976 : f32
      %mul3A_229 = vector.broadcast %mul3A_228 : f32 to vector<16xf32>
      %mul3A_230 = arith.mulf %mul3A_229, %get3A_227 : vector<16xf32>
      %add3A_231 = arith.addf %mul3A_225, %mul3A_230 : vector<16xf32>
      %swap3A_232 = arith.index_cast %mul3A_194 : i32 to index
      %swap3A_233 = tpu.vector_load %arg31[%swap3A_232] {strides = array<i32>} : memref<512xf32, #tpu.memory_space<vmem>>, vector<16xf32>,
      tpu.vector_store %arg31[%swap3A_232], %add3A_231 {strides = array<i32>} : memref<512xf32, #tpu.memory_space<vmem>>, vector<16xf32>,
      %mul3A_234 = arith.mulf %exp3A, %exp3A_198 : vector<16xf32>
      %mul3A_235 = arith.mulf %mul3A_234, %exp3A_201 : vector<16xf32>
      %swap3A_236 = arith.index_cast %mul3A_194 : i32 to index
      %swap3A_237 = tpu.vector_load %arg32[%swap3A_236] {strides = array<i32>} : memref<512xf32, #tpu.memory_space<vmem>>, vector<16xf32>,
      tpu.vector_store %arg32[%swap3A_236], %mul3A_235 {strides = array<i32>} : memref<512xf32, #tpu.memory_space<vmem>>, vector<16xf32>,
      %get3A_238 = arith.index_cast %mul3A_194 : i32 to index
      %get3A_239 = tpu.vector_load %arg25[%get3A_238] {strides = array<i32>} : memref<512xf32, #tpu.memory_space<vmem>>, vector<16xf32>,
      %neg3A = arith.constant 0.000000e+00 : f32
      %neg3A_240 = vector.broadcast %neg3A : f32 to vector<16xf32>
      %neg3A_241 = arith.subf %neg3A_240, %get3A_239 : vector<16xf32>
      %get3A_242 = arith.index_cast %mul3A_194 : i32 to index
      %get3A_243 = tpu.vector_load %arg23[%get3A_242] {strides = array<i32>} : memref<512xf32, #tpu.memory_space<vmem>>, vector<16xf32>,
      %get3A_244 = arith.index_cast %mul3A_194 : i32 to index
      %get3A_245 = tpu.vector_load %arg24[%get3A_244] {strides = array<i32>} : memref<512xf32, #tpu.memory_space<vmem>>, vector<16xf32>,
      %sub3A = arith.subf %get3A_243, %get3A_245 : vector<16xf32>
      %mul3A_246 = arith.mulf %neg3A_241, %sub3A : vector<16xf32>
      %add3A_247 = arith.constant 2.000000e-01 : f32
      %add3A_248 = vector.broadcast %add3A_247 : f32 to vector<16xf32>
      %add3A_249 = arith.addf %mul3A_246, %add3A_248 : vector<16xf32>
      %max3A = arith.constant 0.000000e+00 : f32
      %max3A_250 = vector.broadcast %max3A : f32 to vector<16xf32>
      %max3A_251 = arith.maximumf %max3A_250, %add3A_249 : vector<16xf32>
      %swap3A_252 = arith.index_cast %mul3A_194 : i32 to index
      %swap3A_253 = tpu.vector_load %arg33[%swap3A_252] {strides = array<i32>} : memref<512xf32, #tpu.memory_space<vmem>>, vector<16xf32>,
      tpu.vector_store %arg33[%swap3A_252], %max3A_251 {strides = array<i32>} : memref<512xf32, #tpu.memory_space<vmem>>, vector<16xf32>,
    }
    %scan3A_169 = arith.constant 32 : i32
    %dma_start3A_170 = tpu.memref_slice %arg13[%mul3A_2] : memref<16384xf32, #tpu.memory_space<hbm>> -> memref<512xf32, #tpu.memory_space<hbm>>
    %dma_start3A_171 = tpu.memref_slice %arg13[%mul3A_2] : memref<16384xf32, #tpu.memory_space<hbm>> -> memref<512xf32, #tpu.memory_space<hbm>>
    tpu.enqueue_dma source(%arg29 : memref<512xf32, #tpu.memory_space<vmem>>) target(%dma_start3A_171 : memref<512xf32, #tpu.memory_space<hbm>>) target_semaphore(%arg34 : memref<!tpu.dma_semaphore, #tpu.memory_space<semaphore_mem>>)
    %dma_start3A_172 = tpu.memref_slice %arg14[%mul3A_2] : memref<16384xf32, #tpu.memory_space<hbm>> -> memref<512xf32, #tpu.memory_space<hbm>>
    %dma_start3A_173 = tpu.memref_slice %arg14[%mul3A_2] : memref<16384xf32, #tpu.memory_space<hbm>> -> memref<512xf32, #tpu.memory_space<hbm>>
    tpu.enqueue_dma source(%arg30 : memref<512xf32, #tpu.memory_space<vmem>>) target(%dma_start3A_173 : memref<512xf32, #tpu.memory_space<hbm>>) target_semaphore(%arg34 : memref<!tpu.dma_semaphore, #tpu.memory_space<semaphore_mem>>)
    %dma_start3A_174 = tpu.memref_slice %arg15[%mul3A_2] : memref<16384xf32, #tpu.memory_space<hbm>> -> memref<512xf32, #tpu.memory_space<hbm>>
    %dma_start3A_175 = tpu.memref_slice %arg15[%mul3A_2] : memref<16384xf32, #tpu.memory_space<hbm>> -> memref<512xf32, #tpu.memory_space<hbm>>
    tpu.enqueue_dma source(%arg31 : memref<512xf32, #tpu.memory_space<vmem>>) target(%dma_start3A_175 : memref<512xf32, #tpu.memory_space<hbm>>) target_semaphore(%arg34 : memref<!tpu.dma_semaphore, #tpu.memory_space<semaphore_mem>>)
    %dma_start3A_176 = tpu.memref_slice %arg16[%mul3A_2] : memref<16384xf32, #tpu.memory_space<hbm>> -> memref<512xf32, #tpu.memory_space<hbm>>
    %dma_start3A_177 = tpu.memref_slice %arg16[%mul3A_2] : memref<16384xf32, #tpu.memory_space<hbm>> -> memref<512xf32, #tpu.memory_space<hbm>>
    tpu.enqueue_dma source(%arg32 : memref<512xf32, #tpu.memory_space<vmem>>) target(%dma_start3A_177 : memref<512xf32, #tpu.memory_space<hbm>>) target_semaphore(%arg34 : memref<!tpu.dma_semaphore, #tpu.memory_space<semaphore_mem>>)
    %dma_start3A_178 = tpu.memref_slice %arg17[%mul3A_2] : memref<16384xf32, #tpu.memory_space<hbm>> -> memref<512xf32, #tpu.memory_space<hbm>>
    %dma_start3A_179 = tpu.memref_slice %arg17[%mul3A_2] : memref<16384xf32, #tpu.memory_space<hbm>> -> memref<512xf32, #tpu.memory_space<hbm>>
    tpu.enqueue_dma source(%arg33 : memref<512xf32, #tpu.memory_space<vmem>>) target(%dma_start3A_179 : memref<512xf32, #tpu.memory_space<hbm>>) target_semaphore(%arg34 : memref<!tpu.dma_semaphore, #tpu.memory_space<semaphore_mem>>)
    %dma_wait3A_180 = tpu.memref_slice %arg12[%mul3A_90] : memref<1000448xi32, #tpu.memory_space<hbm>> -> memref<31264xi32, #tpu.memory_space<hbm>>
    %dma_wait3A_181 = tpu.memref_slice %arg12[%mul3A_90] : memref<1000448xi32, #tpu.memory_space<hbm>> -> memref<31264xi32, #tpu.memory_space<hbm>>
    tpu.wait_dma2 semaphore(%arg34 : memref<!tpu.dma_semaphore, #tpu.memory_space<semaphore_mem>>) src(%arg19 : memref<31264xi32, #tpu.memory_space<vmem>>) dst(%dma_wait3A_181 : memref<31264xi32, #tpu.memory_space<hbm>>)
    %dma_wait3A_182 = tpu.memref_slice %arg13[%mul3A_2] : memref<16384xf32, #tpu.memory_space<hbm>> -> memref<512xf32, #tpu.memory_space<hbm>>
    %dma_wait3A_183 = tpu.memref_slice %arg13[%mul3A_2] : memref<16384xf32, #tpu.memory_space<hbm>> -> memref<512xf32, #tpu.memory_space<hbm>>
    tpu.wait_dma2 semaphore(%arg34 : memref<!tpu.dma_semaphore, #tpu.memory_space<semaphore_mem>>) src(%arg29 : memref<512xf32, #tpu.memory_space<vmem>>) dst(%dma_wait3A_183 : memref<512xf32, #tpu.memory_space<hbm>>)
    %dma_wait3A_184 = tpu.memref_slice %arg14[%mul3A_2] : memref<16384xf32, #tpu.memory_space<hbm>> -> memref<512xf32, #tpu.memory_space<hbm>>
    %dma_wait3A_185 = tpu.memref_slice %arg14[%mul3A_2] : memref<16384xf32, #tpu.memory_space<hbm>> -> memref<512xf32, #tpu.memory_space<hbm>>
    tpu.wait_dma2 semaphore(%arg34 : memref<!tpu.dma_semaphore, #tpu.memory_space<semaphore_mem>>) src(%arg30 : memref<512xf32, #tpu.memory_space<vmem>>) dst(%dma_wait3A_185 : memref<512xf32, #tpu.memory_space<hbm>>)
    %dma_wait3A_186 = tpu.memref_slice %arg15[%mul3A_2] : memref<16384xf32, #tpu.memory_space<hbm>> -> memref<512xf32, #tpu.memory_space<hbm>>
    %dma_wait3A_187 = tpu.memref_slice %arg15[%mul3A_2] : memref<16384xf32, #tpu.memory_space<hbm>> -> memref<512xf32, #tpu.memory_space<hbm>>
    tpu.wait_dma2 semaphore(%arg34 : memref<!tpu.dma_semaphore, #tpu.memory_space<semaphore_mem>>) src(%arg31 : memref<512xf32, #tpu.memory_space<vmem>>) dst(%dma_wait3A_187 : memref<512xf32, #tpu.memory_space<hbm>>)
    %dma_wait3A_188 = tpu.memref_slice %arg16[%mul3A_2] : memref<16384xf32, #tpu.memory_space<hbm>> -> memref<512xf32, #tpu.memory_space<hbm>>
    %dma_wait3A_189 = tpu.memref_slice %arg16[%mul3A_2] : memref<16384xf32, #tpu.memory_space<hbm>> -> memref<512xf32, #tpu.memory_space<hbm>>
    tpu.wait_dma2 semaphore(%arg34 : memref<!tpu.dma_semaphore, #tpu.memory_space<semaphore_mem>>) src(%arg32 : memref<512xf32, #tpu.memory_space<vmem>>) dst(%dma_wait3A_189 : memref<512xf32, #tpu.memory_space<hbm>>)
    %dma_wait3A_190 = tpu.memref_slice %arg17[%mul3A_2] : memref<16384xf32, #tpu.memory_space<hbm>> -> memref<512xf32, #tpu.memory_space<hbm>>
    %dma_wait3A_191 = tpu.memref_slice %arg17[%mul3A_2] : memref<16384xf32, #tpu.memory_space<hbm>> -> memref<512xf32, #tpu.memory_space<hbm>>
    tpu.wait_dma2 semaphore(%arg34 : memref<!tpu.dma_semaphore, #tpu.memory_space<semaphore_mem>>) src(%arg33 : memref<512xf32, #tpu.memory_space<vmem>>) dst(%dma_wait3A_191 : memref<512xf32, #tpu.memory_space<hbm>>)
    return
  }
}

#map = affine_map<(d0, d1) -> (0)>
#map1 = affine_map<(d0, d1) -> (0, 0)>
module attributes {stable_mosaic.version = 14 : i64} {
  func.func @_phase_b(%arg0: i32, %arg1: i32, %arg2: memref<16384xi32, #tpu.memory_space<hbm>>, %arg3: memref<16384xf32, #tpu.memory_space<hbm>>, %arg4: memref<16384xf32, #tpu.memory_space<hbm>>, %arg5: memref<16384xf32, #tpu.memory_space<hbm>>, %arg6: memref<16384xf32, #tpu.memory_space<hbm>>, %arg7: memref<16384xf32, #tpu.memory_space<hbm>>, %arg8: memref<1000448xi32, #tpu.memory_space<hbm>>, %arg9: memref<1000000xf32, #tpu.memory_space<hbm>>, %arg10: memref<1000000xf32, #tpu.memory_space<hbm>>, %arg11: memref<16384xf32, #tpu.memory_space<hbm>>, %arg12: memref<16384xf32, #tpu.memory_space<hbm>>, %arg13: memref<16384xf32, #tpu.memory_space<hbm>>, %arg14: memref<32x16xf32, #tpu.memory_space<hbm>>, %arg15: memref<32x16xf32, #tpu.memory_space<hbm>>, %arg16: memref<4x128xi32, #tpu.memory_space<vmem>>, %arg17: memref<4x128xi32, #tpu.memory_space<vmem>>, %arg18: memref<512xf32, #tpu.memory_space<vmem>>, %arg19: memref<512xf32, #tpu.memory_space<vmem>>, %arg20: memref<512xf32, #tpu.memory_space<vmem>>, %arg21: memref<512xf32, #tpu.memory_space<vmem>>, %arg22: memref<512xf32, #tpu.memory_space<vmem>>, %arg23: memref<512xf32, #tpu.memory_space<vmem>>, %arg24: memref<512xf32, #tpu.memory_space<vmem>>, %arg25: memref<512xf32, #tpu.memory_space<vmem>>, %arg26: memref<512xf32, #tpu.memory_space<vmem>>, %arg27: memref<512xf32, #tpu.memory_space<vmem>>, %arg28: memref<512xf32, #tpu.memory_space<vmem>>, %arg29: memref<512xf32, #tpu.memory_space<vmem>>, %arg30: memref<16xf32, #tpu.memory_space<vmem>>, %arg31: memref<16xf32, #tpu.memory_space<vmem>>, %arg32: memref<!tpu.dma_semaphore, #tpu.memory_space<semaphore_mem>>) attributes {dimension_semantics = [#tpu.dimension_semantics<core_parallel>, #tpu.dimension_semantics<subcore_parallel>], iteration_bounds = array<i64: 2, 16>, scalar_prefetch = 0 : i64, scratch_operands = 17 : i64, tpu.core_type = #tpu.core_type<sc_vector_subcore>, window_params = [{transform_indices = #map}, {transform_indices = #map}, {transform_indices = #map}, {transform_indices = #map}, {transform_indices = #map}, {transform_indices = #map}, {transform_indices = #map}, {transform_indices = #map}, {transform_indices = #map}, {transform_indices = #map}, {transform_indices = #map}, {transform_indices = #map}, {transform_indices = #map1}, {transform_indices = #map1}]} {
    %mul3A = arith.constant 2 : i32
    %mul3A_0 = arith.muli %arg1, %mul3A : i32
    %add3A = arith.addi %mul3A_0, %arg0 : i32
    %mul3A_1 = arith.constant 512 : i32
    %mul3A_2 = arith.muli %add3A, %mul3A_1 : i32
    %add3A_3 = arith.constant 0 : i32
    %add3A_4 = arith.addi %mul3A_2, %add3A_3 : i32
    %dma_start3A = arith.constant 0 : i32
    %dma_start3A_5 = arith.constant 0 : i32
    %dma_start3A_6 = tpu.memref_slice %arg16[%dma_start3A, %dma_start3A_5] : memref<4x128xi32, #tpu.memory_space<vmem>> -> memref<1x128xi32, #tpu.memory_space<vmem>>
    %dma_start3A_7 = tpu.memref_squeeze %dma_start3A_6 : memref<1x128xi32, #tpu.memory_space<vmem>> -> memref<128xi32, #tpu.memory_space<vmem>>
    %dma_start3A_8 = tpu.memref_slice %arg2[%add3A_4] : memref<16384xi32, #tpu.memory_space<hbm>> -> memref<128xi32, #tpu.memory_space<hbm>>
    %dma_start3A_9 = arith.constant 0 : i32
    %dma_start3A_10 = tpu.memref_slice %arg16[%dma_start3A, %dma_start3A_9] : memref<4x128xi32, #tpu.memory_space<vmem>> -> memref<1x128xi32, #tpu.memory_space<vmem>>
    %dma_start3A_11 = tpu.memref_squeeze %dma_start3A_10 : memref<1x128xi32, #tpu.memory_space<vmem>> -> memref<128xi32, #tpu.memory_space<vmem>>
    %dma_start3A_12 = tpu.memref_slice %arg2[%add3A_4] : memref<16384xi32, #tpu.memory_space<hbm>> -> memref<128xi32, #tpu.memory_space<hbm>>
    tpu.enqueue_dma source(%dma_start3A_12 : memref<128xi32, #tpu.memory_space<hbm>>) target(%dma_start3A_11 : memref<128xi32, #tpu.memory_space<vmem>>) target_semaphore(%arg32 : memref<!tpu.dma_semaphore, #tpu.memory_space<semaphore_mem>>)
    %add3A_13 = arith.constant 128 : i32
    %add3A_14 = arith.addi %mul3A_2, %add3A_13 : i32
    %dma_start3A_15 = arith.constant 1 : i32
    %dma_start3A_16 = arith.constant 0 : i32
    %dma_start3A_17 = tpu.memref_slice %arg16[%dma_start3A_15, %dma_start3A_16] : memref<4x128xi32, #tpu.memory_space<vmem>> -> memref<1x128xi32, #tpu.memory_space<vmem>>
    %dma_start3A_18 = tpu.memref_squeeze %dma_start3A_17 : memref<1x128xi32, #tpu.memory_space<vmem>> -> memref<128xi32, #tpu.memory_space<vmem>>
    %dma_start3A_19 = tpu.memref_slice %arg2[%add3A_14] : memref<16384xi32, #tpu.memory_space<hbm>> -> memref<128xi32, #tpu.memory_space<hbm>>
    %dma_start3A_20 = arith.constant 0 : i32
    %dma_start3A_21 = tpu.memref_slice %arg16[%dma_start3A_15, %dma_start3A_20] : memref<4x128xi32, #tpu.memory_space<vmem>> -> memref<1x128xi32, #tpu.memory_space<vmem>>
    %dma_start3A_22 = tpu.memref_squeeze %dma_start3A_21 : memref<1x128xi32, #tpu.memory_space<vmem>> -> memref<128xi32, #tpu.memory_space<vmem>>
    %dma_start3A_23 = tpu.memref_slice %arg2[%add3A_14] : memref<16384xi32, #tpu.memory_space<hbm>> -> memref<128xi32, #tpu.memory_space<hbm>>
    tpu.enqueue_dma source(%dma_start3A_23 : memref<128xi32, #tpu.memory_space<hbm>>) target(%dma_start3A_22 : memref<128xi32, #tpu.memory_space<vmem>>) target_semaphore(%arg32 : memref<!tpu.dma_semaphore, #tpu.memory_space<semaphore_mem>>)
    %add3A_24 = arith.constant 256 : i32
    %add3A_25 = arith.addi %mul3A_2, %add3A_24 : i32
    %dma_start3A_26 = arith.constant 2 : i32
    %dma_start3A_27 = arith.constant 0 : i32
    %dma_start3A_28 = tpu.memref_slice %arg16[%dma_start3A_26, %dma_start3A_27] : memref<4x128xi32, #tpu.memory_space<vmem>> -> memref<1x128xi32, #tpu.memory_space<vmem>>
    %dma_start3A_29 = tpu.memref_squeeze %dma_start3A_28 : memref<1x128xi32, #tpu.memory_space<vmem>> -> memref<128xi32, #tpu.memory_space<vmem>>
    %dma_start3A_30 = tpu.memref_slice %arg2[%add3A_25] : memref<16384xi32, #tpu.memory_space<hbm>> -> memref<128xi32, #tpu.memory_space<hbm>>
    %dma_start3A_31 = arith.constant 0 : i32
    %dma_start3A_32 = tpu.memref_slice %arg16[%dma_start3A_26, %dma_start3A_31] : memref<4x128xi32, #tpu.memory_space<vmem>> -> memref<1x128xi32, #tpu.memory_space<vmem>>
    %dma_start3A_33 = tpu.memref_squeeze %dma_start3A_32 : memref<1x128xi32, #tpu.memory_space<vmem>> -> memref<128xi32, #tpu.memory_space<vmem>>
    %dma_start3A_34 = tpu.memref_slice %arg2[%add3A_25] : memref<16384xi32, #tpu.memory_space<hbm>> -> memref<128xi32, #tpu.memory_space<hbm>>
    tpu.enqueue_dma source(%dma_start3A_34 : memref<128xi32, #tpu.memory_space<hbm>>) target(%dma_start3A_33 : memref<128xi32, #tpu.memory_space<vmem>>) target_semaphore(%arg32 : memref<!tpu.dma_semaphore, #tpu.memory_space<semaphore_mem>>)
    %add3A_35 = arith.constant 384 : i32
    %add3A_36 = arith.addi %mul3A_2, %add3A_35 : i32
    %dma_start3A_37 = arith.constant 3 : i32
    %dma_start3A_38 = arith.constant 0 : i32
    %dma_start3A_39 = tpu.memref_slice %arg16[%dma_start3A_37, %dma_start3A_38] : memref<4x128xi32, #tpu.memory_space<vmem>> -> memref<1x128xi32, #tpu.memory_space<vmem>>
    %dma_start3A_40 = tpu.memref_squeeze %dma_start3A_39 : memref<1x128xi32, #tpu.memory_space<vmem>> -> memref<128xi32, #tpu.memory_space<vmem>>
    %dma_start3A_41 = tpu.memref_slice %arg2[%add3A_36] : memref<16384xi32, #tpu.memory_space<hbm>> -> memref<128xi32, #tpu.memory_space<hbm>>
    %dma_start3A_42 = arith.constant 0 : i32
    %dma_start3A_43 = tpu.memref_slice %arg16[%dma_start3A_37, %dma_start3A_42] : memref<4x128xi32, #tpu.memory_space<vmem>> -> memref<1x128xi32, #tpu.memory_space<vmem>>
    %dma_start3A_44 = tpu.memref_squeeze %dma_start3A_43 : memref<1x128xi32, #tpu.memory_space<vmem>> -> memref<128xi32, #tpu.memory_space<vmem>>
    %dma_start3A_45 = tpu.memref_slice %arg2[%add3A_36] : memref<16384xi32, #tpu.memory_space<hbm>> -> memref<128xi32, #tpu.memory_space<hbm>>
    tpu.enqueue_dma source(%dma_start3A_45 : memref<128xi32, #tpu.memory_space<hbm>>) target(%dma_start3A_44 : memref<128xi32, #tpu.memory_space<vmem>>) target_semaphore(%arg32 : memref<!tpu.dma_semaphore, #tpu.memory_space<semaphore_mem>>)
    %dma_start3A_46 = tpu.memref_slice %arg3[%mul3A_2] : memref<16384xf32, #tpu.memory_space<hbm>> -> memref<512xf32, #tpu.memory_space<hbm>>
    %dma_start3A_47 = tpu.memref_slice %arg3[%mul3A_2] : memref<16384xf32, #tpu.memory_space<hbm>> -> memref<512xf32, #tpu.memory_space<hbm>>
    tpu.enqueue_dma source(%dma_start3A_47 : memref<512xf32, #tpu.memory_space<hbm>>) target(%arg18 : memref<512xf32, #tpu.memory_space<vmem>>) target_semaphore(%arg32 : memref<!tpu.dma_semaphore, #tpu.memory_space<semaphore_mem>>)
    %dma_start3A_48 = tpu.memref_slice %arg4[%mul3A_2] : memref<16384xf32, #tpu.memory_space<hbm>> -> memref<512xf32, #tpu.memory_space<hbm>>
    %dma_start3A_49 = tpu.memref_slice %arg4[%mul3A_2] : memref<16384xf32, #tpu.memory_space<hbm>> -> memref<512xf32, #tpu.memory_space<hbm>>
    tpu.enqueue_dma source(%dma_start3A_49 : memref<512xf32, #tpu.memory_space<hbm>>) target(%arg19 : memref<512xf32, #tpu.memory_space<vmem>>) target_semaphore(%arg32 : memref<!tpu.dma_semaphore, #tpu.memory_space<semaphore_mem>>)
    %dma_wait3A = arith.constant 0 : i32
    %dma_wait3A_50 = arith.constant 0 : i32
    %dma_wait3A_51 = tpu.memref_slice %arg16[%dma_wait3A, %dma_wait3A_50] : memref<4x128xi32, #tpu.memory_space<vmem>> -> memref<1x128xi32, #tpu.memory_space<vmem>>
    %dma_wait3A_52 = tpu.memref_squeeze %dma_wait3A_51 : memref<1x128xi32, #tpu.memory_space<vmem>> -> memref<128xi32, #tpu.memory_space<vmem>>
    %dma_wait3A_53 = tpu.memref_slice %arg2[%add3A_4] : memref<16384xi32, #tpu.memory_space<hbm>> -> memref<128xi32, #tpu.memory_space<hbm>>
    %dma_wait3A_54 = arith.constant 0 : i32
    %dma_wait3A_55 = tpu.memref_slice %arg16[%dma_wait3A, %dma_wait3A_54] : memref<4x128xi32, #tpu.memory_space<vmem>> -> memref<1x128xi32, #tpu.memory_space<vmem>>
    %dma_wait3A_56 = tpu.memref_squeeze %dma_wait3A_55 : memref<1x128xi32, #tpu.memory_space<vmem>> -> memref<128xi32, #tpu.memory_space<vmem>>
    %dma_wait3A_57 = tpu.memref_slice %arg2[%add3A_4] : memref<16384xi32, #tpu.memory_space<hbm>> -> memref<128xi32, #tpu.memory_space<hbm>>
    tpu.wait_dma2 semaphore(%arg32 : memref<!tpu.dma_semaphore, #tpu.memory_space<semaphore_mem>>) src(%dma_wait3A_57 : memref<128xi32, #tpu.memory_space<hbm>>) dst(%dma_wait3A_56 : memref<128xi32, #tpu.memory_space<vmem>>)
    %dma_wait3A_58 = arith.constant 1 : i32
    %dma_wait3A_59 = arith.constant 0 : i32
    %dma_wait3A_60 = tpu.memref_slice %arg16[%dma_wait3A_58, %dma_wait3A_59] : memref<4x128xi32, #tpu.memory_space<vmem>> -> memref<1x128xi32, #tpu.memory_space<vmem>>
    %dma_wait3A_61 = tpu.memref_squeeze %dma_wait3A_60 : memref<1x128xi32, #tpu.memory_space<vmem>> -> memref<128xi32, #tpu.memory_space<vmem>>
    %dma_wait3A_62 = tpu.memref_slice %arg2[%add3A_14] : memref<16384xi32, #tpu.memory_space<hbm>> -> memref<128xi32, #tpu.memory_space<hbm>>
    %dma_wait3A_63 = arith.constant 0 : i32
    %dma_wait3A_64 = tpu.memref_slice %arg16[%dma_wait3A_58, %dma_wait3A_63] : memref<4x128xi32, #tpu.memory_space<vmem>> -> memref<1x128xi32, #tpu.memory_space<vmem>>
    %dma_wait3A_65 = tpu.memref_squeeze %dma_wait3A_64 : memref<1x128xi32, #tpu.memory_space<vmem>> -> memref<128xi32, #tpu.memory_space<vmem>>
    %dma_wait3A_66 = tpu.memref_slice %arg2[%add3A_14] : memref<16384xi32, #tpu.memory_space<hbm>> -> memref<128xi32, #tpu.memory_space<hbm>>
    tpu.wait_dma2 semaphore(%arg32 : memref<!tpu.dma_semaphore, #tpu.memory_space<semaphore_mem>>) src(%dma_wait3A_66 : memref<128xi32, #tpu.memory_space<hbm>>) dst(%dma_wait3A_65 : memref<128xi32, #tpu.memory_space<vmem>>)
    %dma_wait3A_67 = arith.constant 2 : i32
    %dma_wait3A_68 = arith.constant 0 : i32
    %dma_wait3A_69 = tpu.memref_slice %arg16[%dma_wait3A_67, %dma_wait3A_68] : memref<4x128xi32, #tpu.memory_space<vmem>> -> memref<1x128xi32, #tpu.memory_space<vmem>>
    %dma_wait3A_70 = tpu.memref_squeeze %dma_wait3A_69 : memref<1x128xi32, #tpu.memory_space<vmem>> -> memref<128xi32, #tpu.memory_space<vmem>>
    %dma_wait3A_71 = tpu.memref_slice %arg2[%add3A_25] : memref<16384xi32, #tpu.memory_space<hbm>> -> memref<128xi32, #tpu.memory_space<hbm>>
    %dma_wait3A_72 = arith.constant 0 : i32
    %dma_wait3A_73 = tpu.memref_slice %arg16[%dma_wait3A_67, %dma_wait3A_72] : memref<4x128xi32, #tpu.memory_space<vmem>> -> memref<1x128xi32, #tpu.memory_space<vmem>>
    %dma_wait3A_74 = tpu.memref_squeeze %dma_wait3A_73 : memref<1x128xi32, #tpu.memory_space<vmem>> -> memref<128xi32, #tpu.memory_space<vmem>>
    %dma_wait3A_75 = tpu.memref_slice %arg2[%add3A_25] : memref<16384xi32, #tpu.memory_space<hbm>> -> memref<128xi32, #tpu.memory_space<hbm>>
    tpu.wait_dma2 semaphore(%arg32 : memref<!tpu.dma_semaphore, #tpu.memory_space<semaphore_mem>>) src(%dma_wait3A_75 : memref<128xi32, #tpu.memory_space<hbm>>) dst(%dma_wait3A_74 : memref<128xi32, #tpu.memory_space<vmem>>)
    %dma_wait3A_76 = arith.constant 3 : i32
    %dma_wait3A_77 = arith.constant 0 : i32
    %dma_wait3A_78 = tpu.memref_slice %arg16[%dma_wait3A_76, %dma_wait3A_77] : memref<4x128xi32, #tpu.memory_space<vmem>> -> memref<1x128xi32, #tpu.memory_space<vmem>>
    %dma_wait3A_79 = tpu.memref_squeeze %dma_wait3A_78 : memref<1x128xi32, #tpu.memory_space<vmem>> -> memref<128xi32, #tpu.memory_space<vmem>>
    %dma_wait3A_80 = tpu.memref_slice %arg2[%add3A_36] : memref<16384xi32, #tpu.memory_space<hbm>> -> memref<128xi32, #tpu.memory_space<hbm>>
    %dma_wait3A_81 = arith.constant 0 : i32
    %dma_wait3A_82 = tpu.memref_slice %arg16[%dma_wait3A_76, %dma_wait3A_81] : memref<4x128xi32, #tpu.memory_space<vmem>> -> memref<1x128xi32, #tpu.memory_space<vmem>>
    %dma_wait3A_83 = tpu.memref_squeeze %dma_wait3A_82 : memref<1x128xi32, #tpu.memory_space<vmem>> -> memref<128xi32, #tpu.memory_space<vmem>>
    %dma_wait3A_84 = tpu.memref_slice %arg2[%add3A_36] : memref<16384xi32, #tpu.memory_space<hbm>> -> memref<128xi32, #tpu.memory_space<hbm>>
    tpu.wait_dma2 semaphore(%arg32 : memref<!tpu.dma_semaphore, #tpu.memory_space<semaphore_mem>>) src(%dma_wait3A_84 : memref<128xi32, #tpu.memory_space<hbm>>) dst(%dma_wait3A_83 : memref<128xi32, #tpu.memory_space<vmem>>)
    %dma_wait3A_85 = tpu.memref_slice %arg3[%mul3A_2] : memref<16384xf32, #tpu.memory_space<hbm>> -> memref<512xf32, #tpu.memory_space<hbm>>
    %dma_wait3A_86 = tpu.memref_slice %arg3[%mul3A_2] : memref<16384xf32, #tpu.memory_space<hbm>> -> memref<512xf32, #tpu.memory_space<hbm>>
    tpu.wait_dma2 semaphore(%arg32 : memref<!tpu.dma_semaphore, #tpu.memory_space<semaphore_mem>>) src(%dma_wait3A_86 : memref<512xf32, #tpu.memory_space<hbm>>) dst(%arg18 : memref<512xf32, #tpu.memory_space<vmem>>)
    %dma_wait3A_87 = tpu.memref_slice %arg4[%mul3A_2] : memref<16384xf32, #tpu.memory_space<hbm>> -> memref<512xf32, #tpu.memory_space<hbm>>
    %dma_wait3A_88 = tpu.memref_slice %arg4[%mul3A_2] : memref<16384xf32, #tpu.memory_space<hbm>> -> memref<512xf32, #tpu.memory_space<hbm>>
    tpu.wait_dma2 semaphore(%arg32 : memref<!tpu.dma_semaphore, #tpu.memory_space<semaphore_mem>>) src(%dma_wait3A_88 : memref<512xf32, #tpu.memory_space<hbm>>) dst(%arg19 : memref<512xf32, #tpu.memory_space<vmem>>)
    %dma_start3A_89 = arith.constant 0 : i32
    %dma_start3A_90 = arith.constant 0 : i32
    %dma_start3A_91 = arith.constant 0 : i32
    %dma_start3A_92 = tpu.memref_slice %arg17[%dma_start3A_90, %dma_start3A_91] : memref<4x128xi32, #tpu.memory_space<vmem>> -> memref<1x128xi32, #tpu.memory_space<vmem>>
    %dma_start3A_93 = tpu.memref_squeeze %dma_start3A_92 : memref<1x128xi32, #tpu.memory_space<vmem>> -> memref<128xi32, #tpu.memory_space<vmem>>
    %dma_start3A_94 = arith.constant 0 : i32
    %dma_start3A_95 = tpu.memref_slice %arg16[%dma_start3A_89, %dma_start3A_94] : memref<4x128xi32, #tpu.memory_space<vmem>> -> memref<1x128xi32, #tpu.memory_space<vmem>>
    %dma_start3A_96 = tpu.memref_squeeze %dma_start3A_95 : memref<1x128xi32, #tpu.memory_space<vmem>> -> memref<128xi32, #tpu.memory_space<vmem>>
    %dma_start3A_97 = arith.constant 0 : i32
    %dma_start3A_98 = tpu.memref_slice %arg8[%dma_start3A_97] : memref<1000448xi32, #tpu.memory_space<hbm>> -> memref<1000448xi32, #tpu.memory_space<hbm>>
    tpu.enqueue_indirect_dma source(%dma_start3A_98 : memref<1000448xi32, #tpu.memory_space<hbm>>) target(%dma_start3A_93 : memref<128xi32, #tpu.memory_space<vmem>>) offsets(%dma_start3A_96 : memref<128xi32, #tpu.memory_space<vmem>>) semaphore(%arg32 : memref<!tpu.dma_semaphore, #tpu.memory_space<semaphore_mem>>)
    %dma_start3A_99 = arith.constant 1 : i32
    %dma_start3A_100 = arith.constant 1 : i32
    %dma_start3A_101 = arith.constant 0 : i32
    %dma_start3A_102 = tpu.memref_slice %arg17[%dma_start3A_100, %dma_start3A_101] : memref<4x128xi32, #tpu.memory_space<vmem>> -> memref<1x128xi32, #tpu.memory_space<vmem>>
    %dma_start3A_103 = tpu.memref_squeeze %dma_start3A_102 : memref<1x128xi32, #tpu.memory_space<vmem>> -> memref<128xi32, #tpu.memory_space<vmem>>
    %dma_start3A_104 = arith.constant 0 : i32
    %dma_start3A_105 = tpu.memref_slice %arg16[%dma_start3A_99, %dma_start3A_104] : memref<4x128xi32, #tpu.memory_space<vmem>> -> memref<1x128xi32, #tpu.memory_space<vmem>>
    %dma_start3A_106 = tpu.memref_squeeze %dma_start3A_105 : memref<1x128xi32, #tpu.memory_space<vmem>> -> memref<128xi32, #tpu.memory_space<vmem>>
    %dma_start3A_107 = arith.constant 0 : i32
    %dma_start3A_108 = tpu.memref_slice %arg8[%dma_start3A_107] : memref<1000448xi32, #tpu.memory_space<hbm>> -> memref<1000448xi32, #tpu.memory_space<hbm>>
    tpu.enqueue_indirect_dma source(%dma_start3A_108 : memref<1000448xi32, #tpu.memory_space<hbm>>) target(%dma_start3A_103 : memref<128xi32, #tpu.memory_space<vmem>>) offsets(%dma_start3A_106 : memref<128xi32, #tpu.memory_space<vmem>>) semaphore(%arg32 : memref<!tpu.dma_semaphore, #tpu.memory_space<semaphore_mem>>)
    %dma_start3A_109 = arith.constant 2 : i32
    %dma_start3A_110 = arith.constant 2 : i32
    %dma_start3A_111 = arith.constant 0 : i32
    %dma_start3A_112 = tpu.memref_slice %arg17[%dma_start3A_110, %dma_start3A_111] : memref<4x128xi32, #tpu.memory_space<vmem>> -> memref<1x128xi32, #tpu.memory_space<vmem>>
    %dma_start3A_113 = tpu.memref_squeeze %dma_start3A_112 : memref<1x128xi32, #tpu.memory_space<vmem>> -> memref<128xi32, #tpu.memory_space<vmem>>
    %dma_start3A_114 = arith.constant 0 : i32
    %dma_start3A_115 = tpu.memref_slice %arg16[%dma_start3A_109, %dma_start3A_114] : memref<4x128xi32, #tpu.memory_space<vmem>> -> memref<1x128xi32, #tpu.memory_space<vmem>>
    %dma_start3A_116 = tpu.memref_squeeze %dma_start3A_115 : memref<1x128xi32, #tpu.memory_space<vmem>> -> memref<128xi32, #tpu.memory_space<vmem>>
    %dma_start3A_117 = arith.constant 0 : i32
    %dma_start3A_118 = tpu.memref_slice %arg8[%dma_start3A_117] : memref<1000448xi32, #tpu.memory_space<hbm>> -> memref<1000448xi32, #tpu.memory_space<hbm>>
    tpu.enqueue_indirect_dma source(%dma_start3A_118 : memref<1000448xi32, #tpu.memory_space<hbm>>) target(%dma_start3A_113 : memref<128xi32, #tpu.memory_space<vmem>>) offsets(%dma_start3A_116 : memref<128xi32, #tpu.memory_space<vmem>>) semaphore(%arg32 : memref<!tpu.dma_semaphore, #tpu.memory_space<semaphore_mem>>)
    %dma_start3A_119 = arith.constant 3 : i32
    %dma_start3A_120 = arith.constant 3 : i32
    %dma_start3A_121 = arith.constant 0 : i32
    %dma_start3A_122 = tpu.memref_slice %arg17[%dma_start3A_120, %dma_start3A_121] : memref<4x128xi32, #tpu.memory_space<vmem>> -> memref<1x128xi32, #tpu.memory_space<vmem>>
    %dma_start3A_123 = tpu.memref_squeeze %dma_start3A_122 : memref<1x128xi32, #tpu.memory_space<vmem>> -> memref<128xi32, #tpu.memory_space<vmem>>
    %dma_start3A_124 = arith.constant 0 : i32
    %dma_start3A_125 = tpu.memref_slice %arg16[%dma_start3A_119, %dma_start3A_124] : memref<4x128xi32, #tpu.memory_space<vmem>> -> memref<1x128xi32, #tpu.memory_space<vmem>>
    %dma_start3A_126 = tpu.memref_squeeze %dma_start3A_125 : memref<1x128xi32, #tpu.memory_space<vmem>> -> memref<128xi32, #tpu.memory_space<vmem>>
    %dma_start3A_127 = arith.constant 0 : i32
    %dma_start3A_128 = tpu.memref_slice %arg8[%dma_start3A_127] : memref<1000448xi32, #tpu.memory_space<hbm>> -> memref<1000448xi32, #tpu.memory_space<hbm>>
    tpu.enqueue_indirect_dma source(%dma_start3A_128 : memref<1000448xi32, #tpu.memory_space<hbm>>) target(%dma_start3A_123 : memref<128xi32, #tpu.memory_space<vmem>>) offsets(%dma_start3A_126 : memref<128xi32, #tpu.memory_space<vmem>>) semaphore(%arg32 : memref<!tpu.dma_semaphore, #tpu.memory_space<semaphore_mem>>)
    %dma_wait3A_129 = arith.constant 0 : i32
    %dma_wait3A_130 = arith.constant 0 : i32
    %dma_wait3A_131 = arith.constant 0 : i32
    %dma_wait3A_132 = tpu.memref_slice %arg17[%dma_wait3A_130, %dma_wait3A_131] : memref<4x128xi32, #tpu.memory_space<vmem>> -> memref<1x128xi32, #tpu.memory_space<vmem>>
    %dma_wait3A_133 = tpu.memref_squeeze %dma_wait3A_132 : memref<1x128xi32, #tpu.memory_space<vmem>> -> memref<128xi32, #tpu.memory_space<vmem>>
    %dma_wait3A_134 = arith.constant 0 : i32
    %dma_wait3A_135 = tpu.memref_slice %arg16[%dma_wait3A_129, %dma_wait3A_134] : memref<4x128xi32, #tpu.memory_space<vmem>> -> memref<1x128xi32, #tpu.memory_space<vmem>>
    %dma_wait3A_136 = tpu.memref_squeeze %dma_wait3A_135 : memref<1x128xi32, #tpu.memory_space<vmem>> -> memref<128xi32, #tpu.memory_space<vmem>>
    %dma_wait3A_137 = arith.constant 0 : i32
    %dma_wait3A_138 = tpu.memref_slice %arg8[%dma_wait3A_137] : memref<1000448xi32, #tpu.memory_space<hbm>> -> memref<1000448xi32, #tpu.memory_space<hbm>>
    tpu.wait_indirect_dma semaphore(%arg32 : memref<!tpu.dma_semaphore, #tpu.memory_space<semaphore_mem>>) src(%dma_wait3A_138 : memref<1000448xi32, #tpu.memory_space<hbm>>) dst(%dma_wait3A_133 : memref<128xi32, #tpu.memory_space<vmem>>)
    %dma_wait3A_139 = arith.constant 1 : i32
    %dma_wait3A_140 = arith.constant 1 : i32
    %dma_wait3A_141 = arith.constant 0 : i32
    %dma_wait3A_142 = tpu.memref_slice %arg17[%dma_wait3A_140, %dma_wait3A_141] : memref<4x128xi32, #tpu.memory_space<vmem>> -> memref<1x128xi32, #tpu.memory_space<vmem>>
    %dma_wait3A_143 = tpu.memref_squeeze %dma_wait3A_142 : memref<1x128xi32, #tpu.memory_space<vmem>> -> memref<128xi32, #tpu.memory_space<vmem>>
    %dma_wait3A_144 = arith.constant 0 : i32
    %dma_wait3A_145 = tpu.memref_slice %arg16[%dma_wait3A_139, %dma_wait3A_144] : memref<4x128xi32, #tpu.memory_space<vmem>> -> memref<1x128xi32, #tpu.memory_space<vmem>>
    %dma_wait3A_146 = tpu.memref_squeeze %dma_wait3A_145 : memref<1x128xi32, #tpu.memory_space<vmem>> -> memref<128xi32, #tpu.memory_space<vmem>>
    %dma_wait3A_147 = arith.constant 0 : i32
    %dma_wait3A_148 = tpu.memref_slice %arg8[%dma_wait3A_147] : memref<1000448xi32, #tpu.memory_space<hbm>> -> memref<1000448xi32, #tpu.memory_space<hbm>>
    tpu.wait_indirect_dma semaphore(%arg32 : memref<!tpu.dma_semaphore, #tpu.memory_space<semaphore_mem>>) src(%dma_wait3A_148 : memref<1000448xi32, #tpu.memory_space<hbm>>) dst(%dma_wait3A_143 : memref<128xi32, #tpu.memory_space<vmem>>)
    %dma_wait3A_149 = arith.constant 2 : i32
    %dma_wait3A_150 = arith.constant 2 : i32
    %dma_wait3A_151 = arith.constant 0 : i32
    %dma_wait3A_152 = tpu.memref_slice %arg17[%dma_wait3A_150, %dma_wait3A_151] : memref<4x128xi32, #tpu.memory_space<vmem>> -> memref<1x128xi32, #tpu.memory_space<vmem>>
    %dma_wait3A_153 = tpu.memref_squeeze %dma_wait3A_152 : memref<1x128xi32, #tpu.memory_space<vmem>> -> memref<128xi32, #tpu.memory_space<vmem>>
    %dma_wait3A_154 = arith.constant 0 : i32
    %dma_wait3A_155 = tpu.memref_slice %arg16[%dma_wait3A_149, %dma_wait3A_154] : memref<4x128xi32, #tpu.memory_space<vmem>> -> memref<1x128xi32, #tpu.memory_space<vmem>>
    %dma_wait3A_156 = tpu.memref_squeeze %dma_wait3A_155 : memref<1x128xi32, #tpu.memory_space<vmem>> -> memref<128xi32, #tpu.memory_space<vmem>>
    %dma_wait3A_157 = arith.constant 0 : i32
    %dma_wait3A_158 = tpu.memref_slice %arg8[%dma_wait3A_157] : memref<1000448xi32, #tpu.memory_space<hbm>> -> memref<1000448xi32, #tpu.memory_space<hbm>>
    tpu.wait_indirect_dma semaphore(%arg32 : memref<!tpu.dma_semaphore, #tpu.memory_space<semaphore_mem>>) src(%dma_wait3A_158 : memref<1000448xi32, #tpu.memory_space<hbm>>) dst(%dma_wait3A_153 : memref<128xi32, #tpu.memory_space<vmem>>)
    %dma_wait3A_159 = arith.constant 3 : i32
    %dma_wait3A_160 = arith.constant 3 : i32
    %dma_wait3A_161 = arith.constant 0 : i32
    %dma_wait3A_162 = tpu.memref_slice %arg17[%dma_wait3A_160, %dma_wait3A_161] : memref<4x128xi32, #tpu.memory_space<vmem>> -> memref<1x128xi32, #tpu.memory_space<vmem>>
    %dma_wait3A_163 = tpu.memref_squeeze %dma_wait3A_162 : memref<1x128xi32, #tpu.memory_space<vmem>> -> memref<128xi32, #tpu.memory_space<vmem>>
    %dma_wait3A_164 = arith.constant 0 : i32
    %dma_wait3A_165 = tpu.memref_slice %arg16[%dma_wait3A_159, %dma_wait3A_164] : memref<4x128xi32, #tpu.memory_space<vmem>> -> memref<1x128xi32, #tpu.memory_space<vmem>>
    %dma_wait3A_166 = tpu.memref_squeeze %dma_wait3A_165 : memref<1x128xi32, #tpu.memory_space<vmem>> -> memref<128xi32, #tpu.memory_space<vmem>>
    %dma_wait3A_167 = arith.constant 0 : i32
    %dma_wait3A_168 = tpu.memref_slice %arg8[%dma_wait3A_167] : memref<1000448xi32, #tpu.memory_space<hbm>> -> memref<1000448xi32, #tpu.memory_space<hbm>>
    tpu.wait_indirect_dma semaphore(%arg32 : memref<!tpu.dma_semaphore, #tpu.memory_space<semaphore_mem>>) src(%dma_wait3A_168 : memref<1000448xi32, #tpu.memory_space<hbm>>) dst(%dma_wait3A_163 : memref<128xi32, #tpu.memory_space<vmem>>)
    %dma_start3A_169 = arith.constant 0 : i32
    %dma_start3A_170 = arith.constant 0 : i32
    %dma_start3A_171 = tpu.memref_slice %arg20[%dma_start3A_170] : memref<512xf32, #tpu.memory_space<vmem>> -> memref<128xf32, #tpu.memory_space<vmem>>
    %dma_start3A_172 = arith.constant 0 : i32
    %dma_start3A_173 = tpu.memref_slice %arg17[%dma_start3A_169, %dma_start3A_172] : memref<4x128xi32, #tpu.memory_space<vmem>> -> memref<1x128xi32, #tpu.memory_space<vmem>>
    %dma_start3A_174 = tpu.memref_squeeze %dma_start3A_173 : memref<1x128xi32, #tpu.memory_space<vmem>> -> memref<128xi32, #tpu.memory_space<vmem>>
    %dma_start3A_175 = arith.constant 0 : i32
    %dma_start3A_176 = tpu.memref_slice %arg5[%dma_start3A_175] : memref<16384xf32, #tpu.memory_space<hbm>> -> memref<16384xf32, #tpu.memory_space<hbm>>
    tpu.enqueue_indirect_dma source(%dma_start3A_176 : memref<16384xf32, #tpu.memory_space<hbm>>) target(%dma_start3A_171 : memref<128xf32, #tpu.memory_space<vmem>>) offsets(%dma_start3A_174 : memref<128xi32, #tpu.memory_space<vmem>>) semaphore(%arg32 : memref<!tpu.dma_semaphore, #tpu.memory_space<semaphore_mem>>)
    %dma_start3A_177 = arith.constant 0 : i32
    %dma_start3A_178 = arith.constant 0 : i32
    %dma_start3A_179 = tpu.memref_slice %arg21[%dma_start3A_178] : memref<512xf32, #tpu.memory_space<vmem>> -> memref<128xf32, #tpu.memory_space<vmem>>
    %dma_start3A_180 = arith.constant 0 : i32
    %dma_start3A_181 = tpu.memref_slice %arg17[%dma_start3A_177, %dma_start3A_180] : memref<4x128xi32, #tpu.memory_space<vmem>> -> memref<1x128xi32, #tpu.memory_space<vmem>>
    %dma_start3A_182 = tpu.memref_squeeze %dma_start3A_181 : memref<1x128xi32, #tpu.memory_space<vmem>> -> memref<128xi32, #tpu.memory_space<vmem>>
    %dma_start3A_183 = arith.constant 0 : i32
    %dma_start3A_184 = tpu.memref_slice %arg6[%dma_start3A_183] : memref<16384xf32, #tpu.memory_space<hbm>> -> memref<16384xf32, #tpu.memory_space<hbm>>
    tpu.enqueue_indirect_dma source(%dma_start3A_184 : memref<16384xf32, #tpu.memory_space<hbm>>) target(%dma_start3A_179 : memref<128xf32, #tpu.memory_space<vmem>>) offsets(%dma_start3A_182 : memref<128xi32, #tpu.memory_space<vmem>>) semaphore(%arg32 : memref<!tpu.dma_semaphore, #tpu.memory_space<semaphore_mem>>)
    %dma_start3A_185 = arith.constant 0 : i32
    %dma_start3A_186 = arith.constant 0 : i32
    %dma_start3A_187 = tpu.memref_slice %arg22[%dma_start3A_186] : memref<512xf32, #tpu.memory_space<vmem>> -> memref<128xf32, #tpu.memory_space<vmem>>
    %dma_start3A_188 = arith.constant 0 : i32
    %dma_start3A_189 = tpu.memref_slice %arg17[%dma_start3A_185, %dma_start3A_188] : memref<4x128xi32, #tpu.memory_space<vmem>> -> memref<1x128xi32, #tpu.memory_space<vmem>>
    %dma_start3A_190 = tpu.memref_squeeze %dma_start3A_189 : memref<1x128xi32, #tpu.memory_space<vmem>> -> memref<128xi32, #tpu.memory_space<vmem>>
    %dma_start3A_191 = arith.constant 0 : i32
    %dma_start3A_192 = tpu.memref_slice %arg7[%dma_start3A_191] : memref<16384xf32, #tpu.memory_space<hbm>> -> memref<16384xf32, #tpu.memory_space<hbm>>
    tpu.enqueue_indirect_dma source(%dma_start3A_192 : memref<16384xf32, #tpu.memory_space<hbm>>) target(%dma_start3A_187 : memref<128xf32, #tpu.memory_space<vmem>>) offsets(%dma_start3A_190 : memref<128xi32, #tpu.memory_space<vmem>>) semaphore(%arg32 : memref<!tpu.dma_semaphore, #tpu.memory_space<semaphore_mem>>)
    %dma_start3A_193 = arith.constant 0 : i32
    %dma_start3A_194 = arith.constant 0 : i32
    %dma_start3A_195 = tpu.memref_slice %arg23[%dma_start3A_194] : memref<512xf32, #tpu.memory_space<vmem>> -> memref<128xf32, #tpu.memory_space<vmem>>
    %dma_start3A_196 = arith.constant 0 : i32
    %dma_start3A_197 = tpu.memref_slice %arg17[%dma_start3A_193, %dma_start3A_196] : memref<4x128xi32, #tpu.memory_space<vmem>> -> memref<1x128xi32, #tpu.memory_space<vmem>>
    %dma_start3A_198 = tpu.memref_squeeze %dma_start3A_197 : memref<1x128xi32, #tpu.memory_space<vmem>> -> memref<128xi32, #tpu.memory_space<vmem>>
    %dma_start3A_199 = arith.constant 0 : i32
    %dma_start3A_200 = tpu.memref_slice %arg3[%dma_start3A_199] : memref<16384xf32, #tpu.memory_space<hbm>> -> memref<16384xf32, #tpu.memory_space<hbm>>
    tpu.enqueue_indirect_dma source(%dma_start3A_200 : memref<16384xf32, #tpu.memory_space<hbm>>) target(%dma_start3A_195 : memref<128xf32, #tpu.memory_space<vmem>>) offsets(%dma_start3A_198 : memref<128xi32, #tpu.memory_space<vmem>>) semaphore(%arg32 : memref<!tpu.dma_semaphore, #tpu.memory_space<semaphore_mem>>)
    %dma_start3A_201 = arith.constant 0 : i32
    %dma_start3A_202 = arith.constant 0 : i32
    %dma_start3A_203 = tpu.memref_slice %arg24[%dma_start3A_202] : memref<512xf32, #tpu.memory_space<vmem>> -> memref<128xf32, #tpu.memory_space<vmem>>
    %dma_start3A_204 = arith.constant 0 : i32
    %dma_start3A_205 = tpu.memref_slice %arg17[%dma_start3A_201, %dma_start3A_204] : memref<4x128xi32, #tpu.memory_space<vmem>> -> memref<1x128xi32, #tpu.memory_space<vmem>>
    %dma_start3A_206 = tpu.memref_squeeze %dma_start3A_205 : memref<1x128xi32, #tpu.memory_space<vmem>> -> memref<128xi32, #tpu.memory_space<vmem>>
    %dma_start3A_207 = arith.constant 0 : i32
    %dma_start3A_208 = tpu.memref_slice %arg4[%dma_start3A_207] : memref<16384xf32, #tpu.memory_space<hbm>> -> memref<16384xf32, #tpu.memory_space<hbm>>
    tpu.enqueue_indirect_dma source(%dma_start3A_208 : memref<16384xf32, #tpu.memory_space<hbm>>) target(%dma_start3A_203 : memref<128xf32, #tpu.memory_space<vmem>>) offsets(%dma_start3A_206 : memref<128xi32, #tpu.memory_space<vmem>>) semaphore(%arg32 : memref<!tpu.dma_semaphore, #tpu.memory_space<semaphore_mem>>)
    %dma_start3A_209 = arith.constant 0 : i32
    %dma_start3A_210 = arith.constant 0 : i32
    %dma_start3A_211 = tpu.memref_slice %arg25[%dma_start3A_210] : memref<512xf32, #tpu.memory_space<vmem>> -> memref<128xf32, #tpu.memory_space<vmem>>
    %dma_start3A_212 = arith.constant 0 : i32
    %dma_start3A_213 = tpu.memref_slice %arg16[%dma_start3A_209, %dma_start3A_212] : memref<4x128xi32, #tpu.memory_space<vmem>> -> memref<1x128xi32, #tpu.memory_space<vmem>>
    %dma_start3A_214 = tpu.memref_squeeze %dma_start3A_213 : memref<1x128xi32, #tpu.memory_space<vmem>> -> memref<128xi32, #tpu.memory_space<vmem>>
    %dma_start3A_215 = arith.constant 0 : i32
    %dma_start3A_216 = tpu.memref_slice %arg9[%dma_start3A_215] : memref<1000000xf32, #tpu.memory_space<hbm>> -> memref<1000000xf32, #tpu.memory_space<hbm>>
    tpu.enqueue_indirect_dma source(%dma_start3A_216 : memref<1000000xf32, #tpu.memory_space<hbm>>) target(%dma_start3A_211 : memref<128xf32, #tpu.memory_space<vmem>>) offsets(%dma_start3A_214 : memref<128xi32, #tpu.memory_space<vmem>>) semaphore(%arg32 : memref<!tpu.dma_semaphore, #tpu.memory_space<semaphore_mem>>)
    %dma_start3A_217 = arith.constant 0 : i32
    %dma_start3A_218 = arith.constant 0 : i32
    %dma_start3A_219 = tpu.memref_slice %arg26[%dma_start3A_218] : memref<512xf32, #tpu.memory_space<vmem>> -> memref<128xf32, #tpu.memory_space<vmem>>
    %dma_start3A_220 = arith.constant 0 : i32
    %dma_start3A_221 = tpu.memref_slice %arg16[%dma_start3A_217, %dma_start3A_220] : memref<4x128xi32, #tpu.memory_space<vmem>> -> memref<1x128xi32, #tpu.memory_space<vmem>>
    %dma_start3A_222 = tpu.memref_squeeze %dma_start3A_221 : memref<1x128xi32, #tpu.memory_space<vmem>> -> memref<128xi32, #tpu.memory_space<vmem>>
    %dma_start3A_223 = arith.constant 0 : i32
    %dma_start3A_224 = tpu.memref_slice %arg10[%dma_start3A_223] : memref<1000000xf32, #tpu.memory_space<hbm>> -> memref<1000000xf32, #tpu.memory_space<hbm>>
    tpu.enqueue_indirect_dma source(%dma_start3A_224 : memref<1000000xf32, #tpu.memory_space<hbm>>) target(%dma_start3A_219 : memref<128xf32, #tpu.memory_space<vmem>>) offsets(%dma_start3A_222 : memref<128xi32, #tpu.memory_space<vmem>>) semaphore(%arg32 : memref<!tpu.dma_semaphore, #tpu.memory_space<semaphore_mem>>)
    %dma_start3A_225 = arith.constant 1 : i32
    %dma_start3A_226 = arith.constant 128 : i32
    %dma_start3A_227 = tpu.memref_slice %arg20[%dma_start3A_226] : memref<512xf32, #tpu.memory_space<vmem>> -> memref<128xf32, #tpu.memory_space<vmem>>
    %dma_start3A_228 = arith.constant 0 : i32
    %dma_start3A_229 = tpu.memref_slice %arg17[%dma_start3A_225, %dma_start3A_228] : memref<4x128xi32, #tpu.memory_space<vmem>> -> memref<1x128xi32, #tpu.memory_space<vmem>>
    %dma_start3A_230 = tpu.memref_squeeze %dma_start3A_229 : memref<1x128xi32, #tpu.memory_space<vmem>> -> memref<128xi32, #tpu.memory_space<vmem>>
    %dma_start3A_231 = arith.constant 0 : i32
    %dma_start3A_232 = tpu.memref_slice %arg5[%dma_start3A_231] : memref<16384xf32, #tpu.memory_space<hbm>> -> memref<16384xf32, #tpu.memory_space<hbm>>
    tpu.enqueue_indirect_dma source(%dma_start3A_232 : memref<16384xf32, #tpu.memory_space<hbm>>) target(%dma_start3A_227 : memref<128xf32, #tpu.memory_space<vmem>>) offsets(%dma_start3A_230 : memref<128xi32, #tpu.memory_space<vmem>>) semaphore(%arg32 : memref<!tpu.dma_semaphore, #tpu.memory_space<semaphore_mem>>)
    %dma_start3A_233 = arith.constant 1 : i32
    %dma_start3A_234 = arith.constant 128 : i32
    %dma_start3A_235 = tpu.memref_slice %arg21[%dma_start3A_234] : memref<512xf32, #tpu.memory_space<vmem>> -> memref<128xf32, #tpu.memory_space<vmem>>
    %dma_start3A_236 = arith.constant 0 : i32
    %dma_start3A_237 = tpu.memref_slice %arg17[%dma_start3A_233, %dma_start3A_236] : memref<4x128xi32, #tpu.memory_space<vmem>> -> memref<1x128xi32, #tpu.memory_space<vmem>>
    %dma_start3A_238 = tpu.memref_squeeze %dma_start3A_237 : memref<1x128xi32, #tpu.memory_space<vmem>> -> memref<128xi32, #tpu.memory_space<vmem>>
    %dma_start3A_239 = arith.constant 0 : i32
    %dma_start3A_240 = tpu.memref_slice %arg6[%dma_start3A_239] : memref<16384xf32, #tpu.memory_space<hbm>> -> memref<16384xf32, #tpu.memory_space<hbm>>
    tpu.enqueue_indirect_dma source(%dma_start3A_240 : memref<16384xf32, #tpu.memory_space<hbm>>) target(%dma_start3A_235 : memref<128xf32, #tpu.memory_space<vmem>>) offsets(%dma_start3A_238 : memref<128xi32, #tpu.memory_space<vmem>>) semaphore(%arg32 : memref<!tpu.dma_semaphore, #tpu.memory_space<semaphore_mem>>)
    %dma_start3A_241 = arith.constant 1 : i32
    %dma_start3A_242 = arith.constant 128 : i32
    %dma_start3A_243 = tpu.memref_slice %arg22[%dma_start3A_242] : memref<512xf32, #tpu.memory_space<vmem>> -> memref<128xf32, #tpu.memory_space<vmem>>
    %dma_start3A_244 = arith.constant 0 : i32
    %dma_start3A_245 = tpu.memref_slice %arg17[%dma_start3A_241, %dma_start3A_244] : memref<4x128xi32, #tpu.memory_space<vmem>> -> memref<1x128xi32, #tpu.memory_space<vmem>>
    %dma_start3A_246 = tpu.memref_squeeze %dma_start3A_245 : memref<1x128xi32, #tpu.memory_space<vmem>> -> memref<128xi32, #tpu.memory_space<vmem>>
    %dma_start3A_247 = arith.constant 0 : i32
    %dma_start3A_248 = tpu.memref_slice %arg7[%dma_start3A_247] : memref<16384xf32, #tpu.memory_space<hbm>> -> memref<16384xf32, #tpu.memory_space<hbm>>
    tpu.enqueue_indirect_dma source(%dma_start3A_248 : memref<16384xf32, #tpu.memory_space<hbm>>) target(%dma_start3A_243 : memref<128xf32, #tpu.memory_space<vmem>>) offsets(%dma_start3A_246 : memref<128xi32, #tpu.memory_space<vmem>>) semaphore(%arg32 : memref<!tpu.dma_semaphore, #tpu.memory_space<semaphore_mem>>)
    %dma_start3A_249 = arith.constant 1 : i32
    %dma_start3A_250 = arith.constant 128 : i32
    %dma_start3A_251 = tpu.memref_slice %arg23[%dma_start3A_250] : memref<512xf32, #tpu.memory_space<vmem>> -> memref<128xf32, #tpu.memory_space<vmem>>
    %dma_start3A_252 = arith.constant 0 : i32
    %dma_start3A_253 = tpu.memref_slice %arg17[%dma_start3A_249, %dma_start3A_252] : memref<4x128xi32, #tpu.memory_space<vmem>> -> memref<1x128xi32, #tpu.memory_space<vmem>>
    %dma_start3A_254 = tpu.memref_squeeze %dma_start3A_253 : memref<1x128xi32, #tpu.memory_space<vmem>> -> memref<128xi32, #tpu.memory_space<vmem>>
    %dma_start3A_255 = arith.constant 0 : i32
    %dma_start3A_256 = tpu.memref_slice %arg3[%dma_start3A_255] : memref<16384xf32, #tpu.memory_space<hbm>> -> memref<16384xf32, #tpu.memory_space<hbm>>
    tpu.enqueue_indirect_dma source(%dma_start3A_256 : memref<16384xf32, #tpu.memory_space<hbm>>) target(%dma_start3A_251 : memref<128xf32, #tpu.memory_space<vmem>>) offsets(%dma_start3A_254 : memref<128xi32, #tpu.memory_space<vmem>>) semaphore(%arg32 : memref<!tpu.dma_semaphore, #tpu.memory_space<semaphore_mem>>)
    %dma_start3A_257 = arith.constant 1 : i32
    %dma_start3A_258 = arith.constant 128 : i32
    %dma_start3A_259 = tpu.memref_slice %arg24[%dma_start3A_258] : memref<512xf32, #tpu.memory_space<vmem>> -> memref<128xf32, #tpu.memory_space<vmem>>
    %dma_start3A_260 = arith.constant 0 : i32
    %dma_start3A_261 = tpu.memref_slice %arg17[%dma_start3A_257, %dma_start3A_260] : memref<4x128xi32, #tpu.memory_space<vmem>> -> memref<1x128xi32, #tpu.memory_space<vmem>>
    %dma_start3A_262 = tpu.memref_squeeze %dma_start3A_261 : memref<1x128xi32, #tpu.memory_space<vmem>> -> memref<128xi32, #tpu.memory_space<vmem>>
    %dma_start3A_263 = arith.constant 0 : i32
    %dma_start3A_264 = tpu.memref_slice %arg4[%dma_start3A_263] : memref<16384xf32, #tpu.memory_space<hbm>> -> memref<16384xf32, #tpu.memory_space<hbm>>
    tpu.enqueue_indirect_dma source(%dma_start3A_264 : memref<16384xf32, #tpu.memory_space<hbm>>) target(%dma_start3A_259 : memref<128xf32, #tpu.memory_space<vmem>>) offsets(%dma_start3A_262 : memref<128xi32, #tpu.memory_space<vmem>>) semaphore(%arg32 : memref<!tpu.dma_semaphore, #tpu.memory_space<semaphore_mem>>)
    %dma_start3A_265 = arith.constant 1 : i32
    %dma_start3A_266 = arith.constant 128 : i32
    %dma_start3A_267 = tpu.memref_slice %arg25[%dma_start3A_266] : memref<512xf32, #tpu.memory_space<vmem>> -> memref<128xf32, #tpu.memory_space<vmem>>
    %dma_start3A_268 = arith.constant 0 : i32
    %dma_start3A_269 = tpu.memref_slice %arg16[%dma_start3A_265, %dma_start3A_268] : memref<4x128xi32, #tpu.memory_space<vmem>> -> memref<1x128xi32, #tpu.memory_space<vmem>>
    %dma_start3A_270 = tpu.memref_squeeze %dma_start3A_269 : memref<1x128xi32, #tpu.memory_space<vmem>> -> memref<128xi32, #tpu.memory_space<vmem>>
    %dma_start3A_271 = arith.constant 0 : i32
    %dma_start3A_272 = tpu.memref_slice %arg9[%dma_start3A_271] : memref<1000000xf32, #tpu.memory_space<hbm>> -> memref<1000000xf32, #tpu.memory_space<hbm>>
    tpu.enqueue_indirect_dma source(%dma_start3A_272 : memref<1000000xf32, #tpu.memory_space<hbm>>) target(%dma_start3A_267 : memref<128xf32, #tpu.memory_space<vmem>>) offsets(%dma_start3A_270 : memref<128xi32, #tpu.memory_space<vmem>>) semaphore(%arg32 : memref<!tpu.dma_semaphore, #tpu.memory_space<semaphore_mem>>)
    %dma_start3A_273 = arith.constant 1 : i32
    %dma_start3A_274 = arith.constant 128 : i32
    %dma_start3A_275 = tpu.memref_slice %arg26[%dma_start3A_274] : memref<512xf32, #tpu.memory_space<vmem>> -> memref<128xf32, #tpu.memory_space<vmem>>
    %dma_start3A_276 = arith.constant 0 : i32
    %dma_start3A_277 = tpu.memref_slice %arg16[%dma_start3A_273, %dma_start3A_276] : memref<4x128xi32, #tpu.memory_space<vmem>> -> memref<1x128xi32, #tpu.memory_space<vmem>>
    %dma_start3A_278 = tpu.memref_squeeze %dma_start3A_277 : memref<1x128xi32, #tpu.memory_space<vmem>> -> memref<128xi32, #tpu.memory_space<vmem>>
    %dma_start3A_279 = arith.constant 0 : i32
    %dma_start3A_280 = tpu.memref_slice %arg10[%dma_start3A_279] : memref<1000000xf32, #tpu.memory_space<hbm>> -> memref<1000000xf32, #tpu.memory_space<hbm>>
    tpu.enqueue_indirect_dma source(%dma_start3A_280 : memref<1000000xf32, #tpu.memory_space<hbm>>) target(%dma_start3A_275 : memref<128xf32, #tpu.memory_space<vmem>>) offsets(%dma_start3A_278 : memref<128xi32, #tpu.memory_space<vmem>>) semaphore(%arg32 : memref<!tpu.dma_semaphore, #tpu.memory_space<semaphore_mem>>)
    %dma_start3A_281 = arith.constant 2 : i32
    %dma_start3A_282 = arith.constant 256 : i32
    %dma_start3A_283 = tpu.memref_slice %arg20[%dma_start3A_282] : memref<512xf32, #tpu.memory_space<vmem>> -> memref<128xf32, #tpu.memory_space<vmem>>
    %dma_start3A_284 = arith.constant 0 : i32
    %dma_start3A_285 = tpu.memref_slice %arg17[%dma_start3A_281, %dma_start3A_284] : memref<4x128xi32, #tpu.memory_space<vmem>> -> memref<1x128xi32, #tpu.memory_space<vmem>>
    %dma_start3A_286 = tpu.memref_squeeze %dma_start3A_285 : memref<1x128xi32, #tpu.memory_space<vmem>> -> memref<128xi32, #tpu.memory_space<vmem>>
    %dma_start3A_287 = arith.constant 0 : i32
    %dma_start3A_288 = tpu.memref_slice %arg5[%dma_start3A_287] : memref<16384xf32, #tpu.memory_space<hbm>> -> memref<16384xf32, #tpu.memory_space<hbm>>
    tpu.enqueue_indirect_dma source(%dma_start3A_288 : memref<16384xf32, #tpu.memory_space<hbm>>) target(%dma_start3A_283 : memref<128xf32, #tpu.memory_space<vmem>>) offsets(%dma_start3A_286 : memref<128xi32, #tpu.memory_space<vmem>>) semaphore(%arg32 : memref<!tpu.dma_semaphore, #tpu.memory_space<semaphore_mem>>)
    %dma_start3A_289 = arith.constant 2 : i32
    %dma_start3A_290 = arith.constant 256 : i32
    %dma_start3A_291 = tpu.memref_slice %arg21[%dma_start3A_290] : memref<512xf32, #tpu.memory_space<vmem>> -> memref<128xf32, #tpu.memory_space<vmem>>
    %dma_start3A_292 = arith.constant 0 : i32
    %dma_start3A_293 = tpu.memref_slice %arg17[%dma_start3A_289, %dma_start3A_292] : memref<4x128xi32, #tpu.memory_space<vmem>> -> memref<1x128xi32, #tpu.memory_space<vmem>>
    %dma_start3A_294 = tpu.memref_squeeze %dma_start3A_293 : memref<1x128xi32, #tpu.memory_space<vmem>> -> memref<128xi32, #tpu.memory_space<vmem>>
    %dma_start3A_295 = arith.constant 0 : i32
    %dma_start3A_296 = tpu.memref_slice %arg6[%dma_start3A_295] : memref<16384xf32, #tpu.memory_space<hbm>> -> memref<16384xf32, #tpu.memory_space<hbm>>
    tpu.enqueue_indirect_dma source(%dma_start3A_296 : memref<16384xf32, #tpu.memory_space<hbm>>) target(%dma_start3A_291 : memref<128xf32, #tpu.memory_space<vmem>>) offsets(%dma_start3A_294 : memref<128xi32, #tpu.memory_space<vmem>>) semaphore(%arg32 : memref<!tpu.dma_semaphore, #tpu.memory_space<semaphore_mem>>)
    %dma_start3A_297 = arith.constant 2 : i32
    %dma_start3A_298 = arith.constant 256 : i32
    %dma_start3A_299 = tpu.memref_slice %arg22[%dma_start3A_298] : memref<512xf32, #tpu.memory_space<vmem>> -> memref<128xf32, #tpu.memory_space<vmem>>
    %dma_start3A_300 = arith.constant 0 : i32
    %dma_start3A_301 = tpu.memref_slice %arg17[%dma_start3A_297, %dma_start3A_300] : memref<4x128xi32, #tpu.memory_space<vmem>> -> memref<1x128xi32, #tpu.memory_space<vmem>>
    %dma_start3A_302 = tpu.memref_squeeze %dma_start3A_301 : memref<1x128xi32, #tpu.memory_space<vmem>> -> memref<128xi32, #tpu.memory_space<vmem>>
    %dma_start3A_303 = arith.constant 0 : i32
    %dma_start3A_304 = tpu.memref_slice %arg7[%dma_start3A_303] : memref<16384xf32, #tpu.memory_space<hbm>> -> memref<16384xf32, #tpu.memory_space<hbm>>
    tpu.enqueue_indirect_dma source(%dma_start3A_304 : memref<16384xf32, #tpu.memory_space<hbm>>) target(%dma_start3A_299 : memref<128xf32, #tpu.memory_space<vmem>>) offsets(%dma_start3A_302 : memref<128xi32, #tpu.memory_space<vmem>>) semaphore(%arg32 : memref<!tpu.dma_semaphore, #tpu.memory_space<semaphore_mem>>)
    %dma_start3A_305 = arith.constant 2 : i32
    %dma_start3A_306 = arith.constant 256 : i32
    %dma_start3A_307 = tpu.memref_slice %arg23[%dma_start3A_306] : memref<512xf32, #tpu.memory_space<vmem>> -> memref<128xf32, #tpu.memory_space<vmem>>
    %dma_start3A_308 = arith.constant 0 : i32
    %dma_start3A_309 = tpu.memref_slice %arg17[%dma_start3A_305, %dma_start3A_308] : memref<4x128xi32, #tpu.memory_space<vmem>> -> memref<1x128xi32, #tpu.memory_space<vmem>>
    %dma_start3A_310 = tpu.memref_squeeze %dma_start3A_309 : memref<1x128xi32, #tpu.memory_space<vmem>> -> memref<128xi32, #tpu.memory_space<vmem>>
    %dma_start3A_311 = arith.constant 0 : i32
    %dma_start3A_312 = tpu.memref_slice %arg3[%dma_start3A_311] : memref<16384xf32, #tpu.memory_space<hbm>> -> memref<16384xf32, #tpu.memory_space<hbm>>
    tpu.enqueue_indirect_dma source(%dma_start3A_312 : memref<16384xf32, #tpu.memory_space<hbm>>) target(%dma_start3A_307 : memref<128xf32, #tpu.memory_space<vmem>>) offsets(%dma_start3A_310 : memref<128xi32, #tpu.memory_space<vmem>>) semaphore(%arg32 : memref<!tpu.dma_semaphore, #tpu.memory_space<semaphore_mem>>)
    %dma_start3A_313 = arith.constant 2 : i32
    %dma_start3A_314 = arith.constant 256 : i32
    %dma_start3A_315 = tpu.memref_slice %arg24[%dma_start3A_314] : memref<512xf32, #tpu.memory_space<vmem>> -> memref<128xf32, #tpu.memory_space<vmem>>
    %dma_start3A_316 = arith.constant 0 : i32
    %dma_start3A_317 = tpu.memref_slice %arg17[%dma_start3A_313, %dma_start3A_316] : memref<4x128xi32, #tpu.memory_space<vmem>> -> memref<1x128xi32, #tpu.memory_space<vmem>>
    %dma_start3A_318 = tpu.memref_squeeze %dma_start3A_317 : memref<1x128xi32, #tpu.memory_space<vmem>> -> memref<128xi32, #tpu.memory_space<vmem>>
    %dma_start3A_319 = arith.constant 0 : i32
    %dma_start3A_320 = tpu.memref_slice %arg4[%dma_start3A_319] : memref<16384xf32, #tpu.memory_space<hbm>> -> memref<16384xf32, #tpu.memory_space<hbm>>
    tpu.enqueue_indirect_dma source(%dma_start3A_320 : memref<16384xf32, #tpu.memory_space<hbm>>) target(%dma_start3A_315 : memref<128xf32, #tpu.memory_space<vmem>>) offsets(%dma_start3A_318 : memref<128xi32, #tpu.memory_space<vmem>>) semaphore(%arg32 : memref<!tpu.dma_semaphore, #tpu.memory_space<semaphore_mem>>)
    %dma_start3A_321 = arith.constant 2 : i32
    %dma_start3A_322 = arith.constant 256 : i32
    %dma_start3A_323 = tpu.memref_slice %arg25[%dma_start3A_322] : memref<512xf32, #tpu.memory_space<vmem>> -> memref<128xf32, #tpu.memory_space<vmem>>
    %dma_start3A_324 = arith.constant 0 : i32
    %dma_start3A_325 = tpu.memref_slice %arg16[%dma_start3A_321, %dma_start3A_324] : memref<4x128xi32, #tpu.memory_space<vmem>> -> memref<1x128xi32, #tpu.memory_space<vmem>>
    %dma_start3A_326 = tpu.memref_squeeze %dma_start3A_325 : memref<1x128xi32, #tpu.memory_space<vmem>> -> memref<128xi32, #tpu.memory_space<vmem>>
    %dma_start3A_327 = arith.constant 0 : i32
    %dma_start3A_328 = tpu.memref_slice %arg9[%dma_start3A_327] : memref<1000000xf32, #tpu.memory_space<hbm>> -> memref<1000000xf32, #tpu.memory_space<hbm>>
    tpu.enqueue_indirect_dma source(%dma_start3A_328 : memref<1000000xf32, #tpu.memory_space<hbm>>) target(%dma_start3A_323 : memref<128xf32, #tpu.memory_space<vmem>>) offsets(%dma_start3A_326 : memref<128xi32, #tpu.memory_space<vmem>>) semaphore(%arg32 : memref<!tpu.dma_semaphore, #tpu.memory_space<semaphore_mem>>)
    %dma_start3A_329 = arith.constant 2 : i32
    %dma_start3A_330 = arith.constant 256 : i32
    %dma_start3A_331 = tpu.memref_slice %arg26[%dma_start3A_330] : memref<512xf32, #tpu.memory_space<vmem>> -> memref<128xf32, #tpu.memory_space<vmem>>
    %dma_start3A_332 = arith.constant 0 : i32
    %dma_start3A_333 = tpu.memref_slice %arg16[%dma_start3A_329, %dma_start3A_332] : memref<4x128xi32, #tpu.memory_space<vmem>> -> memref<1x128xi32, #tpu.memory_space<vmem>>
    %dma_start3A_334 = tpu.memref_squeeze %dma_start3A_333 : memref<1x128xi32, #tpu.memory_space<vmem>> -> memref<128xi32, #tpu.memory_space<vmem>>
    %dma_start3A_335 = arith.constant 0 : i32
    %dma_start3A_336 = tpu.memref_slice %arg10[%dma_start3A_335] : memref<1000000xf32, #tpu.memory_space<hbm>> -> memref<1000000xf32, #tpu.memory_space<hbm>>
    tpu.enqueue_indirect_dma source(%dma_start3A_336 : memref<1000000xf32, #tpu.memory_space<hbm>>) target(%dma_start3A_331 : memref<128xf32, #tpu.memory_space<vmem>>) offsets(%dma_start3A_334 : memref<128xi32, #tpu.memory_space<vmem>>) semaphore(%arg32 : memref<!tpu.dma_semaphore, #tpu.memory_space<semaphore_mem>>)
    %dma_start3A_337 = arith.constant 3 : i32
    %dma_start3A_338 = arith.constant 384 : i32
    %dma_start3A_339 = tpu.memref_slice %arg20[%dma_start3A_338] : memref<512xf32, #tpu.memory_space<vmem>> -> memref<128xf32, #tpu.memory_space<vmem>>
    %dma_start3A_340 = arith.constant 0 : i32
    %dma_start3A_341 = tpu.memref_slice %arg17[%dma_start3A_337, %dma_start3A_340] : memref<4x128xi32, #tpu.memory_space<vmem>> -> memref<1x128xi32, #tpu.memory_space<vmem>>
    %dma_start3A_342 = tpu.memref_squeeze %dma_start3A_341 : memref<1x128xi32, #tpu.memory_space<vmem>> -> memref<128xi32, #tpu.memory_space<vmem>>
    %dma_start3A_343 = arith.constant 0 : i32
    %dma_start3A_344 = tpu.memref_slice %arg5[%dma_start3A_343] : memref<16384xf32, #tpu.memory_space<hbm>> -> memref<16384xf32, #tpu.memory_space<hbm>>
    tpu.enqueue_indirect_dma source(%dma_start3A_344 : memref<16384xf32, #tpu.memory_space<hbm>>) target(%dma_start3A_339 : memref<128xf32, #tpu.memory_space<vmem>>) offsets(%dma_start3A_342 : memref<128xi32, #tpu.memory_space<vmem>>) semaphore(%arg32 : memref<!tpu.dma_semaphore, #tpu.memory_space<semaphore_mem>>)
    %dma_start3A_345 = arith.constant 3 : i32
    %dma_start3A_346 = arith.constant 384 : i32
    %dma_start3A_347 = tpu.memref_slice %arg21[%dma_start3A_346] : memref<512xf32, #tpu.memory_space<vmem>> -> memref<128xf32, #tpu.memory_space<vmem>>
    %dma_start3A_348 = arith.constant 0 : i32
    %dma_start3A_349 = tpu.memref_slice %arg17[%dma_start3A_345, %dma_start3A_348] : memref<4x128xi32, #tpu.memory_space<vmem>> -> memref<1x128xi32, #tpu.memory_space<vmem>>
    %dma_start3A_350 = tpu.memref_squeeze %dma_start3A_349 : memref<1x128xi32, #tpu.memory_space<vmem>> -> memref<128xi32, #tpu.memory_space<vmem>>
    %dma_start3A_351 = arith.constant 0 : i32
    %dma_start3A_352 = tpu.memref_slice %arg6[%dma_start3A_351] : memref<16384xf32, #tpu.memory_space<hbm>> -> memref<16384xf32, #tpu.memory_space<hbm>>
    tpu.enqueue_indirect_dma source(%dma_start3A_352 : memref<16384xf32, #tpu.memory_space<hbm>>) target(%dma_start3A_347 : memref<128xf32, #tpu.memory_space<vmem>>) offsets(%dma_start3A_350 : memref<128xi32, #tpu.memory_space<vmem>>) semaphore(%arg32 : memref<!tpu.dma_semaphore, #tpu.memory_space<semaphore_mem>>)
    %dma_start3A_353 = arith.constant 3 : i32
    %dma_start3A_354 = arith.constant 384 : i32
    %dma_start3A_355 = tpu.memref_slice %arg22[%dma_start3A_354] : memref<512xf32, #tpu.memory_space<vmem>> -> memref<128xf32, #tpu.memory_space<vmem>>
    %dma_start3A_356 = arith.constant 0 : i32
    %dma_start3A_357 = tpu.memref_slice %arg17[%dma_start3A_353, %dma_start3A_356] : memref<4x128xi32, #tpu.memory_space<vmem>> -> memref<1x128xi32, #tpu.memory_space<vmem>>
    %dma_start3A_358 = tpu.memref_squeeze %dma_start3A_357 : memref<1x128xi32, #tpu.memory_space<vmem>> -> memref<128xi32, #tpu.memory_space<vmem>>
    %dma_start3A_359 = arith.constant 0 : i32
    %dma_start3A_360 = tpu.memref_slice %arg7[%dma_start3A_359] : memref<16384xf32, #tpu.memory_space<hbm>> -> memref<16384xf32, #tpu.memory_space<hbm>>
    tpu.enqueue_indirect_dma source(%dma_start3A_360 : memref<16384xf32, #tpu.memory_space<hbm>>) target(%dma_start3A_355 : memref<128xf32, #tpu.memory_space<vmem>>) offsets(%dma_start3A_358 : memref<128xi32, #tpu.memory_space<vmem>>) semaphore(%arg32 : memref<!tpu.dma_semaphore, #tpu.memory_space<semaphore_mem>>)
    %dma_start3A_361 = arith.constant 3 : i32
    %dma_start3A_362 = arith.constant 384 : i32
    %dma_start3A_363 = tpu.memref_slice %arg23[%dma_start3A_362] : memref<512xf32, #tpu.memory_space<vmem>> -> memref<128xf32, #tpu.memory_space<vmem>>
    %dma_start3A_364 = arith.constant 0 : i32
    %dma_start3A_365 = tpu.memref_slice %arg17[%dma_start3A_361, %dma_start3A_364] : memref<4x128xi32, #tpu.memory_space<vmem>> -> memref<1x128xi32, #tpu.memory_space<vmem>>
    %dma_start3A_366 = tpu.memref_squeeze %dma_start3A_365 : memref<1x128xi32, #tpu.memory_space<vmem>> -> memref<128xi32, #tpu.memory_space<vmem>>
    %dma_start3A_367 = arith.constant 0 : i32
    %dma_start3A_368 = tpu.memref_slice %arg3[%dma_start3A_367] : memref<16384xf32, #tpu.memory_space<hbm>> -> memref<16384xf32, #tpu.memory_space<hbm>>
    tpu.enqueue_indirect_dma source(%dma_start3A_368 : memref<16384xf32, #tpu.memory_space<hbm>>) target(%dma_start3A_363 : memref<128xf32, #tpu.memory_space<vmem>>) offsets(%dma_start3A_366 : memref<128xi32, #tpu.memory_space<vmem>>) semaphore(%arg32 : memref<!tpu.dma_semaphore, #tpu.memory_space<semaphore_mem>>)
    %dma_start3A_369 = arith.constant 3 : i32
    %dma_start3A_370 = arith.constant 384 : i32
    %dma_start3A_371 = tpu.memref_slice %arg24[%dma_start3A_370] : memref<512xf32, #tpu.memory_space<vmem>> -> memref<128xf32, #tpu.memory_space<vmem>>
    %dma_start3A_372 = arith.constant 0 : i32
    %dma_start3A_373 = tpu.memref_slice %arg17[%dma_start3A_369, %dma_start3A_372] : memref<4x128xi32, #tpu.memory_space<vmem>> -> memref<1x128xi32, #tpu.memory_space<vmem>>
    %dma_start3A_374 = tpu.memref_squeeze %dma_start3A_373 : memref<1x128xi32, #tpu.memory_space<vmem>> -> memref<128xi32, #tpu.memory_space<vmem>>
    %dma_start3A_375 = arith.constant 0 : i32
    %dma_start3A_376 = tpu.memref_slice %arg4[%dma_start3A_375] : memref<16384xf32, #tpu.memory_space<hbm>> -> memref<16384xf32, #tpu.memory_space<hbm>>
    tpu.enqueue_indirect_dma source(%dma_start3A_376 : memref<16384xf32, #tpu.memory_space<hbm>>) target(%dma_start3A_371 : memref<128xf32, #tpu.memory_space<vmem>>) offsets(%dma_start3A_374 : memref<128xi32, #tpu.memory_space<vmem>>) semaphore(%arg32 : memref<!tpu.dma_semaphore, #tpu.memory_space<semaphore_mem>>)
    %dma_start3A_377 = arith.constant 3 : i32
    %dma_start3A_378 = arith.constant 384 : i32
    %dma_start3A_379 = tpu.memref_slice %arg25[%dma_start3A_378] : memref<512xf32, #tpu.memory_space<vmem>> -> memref<128xf32, #tpu.memory_space<vmem>>
    %dma_start3A_380 = arith.constant 0 : i32
    %dma_start3A_381 = tpu.memref_slice %arg16[%dma_start3A_377, %dma_start3A_380] : memref<4x128xi32, #tpu.memory_space<vmem>> -> memref<1x128xi32, #tpu.memory_space<vmem>>
    %dma_start3A_382 = tpu.memref_squeeze %dma_start3A_381 : memref<1x128xi32, #tpu.memory_space<vmem>> -> memref<128xi32, #tpu.memory_space<vmem>>
    %dma_start3A_383 = arith.constant 0 : i32
    %dma_start3A_384 = tpu.memref_slice %arg9[%dma_start3A_383] : memref<1000000xf32, #tpu.memory_space<hbm>> -> memref<1000000xf32, #tpu.memory_space<hbm>>
    tpu.enqueue_indirect_dma source(%dma_start3A_384 : memref<1000000xf32, #tpu.memory_space<hbm>>) target(%dma_start3A_379 : memref<128xf32, #tpu.memory_space<vmem>>) offsets(%dma_start3A_382 : memref<128xi32, #tpu.memory_space<vmem>>) semaphore(%arg32 : memref<!tpu.dma_semaphore, #tpu.memory_space<semaphore_mem>>)
    %dma_start3A_385 = arith.constant 3 : i32
    %dma_start3A_386 = arith.constant 384 : i32
    %dma_start3A_387 = tpu.memref_slice %arg26[%dma_start3A_386] : memref<512xf32, #tpu.memory_space<vmem>> -> memref<128xf32, #tpu.memory_space<vmem>>
    %dma_start3A_388 = arith.constant 0 : i32
    %dma_start3A_389 = tpu.memref_slice %arg16[%dma_start3A_385, %dma_start3A_388] : memref<4x128xi32, #tpu.memory_space<vmem>> -> memref<1x128xi32, #tpu.memory_space<vmem>>
    %dma_start3A_390 = tpu.memref_squeeze %dma_start3A_389 : memref<1x128xi32, #tpu.memory_space<vmem>> -> memref<128xi32, #tpu.memory_space<vmem>>
    %dma_start3A_391 = arith.constant 0 : i32
    %dma_start3A_392 = tpu.memref_slice %arg10[%dma_start3A_391] : memref<1000000xf32, #tpu.memory_space<hbm>> -> memref<1000000xf32, #tpu.memory_space<hbm>>
    tpu.enqueue_indirect_dma source(%dma_start3A_392 : memref<1000000xf32, #tpu.memory_space<hbm>>) target(%dma_start3A_387 : memref<128xf32, #tpu.memory_space<vmem>>) offsets(%dma_start3A_390 : memref<128xi32, #tpu.memory_space<vmem>>) semaphore(%arg32 : memref<!tpu.dma_semaphore, #tpu.memory_space<semaphore_mem>>)
    %dma_wait3A_393 = arith.constant 0 : i32
    %dma_wait3A_394 = arith.constant 0 : i32
    %dma_wait3A_395 = tpu.memref_slice %arg20[%dma_wait3A_394] : memref<512xf32, #tpu.memory_space<vmem>> -> memref<128xf32, #tpu.memory_space<vmem>>
    %dma_wait3A_396 = arith.constant 0 : i32
    %dma_wait3A_397 = tpu.memref_slice %arg17[%dma_wait3A_393, %dma_wait3A_396] : memref<4x128xi32, #tpu.memory_space<vmem>> -> memref<1x128xi32, #tpu.memory_space<vmem>>
    %dma_wait3A_398 = tpu.memref_squeeze %dma_wait3A_397 : memref<1x128xi32, #tpu.memory_space<vmem>> -> memref<128xi32, #tpu.memory_space<vmem>>
    %dma_wait3A_399 = arith.constant 0 : i32
    %dma_wait3A_400 = tpu.memref_slice %arg5[%dma_wait3A_399] : memref<16384xf32, #tpu.memory_space<hbm>> -> memref<16384xf32, #tpu.memory_space<hbm>>
    tpu.wait_indirect_dma semaphore(%arg32 : memref<!tpu.dma_semaphore, #tpu.memory_space<semaphore_mem>>) src(%dma_wait3A_400 : memref<16384xf32, #tpu.memory_space<hbm>>) dst(%dma_wait3A_395 : memref<128xf32, #tpu.memory_space<vmem>>)
    %dma_wait3A_401 = arith.constant 0 : i32
    %dma_wait3A_402 = arith.constant 0 : i32
    %dma_wait3A_403 = tpu.memref_slice %arg21[%dma_wait3A_402] : memref<512xf32, #tpu.memory_space<vmem>> -> memref<128xf32, #tpu.memory_space<vmem>>
    %dma_wait3A_404 = arith.constant 0 : i32
    %dma_wait3A_405 = tpu.memref_slice %arg17[%dma_wait3A_401, %dma_wait3A_404] : memref<4x128xi32, #tpu.memory_space<vmem>> -> memref<1x128xi32, #tpu.memory_space<vmem>>
    %dma_wait3A_406 = tpu.memref_squeeze %dma_wait3A_405 : memref<1x128xi32, #tpu.memory_space<vmem>> -> memref<128xi32, #tpu.memory_space<vmem>>
    %dma_wait3A_407 = arith.constant 0 : i32
    %dma_wait3A_408 = tpu.memref_slice %arg6[%dma_wait3A_407] : memref<16384xf32, #tpu.memory_space<hbm>> -> memref<16384xf32, #tpu.memory_space<hbm>>
    tpu.wait_indirect_dma semaphore(%arg32 : memref<!tpu.dma_semaphore, #tpu.memory_space<semaphore_mem>>) src(%dma_wait3A_408 : memref<16384xf32, #tpu.memory_space<hbm>>) dst(%dma_wait3A_403 : memref<128xf32, #tpu.memory_space<vmem>>)
    %dma_wait3A_409 = arith.constant 0 : i32
    %dma_wait3A_410 = arith.constant 0 : i32
    %dma_wait3A_411 = tpu.memref_slice %arg22[%dma_wait3A_410] : memref<512xf32, #tpu.memory_space<vmem>> -> memref<128xf32, #tpu.memory_space<vmem>>
    %dma_wait3A_412 = arith.constant 0 : i32
    %dma_wait3A_413 = tpu.memref_slice %arg17[%dma_wait3A_409, %dma_wait3A_412] : memref<4x128xi32, #tpu.memory_space<vmem>> -> memref<1x128xi32, #tpu.memory_space<vmem>>
    %dma_wait3A_414 = tpu.memref_squeeze %dma_wait3A_413 : memref<1x128xi32, #tpu.memory_space<vmem>> -> memref<128xi32, #tpu.memory_space<vmem>>
    %dma_wait3A_415 = arith.constant 0 : i32
    %dma_wait3A_416 = tpu.memref_slice %arg7[%dma_wait3A_415] : memref<16384xf32, #tpu.memory_space<hbm>> -> memref<16384xf32, #tpu.memory_space<hbm>>
    tpu.wait_indirect_dma semaphore(%arg32 : memref<!tpu.dma_semaphore, #tpu.memory_space<semaphore_mem>>) src(%dma_wait3A_416 : memref<16384xf32, #tpu.memory_space<hbm>>) dst(%dma_wait3A_411 : memref<128xf32, #tpu.memory_space<vmem>>)
    %dma_wait3A_417 = arith.constant 0 : i32
    %dma_wait3A_418 = arith.constant 0 : i32
    %dma_wait3A_419 = tpu.memref_slice %arg23[%dma_wait3A_418] : memref<512xf32, #tpu.memory_space<vmem>> -> memref<128xf32, #tpu.memory_space<vmem>>
    %dma_wait3A_420 = arith.constant 0 : i32
    %dma_wait3A_421 = tpu.memref_slice %arg17[%dma_wait3A_417, %dma_wait3A_420] : memref<4x128xi32, #tpu.memory_space<vmem>> -> memref<1x128xi32, #tpu.memory_space<vmem>>
    %dma_wait3A_422 = tpu.memref_squeeze %dma_wait3A_421 : memref<1x128xi32, #tpu.memory_space<vmem>> -> memref<128xi32, #tpu.memory_space<vmem>>
    %dma_wait3A_423 = arith.constant 0 : i32
    %dma_wait3A_424 = tpu.memref_slice %arg3[%dma_wait3A_423] : memref<16384xf32, #tpu.memory_space<hbm>> -> memref<16384xf32, #tpu.memory_space<hbm>>
    tpu.wait_indirect_dma semaphore(%arg32 : memref<!tpu.dma_semaphore, #tpu.memory_space<semaphore_mem>>) src(%dma_wait3A_424 : memref<16384xf32, #tpu.memory_space<hbm>>) dst(%dma_wait3A_419 : memref<128xf32, #tpu.memory_space<vmem>>)
    %dma_wait3A_425 = arith.constant 0 : i32
    %dma_wait3A_426 = arith.constant 0 : i32
    %dma_wait3A_427 = tpu.memref_slice %arg24[%dma_wait3A_426] : memref<512xf32, #tpu.memory_space<vmem>> -> memref<128xf32, #tpu.memory_space<vmem>>
    %dma_wait3A_428 = arith.constant 0 : i32
    %dma_wait3A_429 = tpu.memref_slice %arg17[%dma_wait3A_425, %dma_wait3A_428] : memref<4x128xi32, #tpu.memory_space<vmem>> -> memref<1x128xi32, #tpu.memory_space<vmem>>
    %dma_wait3A_430 = tpu.memref_squeeze %dma_wait3A_429 : memref<1x128xi32, #tpu.memory_space<vmem>> -> memref<128xi32, #tpu.memory_space<vmem>>
    %dma_wait3A_431 = arith.constant 0 : i32
    %dma_wait3A_432 = tpu.memref_slice %arg4[%dma_wait3A_431] : memref<16384xf32, #tpu.memory_space<hbm>> -> memref<16384xf32, #tpu.memory_space<hbm>>
    tpu.wait_indirect_dma semaphore(%arg32 : memref<!tpu.dma_semaphore, #tpu.memory_space<semaphore_mem>>) src(%dma_wait3A_432 : memref<16384xf32, #tpu.memory_space<hbm>>) dst(%dma_wait3A_427 : memref<128xf32, #tpu.memory_space<vmem>>)
    %dma_wait3A_433 = arith.constant 0 : i32
    %dma_wait3A_434 = arith.constant 0 : i32
    %dma_wait3A_435 = tpu.memref_slice %arg25[%dma_wait3A_434] : memref<512xf32, #tpu.memory_space<vmem>> -> memref<128xf32, #tpu.memory_space<vmem>>
    %dma_wait3A_436 = arith.constant 0 : i32
    %dma_wait3A_437 = tpu.memref_slice %arg16[%dma_wait3A_433, %dma_wait3A_436] : memref<4x128xi32, #tpu.memory_space<vmem>> -> memref<1x128xi32, #tpu.memory_space<vmem>>
    %dma_wait3A_438 = tpu.memref_squeeze %dma_wait3A_437 : memref<1x128xi32, #tpu.memory_space<vmem>> -> memref<128xi32, #tpu.memory_space<vmem>>
    %dma_wait3A_439 = arith.constant 0 : i32
    %dma_wait3A_440 = tpu.memref_slice %arg9[%dma_wait3A_439] : memref<1000000xf32, #tpu.memory_space<hbm>> -> memref<1000000xf32, #tpu.memory_space<hbm>>
    tpu.wait_indirect_dma semaphore(%arg32 : memref<!tpu.dma_semaphore, #tpu.memory_space<semaphore_mem>>) src(%dma_wait3A_440 : memref<1000000xf32, #tpu.memory_space<hbm>>) dst(%dma_wait3A_435 : memref<128xf32, #tpu.memory_space<vmem>>)
    %dma_wait3A_441 = arith.constant 0 : i32
    %dma_wait3A_442 = arith.constant 0 : i32
    %dma_wait3A_443 = tpu.memref_slice %arg26[%dma_wait3A_442] : memref<512xf32, #tpu.memory_space<vmem>> -> memref<128xf32, #tpu.memory_space<vmem>>
    %dma_wait3A_444 = arith.constant 0 : i32
    %dma_wait3A_445 = tpu.memref_slice %arg16[%dma_wait3A_441, %dma_wait3A_444] : memref<4x128xi32, #tpu.memory_space<vmem>> -> memref<1x128xi32, #tpu.memory_space<vmem>>
    %dma_wait3A_446 = tpu.memref_squeeze %dma_wait3A_445 : memref<1x128xi32, #tpu.memory_space<vmem>> -> memref<128xi32, #tpu.memory_space<vmem>>
    %dma_wait3A_447 = arith.constant 0 : i32
    %dma_wait3A_448 = tpu.memref_slice %arg10[%dma_wait3A_447] : memref<1000000xf32, #tpu.memory_space<hbm>> -> memref<1000000xf32, #tpu.memory_space<hbm>>
    tpu.wait_indirect_dma semaphore(%arg32 : memref<!tpu.dma_semaphore, #tpu.memory_space<semaphore_mem>>) src(%dma_wait3A_448 : memref<1000000xf32, #tpu.memory_space<hbm>>) dst(%dma_wait3A_443 : memref<128xf32, #tpu.memory_space<vmem>>)
    %dma_wait3A_449 = arith.constant 1 : i32
    %dma_wait3A_450 = arith.constant 128 : i32
    %dma_wait3A_451 = tpu.memref_slice %arg20[%dma_wait3A_450] : memref<512xf32, #tpu.memory_space<vmem>> -> memref<128xf32, #tpu.memory_space<vmem>>
    %dma_wait3A_452 = arith.constant 0 : i32
    %dma_wait3A_453 = tpu.memref_slice %arg17[%dma_wait3A_449, %dma_wait3A_452] : memref<4x128xi32, #tpu.memory_space<vmem>> -> memref<1x128xi32, #tpu.memory_space<vmem>>
    %dma_wait3A_454 = tpu.memref_squeeze %dma_wait3A_453 : memref<1x128xi32, #tpu.memory_space<vmem>> -> memref<128xi32, #tpu.memory_space<vmem>>
    %dma_wait3A_455 = arith.constant 0 : i32
    %dma_wait3A_456 = tpu.memref_slice %arg5[%dma_wait3A_455] : memref<16384xf32, #tpu.memory_space<hbm>> -> memref<16384xf32, #tpu.memory_space<hbm>>
    tpu.wait_indirect_dma semaphore(%arg32 : memref<!tpu.dma_semaphore, #tpu.memory_space<semaphore_mem>>) src(%dma_wait3A_456 : memref<16384xf32, #tpu.memory_space<hbm>>) dst(%dma_wait3A_451 : memref<128xf32, #tpu.memory_space<vmem>>)
    %dma_wait3A_457 = arith.constant 1 : i32
    %dma_wait3A_458 = arith.constant 128 : i32
    %dma_wait3A_459 = tpu.memref_slice %arg21[%dma_wait3A_458] : memref<512xf32, #tpu.memory_space<vmem>> -> memref<128xf32, #tpu.memory_space<vmem>>
    %dma_wait3A_460 = arith.constant 0 : i32
    %dma_wait3A_461 = tpu.memref_slice %arg17[%dma_wait3A_457, %dma_wait3A_460] : memref<4x128xi32, #tpu.memory_space<vmem>> -> memref<1x128xi32, #tpu.memory_space<vmem>>
    %dma_wait3A_462 = tpu.memref_squeeze %dma_wait3A_461 : memref<1x128xi32, #tpu.memory_space<vmem>> -> memref<128xi32, #tpu.memory_space<vmem>>
    %dma_wait3A_463 = arith.constant 0 : i32
    %dma_wait3A_464 = tpu.memref_slice %arg6[%dma_wait3A_463] : memref<16384xf32, #tpu.memory_space<hbm>> -> memref<16384xf32, #tpu.memory_space<hbm>>
    tpu.wait_indirect_dma semaphore(%arg32 : memref<!tpu.dma_semaphore, #tpu.memory_space<semaphore_mem>>) src(%dma_wait3A_464 : memref<16384xf32, #tpu.memory_space<hbm>>) dst(%dma_wait3A_459 : memref<128xf32, #tpu.memory_space<vmem>>)
    %dma_wait3A_465 = arith.constant 1 : i32
    %dma_wait3A_466 = arith.constant 128 : i32
    %dma_wait3A_467 = tpu.memref_slice %arg22[%dma_wait3A_466] : memref<512xf32, #tpu.memory_space<vmem>> -> memref<128xf32, #tpu.memory_space<vmem>>
    %dma_wait3A_468 = arith.constant 0 : i32
    %dma_wait3A_469 = tpu.memref_slice %arg17[%dma_wait3A_465, %dma_wait3A_468] : memref<4x128xi32, #tpu.memory_space<vmem>> -> memref<1x128xi32, #tpu.memory_space<vmem>>
    %dma_wait3A_470 = tpu.memref_squeeze %dma_wait3A_469 : memref<1x128xi32, #tpu.memory_space<vmem>> -> memref<128xi32, #tpu.memory_space<vmem>>
    %dma_wait3A_471 = arith.constant 0 : i32
    %dma_wait3A_472 = tpu.memref_slice %arg7[%dma_wait3A_471] : memref<16384xf32, #tpu.memory_space<hbm>> -> memref<16384xf32, #tpu.memory_space<hbm>>
    tpu.wait_indirect_dma semaphore(%arg32 : memref<!tpu.dma_semaphore, #tpu.memory_space<semaphore_mem>>) src(%dma_wait3A_472 : memref<16384xf32, #tpu.memory_space<hbm>>) dst(%dma_wait3A_467 : memref<128xf32, #tpu.memory_space<vmem>>)
    %dma_wait3A_473 = arith.constant 1 : i32
    %dma_wait3A_474 = arith.constant 128 : i32
    %dma_wait3A_475 = tpu.memref_slice %arg23[%dma_wait3A_474] : memref<512xf32, #tpu.memory_space<vmem>> -> memref<128xf32, #tpu.memory_space<vmem>>
    %dma_wait3A_476 = arith.constant 0 : i32
    %dma_wait3A_477 = tpu.memref_slice %arg17[%dma_wait3A_473, %dma_wait3A_476] : memref<4x128xi32, #tpu.memory_space<vmem>> -> memref<1x128xi32, #tpu.memory_space<vmem>>
    %dma_wait3A_478 = tpu.memref_squeeze %dma_wait3A_477 : memref<1x128xi32, #tpu.memory_space<vmem>> -> memref<128xi32, #tpu.memory_space<vmem>>
    %dma_wait3A_479 = arith.constant 0 : i32
    %dma_wait3A_480 = tpu.memref_slice %arg3[%dma_wait3A_479] : memref<16384xf32, #tpu.memory_space<hbm>> -> memref<16384xf32, #tpu.memory_space<hbm>>
    tpu.wait_indirect_dma semaphore(%arg32 : memref<!tpu.dma_semaphore, #tpu.memory_space<semaphore_mem>>) src(%dma_wait3A_480 : memref<16384xf32, #tpu.memory_space<hbm>>) dst(%dma_wait3A_475 : memref<128xf32, #tpu.memory_space<vmem>>)
    %dma_wait3A_481 = arith.constant 1 : i32
    %dma_wait3A_482 = arith.constant 128 : i32
    %dma_wait3A_483 = tpu.memref_slice %arg24[%dma_wait3A_482] : memref<512xf32, #tpu.memory_space<vmem>> -> memref<128xf32, #tpu.memory_space<vmem>>
    %dma_wait3A_484 = arith.constant 0 : i32
    %dma_wait3A_485 = tpu.memref_slice %arg17[%dma_wait3A_481, %dma_wait3A_484] : memref<4x128xi32, #tpu.memory_space<vmem>> -> memref<1x128xi32, #tpu.memory_space<vmem>>
    %dma_wait3A_486 = tpu.memref_squeeze %dma_wait3A_485 : memref<1x128xi32, #tpu.memory_space<vmem>> -> memref<128xi32, #tpu.memory_space<vmem>>
    %dma_wait3A_487 = arith.constant 0 : i32
    %dma_wait3A_488 = tpu.memref_slice %arg4[%dma_wait3A_487] : memref<16384xf32, #tpu.memory_space<hbm>> -> memref<16384xf32, #tpu.memory_space<hbm>>
    tpu.wait_indirect_dma semaphore(%arg32 : memref<!tpu.dma_semaphore, #tpu.memory_space<semaphore_mem>>) src(%dma_wait3A_488 : memref<16384xf32, #tpu.memory_space<hbm>>) dst(%dma_wait3A_483 : memref<128xf32, #tpu.memory_space<vmem>>)
    %dma_wait3A_489 = arith.constant 1 : i32
    %dma_wait3A_490 = arith.constant 128 : i32
    %dma_wait3A_491 = tpu.memref_slice %arg25[%dma_wait3A_490] : memref<512xf32, #tpu.memory_space<vmem>> -> memref<128xf32, #tpu.memory_space<vmem>>
    %dma_wait3A_492 = arith.constant 0 : i32
    %dma_wait3A_493 = tpu.memref_slice %arg16[%dma_wait3A_489, %dma_wait3A_492] : memref<4x128xi32, #tpu.memory_space<vmem>> -> memref<1x128xi32, #tpu.memory_space<vmem>>
    %dma_wait3A_494 = tpu.memref_squeeze %dma_wait3A_493 : memref<1x128xi32, #tpu.memory_space<vmem>> -> memref<128xi32, #tpu.memory_space<vmem>>
    %dma_wait3A_495 = arith.constant 0 : i32
    %dma_wait3A_496 = tpu.memref_slice %arg9[%dma_wait3A_495] : memref<1000000xf32, #tpu.memory_space<hbm>> -> memref<1000000xf32, #tpu.memory_space<hbm>>
    tpu.wait_indirect_dma semaphore(%arg32 : memref<!tpu.dma_semaphore, #tpu.memory_space<semaphore_mem>>) src(%dma_wait3A_496 : memref<1000000xf32, #tpu.memory_space<hbm>>) dst(%dma_wait3A_491 : memref<128xf32, #tpu.memory_space<vmem>>)
    %dma_wait3A_497 = arith.constant 1 : i32
    %dma_wait3A_498 = arith.constant 128 : i32
    %dma_wait3A_499 = tpu.memref_slice %arg26[%dma_wait3A_498] : memref<512xf32, #tpu.memory_space<vmem>> -> memref<128xf32, #tpu.memory_space<vmem>>
    %dma_wait3A_500 = arith.constant 0 : i32
    %dma_wait3A_501 = tpu.memref_slice %arg16[%dma_wait3A_497, %dma_wait3A_500] : memref<4x128xi32, #tpu.memory_space<vmem>> -> memref<1x128xi32, #tpu.memory_space<vmem>>
    %dma_wait3A_502 = tpu.memref_squeeze %dma_wait3A_501 : memref<1x128xi32, #tpu.memory_space<vmem>> -> memref<128xi32, #tpu.memory_space<vmem>>
    %dma_wait3A_503 = arith.constant 0 : i32
    %dma_wait3A_504 = tpu.memref_slice %arg10[%dma_wait3A_503] : memref<1000000xf32, #tpu.memory_space<hbm>> -> memref<1000000xf32, #tpu.memory_space<hbm>>
    tpu.wait_indirect_dma semaphore(%arg32 : memref<!tpu.dma_semaphore, #tpu.memory_space<semaphore_mem>>) src(%dma_wait3A_504 : memref<1000000xf32, #tpu.memory_space<hbm>>) dst(%dma_wait3A_499 : memref<128xf32, #tpu.memory_space<vmem>>)
    %dma_wait3A_505 = arith.constant 2 : i32
    %dma_wait3A_506 = arith.constant 256 : i32
    %dma_wait3A_507 = tpu.memref_slice %arg20[%dma_wait3A_506] : memref<512xf32, #tpu.memory_space<vmem>> -> memref<128xf32, #tpu.memory_space<vmem>>
    %dma_wait3A_508 = arith.constant 0 : i32
    %dma_wait3A_509 = tpu.memref_slice %arg17[%dma_wait3A_505, %dma_wait3A_508] : memref<4x128xi32, #tpu.memory_space<vmem>> -> memref<1x128xi32, #tpu.memory_space<vmem>>
    %dma_wait3A_510 = tpu.memref_squeeze %dma_wait3A_509 : memref<1x128xi32, #tpu.memory_space<vmem>> -> memref<128xi32, #tpu.memory_space<vmem>>
    %dma_wait3A_511 = arith.constant 0 : i32
    %dma_wait3A_512 = tpu.memref_slice %arg5[%dma_wait3A_511] : memref<16384xf32, #tpu.memory_space<hbm>> -> memref<16384xf32, #tpu.memory_space<hbm>>
    tpu.wait_indirect_dma semaphore(%arg32 : memref<!tpu.dma_semaphore, #tpu.memory_space<semaphore_mem>>) src(%dma_wait3A_512 : memref<16384xf32, #tpu.memory_space<hbm>>) dst(%dma_wait3A_507 : memref<128xf32, #tpu.memory_space<vmem>>)
    %dma_wait3A_513 = arith.constant 2 : i32
    %dma_wait3A_514 = arith.constant 256 : i32
    %dma_wait3A_515 = tpu.memref_slice %arg21[%dma_wait3A_514] : memref<512xf32, #tpu.memory_space<vmem>> -> memref<128xf32, #tpu.memory_space<vmem>>
    %dma_wait3A_516 = arith.constant 0 : i32
    %dma_wait3A_517 = tpu.memref_slice %arg17[%dma_wait3A_513, %dma_wait3A_516] : memref<4x128xi32, #tpu.memory_space<vmem>> -> memref<1x128xi32, #tpu.memory_space<vmem>>
    %dma_wait3A_518 = tpu.memref_squeeze %dma_wait3A_517 : memref<1x128xi32, #tpu.memory_space<vmem>> -> memref<128xi32, #tpu.memory_space<vmem>>
    %dma_wait3A_519 = arith.constant 0 : i32
    %dma_wait3A_520 = tpu.memref_slice %arg6[%dma_wait3A_519] : memref<16384xf32, #tpu.memory_space<hbm>> -> memref<16384xf32, #tpu.memory_space<hbm>>
    tpu.wait_indirect_dma semaphore(%arg32 : memref<!tpu.dma_semaphore, #tpu.memory_space<semaphore_mem>>) src(%dma_wait3A_520 : memref<16384xf32, #tpu.memory_space<hbm>>) dst(%dma_wait3A_515 : memref<128xf32, #tpu.memory_space<vmem>>)
    %dma_wait3A_521 = arith.constant 2 : i32
    %dma_wait3A_522 = arith.constant 256 : i32
    %dma_wait3A_523 = tpu.memref_slice %arg22[%dma_wait3A_522] : memref<512xf32, #tpu.memory_space<vmem>> -> memref<128xf32, #tpu.memory_space<vmem>>
    %dma_wait3A_524 = arith.constant 0 : i32
    %dma_wait3A_525 = tpu.memref_slice %arg17[%dma_wait3A_521, %dma_wait3A_524] : memref<4x128xi32, #tpu.memory_space<vmem>> -> memref<1x128xi32, #tpu.memory_space<vmem>>
    %dma_wait3A_526 = tpu.memref_squeeze %dma_wait3A_525 : memref<1x128xi32, #tpu.memory_space<vmem>> -> memref<128xi32, #tpu.memory_space<vmem>>
    %dma_wait3A_527 = arith.constant 0 : i32
    %dma_wait3A_528 = tpu.memref_slice %arg7[%dma_wait3A_527] : memref<16384xf32, #tpu.memory_space<hbm>> -> memref<16384xf32, #tpu.memory_space<hbm>>
    tpu.wait_indirect_dma semaphore(%arg32 : memref<!tpu.dma_semaphore, #tpu.memory_space<semaphore_mem>>) src(%dma_wait3A_528 : memref<16384xf32, #tpu.memory_space<hbm>>) dst(%dma_wait3A_523 : memref<128xf32, #tpu.memory_space<vmem>>)
    %dma_wait3A_529 = arith.constant 2 : i32
    %dma_wait3A_530 = arith.constant 256 : i32
    %dma_wait3A_531 = tpu.memref_slice %arg23[%dma_wait3A_530] : memref<512xf32, #tpu.memory_space<vmem>> -> memref<128xf32, #tpu.memory_space<vmem>>
    %dma_wait3A_532 = arith.constant 0 : i32
    %dma_wait3A_533 = tpu.memref_slice %arg17[%dma_wait3A_529, %dma_wait3A_532] : memref<4x128xi32, #tpu.memory_space<vmem>> -> memref<1x128xi32, #tpu.memory_space<vmem>>
    %dma_wait3A_534 = tpu.memref_squeeze %dma_wait3A_533 : memref<1x128xi32, #tpu.memory_space<vmem>> -> memref<128xi32, #tpu.memory_space<vmem>>
    %dma_wait3A_535 = arith.constant 0 : i32
    %dma_wait3A_536 = tpu.memref_slice %arg3[%dma_wait3A_535] : memref<16384xf32, #tpu.memory_space<hbm>> -> memref<16384xf32, #tpu.memory_space<hbm>>
    tpu.wait_indirect_dma semaphore(%arg32 : memref<!tpu.dma_semaphore, #tpu.memory_space<semaphore_mem>>) src(%dma_wait3A_536 : memref<16384xf32, #tpu.memory_space<hbm>>) dst(%dma_wait3A_531 : memref<128xf32, #tpu.memory_space<vmem>>)
    %dma_wait3A_537 = arith.constant 2 : i32
    %dma_wait3A_538 = arith.constant 256 : i32
    %dma_wait3A_539 = tpu.memref_slice %arg24[%dma_wait3A_538] : memref<512xf32, #tpu.memory_space<vmem>> -> memref<128xf32, #tpu.memory_space<vmem>>
    %dma_wait3A_540 = arith.constant 0 : i32
    %dma_wait3A_541 = tpu.memref_slice %arg17[%dma_wait3A_537, %dma_wait3A_540] : memref<4x128xi32, #tpu.memory_space<vmem>> -> memref<1x128xi32, #tpu.memory_space<vmem>>
    %dma_wait3A_542 = tpu.memref_squeeze %dma_wait3A_541 : memref<1x128xi32, #tpu.memory_space<vmem>> -> memref<128xi32, #tpu.memory_space<vmem>>
    %dma_wait3A_543 = arith.constant 0 : i32
    %dma_wait3A_544 = tpu.memref_slice %arg4[%dma_wait3A_543] : memref<16384xf32, #tpu.memory_space<hbm>> -> memref<16384xf32, #tpu.memory_space<hbm>>
    tpu.wait_indirect_dma semaphore(%arg32 : memref<!tpu.dma_semaphore, #tpu.memory_space<semaphore_mem>>) src(%dma_wait3A_544 : memref<16384xf32, #tpu.memory_space<hbm>>) dst(%dma_wait3A_539 : memref<128xf32, #tpu.memory_space<vmem>>)
    %dma_wait3A_545 = arith.constant 2 : i32
    %dma_wait3A_546 = arith.constant 256 : i32
    %dma_wait3A_547 = tpu.memref_slice %arg25[%dma_wait3A_546] : memref<512xf32, #tpu.memory_space<vmem>> -> memref<128xf32, #tpu.memory_space<vmem>>
    %dma_wait3A_548 = arith.constant 0 : i32
    %dma_wait3A_549 = tpu.memref_slice %arg16[%dma_wait3A_545, %dma_wait3A_548] : memref<4x128xi32, #tpu.memory_space<vmem>> -> memref<1x128xi32, #tpu.memory_space<vmem>>
    %dma_wait3A_550 = tpu.memref_squeeze %dma_wait3A_549 : memref<1x128xi32, #tpu.memory_space<vmem>> -> memref<128xi32, #tpu.memory_space<vmem>>
    %dma_wait3A_551 = arith.constant 0 : i32
    %dma_wait3A_552 = tpu.memref_slice %arg9[%dma_wait3A_551] : memref<1000000xf32, #tpu.memory_space<hbm>> -> memref<1000000xf32, #tpu.memory_space<hbm>>
    tpu.wait_indirect_dma semaphore(%arg32 : memref<!tpu.dma_semaphore, #tpu.memory_space<semaphore_mem>>) src(%dma_wait3A_552 : memref<1000000xf32, #tpu.memory_space<hbm>>) dst(%dma_wait3A_547 : memref<128xf32, #tpu.memory_space<vmem>>)
    %dma_wait3A_553 = arith.constant 2 : i32
    %dma_wait3A_554 = arith.constant 256 : i32
    %dma_wait3A_555 = tpu.memref_slice %arg26[%dma_wait3A_554] : memref<512xf32, #tpu.memory_space<vmem>> -> memref<128xf32, #tpu.memory_space<vmem>>
    %dma_wait3A_556 = arith.constant 0 : i32
    %dma_wait3A_557 = tpu.memref_slice %arg16[%dma_wait3A_553, %dma_wait3A_556] : memref<4x128xi32, #tpu.memory_space<vmem>> -> memref<1x128xi32, #tpu.memory_space<vmem>>
    %dma_wait3A_558 = tpu.memref_squeeze %dma_wait3A_557 : memref<1x128xi32, #tpu.memory_space<vmem>> -> memref<128xi32, #tpu.memory_space<vmem>>
    %dma_wait3A_559 = arith.constant 0 : i32
    %dma_wait3A_560 = tpu.memref_slice %arg10[%dma_wait3A_559] : memref<1000000xf32, #tpu.memory_space<hbm>> -> memref<1000000xf32, #tpu.memory_space<hbm>>
    tpu.wait_indirect_dma semaphore(%arg32 : memref<!tpu.dma_semaphore, #tpu.memory_space<semaphore_mem>>) src(%dma_wait3A_560 : memref<1000000xf32, #tpu.memory_space<hbm>>) dst(%dma_wait3A_555 : memref<128xf32, #tpu.memory_space<vmem>>)
    %dma_wait3A_561 = arith.constant 3 : i32
    %dma_wait3A_562 = arith.constant 384 : i32
    %dma_wait3A_563 = tpu.memref_slice %arg20[%dma_wait3A_562] : memref<512xf32, #tpu.memory_space<vmem>> -> memref<128xf32, #tpu.memory_space<vmem>>
    %dma_wait3A_564 = arith.constant 0 : i32
    %dma_wait3A_565 = tpu.memref_slice %arg17[%dma_wait3A_561, %dma_wait3A_564] : memref<4x128xi32, #tpu.memory_space<vmem>> -> memref<1x128xi32, #tpu.memory_space<vmem>>
    %dma_wait3A_566 = tpu.memref_squeeze %dma_wait3A_565 : memref<1x128xi32, #tpu.memory_space<vmem>> -> memref<128xi32, #tpu.memory_space<vmem>>
    %dma_wait3A_567 = arith.constant 0 : i32
    %dma_wait3A_568 = tpu.memref_slice %arg5[%dma_wait3A_567] : memref<16384xf32, #tpu.memory_space<hbm>> -> memref<16384xf32, #tpu.memory_space<hbm>>
    tpu.wait_indirect_dma semaphore(%arg32 : memref<!tpu.dma_semaphore, #tpu.memory_space<semaphore_mem>>) src(%dma_wait3A_568 : memref<16384xf32, #tpu.memory_space<hbm>>) dst(%dma_wait3A_563 : memref<128xf32, #tpu.memory_space<vmem>>)
    %dma_wait3A_569 = arith.constant 3 : i32
    %dma_wait3A_570 = arith.constant 384 : i32
    %dma_wait3A_571 = tpu.memref_slice %arg21[%dma_wait3A_570] : memref<512xf32, #tpu.memory_space<vmem>> -> memref<128xf32, #tpu.memory_space<vmem>>
    %dma_wait3A_572 = arith.constant 0 : i32
    %dma_wait3A_573 = tpu.memref_slice %arg17[%dma_wait3A_569, %dma_wait3A_572] : memref<4x128xi32, #tpu.memory_space<vmem>> -> memref<1x128xi32, #tpu.memory_space<vmem>>
    %dma_wait3A_574 = tpu.memref_squeeze %dma_wait3A_573 : memref<1x128xi32, #tpu.memory_space<vmem>> -> memref<128xi32, #tpu.memory_space<vmem>>
    %dma_wait3A_575 = arith.constant 0 : i32
    %dma_wait3A_576 = tpu.memref_slice %arg6[%dma_wait3A_575] : memref<16384xf32, #tpu.memory_space<hbm>> -> memref<16384xf32, #tpu.memory_space<hbm>>
    tpu.wait_indirect_dma semaphore(%arg32 : memref<!tpu.dma_semaphore, #tpu.memory_space<semaphore_mem>>) src(%dma_wait3A_576 : memref<16384xf32, #tpu.memory_space<hbm>>) dst(%dma_wait3A_571 : memref<128xf32, #tpu.memory_space<vmem>>)
    %dma_wait3A_577 = arith.constant 3 : i32
    %dma_wait3A_578 = arith.constant 384 : i32
    %dma_wait3A_579 = tpu.memref_slice %arg22[%dma_wait3A_578] : memref<512xf32, #tpu.memory_space<vmem>> -> memref<128xf32, #tpu.memory_space<vmem>>
    %dma_wait3A_580 = arith.constant 0 : i32
    %dma_wait3A_581 = tpu.memref_slice %arg17[%dma_wait3A_577, %dma_wait3A_580] : memref<4x128xi32, #tpu.memory_space<vmem>> -> memref<1x128xi32, #tpu.memory_space<vmem>>
    %dma_wait3A_582 = tpu.memref_squeeze %dma_wait3A_581 : memref<1x128xi32, #tpu.memory_space<vmem>> -> memref<128xi32, #tpu.memory_space<vmem>>
    %dma_wait3A_583 = arith.constant 0 : i32
    %dma_wait3A_584 = tpu.memref_slice %arg7[%dma_wait3A_583] : memref<16384xf32, #tpu.memory_space<hbm>> -> memref<16384xf32, #tpu.memory_space<hbm>>
    tpu.wait_indirect_dma semaphore(%arg32 : memref<!tpu.dma_semaphore, #tpu.memory_space<semaphore_mem>>) src(%dma_wait3A_584 : memref<16384xf32, #tpu.memory_space<hbm>>) dst(%dma_wait3A_579 : memref<128xf32, #tpu.memory_space<vmem>>)
    %dma_wait3A_585 = arith.constant 3 : i32
    %dma_wait3A_586 = arith.constant 384 : i32
    %dma_wait3A_587 = tpu.memref_slice %arg23[%dma_wait3A_586] : memref<512xf32, #tpu.memory_space<vmem>> -> memref<128xf32, #tpu.memory_space<vmem>>
    %dma_wait3A_588 = arith.constant 0 : i32
    %dma_wait3A_589 = tpu.memref_slice %arg17[%dma_wait3A_585, %dma_wait3A_588] : memref<4x128xi32, #tpu.memory_space<vmem>> -> memref<1x128xi32, #tpu.memory_space<vmem>>
    %dma_wait3A_590 = tpu.memref_squeeze %dma_wait3A_589 : memref<1x128xi32, #tpu.memory_space<vmem>> -> memref<128xi32, #tpu.memory_space<vmem>>
    %dma_wait3A_591 = arith.constant 0 : i32
    %dma_wait3A_592 = tpu.memref_slice %arg3[%dma_wait3A_591] : memref<16384xf32, #tpu.memory_space<hbm>> -> memref<16384xf32, #tpu.memory_space<hbm>>
    tpu.wait_indirect_dma semaphore(%arg32 : memref<!tpu.dma_semaphore, #tpu.memory_space<semaphore_mem>>) src(%dma_wait3A_592 : memref<16384xf32, #tpu.memory_space<hbm>>) dst(%dma_wait3A_587 : memref<128xf32, #tpu.memory_space<vmem>>)
    %dma_wait3A_593 = arith.constant 3 : i32
    %dma_wait3A_594 = arith.constant 384 : i32
    %dma_wait3A_595 = tpu.memref_slice %arg24[%dma_wait3A_594] : memref<512xf32, #tpu.memory_space<vmem>> -> memref<128xf32, #tpu.memory_space<vmem>>
    %dma_wait3A_596 = arith.constant 0 : i32
    %dma_wait3A_597 = tpu.memref_slice %arg17[%dma_wait3A_593, %dma_wait3A_596] : memref<4x128xi32, #tpu.memory_space<vmem>> -> memref<1x128xi32, #tpu.memory_space<vmem>>
    %dma_wait3A_598 = tpu.memref_squeeze %dma_wait3A_597 : memref<1x128xi32, #tpu.memory_space<vmem>> -> memref<128xi32, #tpu.memory_space<vmem>>
    %dma_wait3A_599 = arith.constant 0 : i32
    %dma_wait3A_600 = tpu.memref_slice %arg4[%dma_wait3A_599] : memref<16384xf32, #tpu.memory_space<hbm>> -> memref<16384xf32, #tpu.memory_space<hbm>>
    tpu.wait_indirect_dma semaphore(%arg32 : memref<!tpu.dma_semaphore, #tpu.memory_space<semaphore_mem>>) src(%dma_wait3A_600 : memref<16384xf32, #tpu.memory_space<hbm>>) dst(%dma_wait3A_595 : memref<128xf32, #tpu.memory_space<vmem>>)
    %dma_wait3A_601 = arith.constant 3 : i32
    %dma_wait3A_602 = arith.constant 384 : i32
    %dma_wait3A_603 = tpu.memref_slice %arg25[%dma_wait3A_602] : memref<512xf32, #tpu.memory_space<vmem>> -> memref<128xf32, #tpu.memory_space<vmem>>
    %dma_wait3A_604 = arith.constant 0 : i32
    %dma_wait3A_605 = tpu.memref_slice %arg16[%dma_wait3A_601, %dma_wait3A_604] : memref<4x128xi32, #tpu.memory_space<vmem>> -> memref<1x128xi32, #tpu.memory_space<vmem>>
    %dma_wait3A_606 = tpu.memref_squeeze %dma_wait3A_605 : memref<1x128xi32, #tpu.memory_space<vmem>> -> memref<128xi32, #tpu.memory_space<vmem>>
    %dma_wait3A_607 = arith.constant 0 : i32
    %dma_wait3A_608 = tpu.memref_slice %arg9[%dma_wait3A_607] : memref<1000000xf32, #tpu.memory_space<hbm>> -> memref<1000000xf32, #tpu.memory_space<hbm>>
    tpu.wait_indirect_dma semaphore(%arg32 : memref<!tpu.dma_semaphore, #tpu.memory_space<semaphore_mem>>) src(%dma_wait3A_608 : memref<1000000xf32, #tpu.memory_space<hbm>>) dst(%dma_wait3A_603 : memref<128xf32, #tpu.memory_space<vmem>>)
    %dma_wait3A_609 = arith.constant 3 : i32
    %dma_wait3A_610 = arith.constant 384 : i32
    %dma_wait3A_611 = tpu.memref_slice %arg26[%dma_wait3A_610] : memref<512xf32, #tpu.memory_space<vmem>> -> memref<128xf32, #tpu.memory_space<vmem>>
    %dma_wait3A_612 = arith.constant 0 : i32
    %dma_wait3A_613 = tpu.memref_slice %arg16[%dma_wait3A_609, %dma_wait3A_612] : memref<4x128xi32, #tpu.memory_space<vmem>> -> memref<1x128xi32, #tpu.memory_space<vmem>>
    %dma_wait3A_614 = tpu.memref_squeeze %dma_wait3A_613 : memref<1x128xi32, #tpu.memory_space<vmem>> -> memref<128xi32, #tpu.memory_space<vmem>>
    %dma_wait3A_615 = arith.constant 0 : i32
    %dma_wait3A_616 = tpu.memref_slice %arg10[%dma_wait3A_615] : memref<1000000xf32, #tpu.memory_space<hbm>> -> memref<1000000xf32, #tpu.memory_space<hbm>>
    tpu.wait_indirect_dma semaphore(%arg32 : memref<!tpu.dma_semaphore, #tpu.memory_space<semaphore_mem>>) src(%dma_wait3A_616 : memref<1000000xf32, #tpu.memory_space<hbm>>) dst(%dma_wait3A_611 : memref<128xf32, #tpu.memory_space<vmem>>)
    %broadcast_in_dim3A = arith.constant 0.000000e+00 : f32
    %broadcast_in_dim3A_617 = vector.broadcast %broadcast_in_dim3A : f32 to vector<16xf32>
    %scan3A = arith.constant 0 : i32
    %scan3A_618 = arith.constant 32 : i32
    %scan3A_619 = arith.addi %scan3A, %scan3A_618 : i32
    %scan3A_620 = arith.constant 1 : i32
    %scan3A_621:2 = scf.for %scan3A_626 = %scan3A to %scan3A_619 step %scan3A_620 iter_args(%scan3A_627 = %broadcast_in_dim3A_617, %scan3A_628 = %broadcast_in_dim3A_617) -> (vector<16xf32>, vector<16xf32>)  : i32 {
      %mul3A_629 = arith.constant 16 : i32
      %mul3A_630 = arith.muli %scan3A_626, %mul3A_629 : i32
      %get3A = arith.index_cast %mul3A_630 : i32 to index
      %get3A_631 = tpu.vector_load %arg20[%get3A] {strides = array<i32>} : memref<512xf32, #tpu.memory_space<vmem>>, vector<16xf32>,
      %get3A_632 = arith.index_cast %mul3A_630 : i32 to index
      %get3A_633 = tpu.vector_load %arg21[%get3A_632] {strides = array<i32>} : memref<512xf32, #tpu.memory_space<vmem>>, vector<16xf32>,
      %mul3A_634 = arith.mulf %get3A_631, %get3A_633 : vector<16xf32>
      %get3A_635 = arith.index_cast %mul3A_630 : i32 to index
      %get3A_636 = tpu.vector_load %arg22[%get3A_635] {strides = array<i32>} : memref<512xf32, #tpu.memory_space<vmem>>, vector<16xf32>,
      %mul3A_637 = arith.mulf %mul3A_634, %get3A_636 : vector<16xf32>
      %get3A_638 = arith.index_cast %mul3A_630 : i32 to index
      %get3A_639 = tpu.vector_load %arg18[%get3A_638] {strides = array<i32>} : memref<512xf32, #tpu.memory_space<vmem>>, vector<16xf32>,
      %div3A = arith.divf %get3A_639, %mul3A_637 : vector<16xf32>
      %get3A_640 = arith.index_cast %mul3A_630 : i32 to index
      %get3A_641 = tpu.vector_load %arg23[%get3A_640] {strides = array<i32>} : memref<512xf32, #tpu.memory_space<vmem>>, vector<16xf32>,
      %div3A_642 = arith.divf %get3A_641, %mul3A_637 : vector<16xf32>
      %get3A_643 = arith.index_cast %mul3A_630 : i32 to index
      %get3A_644 = tpu.vector_load %arg26[%get3A_643] {strides = array<i32>} : memref<512xf32, #tpu.memory_space<vmem>>, vector<16xf32>,
      %mul3A_645 = arith.constant 1.000000e-01 : f32
      %mul3A_646 = vector.broadcast %mul3A_645 : f32 to vector<16xf32>
      %mul3A_647 = arith.mulf %mul3A_646, %div3A_642 : vector<16xf32>
      %mul3A_648 = arith.constant 0.899999976 : f32
      %mul3A_649 = vector.broadcast %mul3A_648 : f32 to vector<16xf32>
      %mul3A_650 = arith.mulf %mul3A_649, %get3A_644 : vector<16xf32>
      %add3A_651 = arith.addf %mul3A_647, %mul3A_650 : vector<16xf32>
      %mul3A_652 = arith.constant 1.000000e-01 : f32
      %mul3A_653 = vector.broadcast %mul3A_652 : f32 to vector<16xf32>
      %mul3A_654 = arith.mulf %mul3A_653, %div3A_642 : vector<16xf32>
      %get3A_655 = arith.index_cast %mul3A_630 : i32 to index
      %get3A_656 = tpu.vector_load %arg24[%get3A_655] {strides = array<i32>} : memref<512xf32, #tpu.memory_space<vmem>>, vector<16xf32>,
      %mul3A_657 = arith.mulf %mul3A_654, %get3A_656 : vector<16xf32>
      %mul3A_658 = arith.constant 0.899999976 : f32
      %mul3A_659 = vector.broadcast %mul3A_658 : f32 to vector<16xf32>
      %mul3A_660 = arith.mulf %mul3A_659, %get3A_644 : vector<16xf32>
      %get3A_661 = arith.index_cast %mul3A_630 : i32 to index
      %get3A_662 = tpu.vector_load %arg25[%get3A_661] {strides = array<i32>} : memref<512xf32, #tpu.memory_space<vmem>>, vector<16xf32>,
      %mul3A_663 = arith.mulf %mul3A_660, %get3A_662 : vector<16xf32>
      %add3A_664 = arith.addf %mul3A_657, %mul3A_663 : vector<16xf32>
      %div3A_665 = arith.divf %add3A_664, %add3A_651 : vector<16xf32>
      %swap3A_666 = arith.index_cast %mul3A_630 : i32 to index
      %swap3A_667 = tpu.vector_load %arg27[%swap3A_666] {strides = array<i32>} : memref<512xf32, #tpu.memory_space<vmem>>, vector<16xf32>,
      tpu.vector_store %arg27[%swap3A_666], %div3A {strides = array<i32>} : memref<512xf32, #tpu.memory_space<vmem>>, vector<16xf32>,
      %swap3A_668 = arith.index_cast %mul3A_630 : i32 to index
      %swap3A_669 = tpu.vector_load %arg28[%swap3A_668] {strides = array<i32>} : memref<512xf32, #tpu.memory_space<vmem>>, vector<16xf32>,
      tpu.vector_store %arg28[%swap3A_668], %div3A_665 {strides = array<i32>} : memref<512xf32, #tpu.memory_space<vmem>>, vector<16xf32>,
      %swap3A_670 = arith.index_cast %mul3A_630 : i32 to index
      %swap3A_671 = tpu.vector_load %arg29[%swap3A_670] {strides = array<i32>} : memref<512xf32, #tpu.memory_space<vmem>>, vector<16xf32>,
      tpu.vector_store %arg29[%swap3A_670], %add3A_651 {strides = array<i32>} : memref<512xf32, #tpu.memory_space<vmem>>, vector<16xf32>,
      %get3A_672 = arith.index_cast %mul3A_630 : i32 to index
      %get3A_673 = tpu.vector_load %arg19[%get3A_672] {strides = array<i32>} : memref<512xf32, #tpu.memory_space<vmem>>, vector<16xf32>,
      %sub3A = arith.subf %get3A_673, %div3A_665 : vector<16xf32>
      %mul3A_674 = arith.mulf %sub3A, %div3A : vector<16xf32>
      %add3A_675 = arith.addf %scan3A_627, %mul3A_674 : vector<16xf32>
      %add3A_676 = arith.addf %scan3A_628, %div3A : vector<16xf32>
      scf.yield %add3A_675, %add3A_676 : vector<16xf32>, vector<16xf32>
    }
    %scan3A_622 = arith.constant 32 : i32
    %swap3A = arith.constant 0 : index
    %swap3A_623 = tpu.vector_load %arg30[%swap3A] {strides = array<i32>} : memref<16xf32, #tpu.memory_space<vmem>>, vector<16xf32>,
    tpu.vector_store %arg30[%swap3A], %scan3A_621#0 {strides = array<i32>} : memref<16xf32, #tpu.memory_space<vmem>>, vector<16xf32>,
    %swap3A_624 = arith.constant 0 : index
    %swap3A_625 = tpu.vector_load %arg31[%swap3A_624] {strides = array<i32>} : memref<16xf32, #tpu.memory_space<vmem>>, vector<16xf32>,
    tpu.vector_store %arg31[%swap3A_624], %scan3A_621#1 {strides = array<i32>} : memref<16xf32, #tpu.memory_space<vmem>>, vector<16xf32>,
    "tpu.region"() ({
      %run_scoped3A = tpu.sem_alloc : memref<!tpu.dma_semaphore, #tpu.memory_space<semaphore_mem>>
      %dma_start3A_626 = tpu.memref_slice %arg11[%mul3A_2] : memref<16384xf32, #tpu.memory_space<hbm>> -> memref<512xf32, #tpu.memory_space<hbm>>
      %dma_start3A_627 = tpu.memref_slice %arg11[%mul3A_2] : memref<16384xf32, #tpu.memory_space<hbm>> -> memref<512xf32, #tpu.memory_space<hbm>>
      tpu.enqueue_dma source(%arg27 : memref<512xf32, #tpu.memory_space<vmem>>) target(%dma_start3A_627 : memref<512xf32, #tpu.memory_space<hbm>>) target_semaphore(%run_scoped3A : memref<!tpu.dma_semaphore, #tpu.memory_space<semaphore_mem>>)
      %dma_wait3A_628 = tpu.memref_slice %arg11[%mul3A_2] : memref<16384xf32, #tpu.memory_space<hbm>> -> memref<512xf32, #tpu.memory_space<hbm>>
      %dma_wait3A_629 = tpu.memref_slice %arg11[%mul3A_2] : memref<16384xf32, #tpu.memory_space<hbm>> -> memref<512xf32, #tpu.memory_space<hbm>>
      tpu.wait_dma2 semaphore(%run_scoped3A : memref<!tpu.dma_semaphore, #tpu.memory_space<semaphore_mem>>) src(%arg27 : memref<512xf32, #tpu.memory_space<vmem>>) dst(%dma_wait3A_629 : memref<512xf32, #tpu.memory_space<hbm>>)
      tpu.yield
    }) : () -> ()
    "tpu.region"() ({
      %run_scoped3A = tpu.sem_alloc : memref<!tpu.dma_semaphore, #tpu.memory_space<semaphore_mem>>
      %dma_start3A_626 = tpu.memref_slice %arg12[%mul3A_2] : memref<16384xf32, #tpu.memory_space<hbm>> -> memref<512xf32, #tpu.memory_space<hbm>>
      %dma_start3A_627 = tpu.memref_slice %arg12[%mul3A_2] : memref<16384xf32, #tpu.memory_space<hbm>> -> memref<512xf32, #tpu.memory_space<hbm>>
      tpu.enqueue_dma source(%arg28 : memref<512xf32, #tpu.memory_space<vmem>>) target(%dma_start3A_627 : memref<512xf32, #tpu.memory_space<hbm>>) target_semaphore(%run_scoped3A : memref<!tpu.dma_semaphore, #tpu.memory_space<semaphore_mem>>)
      %dma_wait3A_628 = tpu.memref_slice %arg12[%mul3A_2] : memref<16384xf32, #tpu.memory_space<hbm>> -> memref<512xf32, #tpu.memory_space<hbm>>
      %dma_wait3A_629 = tpu.memref_slice %arg12[%mul3A_2] : memref<16384xf32, #tpu.memory_space<hbm>> -> memref<512xf32, #tpu.memory_space<hbm>>
      tpu.wait_dma2 semaphore(%run_scoped3A : memref<!tpu.dma_semaphore, #tpu.memory_space<semaphore_mem>>) src(%arg28 : memref<512xf32, #tpu.memory_space<vmem>>) dst(%dma_wait3A_629 : memref<512xf32, #tpu.memory_space<hbm>>)
      tpu.yield
    }) : () -> ()
    "tpu.region"() ({
      %run_scoped3A = tpu.sem_alloc : memref<!tpu.dma_semaphore, #tpu.memory_space<semaphore_mem>>
      %dma_start3A_626 = tpu.memref_slice %arg13[%mul3A_2] : memref<16384xf32, #tpu.memory_space<hbm>> -> memref<512xf32, #tpu.memory_space<hbm>>
      %dma_start3A_627 = tpu.memref_slice %arg13[%mul3A_2] : memref<16384xf32, #tpu.memory_space<hbm>> -> memref<512xf32, #tpu.memory_space<hbm>>
      tpu.enqueue_dma source(%arg29 : memref<512xf32, #tpu.memory_space<vmem>>) target(%dma_start3A_627 : memref<512xf32, #tpu.memory_space<hbm>>) target_semaphore(%run_scoped3A : memref<!tpu.dma_semaphore, #tpu.memory_space<semaphore_mem>>)
      %dma_wait3A_628 = tpu.memref_slice %arg13[%mul3A_2] : memref<16384xf32, #tpu.memory_space<hbm>> -> memref<512xf32, #tpu.memory_space<hbm>>
      %dma_wait3A_629 = tpu.memref_slice %arg13[%mul3A_2] : memref<16384xf32, #tpu.memory_space<hbm>> -> memref<512xf32, #tpu.memory_space<hbm>>
      tpu.wait_dma2 semaphore(%run_scoped3A : memref<!tpu.dma_semaphore, #tpu.memory_space<semaphore_mem>>) src(%arg29 : memref<512xf32, #tpu.memory_space<vmem>>) dst(%dma_wait3A_629 : memref<512xf32, #tpu.memory_space<hbm>>)
      tpu.yield
    }) : () -> ()
    "tpu.region"() ({
      %run_scoped3A = tpu.sem_alloc : memref<!tpu.dma_semaphore, #tpu.memory_space<semaphore_mem>>
      %dma_start3A_626 = arith.constant 0 : i32
      %dma_start3A_627 = tpu.memref_slice %arg14[%add3A, %dma_start3A_626] : memref<32x16xf32, #tpu.memory_space<hbm>> -> memref<1x16xf32, #tpu.memory_space<hbm>>
      %dma_start3A_628 = tpu.memref_squeeze %dma_start3A_627 : memref<1x16xf32, #tpu.memory_space<hbm>> -> memref<16xf32, #tpu.memory_space<hbm>>
      %dma_start3A_629 = arith.constant 0 : i32
      %dma_start3A_630 = tpu.memref_slice %arg14[%add3A, %dma_start3A_629] : memref<32x16xf32, #tpu.memory_space<hbm>> -> memref<1x16xf32, #tpu.memory_space<hbm>>
      %dma_start3A_631 = tpu.memref_squeeze %dma_start3A_630 : memref<1x16xf32, #tpu.memory_space<hbm>> -> memref<16xf32, #tpu.memory_space<hbm>>
      tpu.enqueue_dma source(%arg30 : memref<16xf32, #tpu.memory_space<vmem>>) target(%dma_start3A_631 : memref<16xf32, #tpu.memory_space<hbm>>) target_semaphore(%run_scoped3A : memref<!tpu.dma_semaphore, #tpu.memory_space<semaphore_mem>>)
      %dma_wait3A_632 = arith.constant 0 : i32
      %dma_wait3A_633 = tpu.memref_slice %arg14[%add3A, %dma_wait3A_632] : memref<32x16xf32, #tpu.memory_space<hbm>> -> memref<1x16xf32, #tpu.memory_space<hbm>>
      %dma_wait3A_634 = tpu.memref_squeeze %dma_wait3A_633 : memref<1x16xf32, #tpu.memory_space<hbm>> -> memref<16xf32, #tpu.memory_space<hbm>>
      %dma_wait3A_635 = arith.constant 0 : i32
      %dma_wait3A_636 = tpu.memref_slice %arg14[%add3A, %dma_wait3A_635] : memref<32x16xf32, #tpu.memory_space<hbm>> -> memref<1x16xf32, #tpu.memory_space<hbm>>
      %dma_wait3A_637 = tpu.memref_squeeze %dma_wait3A_636 : memref<1x16xf32, #tpu.memory_space<hbm>> -> memref<16xf32, #tpu.memory_space<hbm>>
      tpu.wait_dma2 semaphore(%run_scoped3A : memref<!tpu.dma_semaphore, #tpu.memory_space<semaphore_mem>>) src(%arg30 : memref<16xf32, #tpu.memory_space<vmem>>) dst(%dma_wait3A_637 : memref<16xf32, #tpu.memory_space<hbm>>)
      tpu.yield
    }) : () -> ()
    "tpu.region"() ({
      %run_scoped3A = tpu.sem_alloc : memref<!tpu.dma_semaphore, #tpu.memory_space<semaphore_mem>>
      %dma_start3A_626 = arith.constant 0 : i32
      %dma_start3A_627 = tpu.memref_slice %arg15[%add3A, %dma_start3A_626] : memref<32x16xf32, #tpu.memory_space<hbm>> -> memref<1x16xf32, #tpu.memory_space<hbm>>
      %dma_start3A_628 = tpu.memref_squeeze %dma_start3A_627 : memref<1x16xf32, #tpu.memory_space<hbm>> -> memref<16xf32, #tpu.memory_space<hbm>>
      %dma_start3A_629 = arith.constant 0 : i32
      %dma_start3A_630 = tpu.memref_slice %arg15[%add3A, %dma_start3A_629] : memref<32x16xf32, #tpu.memory_space<hbm>> -> memref<1x16xf32, #tpu.memory_space<hbm>>
      %dma_start3A_631 = tpu.memref_squeeze %dma_start3A_630 : memref<1x16xf32, #tpu.memory_space<hbm>> -> memref<16xf32, #tpu.memory_space<hbm>>
      tpu.enqueue_dma source(%arg31 : memref<16xf32, #tpu.memory_space<vmem>>) target(%dma_start3A_631 : memref<16xf32, #tpu.memory_space<hbm>>) target_semaphore(%run_scoped3A : memref<!tpu.dma_semaphore, #tpu.memory_space<semaphore_mem>>)
      %dma_wait3A_632 = arith.constant 0 : i32
      %dma_wait3A_633 = tpu.memref_slice %arg15[%add3A, %dma_wait3A_632] : memref<32x16xf32, #tpu.memory_space<hbm>> -> memref<1x16xf32, #tpu.memory_space<hbm>>
      %dma_wait3A_634 = tpu.memref_squeeze %dma_wait3A_633 : memref<1x16xf32, #tpu.memory_space<hbm>> -> memref<16xf32, #tpu.memory_space<hbm>>
      %dma_wait3A_635 = arith.constant 0 : i32
      %dma_wait3A_636 = tpu.memref_slice %arg15[%add3A, %dma_wait3A_635] : memref<32x16xf32, #tpu.memory_space<hbm>> -> memref<1x16xf32, #tpu.memory_space<hbm>>
      %dma_wait3A_637 = tpu.memref_squeeze %dma_wait3A_636 : memref<1x16xf32, #tpu.memory_space<hbm>> -> memref<16xf32, #tpu.memory_space<hbm>>
      tpu.wait_dma2 semaphore(%run_scoped3A : memref<!tpu.dma_semaphore, #tpu.memory_space<semaphore_mem>>) src(%arg31 : memref<16xf32, #tpu.memory_space<vmem>>) dst(%dma_wait3A_637 : memref<16xf32, #tpu.memory_space<hbm>>)
      tpu.yield
    }) : () -> ()
    return
  }
}

</mosaic_0001>

<sc_bundles>
// kernel: kernel.11.cloned.1.call-start
scs
__scs_entry_jumppad:
0x0: {  	(pc) =	sbr.rel $0x88, $3  }
0x1: {  	(tag) =	ssettag $0x0;
	lr =	simm.s32 $0x1  }
0x2: {  	[smem:$0x3F95] =	sst lr;
	_ =	strace $0xD0000000  }
0x3: {  	_ = 	snop  }
0x4: {  	_ = 	snop  }
0x5: {  	_ = 	snop  }
0x6: {  	_ = 	snop  }
0x7: {  	_ = 	snop  }
__scs_overlays_trampoline_lowered:
0x8: {  	[smem:$0x3FA4] =	sst s0  }
0x9: {  	[smem:$0x3FA5] =	sst s1  }
0xa: {  	[smem:$0x3FA6] =	sst s2  }
0xb: {  	[smem:$0x3FA7] =	sst s3  }
0xc: {  	[smem:$0x3FA8] =	sst s4  }
0xd: {  	[smem:$0x3FA9] =	sst s5  }
0xe: {  	[smem:$0x3FAA] =	sst s6  }
0xf: {  	[smem:$0x3FAB] =	sst s7  }
0x10: {  	[smem:$0x3FAC] =	sst s8  }
0x11: {  	[smem:$0x3FAD] =	sst s9;
	s0 =	simm.s32 @!p0 $0x0  }
0x12: {  	s1 =	sld [smem:$0x3F93];
	s0 =	simm.s32 @p0 $0x1  }
0x13: {  	[smem:$0x3FAE] =	sst s0;
	s0 =	simm.s32 @!p1 $0x0  }
0x14: {  	s2 =	sld [smem:$0x3F92];
	s0 =	simm.s32 @p1 $0x1  }
0x15: {  	[smem:$0x3FAF] =	sst s0;
	s0 =	simm.s32 @!p2 $0x0  }
0x16: {  	s3 =	sld [smem:$0x3FDB];
	s0 =	simm.s32 @p2 $0x1  }
0x17: {  	s4 =	simm.s32 $0x1BF5;
	[smem:$0x3FB1] =	sst s0  }
0x18: {  	s0 =	sld [smem:$0x3F94];
	_ =	swait.ge [sflag:s4], $0x0  }
0x19: {  	s7 =	sld [smem:$0x3F95]  }
0x1a: {  	s8 =	sadd.s32 $0xFFFFE003, lr  }
0x1b: {  	s9 =	sadd.s32 $0xFFFFFEF7, lr;
	s5 =	simm.s32 $0xFFFFFFFF;
	p2 =	slt.u32 s8, $0xFFFFF086  }
0x1c: {  	p1 =	slt.u32 s9, $0xF7A;
	s5 =	simm.s32 @!p2 $0x0  }
0x1d: {  	s5 =	simm.s32 @p1 $0x1;
	p0 =	seq.s32 s7, s2  }
0x1e: {  	s7 =	smul.u32 @!p0 $0xF7A, s2;
	p2 =	seq.s32 @!p0 s5, $0x0  }
0x1f: {  	s9 =	smul.u32 $0xF7A, s1;
	s8 =	simm.s32 @!p0 $0x1BF5;
	p2 =	por !p2, p0  }
0x20: {  	[sflag:s8] =	ssyncset.s32 @!p0 $0xFFFFF086;
	s6 =	sadd.s32 @!p0 s3, s7;
	s7 =	simm.s32 @!p0 $0x108  }
0x21: {  	s3 =	sadd.s32 s3, s9;
	s6 =	sadd.s32 @!p0 $0x88, s6;
	s7 =	simm.s32 @p2 $0x1082  }
0x22: {  	[simem:s7], [sflag:s8] =	dma.local @!p0 [hbm:s6], $0xF7A  }
0x23: {  	s9 =	sor.u32 $0xD0000000, s2;
	s6 =	simm.s32 $0x108;
	_ =	swait.ge @!p0 [sflag:s8], $0x0  }
0x24: {  	s3 =	sadd.s32 $0x88, s3;
	s6 =	simm.s32 @!p1 $0x1082;
	[sflag:s4] =	ssyncset.s32 $0xFFFFF086  }
0x25: {  	[simem:s6], [sflag:s4] =	dma.local [hbm:s3], $0xF7A  }
0x26: {  	[smem:$0x3F95] =	sst s1;
	(tag) =	ssettag s2;
	_ =	strace s9  }
0x27: {  	s1 =	sld [smem:$0x3FA5]  }
0x28: {  	s2 =	sld [smem:$0x3FA6]  }
0x29: {  	s4 =	sld [smem:$0x3FA8]  }
0x2a: {  	p0 =	seq.s32 s5, $0x0;
	s5 =	sld [smem:$0x3FA9]  }
0x2b: {  	s6 =	sld [smem:$0x3FAA]  }
0x2c: {  	s7 =	sld [smem:$0x3FAB]  }
0x2d: {  	s3 =	simm.s32 $0x108;
	s8 =	sld [smem:$0x3FAC]  }
0x2e: {  	s3 =	simm.s32 @!p0 $0x1082;
	s9 =	sld [smem:$0x3FAD]  }
0x2f: {  	lr =	sadd.s32 s0, s3;
	s0 =	sld [smem:$0x3FA4]  }
0x30: {  	s3 =	sld [smem:$0x3FA7]  }
0x31: {  	[smem:$0x3FB0] =	sst s10  }
0x32: {  	s10 =	sld [smem:$0x3FAE];
	_ =	sdelay $0x3  }
0x33: {  	p0 =	seq.s32 s10, $0x1;
	s10 =	sld [smem:$0x3FB0];
	_ =	sdelay $0x3  }
0x34: {  	[smem:$0x3FB0] =	sst s10  }
0x35: {  	s10 =	sld [smem:$0x3FAF];
	_ =	sdelay $0x3  }
0x36: {  	p1 =	seq.s32 s10, $0x1;
	s10 =	sld [smem:$0x3FB0];
	_ =	sdelay $0x3  }
0x37: {  	[smem:$0x3FB0] =	sst s10  }
0x38: {  	s10 =	sld [smem:$0x3FB1]  }
0x39: {  	_ = 	snop;
	(pc) =	sbr.ind lr, $3  }
0x3a: {  	_ = 	snop  }
0x3b: {  	_ = 	snop  }
0x3c: {  	p2 =	seq.s32 s10, $0x1;
	s10 =	sld [smem:$0x3FB0]  }
0x3d: {  	_ =	shalt  }
0x3e: {  	_ =	shalt  }
0x3f: {  	_ =	shalt  }
0x40: {  	_ =	shalt  }
0x41: {  	_ =	shalt  }
0x42: {  	_ =	shalt  }
0x43: {  	_ =	shalt  }
0x44: {  	_ =	shalt  }
0x45: {  	_ =	shalt  }
0x46: {  	_ =	shalt  }
0x47: {  	_ =	shalt  }
0x48: {  	_ =	shalt  }
0x49: {  	_ =	shalt  }
0x4a: {  	_ =	shalt  }
0x4b: {  	_ =	shalt  }
0x4c: {  	_ =	shalt  }
0x4d: {  	_ =	shalt  }
0x4e: {  	_ =	shalt  }
0x4f: {  	_ =	shalt  }
0x50: {  	_ =	shalt  }
0x51: {  	_ =	shalt  }
0x52: {  	_ =	shalt  }
0x53: {  	_ =	shalt  }
0x54: {  	_ =	shalt  }
0x55: {  	_ =	shalt  }
0x56: {  	_ =	shalt  }
0x57: {  	_ =	shalt  }
0x58: {  	_ =	shalt  }
0x59: {  	_ =	shalt  }
0x5a: {  	_ =	shalt  }
0x5b: {  	_ =	shalt  }
0x5c: {  	_ =	shalt  }
0x5d: {  	_ =	shalt  }
0x5e: {  	_ =	shalt  }
0x5f: {  	_ =	shalt  }
0x60: {  	_ =	shalt  }
0x61: {  	_ =	shalt  }
0x62: {  	_ =	shalt  }
0x63: {  	_ =	shalt  }
0x64: {  	_ =	shalt  }
0x65: {  	_ =	shalt  }
0x66: {  	_ =	shalt  }
0x67: {  	_ =	shalt  }
0x68: {  	_ =	shalt  }
0x69: {  	_ =	shalt  }
0x6a: {  	_ =	shalt  }
0x6b: {  	_ =	shalt  }
0x6c: {  	_ =	shalt  }
0x6d: {  	_ =	shalt  }
0x6e: {  	_ =	shalt  }
0x6f: {  	_ =	shalt  }
0x70: {  	_ =	shalt  }
0x71: {  	_ =	shalt  }
0x72: {  	_ =	shalt  }
0x73: {  	_ =	shalt  }
0x74: {  	_ =	shalt  }
0x75: {  	_ =	shalt  }
0x76: {  	_ =	shalt  }
0x77: {  	_ =	shalt  }
0x78: {  	_ =	shalt  }
0x79: {  	_ =	shalt  }
0x7a: {  	_ =	shalt  }
0x7b: {  	_ =	shalt  }
0x7c: {  	_ =	shalt  }
0x7d: {  	_ =	shalt  }
0x7e: {  	_ =	shalt  }
0x7f: {  	_ =	shalt  }
0x80: {  	_ =	shalt  }
0x81: {  	_ =	shalt  }
0x82: {  	_ =	shalt  }
0x83: {  	_ =	shalt  }
0x84: {  	_ =	shalt  }
0x85: {  	_ =	shalt  }
0x86: {  	_ =	shalt  }
0x87: {  	_ =	shalt  }
.Lfunc_end0:
.L_simem_size_0:
called_computation.2_lowered:
.L_overlay_start_0:
0x88: {  	s2 =	sld [smem:$0x3FD9]  }
0x89: {  	s3 =	sld [smem:$0x3FFE];
	_ =	sdelay $0x1  }
0x8a: {  	s1 =	srdreg.scid  }
0x8b: {  	s0 =	sand.u32 $0x1, s1  }
0x8c: {  	s14 =	sshll.u32 s0, $0xA;
	s2 =	sadd.s32 s3, s2  }
0x8d: {  	s2 =	sadd.s32 s2, s14  }
0x8e: {  	[smem:$0x3FBC] =	sst s2  }
0x8f: {  	_ = 	snop  }
0x90: {  	s2 =	sld [smem:$0x3FD0]  }
0x91: {  	s15 =	sld [smem:$0x3FC3]  }
0x92: {  	s4 =	sld [smem:$0x3FBF]  }
0x93: {  	s6 =	simm.s32 $0xA;
	s7 =	simm.s32 $0x10;
	s5 =	sld [smem:$0x3FBE]  }
0x94: {  	[smem:s7], [sflag:s6] =	dma.local [hbm:s2], $0x1  }
0x95: {  	_ =	swait.eq [sflag:s6], $0x1  }
0x96: {  	[sflag:s6] =	ssyncset.done $0x0  }
0x97: {  	s16 =	sld [smem:$0x12];
	[sflag:s6] =	ssyncadd.s32 $0xFFFFFFFF  }
0x98: {  	s17 =	sld [smem:$0x13];
	(tm) =	ssettm $0x1  }
0x99: {  	s18 =	sld [smem:$0x3FFB];
	_ =	sdelay $0x3  }
0x9a: {  	_ =	strace s18  }
0x9b: {  	s7 =	sld [smem:$0x3FFC];
	_ =	sdelay $0x3  }
0x9c: {  	_ =	strace s7  }
0x9d: {  	s7 =	sld [smem:$0x3FFD];
	_ =	sdelay $0x3  }
0x9e: {  	_ =	strace s7  }
0x9f: {  	_ =	strace $0x8FFFFFFF  }
0xa0: {  	s19 =	sld [smem:$0x3FDB];
	_ =	sdelay $0x1  }
0xa1: {  	s8 =	simm.s32 $_scs_section_size  }
0xa2: {  	s9 =	simm.s32 $_size__tile_overlayer_lowered;
	s10 =	simm.s32 $_tile_overlayer_lowered  }
0xa3: {  	s22 =	simm.s32 $0x1BFF;
	s21 =	sshll.u32 s10, $0x1;
	s7 =	sadd.s32 s8, s19  }
0xa4: {  	s11 =	simm.s32 $0x0;
	s20 =	sshll.u32 s9, $0x1;
	s9 =	sadd.s32 s21, s7  }
0xa5: {  	[timem:s11], [sflag:s22] =	dma.local [hbm:s9], s20  }
0xa6: {  	_ =	swait.ge [sflag:s22], s20  }
0xa7: {  	s8 =	ssub.s32 $0x0, s20;
	[sflag:s22] =	ssyncset.done $0x0  }
0xa8: {  	[sflag:s22] =	ssyncadd.s32 s8;
	_ =	sdelay $0x1  }
0xa9: {  	s23 =	simm.s32 $0x1B8B  }
0xaa: {  	_ =	swait.ge [sflag:s23], $0x1  }
0xab: {  	[sflag:s23] =	ssyncset.done $0x0  }
0xac: {  	s25 =	simm.s32 $0x1B8E;
	s24 =	sld [smem:$0x3FFE];
	[sflag:s23] =	ssyncadd.s32 $0xFFFFFFFF  }
0xad: {  	s26 =	simm.s32 $execute0_lowered;
	[smem:$0x3FD2] =	sst s25  }
0xae: {  	s9 =	sshll.u32 s26, $0x1;
	_ =	strace $0x8000004C;
	[dreg:$0x1] =	wrdreg $0xFFFFFFFF  }
0xaf: {  	s28 =	simm.s32 $_size_execute0_lowered;
	s7 =	sadd.s32 s7, s9;
	[dreg:$0x0] =	wrdreg $0x0  }
0xb0: {  	s9 =	sshll.u32 s28, $0x1;
	[dreg:$0x2] =	wrdreg s7  }
0xb1: {  	[dreg:$0x3] =	wrdreg s9  }
0xb2: {  	[dreg:$0x4] =	wrdreg $0xC0  }
0xb3: {  	_ =	task [dreg:s11], $0x5FFFF  }
0xb4: {  	[dreg:$0x1] =	wrdreg $0xFFFFFFFF  }
0xb5: {  	[dreg:$0x0] =	wrdreg $0x60  }
0xb6: {  	[dreg:$0x2] =	wrdreg s15  }
0xb7: {  	[dreg:$0x3] =	wrdreg s24  }
0xb8: {  	[dreg:$0x4] =	wrdreg s4  }
0xb9: {  	[dreg:$0x5] =	wrdreg s5  }
0xba: {  	[dreg:$0x6] =	wrdreg s16  }
0xbb: {  	[dreg:$0x7] =	wrdreg s17  }
0xbc: {  	[dreg:$0x8] =	wrdreg $0x9  }
0xbd: {  	_ =	task.clear_ibuf [dreg:s11], $0x9FFFF;
	_ =	strace $0x9000004C  }
0xbe: {  	s29 =	simm.s32 $0x9;
	_ =	strace $0x8000004E  }
0xbf: {  	_ =	swait.ge [sflag:s29], $0x1  }
0xc0: {  	[sflag:s29] =	ssyncadd.s32 $0xFFFFFFFF  }
0xc1: {  	_ =	strace $0x9000004E  }
0xc2: {  	_ =	sfence  }
0xc3: {  	s30 =	sld [smem:$0x0];
	_ =	sdelay $0x2  }
0xc4: {  	s31 =	sshll.u32 s1, $0xD;
	s1 =	sshrl.u32 s1, $0x2  }
0xc5: {  	s3 =	sand.u32 $0x4000, s31;
	s1 =	sadd.s32 s1, s30  }
0xc6: {  	s0 =	sor.u32 s3, s0;
	s1 =	sshll.u32 s1, $0x11  }
0xc7: {  	s0 =	sor.u32 s1, s0  }
0xc8: {  	s0 =	sadd.s32 $0x8F2B, s0  }
0xc9: {  	[sflag:s0] =	ssyncadd.remote.s32 $0x1  }
0xca: {  	_ =	sfence.sel $0xFFFF  }
0xcb: {  	[dreg:$0x0] =	wrdreg $0xFFFFFFFF;
	(pc) =	sbr.abs _section_cstart, $3  }
0xcc: {  	[dreg:$0x1] =	wrdreg $0xFFFFFFFF  }
0xcd: {  	_ =	task.clear_ibuf [dreg:s11], $0x2FFFF;
	_ =	strace $0x9FFFFFFF  }
0xce: {  	(tm) =	ssettm $0x7FFFFFFF  }
0xcf: {  	_ =	shalt  }
tec
execute0_lowered:
.L_overlay_start_1:
0x0: {  	(tag) =	ssettag $0x1  }
0x1: {  	s0 =	rddreg [dreg:$0x0]  }
0x2: {  	s5 =	rddreg [dreg:$0x1]  }
0x3: {  	s8 =	rddreg [dreg:$0x2]  }
0x4: {  	s9 =	rddreg [dreg:$0x3]  }
0x5: {  	s12 =	rddreg [dreg:$0x4];
	s2 =	srdreg.scid  }
0x6: {  	s1 =	stileid.u32;
	s13 =	rddreg [dreg:$0x5]  }
0x7: {  	s3 =	simm.s32 $0x0;
	s16 =	simm.s32 $0x8000;
	s17 =	simm.s32 $0x1  }
0x8: {  	s19 =	simm.s32 $0x13A80;
	s4 =	sand.u32 $0x1, s2;
	s2 =	rddreg [dreg:$0x6]  }
0x9: {  	s20 =	simm.s32 $0x0;
	s6 =	sshll.u32 s1, $0x1;
	[smem:$0x7FF] =	sst s3  }
0xa: {  	s15 =	sor.u32 s4, s6;
	_ =	strace $0x8000004D;
	s31 =	ssub.s32 $0x2, s4  }
0xb: {  	s4 =	sadd.s32 $0x3600, s5;
	s18 =	smul.u32 $0x7A20, s15;
	s7 =	sshrl.u32 s31, $0x1  }
0xc: {  	s5 =	sadd.s32 $0x3E00, s5;
	p0 =	seq.s32 s15, $0x1F;
	s14 =	ssub.s32 s31, s7  }
0xd: {  	s15 =	simm.s32 $0x4000;
	s11 =	sshrl.u32 s18, $0x3;
	s14 =	smax.u32 s14, $0x1  }
0xe: {  	v0 =	vmov s18;
	s18 =	simm.s32 $0xC000;
	s6 =	sadd.s32 s8, s11;
	s7 =	sadd.s32 s9, s11  }
0xf: {  	s8 =	sadd.s32 $0x1D93C, s8;
	s9 =	sadd.s32 $0x1D93C, s9;
	s10 =	sadd.s32 s12, s11  }
0x10: {  	s11 =	sadd.s32 s13, s11;
	s12 =	sadd.s32 $0x1D93C, s12;
	s13 =	sadd.s32 $0x1D93C, s13  }
.LBB2_1:
0x11: {  	[tilespmem:s3], [sflag:$0x1] =	stream.linear.gather [hbm4b:s0+s3], $0x4000, $0x38;
	[tilespmem:$0x1B500] =	vst v63  }
0x12: {  	_ = 	snop  }
0x13: {  	[tilespmem:s15], [sflag:$0x1] =	stream.linear.gather [hbm4b:s4+s3], $0x4000, $0x38;
	[tilespmem:$0x1B500] =	vst v63  }
0x14: {  	_ = 	snop  }
0x15: {  	[tilespmem:s16], [sflag:$0x1] =	stream.linear.gather [hbm4b:s5+s3], $0x4000, $0x38;
	[tilespmem:$0x1B500] =	vst v63  }
0x16: {  	s21 =	simm.s32 @p0 $0x0;
	s22 =	simm.s32 @p0 $0xC000  }
0x17: {  	[tilespmem:s22], [sflag:$0x1] =	stream.linear.gather @p0 [hbm4b:s8+s21], $0x7860, $0x38;
	[tilespmem:$0x1B500] =	vst v63  }
0x18: {  	s22 =	simm.s32 @p0 $0x13A80  }
0x19: {  	[tilespmem:s22], [sflag:$0x1] =	stream.linear.gather @p0 [hbm4b:s9+s21], $0x7860, $0x38;
	[tilespmem:$0x1B500] =	vst v63  }
0x1a: {  	s21 =	simm.s32 @p0 $0x1  }
0x1b: {  	_ =	swait.ge @p0 [sflag:s21], $0x7860  }
0x1c: {  	[sflag:s21] =	ssyncset.done @p0 $0x0  }
0x1d: {  	[sflag:s21] =	ssyncadd.s32 @p0 $0xFFFF87A0  }
0x1e: {  	_ =	swait.ge @p0 [sflag:s21], $0x7860  }
0x1f: {  	[sflag:s21] =	ssyncset.done @p0 $0x0  }
0x20: {  	s22 =	simm.s32 @!p0 $0xC000;
	[sflag:s21] =	ssyncadd.s32 @p0 $0xFFFF87A0;
	s21 =	simm.s32 @!p0 $0x0  }
0x21: {  	[tilespmem:s22], [sflag:$0x1] =	stream.linear.gather @!p0 [hbm4b:s6+s21], $0x7A20, $0x38;
	[tilespmem:$0x1B500] =	vst v63  }
0x22: {  	s22 =	simm.s32 @!p0 $0x13A80  }
0x23: {  	[tilespmem:s22], [sflag:$0x1] =	stream.linear.gather @!p0 [hbm4b:s7+s21], $0x7A20, $0x38;
	[tilespmem:$0x1B500] =	vst v63  }
0x24: {  	s21 =	simm.s32 @!p0 $0x1  }
0x25: {  	_ =	swait.ge @!p0 [sflag:s21], $0x7A20  }
0x26: {  	[sflag:s21] =	ssyncset.done @!p0 $0x0  }
0x27: {  	[sflag:s21] =	ssyncadd.s32 @!p0 $0xFFFF85E0  }
0x28: {  	_ =	swait.ge @!p0 [sflag:s21], $0x7A20  }
0x29: {  	[sflag:s21] =	ssyncset.done @!p0 $0x0  }
0x2a: {  	[sflag:s21] =	ssyncadd.s32 @!p0 $0xFFFF85E0  }
0x2b: {  	_ =	swait.ge [sflag:s17], $0x4000  }
0x2c: {  	[sflag:s17] =	ssyncset.done $0x0  }
0x2d: {  	[sflag:s17] =	ssyncadd.s32 $0xFFFFC000  }
0x2e: {  	_ =	swait.ge [sflag:s17], $0x4000  }
0x2f: {  	[sflag:s17] =	ssyncset.done $0x0  }
0x30: {  	[sflag:s17] =	ssyncadd.s32 $0xFFFFC000  }
0x31: {  	_ =	swait.ge [sflag:s17], $0x4000  }
0x32: {  	s23 =	simm.s32 $0x4040;
	s24 =	simm.s32 $0x8040;
	[sflag:s17] =	ssyncset.done $0x0  }
0x33: {  	s22 =	simm.s32 $0x40;
	s21 =	simm.s32 $0xFFFFFFF8;
	[sflag:s17] =	ssyncadd.s32 $0xFFFFC000  }
.LBB2_2:
0x34: {  	v1 =	vld [tilespmem:s22+$0xFFFFFFC0];
	_ =	sdelay $0x4  }
0x35: {  	v1 =	vsub.s32 v1, v0  }
0x36: {  	vm0 =	vlt.u32 v1, $0x7A20  }
0x37: {  	v2 =	vld [tilespmem:s23+$0xFFFFFFC0];
	v1 =	vnsel vm0, $0x0, v1;
	_ =	sdelay $0x4  }
0x38: {  	[tilespmem:v1+s18+$0x0] =	vst.idx.msk vm0, v2  }
0x39: {  	v2 =	vld [tilespmem:s24+$0xFFFFFFC0];
	_ =	sdelay $0x4  }
0x3a: {  	[tilespmem:v1+s19+$0x0] =	vst.idx.msk vm0, v2  }
0x3b: {  	v1 =	vld [tilespmem:s22+$0xFFFFFFD0];
	_ =	sdelay $0x4  }
0x3c: {  	v1 =	vsub.s32 v1, v0  }
0x3d: {  	vm9 =	vlt.u32 v1, $0x7A20  }
0x3e: {  	v2 =	vld [tilespmem:s23+$0xFFFFFFD0];
	v1 =	vnsel vm9, $0x0, v1;
	_ =	sdelay $0x4  }
0x3f: {  	[tilespmem:v1+s18+$0x0] =	vst.idx.msk vm9, v2  }
0x40: {  	v2 =	vld [tilespmem:s24+$0xFFFFFFD0];
	_ =	sdelay $0x4  }
0x41: {  	[tilespmem:v1+s19+$0x0] =	vst.idx.msk vm9, v2  }
0x42: {  	v1 =	vld [tilespmem:s22+$0xFFFFFFE0];
	_ =	sdelay $0x4  }
0x43: {  	v1 =	vsub.s32 v1, v0  }
0x44: {  	vm10 =	vlt.u32 v1, $0x7A20  }
0x45: {  	v2 =	vld [tilespmem:s23+$0xFFFFFFE0];
	v1 =	vnsel vm10, $0x0, v1;
	_ =	sdelay $0x4  }
0x46: {  	[tilespmem:v1+s18+$0x0] =	vst.idx.msk vm10, v2  }
0x47: {  	v2 =	vld [tilespmem:s24+$0xFFFFFFE0];
	_ =	sdelay $0x4  }
0x48: {  	[tilespmem:v1+s19+$0x0] =	vst.idx.msk vm10, v2  }
0x49: {  	v1 =	vld [tilespmem:s22+$0xFFFFFFF0];
	_ =	sdelay $0x4  }
0x4a: {  	v1 =	vsub.s32 v1, v0  }
0x4b: {  	vm11 =	vlt.u32 v1, $0x7A20  }
0x4c: {  	v2 =	vld [tilespmem:s23+$0xFFFFFFF0];
	v1 =	vnsel vm11, $0x0, v1;
	_ =	sdelay $0x4  }
0x4d: {  	[tilespmem:v1+s18+$0x0] =	vst.idx.msk vm11, v2  }
0x4e: {  	v2 =	vld [tilespmem:s24+$0xFFFFFFF0];
	_ =	sdelay $0x4  }
0x4f: {  	[tilespmem:v1+s19+$0x0] =	vst.idx.msk vm11, v2  }
0x50: {  	v1 =	vld [tilespmem:s22+$0x0];
	_ =	sdelay $0x4  }
0x51: {  	v1 =	vsub.s32 v1, v0  }
0x52: {  	vm12 =	vlt.u32 v1, $0x7A20  }
0x53: {  	v2 =	vld [tilespmem:s23+$0x0];
	v1 =	vnsel vm12, $0x0, v1;
	_ =	sdelay $0x4  }
0x54: {  	[tilespmem:v1+s18+$0x0] =	vst.idx.msk vm12, v2  }
0x55: {  	v2 =	vld [tilespmem:s24+$0x0];
	_ =	sdelay $0x4  }
0x56: {  	[tilespmem:v1+s19+$0x0] =	vst.idx.msk vm12, v2  }
0x57: {  	v1 =	vld [tilespmem:s22+$0x10];
	_ =	sdelay $0x4  }
0x58: {  	v1 =	vsub.s32 v1, v0  }
0x59: {  	vm13 =	vlt.u32 v1, $0x7A20  }
0x5a: {  	v2 =	vld [tilespmem:s23+$0x10];
	v1 =	vnsel vm13, $0x0, v1;
	_ =	sdelay $0x4  }
0x5b: {  	[tilespmem:v1+s18+$0x0] =	vst.idx.msk vm13, v2  }
0x5c: {  	v2 =	vld [tilespmem:s24+$0x10];
	_ =	sdelay $0x4  }
0x5d: {  	[tilespmem:v1+s19+$0x0] =	vst.idx.msk vm13, v2  }
0x5e: {  	v1 =	vld [tilespmem:s22+$0x20];
	_ =	sdelay $0x4  }
0x5f: {  	v1 =	vsub.s32 v1, v0  }
0x60: {  	vm14 =	vlt.u32 v1, $0x7A20  }
0x61: {  	v2 =	vld [tilespmem:s23+$0x20];
	v1 =	vnsel vm14, $0x0, v1;
	_ =	sdelay $0x4  }
0x62: {  	[tilespmem:v1+s18+$0x0] =	vst.idx.msk vm14, v2  }
0x63: {  	v2 =	vld [tilespmem:s24+$0x20];
	_ =	sdelay $0x4  }
0x64: {  	[tilespmem:v1+s19+$0x0] =	vst.idx.msk vm14, v2  }
0x65: {  	v1 =	vld [tilespmem:s22+$0x30];
	_ =	sdelay $0x4  }
0x66: {  	v1 =	vsub.s32 v1, v0  }
0x67: {  	vm15 =	vlt.u32 v1, $0x7A20  }
0x68: {  	v2 =	vld [tilespmem:s23+$0x30];
	v1 =	vnsel vm15, $0x0, v1;
	_ =	sdelay $0x4  }
0x69: {  	s21 =	sadd.s32 $0x8, s21;
	[tilespmem:v1+s18+$0x0] =	vst.idx.msk vm15, v2  }
0x6a: {  	p1 =	slt.u32 s21, $0x3F8;
	v2 =	vld [tilespmem:s24+$0x30]  }
.Ltmp0:
0x6b: {  	_ = 	snop;
	(pc) =	sbr.rel @p1 .LBB2_2-.Ltmp0, $2  }
0x6c: {  	_ =	sdelay $0x2  }
0x6d: {  	s22 =	sadd.s32 $0x80, s22;
	s23 =	sadd.s32 $0x80, s23;
	s24 =	sadd.s32 $0x80, s24;
	[tilespmem:v1+s19+$0x0] =	vst.idx.msk vm15, v2  }
0x6e: {  	s21 =	simm.s32 @p0 $0x0;
	s22 =	simm.s32 @p0 $0xC000  }
0x6f: {  	[hbm4b:s12+s21] =	stream.linear.scatter @p0 [tilespmem:s22], [sflag:$0x1], $0x7860, $0x38;
	[tilespmem:$0x1B500] =	vst v63  }
0x70: {  	s22 =	simm.s32 @p0 $0x13A80  }
0x71: {  	[hbm4b:s13+s21] =	stream.linear.scatter @p0 [tilespmem:s22], [sflag:$0x1], $0x7860, $0x38;
	[tilespmem:$0x1B500] =	vst v63  }
0x72: {  	s21 =	simm.s32 @p0 $0x1  }
0x73: {  	_ =	swait.ge @p0 [sflag:s21], $0x7860  }
0x74: {  	[sflag:s21] =	ssyncset.done @p0 $0x0  }
0x75: {  	[sflag:s21] =	ssyncadd.s32 @p0 $0xFFFF87A0  }
0x76: {  	_ =	swait.ge @p0 [sflag:s21], $0x7860  }
0x77: {  	[sflag:s21] =	ssyncset.done @p0 $0x0  }
0x78: {  	s22 =	simm.s32 @!p0 $0xC000;
	[sflag:s21] =	ssyncadd.s32 @p0 $0xFFFF87A0;
	s21 =	simm.s32 @!p0 $0x0  }
0x79: {  	[hbm4b:s10+s21] =	stream.linear.scatter @!p0 [tilespmem:s22], [sflag:$0x1], $0x7A20, $0x38;
	[tilespmem:$0x1B500] =	vst v63  }
0x7a: {  	s22 =	simm.s32 @!p0 $0x13A80  }
0x7b: {  	[hbm4b:s11+s21] =	stream.linear.scatter @!p0 [tilespmem:s22], [sflag:$0x1], $0x7A20, $0x38;
	[tilespmem:$0x1B500] =	vst v63  }
0x7c: {  	s20 =	sadd.s32 $0x1, s20;
	s21 =	simm.s32 @!p0 $0x1  }
0x7d: {  	p1 =	sne.s32 s20, s14;
	_ =	swait.ge @!p0 [sflag:s21], $0x7A20  }
.Ltmp1:
0x7e: {  	[sflag:s21] =	ssyncset.done @!p0 $0x0;
	(pc) =	sbr.rel @p1 .LBB2_1-.Ltmp1, $4  }
0x7f: {  	[sflag:s21] =	ssyncadd.s32 @!p0 $0xFFFF85E0  }
0x80: {  	_ =	swait.ge @!p0 [sflag:s21], $0x7A20  }
0x81: {  	[sflag:s21] =	ssyncset.done @!p0 $0x0  }
0x82: {  	[sflag:s21] =	ssyncadd.s32 @!p0 $0xFFFF85E0  }
0x83: {  	_ =	sfence.sel $0x180000  }
0x84: {  	[bflag:$0x0] =	sbarrier.arrive $0xFFFF  }
0x85: {  	p0 =	sne.s32 s1, $0x0;
	_ =	strace $0x9000004D  }
0x86: {  	s0 =	sadd.s32 @!p0 $0x100000, s2;
	[bflag:$0x2] =	sbarrier.arrive $0xFFFF  }
0x87: {  	[sflag:s0] =	ssyncadd.tile.s32 @!p0 $0x1;
	_ =	shalt  }
.Lfunc_end2:
_tile_overlayer_lowered:
.L_overlay_start_2:
0x88: {  	(tag) =	ssettag $0x2  }
0x89: {  	s0 =	rddreg [dreg:$0x0];
	s2 =	stileid.u32  }
0x8a: {  	s1 =	rddreg [dreg:$0x1];
	p0 =	sne.s32 s2, $0x0  }
0x8b: {  	s3 =	rddreg [dreg:$0x2];
	[bflag:$0x3] =	sbarrier.arrive $0xFFFF;
	s2 =	simm.s32 @!p0 $0x1C02  }
0x8c: {  	[timem:s3], [sflag:s2] =	dma.local @!p0 [hbm:s0], s1  }
0x8d: {  	s0 =	simm.s32 @!p0 $0x2  }
0x8e: {  	_ =	swait.ge @!p0 [sflag:s0], s1  }
0x8f: {  	s1 =	ssub.s32 @!p0 $0x0, s1;
	[sflag:s0] =	ssyncset.done @!p0 $0x0  }
0x90: {  	[sflag:s0] =	ssyncadd.s32 @!p0 s1  }
0x91: {  	[bflag:$0x3] =	sbarrier.arrive $0xFFFF  }
0x92: {  	_ =	shalt  }

// kernel: kernel.5.cloned.1.call-start
scs
__scs_entry_jumppad:
0x0: {  	(pc) =	sbr.rel $0x88, $3  }
0x1: {  	(tag) =	ssettag $0x0;
	lr =	simm.s32 $0x1  }
0x2: {  	[smem:$0x3F95] =	sst lr;
	_ =	strace $0xD0000000  }
0x3: {  	_ = 	snop  }
0x4: {  	_ = 	snop  }
0x5: {  	_ = 	snop  }
0x6: {  	_ = 	snop  }
0x7: {  	_ = 	snop  }
__scs_overlays_trampoline_lowered:
0x8: {  	[smem:$0x3FA4] =	sst s0  }
0x9: {  	[smem:$0x3FA5] =	sst s1  }
0xa: {  	[smem:$0x3FA6] =	sst s2  }
0xb: {  	[smem:$0x3FA7] =	sst s3  }
0xc: {  	[smem:$0x3FA8] =	sst s4  }
0xd: {  	[smem:$0x3FA9] =	sst s5  }
0xe: {  	[smem:$0x3FAA] =	sst s6  }
0xf: {  	[smem:$0x3FAB] =	sst s7  }
0x10: {  	[smem:$0x3FAC] =	sst s8  }
0x11: {  	[smem:$0x3FAD] =	sst s9;
	s0 =	simm.s32 @!p0 $0x0  }
0x12: {  	s1 =	sld [smem:$0x3F93];
	s0 =	simm.s32 @p0 $0x1  }
0x13: {  	[smem:$0x3FAE] =	sst s0;
	s0 =	simm.s32 @!p1 $0x0  }
0x14: {  	s2 =	sld [smem:$0x3F92];
	s0 =	simm.s32 @p1 $0x1  }
0x15: {  	[smem:$0x3FAF] =	sst s0;
	s0 =	simm.s32 @!p2 $0x0  }
0x16: {  	s3 =	sld [smem:$0x3FDB];
	s0 =	simm.s32 @p2 $0x1  }
0x17: {  	s4 =	simm.s32 $0x1BF5;
	[smem:$0x3FB1] =	sst s0  }
0x18: {  	s0 =	sld [smem:$0x3F94];
	_ =	swait.ge [sflag:s4], $0x0  }
0x19: {  	s7 =	sld [smem:$0x3F95]  }
0x1a: {  	s8 =	sadd.s32 $0xFFFFE003, lr  }
0x1b: {  	s9 =	sadd.s32 $0xFFFFFEF7, lr;
	s5 =	simm.s32 $0xFFFFFFFF;
	p2 =	slt.u32 s8, $0xFFFFF086  }
0x1c: {  	p1 =	slt.u32 s9, $0xF7A;
	s5 =	simm.s32 @!p2 $0x0  }
0x1d: {  	s5 =	simm.s32 @p1 $0x1;
	p0 =	seq.s32 s7, s2  }
0x1e: {  	s7 =	smul.u32 @!p0 $0xF7A, s2;
	p2 =	seq.s32 @!p0 s5, $0x0  }
0x1f: {  	s9 =	smul.u32 $0xF7A, s1;
	s8 =	simm.s32 @!p0 $0x1BF5;
	p2 =	por !p2, p0  }
0x20: {  	[sflag:s8] =	ssyncset.s32 @!p0 $0xFFFFF086;
	s6 =	sadd.s32 @!p0 s3, s7;
	s7 =	simm.s32 @!p0 $0x108  }
0x21: {  	s3 =	sadd.s32 s3, s9;
	s6 =	sadd.s32 @!p0 $0x88, s6;
	s7 =	simm.s32 @p2 $0x1082  }
0x22: {  	[simem:s7], [sflag:s8] =	dma.local @!p0 [hbm:s6], $0xF7A  }
0x23: {  	s9 =	sor.u32 $0xD0000000, s2;
	s6 =	simm.s32 $0x108;
	_ =	swait.ge @!p0 [sflag:s8], $0x0  }
0x24: {  	s3 =	sadd.s32 $0x88, s3;
	s6 =	simm.s32 @!p1 $0x1082;
	[sflag:s4] =	ssyncset.s32 $0xFFFFF086  }
0x25: {  	[simem:s6], [sflag:s4] =	dma.local [hbm:s3], $0xF7A  }
0x26: {  	[smem:$0x3F95] =	sst s1;
	(tag) =	ssettag s2;
	_ =	strace s9  }
0x27: {  	s1 =	sld [smem:$0x3FA5]  }
0x28: {  	s2 =	sld [smem:$0x3FA6]  }
0x29: {  	s4 =	sld [smem:$0x3FA8]  }
0x2a: {  	p0 =	seq.s32 s5, $0x0;
	s5 =	sld [smem:$0x3FA9]  }
0x2b: {  	s6 =	sld [smem:$0x3FAA]  }
0x2c: {  	s7 =	sld [smem:$0x3FAB]  }
0x2d: {  	s3 =	simm.s32 $0x108;
	s8 =	sld [smem:$0x3FAC]  }
0x2e: {  	s3 =	simm.s32 @!p0 $0x1082;
	s9 =	sld [smem:$0x3FAD]  }
0x2f: {  	lr =	sadd.s32 s0, s3;
	s0 =	sld [smem:$0x3FA4]  }
0x30: {  	s3 =	sld [smem:$0x3FA7]  }
0x31: {  	[smem:$0x3FB0] =	sst s10  }
0x32: {  	s10 =	sld [smem:$0x3FAE];
	_ =	sdelay $0x3  }
0x33: {  	p0 =	seq.s32 s10, $0x1;
	s10 =	sld [smem:$0x3FB0];
	_ =	sdelay $0x3  }
0x34: {  	[smem:$0x3FB0] =	sst s10  }
0x35: {  	s10 =	sld [smem:$0x3FAF];
	_ =	sdelay $0x3  }
0x36: {  	p1 =	seq.s32 s10, $0x1;
	s10 =	sld [smem:$0x3FB0];
	_ =	sdelay $0x3  }
0x37: {  	[smem:$0x3FB0] =	sst s10  }
0x38: {  	s10 =	sld [smem:$0x3FB1]  }
0x39: {  	_ = 	snop;
	(pc) =	sbr.ind lr, $3  }
0x3a: {  	_ = 	snop  }
0x3b: {  	_ = 	snop  }
0x3c: {  	p2 =	seq.s32 s10, $0x1;
	s10 =	sld [smem:$0x3FB0]  }
0x3d: {  	_ =	shalt  }
0x3e: {  	_ =	shalt  }
0x3f: {  	_ =	shalt  }
0x40: {  	_ =	shalt  }
0x41: {  	_ =	shalt  }
0x42: {  	_ =	shalt  }
0x43: {  	_ =	shalt  }
0x44: {  	_ =	shalt  }
0x45: {  	_ =	shalt  }
0x46: {  	_ =	shalt  }
0x47: {  	_ =	shalt  }
0x48: {  	_ =	shalt  }
0x49: {  	_ =	shalt  }
0x4a: {  	_ =	shalt  }
0x4b: {  	_ =	shalt  }
0x4c: {  	_ =	shalt  }
0x4d: {  	_ =	shalt  }
0x4e: {  	_ =	shalt  }
0x4f: {  	_ =	shalt  }
0x50: {  	_ =	shalt  }
0x51: {  	_ =	shalt  }
0x52: {  	_ =	shalt  }
0x53: {  	_ =	shalt  }
0x54: {  	_ =	shalt  }
0x55: {  	_ =	shalt  }
0x56: {  	_ =	shalt  }
0x57: {  	_ =	shalt  }
0x58: {  	_ =	shalt  }
0x59: {  	_ =	shalt  }
0x5a: {  	_ =	shalt  }
0x5b: {  	_ =	shalt  }
0x5c: {  	_ =	shalt  }
0x5d: {  	_ =	shalt  }
0x5e: {  	_ =	shalt  }
0x5f: {  	_ =	shalt  }
0x60: {  	_ =	shalt  }
0x61: {  	_ =	shalt  }
0x62: {  	_ =	shalt  }
0x63: {  	_ =	shalt  }
0x64: {  	_ =	shalt  }
0x65: {  	_ =	shalt  }
0x66: {  	_ =	shalt  }
0x67: {  	_ =	shalt  }
0x68: {  	_ =	shalt  }
0x69: {  	_ =	shalt  }
0x6a: {  	_ =	shalt  }
0x6b: {  	_ =	shalt  }
0x6c: {  	_ =	shalt  }
0x6d: {  	_ =	shalt  }
0x6e: {  	_ =	shalt  }
0x6f: {  	_ =	shalt  }
0x70: {  	_ =	shalt  }
0x71: {  	_ =	shalt  }
0x72: {  	_ =	shalt  }
0x73: {  	_ =	shalt  }
0x74: {  	_ =	shalt  }
0x75: {  	_ =	shalt  }
0x76: {  	_ =	shalt  }
0x77: {  	_ =	shalt  }
0x78: {  	_ =	shalt  }
0x79: {  	_ =	shalt  }
0x7a: {  	_ =	shalt  }
0x7b: {  	_ =	shalt  }
0x7c: {  	_ =	shalt  }
0x7d: {  	_ =	shalt  }
0x7e: {  	_ =	shalt  }
0x7f: {  	_ =	shalt  }
0x80: {  	_ =	shalt  }
0x81: {  	_ =	shalt  }
0x82: {  	_ =	shalt  }
0x83: {  	_ =	shalt  }
0x84: {  	_ =	shalt  }
0x85: {  	_ =	shalt  }
0x86: {  	_ =	shalt  }
0x87: {  	_ =	shalt  }
.Lfunc_end0:
.L_simem_size_0:
called_computation_lowered:
.L_overlay_start_0:
0x88: {  	s2 =	sld [smem:$0x3FD9]  }
0x89: {  	s3 =	sld [smem:$0x3FFE];
	_ =	sdelay $0x1  }
0x8a: {  	s1 =	srdreg.scid  }
0x8b: {  	s0 =	sand.u32 $0x1, s1  }
0x8c: {  	s28 =	sshll.u32 s0, $0xA;
	s2 =	sadd.s32 s3, s2  }
0x8d: {  	s2 =	sadd.s32 s2, s28  }
0x8e: {  	[smem:$0x3FBC] =	sst s2  }
0x8f: {  	_ = 	snop  }
0x90: {  	s2 =	sld [smem:$0x3FC9]  }
0x91: {  	s29 =	sld [smem:$0x3FC8]  }
0x92: {  	s5 =	sld [smem:$0x3FC7]  }
0x93: {  	s6 =	sld [smem:$0x3FC6]  }
0x94: {  	s7 =	sld [smem:$0x3FC5]  }
0x95: {  	s4 =	sld [smem:$0x3FC4]  }
0x96: {  	s8 =	sld [smem:$0x3FC3]  }
0x97: {  	s9 =	sld [smem:$0x3FD0]  }
0x98: {  	s10 =	sld [smem:$0x3FC2]  }
0x99: {  	s11 =	sld [smem:$0x3FC1]  }
0x9a: {  	s13 =	simm.s32 $0xA;
	s14 =	simm.s32 $0x10;
	s12 =	sld [smem:$0x3FC0]  }
0x9b: {  	[smem:s14], [sflag:s13] =	dma.local [hbm:s9], $0x1  }
0x9c: {  	_ =	swait.eq [sflag:s13], $0x1  }
0x9d: {  	[sflag:s13] =	ssyncset.done $0x0  }
0x9e: {  	s30 =	sld [smem:$0x12];
	[sflag:s13] =	ssyncadd.s32 $0xFFFFFFFF  }
0x9f: {  	s31 =	sld [smem:$0x13];
	(tm) =	ssettm $0x1  }
0xa0: {  	s18 =	sld [smem:$0x3FFB];
	_ =	sdelay $0x3  }
0xa1: {  	_ =	strace s18  }
0xa2: {  	s14 =	sld [smem:$0x3FFC];
	_ =	sdelay $0x3  }
0xa3: {  	_ =	strace s14  }
0xa4: {  	s14 =	sld [smem:$0x3FFD];
	_ =	sdelay $0x3  }
0xa5: {  	_ =	strace s14  }
0xa6: {  	_ =	strace $0x8FFFFFFF  }
0xa7: {  	s19 =	sld [smem:$0x3FDB];
	_ =	sdelay $0x1  }
0xa8: {  	s15 =	simm.s32 $_scs_section_size  }
0xa9: {  	s16 =	simm.s32 $_size__tile_overlayer_lowered;
	s17 =	simm.s32 $_tile_overlayer_lowered  }
0xaa: {  	s22 =	simm.s32 $0x1BFF;
	s21 =	sshll.u32 s17, $0x1;
	s14 =	sadd.s32 s15, s19  }
0xab: {  	s20 =	sshll.u32 s16, $0x1;
	s18 =	simm.s32 $0x0;
	s16 =	sadd.s32 s21, s14  }
0xac: {  	[timem:s18], [sflag:s22] =	dma.local [hbm:s16], s20  }
0xad: {  	_ =	swait.ge [sflag:s22], s20  }
0xae: {  	s15 =	ssub.s32 $0x0, s20;
	[sflag:s22] =	ssyncset.done $0x0  }
0xaf: {  	[sflag:s22] =	ssyncadd.s32 s15;
	_ =	sdelay $0x1  }
0xb0: {  	s23 =	simm.s32 $0x1B8B  }
0xb1: {  	_ =	swait.ge [sflag:s23], $0x1  }
0xb2: {  	[sflag:s23] =	ssyncset.done $0x0  }
0xb3: {  	s25 =	simm.s32 $0x1B8E;
	s24 =	sld [smem:$0x3FFE];
	[sflag:s23] =	ssyncadd.s32 $0xFFFFFFFF  }
0xb4: {  	s26 =	simm.s32 $execute0_lowered;
	[smem:$0x3FD2] =	sst s25  }
0xb5: {  	s16 =	sshll.u32 s26, $0x1;
	_ =	strace $0x80000046;
	[dreg:$0x1] =	wrdreg $0xFFFFFFFF  }
0xb6: {  	s28 =	simm.s32 $_size_execute0_lowered;
	s14 =	sadd.s32 s14, s16;
	[dreg:$0x0] =	wrdreg $0x0  }
0xb7: {  	s16 =	sshll.u32 s28, $0x1;
	[dreg:$0x2] =	wrdreg s14  }
0xb8: {  	[dreg:$0x3] =	wrdreg s16  }
0xb9: {  	[dreg:$0x4] =	wrdreg $0xC0  }
0xba: {  	_ =	task [dreg:s18], $0x5FFFF  }
0xbb: {  	[dreg:$0x1] =	wrdreg $0xFFFFFFFF  }
0xbc: {  	[dreg:$0x0] =	wrdreg $0x60  }
0xbd: {  	[dreg:$0x2] =	wrdreg s8  }
0xbe: {  	[dreg:$0x3] =	wrdreg s5  }
0xbf: {  	[dreg:$0x4] =	wrdreg s6  }
0xc0: {  	[dreg:$0x5] =	wrdreg s7  }
0xc1: {  	[dreg:$0x6] =	wrdreg s2  }
0xc2: {  	[dreg:$0x7] =	wrdreg s29  }
0xc3: {  	[dreg:$0x8] =	wrdreg s4  }
0xc4: {  	[dreg:$0x9] =	wrdreg s10  }
0xc5: {  	[dreg:$0xa] =	wrdreg s11  }
0xc6: {  	[dreg:$0xb] =	wrdreg s12  }
0xc7: {  	[dreg:$0xc] =	wrdreg s31  }
0xc8: {  	[dreg:$0xd] =	wrdreg s30  }
0xc9: {  	[dreg:$0xe] =	wrdreg s24  }
0xca: {  	[dreg:$0xf] =	wrdreg $0x9  }
0xcb: {  	_ =	task.clear_ibuf [dreg:s18], $0x10FFFF;
	_ =	strace $0x90000046  }
0xcc: {  	s29 =	simm.s32 $0x9;
	_ =	strace $0x80000048  }
0xcd: {  	_ =	swait.ge [sflag:s29], $0x1  }
0xce: {  	[sflag:s29] =	ssyncadd.s32 $0xFFFFFFFF  }
0xcf: {  	_ =	strace $0x90000048  }
0xd0: {  	_ =	sfence  }
0xd1: {  	s30 =	sld [smem:$0x0];
	_ =	sdelay $0x2  }
0xd2: {  	s31 =	sshll.u32 s1, $0xD;
	s1 =	sshrl.u32 s1, $0x2  }
0xd3: {  	s3 =	sand.u32 $0x4000, s31;
	s1 =	sadd.s32 s1, s30  }
0xd4: {  	s0 =	sor.u32 s3, s0;
	s1 =	sshll.u32 s1, $0x11  }
0xd5: {  	s0 =	sor.u32 s1, s0  }
0xd6: {  	s0 =	sadd.s32 $0x8F2B, s0  }
0xd7: {  	[sflag:s0] =	ssyncadd.remote.s32 $0x1  }
0xd8: {  	_ =	sfence.sel $0xFFFF  }
0xd9: {  	[dreg:$0x0] =	wrdreg $0xFFFFFFFF;
	(pc) =	sbr.abs _section_cstart, $3  }
0xda: {  	[dreg:$0x1] =	wrdreg $0xFFFFFFFF  }
0xdb: {  	_ =	task.clear_ibuf [dreg:s18], $0x2FFFF;
	_ =	strace $0x9FFFFFFF  }
0xdc: {  	(tm) =	ssettm $0x7FFFFFFF  }
0xdd: {  	_ =	shalt  }
tec
execute0_lowered:
.L_overlay_start_1:
0x0: {  	(tag) =	ssettag $0x1  }
0x1: {  	s0 =	rddreg [dreg:$0x1]  }
0x2: {  	s1 =	rddreg [dreg:$0x2]  }
0x3: {  	s5 =	rddreg [dreg:$0x3]  }
0x4: {  	s10 =	rddreg [dreg:$0x4]  }
0x5: {  	s11 =	rddreg [dreg:$0x5]  }
0x6: {  	s13 =	rddreg [dreg:$0x6]  }
0x7: {  	s2 =	rddreg [dreg:$0x7]  }
0x8: {  	s3 =	rddreg [dreg:$0x8]  }
0x9: {  	s4 =	rddreg [dreg:$0x9]  }
0xa: {  	s17 =	rddreg [dreg:$0xa]  }
0xb: {  	s18 =	rddreg [dreg:$0xb]  }
0xc: {  	s7 =	rddreg [dreg:$0xc]  }
0xd: {  	s8 =	srdreg.scid;
	s9 =	stileid.u32  }
0xe: {  	s6 =	simm.s32 $0x0;
	s31 =	simm.s32 $0x2;
	s24 =	simm.s32 $0x4000  }
0xf: {  	s25 =	simm.s32 $0x1;
	s8 =	sand.u32 $0x1, s8;
	s9 =	sshll.u32 s9, $0x1  }
0x10: {  	s30 =	simm.s32 $0xD280;
	[smem:$0x7FF] =	sst s6;
	s12 =	sor.u32 s8, s9  }
0x11: {  	s8 =	ssub.s32 $0x2, s8;
	_ =	strace $0x80000047;
	s19 =	sshll.u32 s12, $0x6  }
0x12: {  	s26 =	sshrl.u32 s8, $0x1;
	s28 =	smul.u32 $0x7A20, s12;
	s12 =	sshll.u32 s12, $0x9  }
0x13: {  	s22 =	sadd.s32 s19, s7;
	s23 =	ssub.s32 s8, s26;
	s7 =	sadd.s32 s0, s19  }
0x14: {  	s8 =	sadd.s32 s1, s19;
	s9 =	sadd.s32 s5, s19;
	s10 =	sadd.s32 s10, s19  }
0x15: {  	s11 =	sadd.s32 s11, s19;
	s13 =	sadd.s32 s13, s19;
	s14 =	sor.u32 $0x80, s12  }
0x16: {  	s15 =	sor.u32 $0x100, s12;
	s16 =	sor.u32 $0x180, s12;
	s18 =	sadd.s32 s18, s19  }
0x17: {  	vm0 =	vmmov $0x1;
	v3 =	vimm.s32 $0x0;
	s1 =	simm.s32 $0xD480;
	s5 =	simm.s32 $0x0;
	s29 =	sshrl.u32 s28, $0x3  }
0x18: {  	v3 =	vsel vm0, $0xFFFFFFFF, v3;
	s19 =	sadd.s32 $0x1200, s22;
	s20 =	sadd.s32 $0x1A00, s22;
	s21 =	sadd.s32 $0x2200, s22  }
0x19: {  	v1 =	vlaneseq.u32;
	v2 =	vimm.f32 $0.0e+00;
	[tilespmem:$0x1FFF0] =	vst v3;
	s22 =	sadd.s32 $0x2A00, s22;
	s23 =	smax.u32 s23, $0x1;
	v0 =	vmov s28;
	s17 =	sadd.s32 s17, s29  }
.LBB2_1:
0x1a: {  	s0 =	simm.s32 $0xBA80  }
0x1b: {  	[tilespmem:s0], [sflag:$0x1] =	stream.linear.gather [hbm4b:s7+s6], $0x200, $0x38;
	[tilespmem:$0xD680] =	vst v63  }
0x1c: {  	s29 =	simm.s32 $0xBC80  }
0x1d: {  	[tilespmem:s29], [sflag:$0x1] =	stream.linear.gather [hbm4b:s8+s6], $0x200, $0x38;
	[tilespmem:$0xD680] =	vst v63  }
0x1e: {  	s26 =	simm.s32 $0xBE80  }
0x1f: {  	[tilespmem:s26], [sflag:$0x1] =	stream.linear.gather [hbm4b:s9+s6], $0x200, $0x38;
	[tilespmem:$0xD680] =	vst v63  }
0x20: {  	s28 =	simm.s32 $0xC080  }
0x21: {  	[tilespmem:s28], [sflag:$0x1] =	stream.linear.gather [hbm4b:s10+s6], $0x200, $0x38;
	[tilespmem:$0xD680] =	vst v63  }
0x22: {  	s29 =	simm.s32 $0xC280  }
0x23: {  	[tilespmem:s29], [sflag:$0x1] =	stream.linear.gather [hbm4b:s11+s6], $0x200, $0x38;
	[tilespmem:$0xD680] =	vst v63  }
0x24: {  	s26 =	simm.s32 $0xC480  }
0x25: {  	[tilespmem:s26], [sflag:$0x1] =	stream.linear.gather [hbm4b:s13+s6], $0x200, $0x38;
	[tilespmem:$0xD680] =	vst v63  }
0x26: {  	s28 =	rddreg [dreg:$0x0]  }
0x27: {  	[tilespmem:s6], [sflag:$0x2] =	stream.linear.gather [hbm4b:s28+s6], $0x4000, $0x38;
	[tilespmem:$0xD680] =	vst v63  }
0x28: {  	_ =	swait.ge [sflag:s31], $0x4000  }
0x29: {  	[sflag:s31] =	ssyncset.done $0x0  }
0x2a: {  	s0 =	simm.s32 $0x80;
	s26 =	simm.s32 $0xC680;
	[sflag:s31] =	ssyncadd.s32 $0xFFFFC000  }
0x2b: {  	[tilespmem:s26], [sflag:$0x1] =	stream.indirect.gather [hbm4b:s2+s0], $0x1, s12, s0, $0xb8;
	[tilespmem:$0xD680] =	vst v63  }
0x2c: {  	s29 =	simm.s32 $0xC880  }
0x2d: {  	[tilespmem:s29], [sflag:$0x1] =	stream.indirect.gather [hbm4b:s3+s0], $0x1, s12, s0, $0xb8;
	[tilespmem:$0xD680] =	vst v63  }
0x2e: {  	s28 =	simm.s32 $0xCA80  }
0x2f: {  	[tilespmem:s28], [sflag:$0x1] =	stream.indirect.gather [hbm4b:s4+s0], $0x1, s12, s0, $0xb8;
	[tilespmem:$0xD680] =	vst v63  }
0x30: {  	s29 =	simm.s32 $0xC700  }
0x31: {  	[tilespmem:s29], [sflag:$0x1] =	stream.indirect.gather [hbm4b:s2+s0], $0x1, s14, s0, $0xb8;
	[tilespmem:$0xD680] =	vst v63  }
0x32: {  	s28 =	simm.s32 $0xC900  }
0x33: {  	[tilespmem:s28], [sflag:$0x1] =	stream.indirect.gather [hbm4b:s3+s0], $0x1, s14, s0, $0xb8;
	[tilespmem:$0xD680] =	vst v63  }
0x34: {  	s29 =	simm.s32 $0xCB00  }
0x35: {  	[tilespmem:s29], [sflag:$0x1] =	stream.indirect.gather [hbm4b:s4+s0], $0x1, s14, s0, $0xb8;
	[tilespmem:$0xD680] =	vst v63  }
0x36: {  	s28 =	simm.s32 $0xC780  }
0x37: {  	[tilespmem:s28], [sflag:$0x1] =	stream.indirect.gather [hbm4b:s2+s0], $0x1, s15, s0, $0xb8;
	[tilespmem:$0xD680] =	vst v63  }
0x38: {  	s29 =	simm.s32 $0xC980  }
0x39: {  	[tilespmem:s29], [sflag:$0x1] =	stream.indirect.gather [hbm4b:s3+s0], $0x1, s15, s0, $0xb8;
	[tilespmem:$0xD680] =	vst v63  }
0x3a: {  	s28 =	simm.s32 $0xCB80  }
0x3b: {  	[tilespmem:s28], [sflag:$0x1] =	stream.indirect.gather [hbm4b:s4+s0], $0x1, s15, s0, $0xb8;
	[tilespmem:$0xD680] =	vst v63  }
0x3c: {  	s29 =	simm.s32 $0xC800  }
0x3d: {  	[tilespmem:s29], [sflag:$0x1] =	stream.indirect.gather [hbm4b:s2+s0], $0x1, s16, s0, $0xb8;
	[tilespmem:$0xD680] =	vst v63  }
.Ltmp0:
0x3e: {  	_ = 	snop;
	(pc) =	sbr.rel .LBB2_2-.Ltmp0, $4  }
0x3f: {  	s28 =	simm.s32 $0xCA00  }
0x40: {  	[tilespmem:s28], [sflag:$0x1] =	stream.indirect.gather [hbm4b:s3+s0], $0x1, s16, s0, $0xb8;
	[tilespmem:$0xD680] =	vst v63  }
0x41: {  	s26 =	simm.s32 $0xF0;
	s29 =	simm.s32 $0xCC00  }
0x42: {  	[tilespmem:s29], [sflag:$0x1] =	stream.indirect.gather [hbm4b:s4+s0], $0x1, s16, s0, $0xb8;
	[tilespmem:$0xD680] =	vst v63  }
.LBB2_4:
0x43: {  	s26 =	sadd.s32 $0x100, s26  }
0x44: {  	p0 =	sne.s32 s26, $0x40F0  }
.Ltmp1:
0x45: {  	_ = 	snop;
	(pc) =	sbr.rel @!p0 .LBB2_5-.Ltmp1, $2  }
0x46: {  	_ =	sdelay $0x2  }
0x47: {  	s0 =	sadd.s32 $0x100, s0  }
.LBB2_2:
0x48: {  	v3 =	vld [tilespmem:s0+$0xFFFFFF80];
	_ =	sdelay $0x4  }
0x49: {  	v3 =	vsub.s32 v3, v0  }
0x4a: {  	vm0 =	vlt.u32 v3, $0x7A20  }
0x4b: {  	v33 =	vnsel vm0, $0x0, v3;
	_ =	sdelay $0x2  }
0x4c: {  	s28 =	sadd.s32 $0xFFFFFF10, s26  }
0x4d: {  	v34 =	vor.u32 s28, v1  }
0x4e: {  	[tilespmem:v33+s24+$0x0] =	vst.idx.msk vm0, v34  }
0x4f: {  	v3 =	vld [tilespmem:s0+$0xFFFFFF90];
	_ =	sdelay $0x4  }
0x50: {  	v3 =	vsub.s32 v3, v0  }
0x51: {  	vm15 =	vlt.u32 v3, $0x7A20  }
0x52: {  	v31 =	vnsel vm15, $0x0, v3;
	_ =	sdelay $0x2  }
0x53: {  	s29 =	sadd.s32 $0xFFFFFF20, s26  }
0x54: {  	v32 =	vor.u32 s29, v1  }
0x55: {  	[tilespmem:v31+s24+$0x0] =	vst.idx.msk vm15, v32  }
0x56: {  	v3 =	vld [tilespmem:s0+$0xFFFFFFA0];
	_ =	sdelay $0x4  }
0x57: {  	v3 =	vsub.s32 v3, v0  }
0x58: {  	vm14 =	vlt.u32 v3, $0x7A20  }
0x59: {  	v29 =	vnsel vm14, $0x0, v3;
	_ =	sdelay $0x2  }
0x5a: {  	s29 =	sadd.s32 $0xFFFFFF30, s26  }
0x5b: {  	v30 =	vor.u32 s29, v1  }
0x5c: {  	[tilespmem:v29+s24+$0x0] =	vst.idx.msk vm14, v30  }
0x5d: {  	v3 =	vld [tilespmem:s0+$0xFFFFFFB0];
	_ =	sdelay $0x4  }
0x5e: {  	v3 =	vsub.s32 v3, v0  }
0x5f: {  	vm1 =	vlt.u32 v3, $0x7A20  }
0x60: {  	v27 =	vnsel vm1, $0x0, v3;
	_ =	sdelay $0x2  }
0x61: {  	s29 =	sadd.s32 $0xFFFFFF40, s26  }
0x62: {  	v28 =	vor.u32 s29, v1  }
0x63: {  	[tilespmem:v27+s24+$0x0] =	vst.idx.msk vm1, v28  }
0x64: {  	v3 =	vld [tilespmem:s0+$0xFFFFFFC0];
	_ =	sdelay $0x4  }
0x65: {  	v4 =	vimm.s32 $0x0;
	v3 =	vsub.s32 v3, v0  }
0x66: {  	v4 =	vsel vm1, $0xFFFFFFFF, v4;
	vm1 =	vlt.u32 v3, $0x7A20  }
0x67: {  	v25 =	vnsel vm1, $0x0, v3;
	_ =	sdelay $0x2  }
0x68: {  	s29 =	sadd.s32 $0xFFFFFF50, s26  }
0x69: {  	v26 =	vor.u32 s29, v1  }
0x6a: {  	[tilespmem:v25+s24+$0x0] =	vst.idx.msk vm1, v26  }
0x6b: {  	v3 =	vld [tilespmem:s0+$0xFFFFFFD0];
	_ =	sdelay $0x4  }
0x6c: {  	[tilespmem:$0x1FF50] =	vst v4;
	v4 =	vimm.s32 $0x0;
	v3 =	vsub.s32 v3, v0  }
0x6d: {  	v4 =	vsel vm1, $0xFFFFFFFF, v4;
	vm1 =	vlt.u32 v3, $0x7A20  }
0x6e: {  	v23 =	vnsel vm1, $0x0, v3;
	_ =	sdelay $0x2  }
0x6f: {  	s29 =	sadd.s32 $0xFFFFFF60, s26  }
0x70: {  	v24 =	vor.u32 s29, v1  }
0x71: {  	[tilespmem:v23+s24+$0x0] =	vst.idx.msk vm1, v24  }
0x72: {  	v3 =	vld [tilespmem:s0+$0xFFFFFFE0];
	_ =	sdelay $0x4  }
0x73: {  	v3 =	vsub.s32 v3, v0  }
0x74: {  	vm6 =	vlt.u32 v3, $0x7A20  }
0x75: {  	v21 =	vnsel vm6, $0x0, v3;
	_ =	sdelay $0x2  }
0x76: {  	s29 =	sadd.s32 $0xFFFFFF70, s26  }
0x77: {  	v22 =	vor.u32 s29, v1  }
0x78: {  	[tilespmem:v21+s24+$0x0] =	vst.idx.msk vm6, v22  }
0x79: {  	v3 =	vld [tilespmem:s0+$0xFFFFFFF0];
	_ =	sdelay $0x4  }
0x7a: {  	v3 =	vsub.s32 v3, v0  }
0x7b: {  	vm12 =	vlt.u32 v3, $0x7A20  }
0x7c: {  	v19 =	vnsel vm12, $0x0, v3;
	_ =	sdelay $0x2  }
0x7d: {  	s29 =	sadd.s32 $0xFFFFFF80, s26  }
0x7e: {  	v20 =	vor.u32 s29, v1  }
0x7f: {  	[tilespmem:v19+s24+$0x0] =	vst.idx.msk vm12, v20  }
0x80: {  	v3 =	vld [tilespmem:s0+$0x0];
	_ =	sdelay $0x4  }
0x81: {  	v3 =	vsub.s32 v3, v0  }
0x82: {  	vm11 =	vlt.u32 v3, $0x7A20  }
0x83: {  	v17 =	vnsel vm11, $0x0, v3;
	_ =	sdelay $0x2  }
0x84: {  	s29 =	sadd.s32 $0xFFFFFF90, s26  }
0x85: {  	v18 =	vor.u32 s29, v1  }
0x86: {  	[tilespmem:v17+s24+$0x0] =	vst.idx.msk vm11, v18  }
0x87: {  	v3 =	vld [tilespmem:s0+$0x10];
	_ =	sdelay $0x4  }
0x88: {  	v3 =	vsub.s32 v3, v0  }
0x89: {  	vm10 =	vlt.u32 v3, $0x7A20  }
0x8a: {  	v15 =	vnsel vm10, $0x0, v3;
	_ =	sdelay $0x2  }
0x8b: {  	s29 =	sadd.s32 $0xFFFFFFA0, s26  }
0x8c: {  	v16 =	vor.u32 s29, v1  }
0x8d: {  	[tilespmem:v15+s24+$0x0] =	vst.idx.msk vm10, v16  }
0x8e: {  	v3 =	vld [tilespmem:s0+$0x20];
	_ =	sdelay $0x4  }
0x8f: {  	v3 =	vsub.s32 v3, v0  }
0x90: {  	vm9 =	vlt.u32 v3, $0x7A20  }
0x91: {  	v13 =	vnsel vm9, $0x0, v3;
	_ =	sdelay $0x2  }
0x92: {  	s29 =	sadd.s32 $0xFFFFFFB0, s26  }
0x93: {  	v14 =	vor.u32 s29, v1  }
0x94: {  	[tilespmem:v13+s24+$0x0] =	vst.idx.msk vm9, v14  }
0x95: {  	v3 =	vld [tilespmem:s0+$0x30];
	_ =	sdelay $0x4  }
0x96: {  	v3 =	vsub.s32 v3, v0  }
0x97: {  	vm8 =	vlt.u32 v3, $0x7A20  }
0x98: {  	v11 =	vnsel vm8, $0x0, v3;
	_ =	sdelay $0x2  }
0x99: {  	s29 =	sadd.s32 $0xFFFFFFC0, s26  }
0x9a: {  	v12 =	vor.u32 s29, v1  }
0x9b: {  	[tilespmem:v11+s24+$0x0] =	vst.idx.msk vm8, v12  }
0x9c: {  	v3 =	vld [tilespmem:s0+$0x40];
	_ =	sdelay $0x4  }
0x9d: {  	v3 =	vsub.s32 v3, v0  }
0x9e: {  	vm7 =	vlt.u32 v3, $0x7A20  }
0x9f: {  	v9 =	vnsel vm7, $0x0, v3;
	_ =	sdelay $0x2  }
0xa0: {  	s29 =	sadd.s32 $0xFFFFFFD0, s26  }
0xa1: {  	v10 =	vor.u32 s29, v1  }
0xa2: {  	[tilespmem:v9+s24+$0x0] =	vst.idx.msk vm7, v10  }
0xa3: {  	v3 =	vld [tilespmem:s0+$0x50];
	_ =	sdelay $0x4  }
0xa4: {  	v3 =	vsub.s32 v3, v0  }
0xa5: {  	vm13 =	vlt.u32 v3, $0x7A20  }
0xa6: {  	v7 =	vnsel vm13, $0x0, v3;
	_ =	sdelay $0x2  }
0xa7: {  	s29 =	sadd.s32 $0xFFFFFFE0, s26  }
0xa8: {  	v8 =	vor.u32 s29, v1  }
0xa9: {  	[tilespmem:v7+s24+$0x0] =	vst.idx.msk vm13, v8  }
0xaa: {  	v3 =	vld [tilespmem:s0+$0x60];
	_ =	sdelay $0x4  }
0xab: {  	v3 =	vsub.s32 v3, v0  }
0xac: {  	vm5 =	vlt.u32 v3, $0x7A20  }
0xad: {  	v5 =	vnsel vm5, $0x0, v3;
	_ =	sdelay $0x2  }
0xae: {  	s29 =	sadd.s32 $0xFFFFFFF0, s26  }
0xaf: {  	v6 =	vor.u32 s29, v1  }
0xb0: {  	[tilespmem:v5+s24+$0x0] =	vst.idx.msk vm5, v6  }
0xb1: {  	v3 =	vld [tilespmem:s0+$0x70];
	_ =	sdelay $0x4  }
0xb2: {  	v3 =	vsub.s32 v3, v0  }
0xb3: {  	vm4 =	vlt.u32 v3, $0x7A20  }
0xb4: {  	v3 =	vnsel vm4, $0x0, v3;
	_ =	sdelay $0x1  }
0xb5: {  	[tilespmem:$0x1FF60] =	vst v4;
	v4 =	vimm.s32 $0x0  }
0xb6: {  	v4 =	vsel vm1, $0xFFFFFFFF, v4  }
0xb7: {  	[tilespmem:$0x1FF70] =	vst v4;
	v4 =	vor.u32 s26, v1  }
0xb8: {  	[tilespmem:v3+s24+$0x0] =	vst.idx.msk vm4, v4  }
0xb9: {  	v35 =	vld.idx.msk [tilespmem:v33+s24+$0x0], $0xffff  }
0xba: {  	v36 =	vld.idx.msk [tilespmem:v31+s24+$0x0], $0xffff  }
0xbb: {  	v37 =	vld.idx.msk [tilespmem:v29+s24+$0x0], $0xffff  }
0xbc: {  	v46 =	vld [tilespmem:$0x1FF50]  }
0xbd: {  	v38 =	vld.idx.msk [tilespmem:v27+s24+$0x0], $0xffff  }
0xbe: {  	v48 =	vld [tilespmem:$0x1FF60]  }
0xbf: {  	v39 =	vld.idx.msk [tilespmem:v25+s24+$0x0], $0xffff;
	vm1 =	vne.s32 v35, v34;
	vm2 =	vne.s32 v36, v32  }
0xc0: {  	v50 =	vld [tilespmem:$0x1FF70];
	vm3 =	vne.s32 v37, v30;
	vm1 =	vmand vm0, vm1;
	vm2 =	vmand vm15, vm2  }
0xc1: {  	v40 =	vld.idx.msk [tilespmem:v23+s24+$0x0], $0xffff;
	vm1 =	vmor vm1, vm2;
	vm2 =	vmand vm14, vm3  }
0xc2: {  	v41 =	vld.idx.msk [tilespmem:v21+s24+$0x0], $0xffff;
	vm3 =	vne.s32 v38, v28;
	vm1 =	vmor vm1, vm2;
	vm2 =	vnez.u8 v46  }
0xc3: {  	v44 =	vld.idx.msk [tilespmem:v19+s24+$0x0], $0xffff;
	vm2 =	vmand vm2, vm3  }
0xc4: {  	v45 =	vld.idx.msk [tilespmem:v17+s24+$0x0], $0xffff;
	vm3 =	vne.s32 v39, v26;
	vm1 =	vmor vm1, vm2;
	vm2 =	vnez.u8 v48  }
0xc5: {  	v47 =	vld.idx.msk [tilespmem:v15+s24+$0x0], $0xffff;
	vm2 =	vmand vm2, vm3  }
0xc6: {  	v49 =	vld.idx.msk [tilespmem:v13+s24+$0x0], $0xffff;
	vm3 =	vne.s32 v40, v24;
	vm1 =	vmor vm1, vm2;
	vm2 =	vnez.u8 v50  }
0xc7: {  	v51 =	vld.idx.msk [tilespmem:v11+s24+$0x0], $0xffff;
	vm2 =	vmand vm2, vm3;
	vm3 =	vne.s32 v41, v22  }
0xc8: {  	v53 =	vld.idx.msk [tilespmem:v9+s24+$0x0], $0xffff;
	vm1 =	vmor vm1, vm2;
	vm2 =	vmand vm6, vm3;
	vm3 =	vne.s32 v44, v20  }
0xc9: {  	v55 =	vld.idx.msk [tilespmem:v7+s24+$0x0], $0xffff;
	vm1 =	vmor vm1, vm2;
	vm2 =	vmand vm12, vm3;
	vm3 =	vne.s32 v45, v18  }
0xca: {  	v57 =	vld.idx.msk [tilespmem:v5+s24+$0x0], $0xffff;
	vm1 =	vmor vm1, vm2;
	vm2 =	vmand vm11, vm3;
	vm3 =	vne.s32 v47, v16  }
0xcb: {  	v59 =	vld.idx.msk [tilespmem:v3+s24+$0x0], $0xffff;
	vm1 =	vmor vm1, vm2;
	vm2 =	vmand vm10, vm3;
	vm3 =	vne.s32 v49, v14  }
0xcc: {  	vm1 =	vmor vm1, vm2;
	vm2 =	vmand vm9, vm3;
	vm3 =	vne.s32 v51, v12  }
0xcd: {  	vm1 =	vmor vm1, vm2;
	vm2 =	vmand vm8, vm3;
	vm3 =	vne.s32 v53, v10  }
0xce: {  	vm1 =	vmor vm1, vm2;
	vm2 =	vmand vm7, vm3;
	vm3 =	vne.s32 v55, v8  }
0xcf: {  	vm1 =	vmor vm1, vm2;
	vm2 =	vmand vm13, vm3;
	vm3 =	vne.s32 v57, v6  }
0xd0: {  	vm1 =	vmor vm1, vm2;
	vm2 =	vmand vm5, vm3;
	vm3 =	vne.s32 v59, v4  }
0xd1: {  	vm1 =	vmor vm1, vm2;
	vm2 =	vmand vm4, vm3  }
0xd2: {  	vm1 =	vmor vm1, vm2  }
0xd3: {  	v63 =	vsel vm1, $0x3F800000, v2  }
0xd4: {  	(xrf0) =	vmax.scan.msk.f32 $0xffff, v63;
	_ =	sdelay $0x1  }
0xd5: {  	v54 =	vimm.s32 $0x0  }
0xd6: {  	v35 =	vsel vm12, $0xFFFFFFFF, v54;
	_ =	sdelay $0x2  }
0xd7: {  	[tilespmem:$0x1FF90] =	vst v35;
	v35, _, _ =	vpop (xrf0)  }
0xd8: {  	(v2sf) =	vpush v35, $0xF;
	_ =	sdelay $0xd  }
0xd9: {  	v56 =	vimm.s32 $0x0  }
0xda: {  	v58 =	vimm.s32 $0x0;
	v36 =	vsel vm11, $0xFFFFFFFF, v56;
	s29 =	spop (v2sf)  }
0xdb: {  	v60 =	vimm.s32 $0x0;
	v37 =	vsel vm10, $0xFFFFFFFF, v58;
	[tilespmem:$0x1FFA0] =	vst v36;
	p0 =	sgt.f32 s29, $0.0e+00  }
.Ltmp2:
0xdc: {  	v61 =	vimm.s32 $0x0;
	[tilespmem:$0x1FFB0] =	vst v37;
	v38 =	vsel vm9, $0xFFFFFFFF, v60;
	(pc) =	sbr.rel @!p0 .LBB2_4-.Ltmp2, $4  }
0xdd: {  	v62 =	vimm.s32 $0x0;
	[tilespmem:$0x1FFC0] =	vst v38;
	v38 =	vsel vm8, $0xFFFFFFFF, v61  }
0xde: {  	v52 =	vimm.s32 $0x0;
	[tilespmem:$0x1FFD0] =	vst v38;
	v38 =	vsel vm7, $0xFFFFFFFF, v62  }
0xdf: {  	[tilespmem:$0x1FFE0] =	vst v38;
	v40 =	vsel vm6, $0xFFFFFFFF, v52  }
0xe0: {  	[tilespmem:$0x1FF80] =	vst v40  }
0xe1: {  	v35 =	vld [tilespmem:$0x1FFF0];
	_ =	sdelay $0x4  }
0xe2: {  	vm6 =	vmmov vm13;
	vm8 =	vnez.u8 v35  }
0xe3: {  	vm11 =	vcmask $0x704;
	vm9 =	vcmask $0xB08;
	vm1 =	vmand vm0, vm8  }
0xe4: {  	v48 =	vimm.s32 $0x0;
	vm10 =	vcmask $0xF0C;
	vm2 =	vmand vm0, vm11  }
0xe5: {  	v49 =	vimm.s32 $0x0;
	vm12 =	vcmask $0x1310;
	vm3 =	vmand vm0, vm9  }
0xe6: {  	v50 =	vimm.s32 $0x0;
	v35 =	vsel vm4, $0xFFFFFFFF, v48;
	vm4 =	vmand vm0, vm10  }
0xe7: {  	vm13 =	vcmask $0x1714;
	[tilespmem:$0x1FF40] =	vst v35;
	v35 =	vsel vm5, $0xFFFFFFFF, v49;
	vm5 =	vmand vm0, vm12  }
0xe8: {  	vm7 =	vcmask $0x1B18;
	[tilespmem:$0x1FF30] =	vst v35;
	v35 =	vsel vm6, $0xFFFFFFFF, v50;
	vm6 =	vmand vm0, vm13  }
0xe9: {  	vm7 =	vmand vm0, vm7;
	[tilespmem:v33+s24+$0x0] =	vst.idx.msk vm1, v34  }
0xea: {  	vm10 =	vcmask $0x1F1C;
	[tilespmem:v33+s24+$0x0] =	vst.idx.msk vm2, v34  }
0xeb: {  	vm12 =	vcmask $0x2320;
	vm2 =	vmand vm0, vm10;
	[tilespmem:v33+s24+$0x0] =	vst.idx.msk vm3, v34  }
0xec: {  	vm10 =	vcmask $0x2724;
	vm3 =	vmand vm0, vm12;
	[tilespmem:v33+s24+$0x0] =	vst.idx.msk vm4, v34  }
0xed: {  	vm13 =	vcmask $0x2B28;
	vm4 =	vmand vm0, vm10;
	[tilespmem:v33+s24+$0x0] =	vst.idx.msk vm5, v34  }
0xee: {  	vm1 =	vcmask $0x2F2C;
	vm5 =	vmand vm0, vm13;
	[tilespmem:v33+s24+$0x0] =	vst.idx.msk vm6, v34  }
0xef: {  	vm6 =	vmand vm0, vm1;
	[tilespmem:v33+s24+$0x0] =	vst.idx.msk vm7, v34;
	vm7 =	vcmask $0x3330  }
0xf0: {  	vm12 =	vcmask $0x3734;
	vm1 =	vmand vm0, vm7  }
0xf1: {  	vm13 =	vcmask $0x3B38;
	[tilespmem:v33+s24+$0x0] =	vst.idx.msk vm2, v34;
	vm7 =	vmand vm0, vm12  }
0xf2: {  	vm12 =	vcmask $0x3F3C;
	[tilespmem:v33+s24+$0x0] =	vst.idx.msk vm3, v34;
	vm3 =	vmand vm0, vm13  }
0xf3: {  	vm0 =	vmand vm0, vm12;
	[tilespmem:v33+s24+$0x0] =	vst.idx.msk vm4, v34  }
0xf4: {  	vm4 =	vmand vm15, vm8;
	[tilespmem:v33+s24+$0x0] =	vst.idx.msk vm5, v34  }
0xf5: {  	vm5 =	vmand vm15, vm11;
	[tilespmem:v33+s24+$0x0] =	vst.idx.msk vm6, v34  }
0xf6: {  	[tilespmem:v33+s24+$0x0] =	vst.idx.msk vm1, v34  }
0xf7: {  	vm1 =	vmand vm15, vm9;
	[tilespmem:v33+s24+$0x0] =	vst.idx.msk vm7, v34;
	vm7 =	vcmask $0xF0C  }
0xf8: {  	vm9 =	vcmask $0x1310;
	vm2 =	vmand vm15, vm7;
	[tilespmem:v33+s24+$0x0] =	vst.idx.msk vm3, v34  }
0xf9: {  	vm6 =	vcmask $0x1714;
	vm3 =	vmand vm15, vm9;
	[tilespmem:v33+s24+$0x0] =	vst.idx.msk vm0, v34  }
0xfa: {  	vm11 =	vcmask $0x1B18;
	vm0 =	vmand vm15, vm6;
	[tilespmem:v31+s24+$0x0] =	vst.idx.msk vm4, v32  }
0xfb: {  	vm4 =	vmand vm15, vm11;
	[tilespmem:v31+s24+$0x0] =	vst.idx.msk vm5, v32;
	vm5 =	vcmask $0x1F1C  }
0xfc: {  	vm5 =	vmand vm15, vm5  }
0xfd: {  	[tilespmem:v31+s24+$0x0] =	vst.idx.msk vm1, v32;
	vm1 =	vcmask $0x2320  }
0xfe: {  	vm1 =	vmand vm15, vm1;
	[tilespmem:v31+s24+$0x0] =	vst.idx.msk vm2, v32  }
0xff: {  	vm2 =	vmand vm15, vm10;
	vm10 =	vcmask $0x2B28;
	[tilespmem:v31+s24+$0x0] =	vst.idx.msk vm3, v32  }
0x100: {  	vm3 =	vmand vm15, vm10;
	[tilespmem:v31+s24+$0x0] =	vst.idx.msk vm0, v32;
	vm0 =	vcmask $0x2F2C  }
0x101: {  	vm0 =	vmand vm15, vm0;
	[tilespmem:v31+s24+$0x0] =	vst.idx.msk vm4, v32;
	vm4 =	vcmask $0x3330  }
0x102: {  	vm4 =	vmand vm15, vm4;
	[tilespmem:v31+s24+$0x0] =	vst.idx.msk vm5, v32;
	vm5 =	vcmask $0x3734  }
0x103: {  	vm5 =	vmand vm15, vm5  }
0x104: {  	[tilespmem:v31+s24+$0x0] =	vst.idx.msk vm1, v32;
	vm1 =	vmand vm15, vm13  }
0x105: {  	[tilespmem:v31+s24+$0x0] =	vst.idx.msk vm2, v32;
	vm2 =	vmand vm15, vm12  }
0x106: {  	vm13 =	vcmask $0x704;
	[tilespmem:v31+s24+$0x0] =	vst.idx.msk vm3, v32;
	vm3 =	vmand vm14, vm8  }
0x107: {  	vm15 =	vcmask $0xB08;
	[tilespmem:v31+s24+$0x0] =	vst.idx.msk vm0, v32;
	vm0 =	vmand vm14, vm13  }
0x108: {  	[tilespmem:v31+s24+$0x0] =	vst.idx.msk vm4, v32;
	vm4 =	vmand vm14, vm15  }
0x109: {  	vm13 =	vmand vm14, vm7;
	[tilespmem:v31+s24+$0x0] =	vst.idx.msk vm5, v32  }
0x10a: {  	[tilespmem:v31+s24+$0x0] =	vst.idx.msk vm1, v32;
	vm1 =	vmand vm14, vm9  }
0x10b: {  	[tilespmem:v31+s24+$0x0] =	vst.idx.msk vm2, v32;
	vm2 =	vmand vm14, vm6  }
0x10c: {  	[tilespmem:v29+s24+$0x0] =	vst.idx.msk vm3, v30;
	vm3 =	vmand vm14, vm11;
	vm11 =	vcmask $0x1F1C  }
0x10d: {  	vm6 =	vcmask $0x2320;
	[tilespmem:v29+s24+$0x0] =	vst.idx.msk vm0, v30;
	vm0 =	vmand vm14, vm11  }
0x10e: {  	[tilespmem:v29+s24+$0x0] =	vst.idx.msk vm4, v30;
	vm4 =	vmand vm14, vm6  }
0x10f: {  	vm15 =	vcmask $0x2724;
	[tilespmem:v29+s24+$0x0] =	vst.idx.msk vm13, v30  }
0x110: {  	vm5 =	vmand vm14, vm15;
	[tilespmem:v29+s24+$0x0] =	vst.idx.msk vm1, v30  }
0x111: {  	v51 =	vld [tilespmem:$0x1FF50];
	vm13 =	vcmask $0x2F2C;
	vm1 =	vmand vm14, vm10;
	[tilespmem:v29+s24+$0x0] =	vst.idx.msk vm2, v30  }
0x112: {  	vm10 =	vcmask $0x3330;
	vm2 =	vmand vm14, vm13;
	[tilespmem:v29+s24+$0x0] =	vst.idx.msk vm3, v30  }
0x113: {  	vm9 =	vcmask $0x3734;
	vm3 =	vmand vm14, vm10;
	[tilespmem:v29+s24+$0x0] =	vst.idx.msk vm0, v30  }
0x114: {  	vm0 =	vmand vm14, vm9;
	[tilespmem:v29+s24+$0x0] =	vst.idx.msk vm4, v30;
	vm4 =	vcmask $0x3B38  }
0x115: {  	vm4 =	vmand vm14, vm4  }
0x116: {  	[tilespmem:v29+s24+$0x0] =	vst.idx.msk vm5, v30;
	vm5 =	vmand vm14, vm12;
	vm12 =	vnez.u8 v51  }
0x117: {  	vm7 =	vcmask $0x704;
	[tilespmem:v29+s24+$0x0] =	vst.idx.msk vm1, v30;
	vm1 =	vmand vm12, vm8  }
0x118: {  	vm14 =	vcmask $0xB08;
	[tilespmem:v29+s24+$0x0] =	vst.idx.msk vm2, v30;
	vm2 =	vmand vm12, vm7  }
0x119: {  	[tilespmem:v29+s24+$0x0] =	vst.idx.msk vm3, v30;
	vm3 =	vmand vm12, vm14;
	vm14 =	vcmask $0xF0C  }
0x11a: {  	[tilespmem:v29+s24+$0x0] =	vst.idx.msk vm0, v30;
	vm0 =	vmand vm12, vm14;
	vm14 =	vcmask $0x1310  }
0x11b: {  	[tilespmem:v29+s24+$0x0] =	vst.idx.msk vm4, v30;
	vm4 =	vmand vm12, vm14;
	vm14 =	vcmask $0x1714  }
0x11c: {  	[tilespmem:v29+s24+$0x0] =	vst.idx.msk vm5, v30;
	vm5 =	vmand vm12, vm14;
	vm14 =	vcmask $0x1B18  }
0x11d: {  	[tilespmem:v27+s24+$0x0] =	vst.idx.msk vm1, v28;
	vm1 =	vmand vm12, vm14  }
0x11e: {  	[tilespmem:v27+s24+$0x0] =	vst.idx.msk vm2, v28;
	vm2 =	vmand vm12, vm11  }
0x11f: {  	[tilespmem:v27+s24+$0x0] =	vst.idx.msk vm3, v28;
	vm3 =	vmand vm12, vm6  }
0x120: {  	vm14 =	vcmask $0x2B28;
	[tilespmem:v27+s24+$0x0] =	vst.idx.msk vm0, v28;
	vm0 =	vmand vm12, vm15  }
0x121: {  	v52 =	vld [tilespmem:$0x1FF60];
	[tilespmem:v27+s24+$0x0] =	vst.idx.msk vm4, v28;
	vm4 =	vmand vm12, vm14  }
0x122: {  	[tilespmem:v27+s24+$0x0] =	vst.idx.msk vm5, v28;
	vm5 =	vmand vm12, vm13  }
0x123: {  	[tilespmem:v27+s24+$0x0] =	vst.idx.msk vm1, v28;
	vm1 =	vmand vm12, vm10  }
0x124: {  	vm11 =	vmmov vm10;
	vm10 =	vcmask $0x3B38;
	[tilespmem:v27+s24+$0x0] =	vst.idx.msk vm2, v28;
	vm2 =	vmand vm12, vm9  }
0x125: {  	vm13 =	vcmask $0x3F3C;
	[tilespmem:v27+s24+$0x0] =	vst.idx.msk vm3, v28;
	vm3 =	vmand vm12, vm10  }
0x126: {  	vm13 =	vmand vm12, vm13;
	[tilespmem:v27+s24+$0x0] =	vst.idx.msk vm0, v28;
	vm0 =	vnez.u8 v52  }
0x127: {  	[tilespmem:v27+s24+$0x0] =	vst.idx.msk vm4, v28;
	vm4 =	vmand vm0, vm8  }
0x128: {  	vm10 =	vcmask $0xB08;
	[tilespmem:v27+s24+$0x0] =	vst.idx.msk vm5, v28;
	vm5 =	vmand vm0, vm7  }
0x129: {  	vm12 =	vmmov vm7;
	vm6 =	vmand vm0, vm10;
	vm7 =	vcmask $0xF0C;
	[tilespmem:v27+s24+$0x0] =	vst.idx.msk vm1, v28  }
0x12a: {  	vm14 =	vcmask $0x1310;
	[tilespmem:v27+s24+$0x0] =	vst.idx.msk vm2, v28;
	vm2 =	vmand vm0, vm7  }
0x12b: {  	[tilespmem:v27+s24+$0x0] =	vst.idx.msk vm3, v28;
	vm3 =	vmand vm0, vm14;
	vm14 =	vcmask $0x1714  }
0x12c: {  	[tilespmem:v27+s24+$0x0] =	vst.idx.msk vm13, v28;
	vm13 =	vmand vm0, vm14  }
0x12d: {  	[tilespmem:v25+s24+$0x0] =	vst.idx.msk vm4, v26;
	vm4 =	vcmask $0x1B18  }
0x12e: {  	vm4 =	vmand vm0, vm4;
	[tilespmem:v25+s24+$0x0] =	vst.idx.msk vm5, v26;
	vm5 =	vcmask $0x1F1C  }
0x12f: {  	vm5 =	vmand vm0, vm5;
	[tilespmem:v25+s24+$0x0] =	vst.idx.msk vm6, v26;
	vm6 =	vcmask $0x2320  }
0x130: {  	vm1 =	vmand vm0, vm6;
	[tilespmem:v25+s24+$0x0] =	vst.idx.msk vm2, v26  }
0x131: {  	vm2 =	vmand vm0, vm15;
	vm15 =	vcmask $0x2B28;
	[tilespmem:v25+s24+$0x0] =	vst.idx.msk vm3, v26  }
0x132: {  	v53 =	vld [tilespmem:$0x1FF70];
	vm3 =	vmand vm0, vm15;
	[tilespmem:v25+s24+$0x0] =	vst.idx.msk vm13, v26;
	vm13 =	vcmask $0x2F2C  }
0x133: {  	vm6 =	vmand vm0, vm13  }
0x134: {  	[tilespmem:v25+s24+$0x0] =	vst.idx.msk vm4, v26;
	vm4 =	vmand vm0, vm11  }
0x135: {  	vm11 =	vcmask $0x3B38;
	[tilespmem:v25+s24+$0x0] =	vst.idx.msk vm5, v26;
	vm5 =	vmand vm0, vm9  }
0x136: {  	vm9 =	vcmask $0x3F3C;
	[tilespmem:v25+s24+$0x0] =	vst.idx.msk vm1, v26;
	vm1 =	vmand vm0, vm11  }
0x137: {  	[tilespmem:v25+s24+$0x0] =	vst.idx.msk vm2, v26;
	vm2 =	vmand vm0, vm9;
	vm0 =	vnez.u8 v53  }
0x138: {  	[tilespmem:v25+s24+$0x0] =	vst.idx.msk vm3, v26;
	vm3 =	vmand vm0, vm8  }
0x139: {  	vm12 =	vmand vm0, vm12;
	[tilespmem:v25+s24+$0x0] =	vst.idx.msk vm6, v26  }
0x13a: {  	[tilespmem:v25+s24+$0x0] =	vst.idx.msk vm4, v26  }
0x13b: {  	vm4 =	vmand vm0, vm10;
	[tilespmem:v25+s24+$0x0] =	vst.idx.msk vm5, v26  }
0x13c: {  	vm11 =	vcmask $0x1310;
	vm5 =	vmand vm0, vm7;
	[tilespmem:v25+s24+$0x0] =	vst.idx.msk vm1, v26  }
0x13d: {  	vm1 =	vmand vm0, vm11;
	[tilespmem:v25+s24+$0x0] =	vst.idx.msk vm2, v26  }
0x13e: {  	vm7 =	vcmask $0x1B18;
	vm2 =	vmand vm0, vm14;
	[tilespmem:v23+s24+$0x0] =	vst.idx.msk vm3, v24  }
0x13f: {  	vm3 =	vmand vm0, vm7;
	[tilespmem:v23+s24+$0x0] =	vst.idx.msk vm12, v24;
	vm12 =	vcmask $0x1F1C  }
0x140: {  	vm6 =	vmand vm0, vm12;
	vm12 =	vcmask $0x2320  }
0x141: {  	[tilespmem:v23+s24+$0x0] =	vst.idx.msk vm4, v24;
	vm4 =	vmand vm0, vm12;
	vm12 =	vcmask $0x2724  }
0x142: {  	[tilespmem:v23+s24+$0x0] =	vst.idx.msk vm5, v24;
	vm5 =	vmand vm0, vm12  }
0x143: {  	v54 =	vld [tilespmem:$0x1FF80];
	[tilespmem:v23+s24+$0x0] =	vst.idx.msk vm1, v24;
	vm1 =	vmand vm0, vm15  }
0x144: {  	vm12 =	vcmask $0x3330;
	[tilespmem:v23+s24+$0x0] =	vst.idx.msk vm2, v24;
	vm2 =	vmand vm0, vm13  }
0x145: {  	vm13 =	vcmask $0x3734;
	[tilespmem:v23+s24+$0x0] =	vst.idx.msk vm3, v24;
	vm3 =	vmand vm0, vm12  }
0x146: {  	vm15 =	vcmask $0x3B38;
	[tilespmem:v23+s24+$0x0] =	vst.idx.msk vm6, v24;
	vm6 =	vmand vm0, vm13  }
0x147: {  	[tilespmem:v23+s24+$0x0] =	vst.idx.msk vm4, v24;
	vm4 =	vmand vm0, vm15  }
0x148: {  	vm7 =	vnez.u8 v54;
	vm13 =	vmand vm0, vm9;
	[tilespmem:v23+s24+$0x0] =	vst.idx.msk vm5, v24  }
0x149: {  	vm9 =	vcmask $0x704;
	vm15 =	vmand vm7, vm8;
	[tilespmem:v23+s24+$0x0] =	vst.idx.msk vm1, v24  }
0x14a: {  	[tilespmem:v23+s24+$0x0] =	vst.idx.msk vm2, v24;
	vm2 =	vmand vm7, vm9  }
0x14b: {  	[tilespmem:v23+s24+$0x0] =	vst.idx.msk vm3, v24;
	vm3 =	vmand vm7, vm10;
	vm10 =	vcmask $0xF0C  }
0x14c: {  	[tilespmem:v23+s24+$0x0] =	vst.idx.msk vm6, v24;
	vm0 =	vmand vm7, vm10  }
0x14d: {  	[tilespmem:v23+s24+$0x0] =	vst.idx.msk vm4, v24;
	vm4 =	vmand vm7, vm11  }
0x14e: {  	vm5 =	vmand vm7, vm14;
	vm14 =	vcmask $0x1B18;
	[tilespmem:v23+s24+$0x0] =	vst.idx.msk vm13, v24  }
0x14f: {  	vm1 =	vmand vm7, vm14;
	[tilespmem:v21+s24+$0x0] =	vst.idx.msk vm15, v22;
	vm15 =	vcmask $0x1F1C  }
0x150: {  	vm9 =	vcmask $0x2320;
	[tilespmem:v21+s24+$0x0] =	vst.idx.msk vm2, v22;
	vm2 =	vmand vm7, vm15  }
0x151: {  	vm13 =	vcmask $0x2724;
	[tilespmem:v21+s24+$0x0] =	vst.idx.msk vm3, v22;
	vm3 =	vmand vm7, vm9  }
0x152: {  	vm11 =	vcmask $0x2B28;
	[tilespmem:v21+s24+$0x0] =	vst.idx.msk vm0, v22;
	vm0 =	vmand vm7, vm13  }
0x153: {  	[tilespmem:v21+s24+$0x0] =	vst.idx.msk vm4, v22;
	vm4 =	vmand vm7, vm11;
	vm11 =	vcmask $0x2F2C  }
0x154: {  	v55 =	vld [tilespmem:$0x1FF90];
	[tilespmem:v21+s24+$0x0] =	vst.idx.msk vm5, v22;
	vm5 =	vmand vm7, vm11  }
0x155: {  	[tilespmem:v21+s24+$0x0] =	vst.idx.msk vm1, v22  }
0x156: {  	vm1 =	vmand vm7, vm12;
	[tilespmem:v21+s24+$0x0] =	vst.idx.msk vm2, v22;
	vm2 =	vcmask $0x3734  }
0x157: {  	vm11 =	vcmask $0x3B38;
	vm2 =	vmand vm7, vm2;
	[tilespmem:v21+s24+$0x0] =	vst.idx.msk vm3, v22  }
0x158: {  	vm12 =	vcmask $0x3F3C;
	vm3 =	vmand vm7, vm11;
	[tilespmem:v21+s24+$0x0] =	vst.idx.msk vm0, v22  }
0x159: {  	vm0 =	vmand vm7, vm12;
	vm7 =	vnez.u8 v55;
	[tilespmem:v21+s24+$0x0] =	vst.idx.msk vm4, v22  }
0x15a: {  	vm4 =	vmand vm7, vm8;
	[tilespmem:v21+s24+$0x0] =	vst.idx.msk vm5, v22;
	vm5 =	vcmask $0x704  }
0x15b: {  	vm6 =	vcmask $0xB08;
	vm5 =	vmand vm7, vm5  }
0x15c: {  	[tilespmem:v21+s24+$0x0] =	vst.idx.msk vm1, v22;
	vm1 =	vmand vm7, vm6  }
0x15d: {  	vm6 =	vcmask $0x1310;
	[tilespmem:v21+s24+$0x0] =	vst.idx.msk vm2, v22;
	vm2 =	vmand vm7, vm10  }
0x15e: {  	[tilespmem:v21+s24+$0x0] =	vst.idx.msk vm3, v22;
	vm3 =	vmand vm7, vm6;
	vm6 =	vcmask $0x1714  }
0x15f: {  	[tilespmem:v21+s24+$0x0] =	vst.idx.msk vm0, v22;
	vm6 =	vmand vm7, vm6  }
0x160: {  	[tilespmem:v19+s24+$0x0] =	vst.idx.msk vm4, v20;
	vm4 =	vmand vm7, vm14  }
0x161: {  	[tilespmem:v19+s24+$0x0] =	vst.idx.msk vm5, v20;
	vm5 =	vmand vm7, vm15  }
0x162: {  	[tilespmem:v19+s24+$0x0] =	vst.idx.msk vm1, v20;
	vm1 =	vmand vm7, vm9  }
0x163: {  	vm15 =	vcmask $0x2B28;
	[tilespmem:v19+s24+$0x0] =	vst.idx.msk vm2, v20;
	vm2 =	vmand vm7, vm13  }
0x164: {  	v56 =	vld [tilespmem:$0x1FFA0];
	[tilespmem:v19+s24+$0x0] =	vst.idx.msk vm3, v20;
	vm3 =	vmand vm7, vm15;
	vm15 =	vcmask $0x2F2C  }
0x165: {  	vm9 =	vcmask $0x3330;
	[tilespmem:v19+s24+$0x0] =	vst.idx.msk vm6, v20;
	vm0 =	vmand vm7, vm15  }
0x166: {  	[tilespmem:v19+s24+$0x0] =	vst.idx.msk vm4, v20;
	vm4 =	vmand vm7, vm9;
	vm9 =	vcmask $0x3734  }
0x167: {  	[tilespmem:v19+s24+$0x0] =	vst.idx.msk vm5, v20;
	vm5 =	vmand vm7, vm9  }
0x168: {  	[tilespmem:v19+s24+$0x0] =	vst.idx.msk vm1, v20;
	vm1 =	vmand vm7, vm11  }
0x169: {  	vm6 =	vnez.u8 v56;
	[tilespmem:v19+s24+$0x0] =	vst.idx.msk vm2, v20;
	vm2 =	vmand vm7, vm12  }
0x16a: {  	vm9 =	vmmov vm11;
	vm11 =	vcmask $0x704;
	[tilespmem:v19+s24+$0x0] =	vst.idx.msk vm3, v20;
	vm3 =	vmand vm6, vm8  }
0x16b: {  	vm12 =	vcmask $0xB08;
	[tilespmem:v19+s24+$0x0] =	vst.idx.msk vm0, v20;
	vm0 =	vmand vm6, vm11  }
0x16c: {  	[tilespmem:v19+s24+$0x0] =	vst.idx.msk vm4, v20;
	vm4 =	vmand vm6, vm12  }
0x16d: {  	[tilespmem:v19+s24+$0x0] =	vst.idx.msk vm5, v20;
	vm5 =	vmand vm6, vm10;
	vm10 =	vcmask $0x1310  }
0x16e: {  	vm7 =	vcmask $0x1714;
	[tilespmem:v19+s24+$0x0] =	vst.idx.msk vm1, v20;
	vm1 =	vmand vm6, vm10  }
0x16f: {  	[tilespmem:v19+s24+$0x0] =	vst.idx.msk vm2, v20;
	vm2 =	vmand vm6, vm7  }
0x170: {  	vm12 =	vcmask $0x1F1C;
	[tilespmem:v17+s24+$0x0] =	vst.idx.msk vm3, v18;
	vm3 =	vmand vm6, vm14  }
0x171: {  	vm7 =	vmand vm6, vm12;
	[tilespmem:v17+s24+$0x0] =	vst.idx.msk vm0, v18  }
0x172: {  	vm12 =	vcmask $0x2320;
	[tilespmem:v17+s24+$0x0] =	vst.idx.msk vm4, v18  }
0x173: {  	vm4 =	vmand vm6, vm12;
	[tilespmem:v17+s24+$0x0] =	vst.idx.msk vm5, v18  }
0x174: {  	vm0 =	vcmask $0x2B28;
	vm5 =	vmand vm6, vm13;
	[tilespmem:v17+s24+$0x0] =	vst.idx.msk vm1, v18  }
0x175: {  	v57 =	vld [tilespmem:$0x1FFB0];
	vm1 =	vmand vm6, vm0;
	[tilespmem:v17+s24+$0x0] =	vst.idx.msk vm2, v18  }
0x176: {  	vm2 =	vmand vm6, vm15;
	vm15 =	vcmask $0x3330;
	[tilespmem:v17+s24+$0x0] =	vst.idx.msk vm3, v18  }
0x177: {  	vm3 =	vmand vm6, vm15;
	[tilespmem:v17+s24+$0x0] =	vst.idx.msk vm7, v18;
	vm7 =	vcmask $0x3734  }
0x178: {  	vm0 =	vmand vm6, vm7  }
0x179: {  	[tilespmem:v17+s24+$0x0] =	vst.idx.msk vm4, v18;
	vm4 =	vmand vm6, vm9;
	vm9 =	vcmask $0x3F3C  }
0x17a: {  	[tilespmem:v17+s24+$0x0] =	vst.idx.msk vm5, v18;
	vm5 =	vmand vm6, vm9;
	vm6 =	vnez.u8 v57  }
0x17b: {  	[tilespmem:v17+s24+$0x0] =	vst.idx.msk vm1, v18;
	vm1 =	vmand vm6, vm8  }
0x17c: {  	vm7 =	vcmask $0xB08;
	[tilespmem:v17+s24+$0x0] =	vst.idx.msk vm2, v18;
	vm2 =	vmand vm6, vm11  }
0x17d: {  	vm11 =	vcmask $0xF0C;
	[tilespmem:v17+s24+$0x0] =	vst.idx.msk vm3, v18;
	vm3 =	vmand vm6, vm7  }
0x17e: {  	[tilespmem:v17+s24+$0x0] =	vst.idx.msk vm0, v18;
	vm0 =	vmand vm6, vm11  }
0x17f: {  	[tilespmem:v17+s24+$0x0] =	vst.idx.msk vm4, v18;
	vm4 =	vmand vm6, vm10;
	vm10 =	vcmask $0x1714  }
0x180: {  	[tilespmem:v17+s24+$0x0] =	vst.idx.msk vm5, v18;
	vm5 =	vmand vm6, vm10  }
0x181: {  	[tilespmem:v15+s24+$0x0] =	vst.idx.msk vm1, v16;
	vm1 =	vmand vm6, vm14;
	vm14 =	vcmask $0x1F1C  }
0x182: {  	[tilespmem:v15+s24+$0x0] =	vst.idx.msk vm2, v16;
	vm2 =	vmand vm6, vm14  }
0x183: {  	[tilespmem:v15+s24+$0x0] =	vst.idx.msk vm3, v16;
	vm3 =	vmand vm6, vm12  }
0x184: {  	[tilespmem:v15+s24+$0x0] =	vst.idx.msk vm0, v16;
	vm0 =	vmand vm6, vm13;
	vm13 =	vcmask $0x2B28  }
0x185: {  	v58 =	vld [tilespmem:$0x1FFC0];
	vm10 =	vcmask $0x2F2C;
	[tilespmem:v15+s24+$0x0] =	vst.idx.msk vm4, v16;
	vm4 =	vmand vm6, vm13  }
0x186: {  	[tilespmem:v15+s24+$0x0] =	vst.idx.msk vm5, v16;
	vm5 =	vmand vm6, vm10  }
0x187: {  	vm13 =	vcmask $0x3734;
	[tilespmem:v15+s24+$0x0] =	vst.idx.msk vm1, v16;
	vm1 =	vmand vm6, vm15  }
0x188: {  	vm12 =	vcmask $0x3B38;
	[tilespmem:v15+s24+$0x0] =	vst.idx.msk vm2, v16;
	vm2 =	vmand vm6, vm13  }
0x189: {  	[tilespmem:v15+s24+$0x0] =	vst.idx.msk vm3, v16;
	vm3 =	vmand vm6, vm12  }
0x18a: {  	vm7 =	vmand vm6, vm9;
	vm6 =	vnez.u8 v58;
	[tilespmem:v15+s24+$0x0] =	vst.idx.msk vm0, v16  }
0x18b: {  	[tilespmem:v15+s24+$0x0] =	vst.idx.msk vm4, v16;
	vm4 =	vmand vm6, vm8  }
0x18c: {  	[tilespmem:v15+s24+$0x0] =	vst.idx.msk vm5, v16;
	vm5 =	vcmask $0x704  }
0x18d: {  	vm9 =	vmmov vm8;
	vm8 =	vcmask $0xB08;
	vm5 =	vmand vm6, vm5;
	[tilespmem:v15+s24+$0x0] =	vst.idx.msk vm1, v16  }
0x18e: {  	vm1 =	vmand vm6, vm8;
	[tilespmem:v15+s24+$0x0] =	vst.idx.msk vm2, v16  }
0x18f: {  	vm0 =	vcmask $0x1310;
	vm2 =	vmand vm6, vm11;
	[tilespmem:v15+s24+$0x0] =	vst.idx.msk vm3, v16  }
0x190: {  	vm3 =	vmand vm6, vm0;
	[tilespmem:v15+s24+$0x0] =	vst.idx.msk vm7, v16;
	vm7 =	vcmask $0x1714  }
0x191: {  	vm0 =	vmand vm6, vm7;
	[tilespmem:v13+s24+$0x0] =	vst.idx.msk vm4, v14;
	vm4 =	vcmask $0x1B18  }
0x192: {  	vm4 =	vmand vm6, vm4  }
0x193: {  	vm7 =	vcmask $0x2320;
	[tilespmem:v13+s24+$0x0] =	vst.idx.msk vm5, v14;
	vm5 =	vmand vm6, vm14  }
0x194: {  	[tilespmem:v13+s24+$0x0] =	vst.idx.msk vm1, v14;
	vm1 =	vmand vm6, vm7;
	vm7 =	vcmask $0x2724  }
0x195: {  	[tilespmem:v13+s24+$0x0] =	vst.idx.msk vm2, v14;
	vm2 =	vmand vm6, vm7;
	vm7 =	vcmask $0x2B28  }
0x196: {  	[tilespmem:v13+s24+$0x0] =	vst.idx.msk vm3, v14;
	vm3 =	vmand vm6, vm7  }
0x197: {  	v59 =	vld [tilespmem:$0x1FFD0];
	vm7 =	vmand vm6, vm10;
	[tilespmem:v13+s24+$0x0] =	vst.idx.msk vm0, v14  }
0x198: {  	[tilespmem:v13+s24+$0x0] =	vst.idx.msk vm4, v14  }
0x199: {  	vm4 =	vmand vm6, vm15;
	[tilespmem:v13+s24+$0x0] =	vst.idx.msk vm5, v14  }
0x19a: {  	vm5 =	vmand vm6, vm13;
	[tilespmem:v13+s24+$0x0] =	vst.idx.msk vm1, v14  }
0x19b: {  	vm0 =	vcmask $0x3F3C;
	vm1 =	vmand vm6, vm12;
	[tilespmem:v13+s24+$0x0] =	vst.idx.msk vm2, v14  }
0x19c: {  	vm2 =	vmand vm6, vm0;
	vm6 =	vnez.u8 v59;
	[tilespmem:v13+s24+$0x0] =	vst.idx.msk vm3, v14  }
0x19d: {  	vm3 =	vmand vm6, vm9;
	[tilespmem:v13+s24+$0x0] =	vst.idx.msk vm7, v14;
	vm7 =	vcmask $0x704  }
0x19e: {  	[tilespmem:$0x1FF20] =	vst v35;
	vm0 =	vmand vm6, vm7  }
0x19f: {  	[tilespmem:v13+s24+$0x0] =	vst.idx.msk vm4, v14;
	vm4 =	vmand vm6, vm8  }
0x1a0: {  	[tilespmem:v13+s24+$0x0] =	vst.idx.msk vm5, v14;
	vm5 =	vmand vm6, vm11;
	vm11 =	vcmask $0x1310  }
0x1a1: {  	[tilespmem:v13+s24+$0x0] =	vst.idx.msk vm1, v14;
	vm1 =	vmand vm6, vm11;
	vm11 =	vcmask $0x1714  }
0x1a2: {  	vm7 =	vcmask $0x1B18;
	[tilespmem:v13+s24+$0x0] =	vst.idx.msk vm2, v14;
	vm2 =	vmand vm6, vm11  }
0x1a3: {  	[tilespmem:v11+s24+$0x0] =	vst.idx.msk vm3, v12;
	vm3 =	vmand vm6, vm7  }
0x1a4: {  	vm8 =	vcmask $0x2320;
	[tilespmem:v11+s24+$0x0] =	vst.idx.msk vm0, v12;
	vm0 =	vmand vm6, vm14  }
0x1a5: {  	[tilespmem:v11+s24+$0x0] =	vst.idx.msk vm4, v12;
	vm4 =	vmand vm6, vm8;
	vm8 =	vcmask $0x2724  }
0x1a6: {  	[tilespmem:v11+s24+$0x0] =	vst.idx.msk vm5, v12;
	vm5 =	vmand vm6, vm8;
	vm8 =	vcmask $0x2B28  }
0x1a7: {  	v60 =	vld [tilespmem:$0x1FFE0];
	[tilespmem:v11+s24+$0x0] =	vst.idx.msk vm1, v12;
	vm1 =	vmand vm6, vm8  }
0x1a8: {  	[tilespmem:v11+s24+$0x0] =	vst.idx.msk vm2, v12;
	vm2 =	vmand vm6, vm10  }
0x1a9: {  	[tilespmem:v11+s24+$0x0] =	vst.idx.msk vm3, v12;
	vm3 =	vmand vm6, vm15  }
0x1aa: {  	[tilespmem:v11+s24+$0x0] =	vst.idx.msk vm0, v12;
	vm0 =	vmand vm6, vm13  }
0x1ab: {  	vm8 =	vcmask $0x3F3C;
	[tilespmem:v11+s24+$0x0] =	vst.idx.msk vm4, v12;
	vm4 =	vmand vm6, vm12  }
0x1ac: {  	[tilespmem:v11+s24+$0x0] =	vst.idx.msk vm5, v12;
	vm5 =	vmand vm6, vm8;
	vm6 =	vnez.u8 v60  }
0x1ad: {  	vm7 =	vmmov vm12;
	vm12 =	vcmask $0x704;
	[tilespmem:v11+s24+$0x0] =	vst.idx.msk vm1, v12;
	vm1 =	vmand vm6, vm9  }
0x1ae: {  	[tilespmem:v11+s24+$0x0] =	vst.idx.msk vm2, v12;
	vm2 =	vmand vm6, vm12;
	vm12 =	vcmask $0xB08  }
0x1af: {  	[tilespmem:v11+s24+$0x0] =	vst.idx.msk vm3, v12;
	vm3 =	vmand vm6, vm12;
	vm12 =	vcmask $0xF0C  }
0x1b0: {  	[tilespmem:v11+s24+$0x0] =	vst.idx.msk vm0, v12;
	vm0 =	vmand vm6, vm12;
	vm12 =	vcmask $0x1310  }
0x1b1: {  	[tilespmem:v11+s24+$0x0] =	vst.idx.msk vm4, v12;
	vm4 =	vmand vm6, vm12  }
0x1b2: {  	vm12 =	vcmask $0x1B18;
	[tilespmem:v11+s24+$0x0] =	vst.idx.msk vm5, v12;
	vm5 =	vmand vm6, vm11  }
0x1b3: {  	[tilespmem:v9+s24+$0x0] =	vst.idx.msk vm1, v10;
	vm1 =	vmand vm6, vm12  }
0x1b4: {  	vm12 =	vcmask $0x2320;
	[tilespmem:v9+s24+$0x0] =	vst.idx.msk vm2, v10;
	vm2 =	vmand vm6, vm14  }
0x1b5: {  	[tilespmem:v9+s24+$0x0] =	vst.idx.msk vm3, v10;
	vm3 =	vmand vm6, vm12;
	vm12 =	vcmask $0x2724  }
0x1b6: {  	[tilespmem:v9+s24+$0x0] =	vst.idx.msk vm0, v10;
	vm0 =	vmand vm6, vm12;
	vm12 =	vcmask $0x2B28  }
0x1b7: {  	[tilespmem:v9+s24+$0x0] =	vst.idx.msk vm4, v10;
	vm4 =	vmand vm6, vm12  }
0x1b8: {  	v61 =	vld [tilespmem:$0x1FF20];
	[tilespmem:v9+s24+$0x0] =	vst.idx.msk vm5, v10;
	vm5 =	vmand vm6, vm10  }
0x1b9: {  	[tilespmem:v9+s24+$0x0] =	vst.idx.msk vm1, v10;
	vm1 =	vmand vm6, vm15  }
0x1ba: {  	[tilespmem:v9+s24+$0x0] =	vst.idx.msk vm2, v10;
	vm2 =	vmand vm6, vm13  }
0x1bb: {  	[tilespmem:v9+s24+$0x0] =	vst.idx.msk vm3, v10;
	vm3 =	vmand vm6, vm7  }
0x1bc: {  	[tilespmem:v9+s24+$0x0] =	vst.idx.msk vm0, v10  }
0x1bd: {  	vm0 =	vmand vm6, vm8;
	vm6 =	vnez.u8 v61;
	[tilespmem:v9+s24+$0x0] =	vst.idx.msk vm4, v10  }
0x1be: {  	vm12 =	vmmov vm10;
	vm4 =	vmand vm6, vm9;
	[tilespmem:v9+s24+$0x0] =	vst.idx.msk vm5, v10;
	vm5 =	vcmask $0x704  }
0x1bf: {  	vm10 =	vmmov vm7;
	vm7 =	vcmask $0xB08;
	vm5 =	vmand vm6, vm5;
	[tilespmem:v9+s24+$0x0] =	vst.idx.msk vm1, v10  }
0x1c0: {  	vm1 =	vmand vm6, vm7;
	[tilespmem:v9+s24+$0x0] =	vst.idx.msk vm2, v10;
	vm2 =	vcmask $0xF0C  }
0x1c1: {  	vm2 =	vmand vm6, vm2;
	[tilespmem:v9+s24+$0x0] =	vst.idx.msk vm3, v10;
	vm3 =	vcmask $0x1310  }
0x1c2: {  	vm3 =	vmand vm6, vm3  }
0x1c3: {  	[tilespmem:v9+s24+$0x0] =	vst.idx.msk vm0, v10  }
0x1c4: {  	vm0 =	vmand vm6, vm11;
	vm11 =	vcmask $0x1B18;
	[tilespmem:v7+s24+$0x0] =	vst.idx.msk vm4, v8  }
0x1c5: {  	vm4 =	vmand vm6, vm11;
	[tilespmem:v7+s24+$0x0] =	vst.idx.msk vm5, v8  }
0x1c6: {  	vm11 =	vcmask $0x2320;
	vm5 =	vmand vm6, vm14;
	[tilespmem:v7+s24+$0x0] =	vst.idx.msk vm1, v8  }
0x1c7: {  	vm14 =	vcmask $0x2724;
	vm1 =	vmand vm6, vm11;
	[tilespmem:v7+s24+$0x0] =	vst.idx.msk vm2, v8  }
0x1c8: {  	vm2 =	vmand vm6, vm14;
	[tilespmem:v7+s24+$0x0] =	vst.idx.msk vm3, v8;
	vm3 =	vcmask $0x2B28  }
0x1c9: {  	vm3 =	vmand vm6, vm3  }
0x1ca: {  	v62 =	vld [tilespmem:$0x1FF30];
	[tilespmem:v7+s24+$0x0] =	vst.idx.msk vm0, v8;
	vm0 =	vmand vm6, vm12  }
0x1cb: {  	[tilespmem:v7+s24+$0x0] =	vst.idx.msk vm4, v8;
	vm4 =	vmand vm6, vm15  }
0x1cc: {  	[tilespmem:v7+s24+$0x0] =	vst.idx.msk vm5, v8;
	vm5 =	vmand vm6, vm13  }
0x1cd: {  	[tilespmem:v7+s24+$0x0] =	vst.idx.msk vm1, v8;
	vm1 =	vmand vm6, vm10  }
0x1ce: {  	[tilespmem:v7+s24+$0x0] =	vst.idx.msk vm2, v8  }
0x1cf: {  	vm2 =	vmand vm6, vm8;
	vm6 =	vnez.u8 v62;
	[tilespmem:v7+s24+$0x0] =	vst.idx.msk vm3, v8  }
0x1d0: {  	vm3 =	vmand vm6, vm9;
	[tilespmem:v7+s24+$0x0] =	vst.idx.msk vm0, v8;
	vm0 =	vcmask $0x704  }
0x1d1: {  	vm0 =	vmand vm6, vm0;
	[tilespmem:v7+s24+$0x0] =	vst.idx.msk vm4, v8  }
0x1d2: {  	vm4 =	vmand vm6, vm7;
	[tilespmem:v7+s24+$0x0] =	vst.idx.msk vm5, v8;
	vm5 =	vcmask $0xF0C  }
0x1d3: {  	vm5 =	vmand vm6, vm5;
	[tilespmem:v7+s24+$0x0] =	vst.idx.msk vm1, v8;
	vm1 =	vcmask $0x1310  }
0x1d4: {  	vm1 =	vmand vm6, vm1  }
0x1d5: {  	[tilespmem:v7+s24+$0x0] =	vst.idx.msk vm2, v8;
	vm2 =	vcmask $0x1714  }
0x1d6: {  	vm2 =	vmand vm6, vm2;
	[tilespmem:v5+s24+$0x0] =	vst.idx.msk vm3, v6;
	vm3 =	vcmask $0x1B18  }
0x1d7: {  	vm3 =	vmand vm6, vm3;
	[tilespmem:v5+s24+$0x0] =	vst.idx.msk vm0, v6;
	vm0 =	vcmask $0x1F1C  }
0x1d8: {  	vm0 =	vmand vm6, vm0;
	[tilespmem:v5+s24+$0x0] =	vst.idx.msk vm4, v6  }
0x1d9: {  	vm4 =	vmand vm6, vm11;
	[tilespmem:v5+s24+$0x0] =	vst.idx.msk vm5, v6  }
0x1da: {  	vm5 =	vmand vm6, vm14;
	[tilespmem:v5+s24+$0x0] =	vst.idx.msk vm1, v6;
	vm1 =	vcmask $0x2B28  }
0x1db: {  	v63 =	vld [tilespmem:$0x1FF40];
	vm1 =	vmand vm6, vm1  }
0x1dc: {  	[tilespmem:v5+s24+$0x0] =	vst.idx.msk vm2, v6;
	vm2 =	vmand vm6, vm12  }
0x1dd: {  	[tilespmem:v5+s24+$0x0] =	vst.idx.msk vm3, v6;
	vm3 =	vmand vm6, vm15  }
0x1de: {  	[tilespmem:v5+s24+$0x0] =	vst.idx.msk vm0, v6;
	vm0 =	vmand vm6, vm13  }
0x1df: {  	[tilespmem:v5+s24+$0x0] =	vst.idx.msk vm4, v6;
	vm4 =	vmand vm6, vm10  }
0x1e0: {  	[tilespmem:v5+s24+$0x0] =	vst.idx.msk vm5, v6;
	vm5 =	vmand vm6, vm8;
	vm6 =	vnez.u8 v63  }
0x1e1: {  	[tilespmem:v5+s24+$0x0] =	vst.idx.msk vm1, v6;
	vm1 =	vmand vm6, vm9;
	vm9 =	vcmask $0x704  }
0x1e2: {  	[tilespmem:v5+s24+$0x0] =	vst.idx.msk vm2, v6;
	vm2 =	vmand vm6, vm9  }
0x1e3: {  	[tilespmem:v5+s24+$0x0] =	vst.idx.msk vm3, v6;
	vm3 =	vmand vm6, vm7;
	vm7 =	vcmask $0xF0C  }
0x1e4: {  	vm9 =	vcmask $0x1310;
	[tilespmem:v5+s24+$0x0] =	vst.idx.msk vm0, v6;
	vm0 =	vmand vm6, vm7  }
0x1e5: {  	[tilespmem:v5+s24+$0x0] =	vst.idx.msk vm4, v6;
	vm4 =	vmand vm6, vm9;
	vm9 =	vcmask $0x1714  }
0x1e6: {  	[tilespmem:v5+s24+$0x0] =	vst.idx.msk vm5, v6;
	vm5 =	vmand vm6, vm9;
	vm9 =	vcmask $0x1B18  }
0x1e7: {  	vm7 =	vcmask $0x1F1C;
	[tilespmem:v3+s24+$0x0] =	vst.idx.msk vm1, v4;
	vm1 =	vmand vm6, vm9  }
0x1e8: {  	[tilespmem:v3+s24+$0x0] =	vst.idx.msk vm2, v4;
	vm2 =	vmand vm6, vm7  }
0x1e9: {  	[tilespmem:v3+s24+$0x0] =	vst.idx.msk vm3, v4;
	vm3 =	vmand vm6, vm11  }
0x1ea: {  	vm9 =	vcmask $0x2B28;
	[tilespmem:v3+s24+$0x0] =	vst.idx.msk vm0, v4;
	vm0 =	vmand vm6, vm14  }
0x1eb: {  	[tilespmem:v3+s24+$0x0] =	vst.idx.msk vm4, v4;
	vm4 =	vmand vm6, vm9  }
0x1ec: {  	vm11 =	vmand vm6, vm12;
	[tilespmem:v3+s24+$0x0] =	vst.idx.msk vm5, v4  }
0x1ed: {  	vm12 =	vmand vm6, vm15;
	[tilespmem:v3+s24+$0x0] =	vst.idx.msk vm1, v4  }
0x1ee: {  	vm13 =	vmand vm6, vm13;
	[tilespmem:v3+s24+$0x0] =	vst.idx.msk vm2, v4  }
0x1ef: {  	vm14 =	vmand vm6, vm10;
	[tilespmem:v3+s24+$0x0] =	vst.idx.msk vm3, v4  }
0x1f0: {  	vm15 =	vmand vm6, vm8;
	[tilespmem:v3+s24+$0x0] =	vst.idx.msk vm0, v4  }
0x1f1: {  	[tilespmem:v3+s24+$0x0] =	vst.idx.msk vm4, v4  }
.Ltmp3:
0x1f2: {  	[tilespmem:v3+s24+$0x0] =	vst.idx.msk vm11, v4;
	(pc) =	sbr.rel .LBB2_4-.Ltmp3, $4  }
0x1f3: {  	[tilespmem:v3+s24+$0x0] =	vst.idx.msk vm12, v4  }
0x1f4: {  	[tilespmem:v3+s24+$0x0] =	vst.idx.msk vm13, v4  }
0x1f5: {  	[tilespmem:v3+s24+$0x0] =	vst.idx.msk vm14, v4  }
0x1f6: {  	[tilespmem:v3+s24+$0x0] =	vst.idx.msk vm15, v4  }
.LBB2_5:
0x1f7: {  	s0 =	simm.s32 $0x0  }
0x1f8: {  	[hbm4b:s17+s0] =	stream.linear.scatter [tilespmem:s24], [sflag:$0x1], $0x7A20, $0x38;
	[tilespmem:$0xD680] =	vst v63  }
0x1f9: {  	_ =	swait.ge [sflag:s25], $0x200  }
0x1fa: {  	[sflag:s25] =	ssyncset.done $0x0  }
0x1fb: {  	[sflag:s25] =	ssyncadd.s32 $0xFFFFFE00  }
0x1fc: {  	_ =	swait.ge [sflag:s25], $0x200  }
0x1fd: {  	[sflag:s25] =	ssyncset.done $0x0  }
0x1fe: {  	[sflag:s25] =	ssyncadd.s32 $0xFFFFFE00  }
0x1ff: {  	_ =	swait.ge [sflag:s25], $0x200  }
0x200: {  	[sflag:s25] =	ssyncset.done $0x0  }
0x201: {  	[sflag:s25] =	ssyncadd.s32 $0xFFFFFE00  }
0x202: {  	_ =	swait.ge [sflag:s25], $0x200  }
0x203: {  	[sflag:s25] =	ssyncset.done $0x0  }
0x204: {  	[sflag:s25] =	ssyncadd.s32 $0xFFFFFE00  }
0x205: {  	_ =	swait.ge [sflag:s25], $0x200  }
0x206: {  	[sflag:s25] =	ssyncset.done $0x0  }
0x207: {  	[sflag:s25] =	ssyncadd.s32 $0xFFFFFE00  }
0x208: {  	_ =	swait.ge [sflag:s25], $0x200  }
0x209: {  	[sflag:s25] =	ssyncset.done $0x0  }
0x20a: {  	[sflag:s25] =	ssyncadd.s32 $0xFFFFFE00  }
0x20b: {  	_ =	swait.ge [sflag:s25], $0x80  }
0x20c: {  	[sflag:s25] =	ssyncset.done $0x0  }
0x20d: {  	[sflag:s25] =	ssyncadd.s32 $0xFFFFFF80  }
0x20e: {  	_ =	swait.ge [sflag:s25], $0x80  }
0x20f: {  	[sflag:s25] =	ssyncset.done $0x0  }
0x210: {  	[sflag:s25] =	ssyncadd.s32 $0xFFFFFF80  }
0x211: {  	_ =	swait.ge [sflag:s25], $0x80  }
0x212: {  	[sflag:s25] =	ssyncset.done $0x0  }
0x213: {  	[sflag:s25] =	ssyncadd.s32 $0xFFFFFF80  }
0x214: {  	_ =	swait.ge [sflag:s25], $0x80  }
0x215: {  	[sflag:s25] =	ssyncset.done $0x0  }
0x216: {  	[sflag:s25] =	ssyncadd.s32 $0xFFFFFF80  }
0x217: {  	_ =	swait.ge [sflag:s25], $0x80  }
0x218: {  	[sflag:s25] =	ssyncset.done $0x0  }
0x219: {  	[sflag:s25] =	ssyncadd.s32 $0xFFFFFF80  }
0x21a: {  	_ =	swait.ge [sflag:s25], $0x80  }
0x21b: {  	[sflag:s25] =	ssyncset.done $0x0  }
0x21c: {  	[sflag:s25] =	ssyncadd.s32 $0xFFFFFF80  }
0x21d: {  	_ =	swait.ge [sflag:s25], $0x80  }
0x21e: {  	[sflag:s25] =	ssyncset.done $0x0  }
0x21f: {  	[sflag:s25] =	ssyncadd.s32 $0xFFFFFF80  }
0x220: {  	_ =	swait.ge [sflag:s25], $0x80  }
0x221: {  	[sflag:s25] =	ssyncset.done $0x0  }
0x222: {  	[sflag:s25] =	ssyncadd.s32 $0xFFFFFF80  }
0x223: {  	_ =	swait.ge [sflag:s25], $0x80  }
0x224: {  	[sflag:s25] =	ssyncset.done $0x0  }
0x225: {  	[sflag:s25] =	ssyncadd.s32 $0xFFFFFF80  }
0x226: {  	_ =	swait.ge [sflag:s25], $0x80  }
0x227: {  	[sflag:s25] =	ssyncset.done $0x0  }
0x228: {  	[sflag:s25] =	ssyncadd.s32 $0xFFFFFF80  }
0x229: {  	_ =	swait.ge [sflag:s25], $0x80  }
0x22a: {  	[sflag:s25] =	ssyncset.done $0x0  }
0x22b: {  	[sflag:s25] =	ssyncadd.s32 $0xFFFFFF80  }
0x22c: {  	_ =	swait.ge [sflag:s25], $0x80  }
0x22d: {  	[sflag:s25] =	ssyncset.done $0x0  }
0x22e: {  	s26 =	simm.s32 $0x0;
	[sflag:s25] =	ssyncadd.s32 $0xFFFFFF80  }
0x22f: {  	v3 =	vld [tilespmem:s26+$0xBA80]  }
0x230: {  	v4 =	vld [tilespmem:s26+$0xBC80]  }
0x231: {  	v5 =	vld [tilespmem:s26+$0xC480]  }
0x232: {  	v6 =	vld [tilespmem:s26+$0xBE80]  }
0x233: {  	v7 =	vld [tilespmem:s26+$0xC080]  }
0x234: {  	v8 =	vld [tilespmem:s26+$0xC280]  }
0x235: {  	v3 =	vmul.f32 $1.442695020e+00, v3  }
0x236: {  	v9 =	vld [tilespmem:s26+$0xC680];
	v4 =	vmul.f32 $1.442695020e+00, v4  }
0x237: {  	s0 =	simm.s32 $0x10;
	v11 =	vld [tilespmem:s26+$0xC880];
	(erf) = vpow2.f32 v3  }
0x238: {  	v12 =	vld [tilespmem:s0+$0xBC80];
	v6 =	vmul.f32 $1.442695020e+00, v6;
	(erf) = vpow2.f32 v4  }
0x239: {  	v5 =	vsub.f32 $0.0e+00, v5;
	v7 =	vsub.f32 v7, v8;
	v4 =	vld [tilespmem:s0+$0xBA80]  }
0x23a: {  	v15 =	vld [tilespmem:s0+$0xC480];
	(erf) = vpow2.f32 v6  }
0x23b: {  	v13 =	vld [tilespmem:s0+$0xBE80];
	v7 =	vmul.f32 v7, v5  }
0x23c: {  	v3 =	vld [tilespmem:s26+$0xCA80]  }
0x23d: {  	v10 =	vld [tilespmem:s0+$0xC280];
	v14 =	vadd.f32 $2.000000030e-01, v7  }
0x23e: {  	v8 =	vld [tilespmem:s0+$0xC080];
	v5 =	vmul.f32 $8.999999760e-01, v9;
	v9 =	vmul.f32 $1.442695020e+00, v4  }
0x23f: {  	v6 =	vld [tilespmem:s0+$0xC680];
	v4 =	vmul.f32 $8.999999760e-01, v11;
	v11 =	vmul.f32 $1.442695020e+00, v12  }
0x240: {  	v13 =	vmul.f32 $1.442695020e+00, v13;
	v7 =	vld [tilespmem:s0+$0xC880];
	v12 =	vmax.f32 v14, $0.0e+00;
	(erf) = vpow2.f32 v9;
	v16 =	vpop (erf)  }
0x241: {  	s28 =	simm.s32 $0x20;
	v3 =	vmul.f32 $8.999999760e-01, v3;
	v9 =	vld [tilespmem:s0+$0xCA80];
	[tilespmem:s26+$0xD480] =	vst v12;
	(erf) = vpow2.f32 v11;
	v14 =	vpop (erf)  }
0x242: {  	s29 =	simm.s32 $0xC0;
	v11 =	vsub.f32 $0.0e+00, v15;
	v12 =	vld [tilespmem:s28+$0xBA80];
	v15 =	vmul.f32 $1.000000010e-01, v16;
	v16 =	vmul.f32 v14, v16  }
.LBB2_6:
0x243: {  	(erf) = vpow2.f32 v13;
	v13 =	vpop (erf)  }
0x244: {  	p0 =	sne.s32 s29, $0x7C0;
	v17 =	vld [tilespmem:s28+$0xBC80];
	v8 =	vsub.f32 v8, v10;
	v10 =	vmul.f32 $1.000000010e-01, v14;
	v18 =	vmul.f32 $1.000000010e-01, v13  }
0x245: {  	v14 =	vld [tilespmem:s28+$0xC480];
	v15 =	vadd.f32 v5, v15;
	v13 =	vmul.f32 v13, v16;
	v5 =	vmul.f32 $8.999999760e-01, v6  }
0x246: {  	v16 =	vld [tilespmem:s28+$0xBE80];
	v6 =	vmul.f32 v8, v11;
	v11 =	vadd.f32 v4, v10;
	v4 =	vmul.f32 $8.999999760e-01, v7  }
0x247: {  	v8 =	vld [tilespmem:s28+$0xC080];
	v18 =	vadd.f32 v3, v18;
	v3 =	vmul.f32 $8.999999760e-01, v9;
	[tilespmem:s26+$0xD280] =	vst v13;
	v9 =	vmul.f32 $1.442695020e+00, v12  }
.Ltmp4:
0x248: {  	v10 =	vld [tilespmem:s28+$0xC280];
	v12 =	vadd.f32 $2.000000030e-01, v6;
	[tilespmem:s26+$0xCC80] =	vst v15;
	(pc) =	sbr.rel @p0 .LBB2_6-.Ltmp4, $4  }
0x249: {  	v15 =	vmul.f32 $1.442695020e+00, v17;
	v6 =	vld [tilespmem:s28+$0xC680];
	[tilespmem:s26+$0xCE80] =	vst v11  }
0x24a: {  	v7 =	vld [tilespmem:s28+$0xC880];
	v11 =	vsub.f32 $0.0e+00, v14;
	(erf) = vpow2.f32 v9;
	v12 =	vmax.f32 v12, $0.0e+00;
	v17 =	vpop (erf);
	[tilespmem:s26+$0xD080] =	vst v18;
	s26 =	smov.u32 s0;
	s0 =	smov.u32 s28  }
0x24b: {  	s28 =	sshra.s32 s29, $0x2;
	v13 =	vmul.f32 $1.442695020e+00, v16;
	v9 =	vld [tilespmem:s0+$0xCA80];
	(erf) = vpow2.f32 v15;
	[tilespmem:s26+$0xD480] =	vst v12;
	v14 =	vpop (erf)  }
0x24c: {  	s29 =	sadd.s32 $0x40, s29;
	v15 =	vmul.f32 $1.000000010e-01, v17;
	v12 =	vld [tilespmem:s28+$0xBA80];
	v16 =	vmul.f32 v14, v17  }
0x24d: {  	v17 =	vld [tilespmem:s28+$0xBC80];
	_ =	sdelay $0x1  }
0x24e: {  	v18 =	vld [tilespmem:s28+$0xBE80]  }
0x24f: {  	(erf) = vpow2.f32 v13;
	v39 =	vpop (erf)  }
0x250: {  	v16 =	vmul.f32 v39, v16;
	v12 =	vmul.f32 $1.442695020e+00, v12  }
0x251: {  	v19 =	vld [tilespmem:s28+$0xC480];
	v14 =	vmul.f32 $1.000000010e-01, v14;
	v8 =	vsub.f32 v8, v10;
	v17 =	vmul.f32 $1.442695020e+00, v17  }
0x252: {  	v40 =	vld [tilespmem:s28+$0xC080];
	v5 =	vadd.f32 v5, v15;
	v13 =	vmul.f32 $1.000000010e-01, v39;
	[tilespmem:s26+$0xD280] =	vst v16;
	(erf) = vpow2.f32 v12  }
0x253: {  	v4 =	vadd.f32 v4, v14;
	v42 =	vld [tilespmem:s28+$0xC280];
	v41 =	vmul.f32 $1.442695020e+00, v18;
	(erf) = vpow2.f32 v17  }
0x254: {  	v8 =	vmul.f32 v8, v11;
	[tilespmem:s26+$0xCC80] =	vst v5  }
0x255: {  	v6 =	vmul.f32 $8.999999760e-01, v6;
	v3 =	vadd.f32 v3, v13;
	v44 =	vld [tilespmem:s28+$0xC680];
	[tilespmem:s26+$0xCE80] =	vst v4;
	v43 =	vpop (erf);
	(erf) = vpow2.f32 v41  }
0x256: {  	v7 =	vmul.f32 $8.999999760e-01, v7;
	v46 =	vmul.f32 $8.999999760e-01, v9;
	v8 =	vadd.f32 $2.000000030e-01, v8;
	v47 =	vld [tilespmem:s28+$0xC880];
	v45 =	vpop (erf)  }
0x257: {  	[tilespmem:s26+$0xD080] =	vst v3;
	v3 =	vmul.f32 $1.000000010e-01, v43;
	v48 =	vmul.f32 v45, v43  }
0x258: {  	v49 =	vsub.f32 $0.0e+00, v19;
	v8 =	vmax.f32 v8, $0.0e+00;
	v52 =	vld [tilespmem:s28+$0xCA80];
	v50 =	vsub.f32 v40, v42;
	v51 =	vpop (erf)  }
0x259: {  	v14 =	vmul.f32 $1.000000010e-01, v45;
	v3 =	vadd.f32 v6, v3;
	v13 =	vmul.f32 v51, v48  }
0x25a: {  	[tilespmem:s0+$0xD480] =	vst v8;
	v53 =	vmul.f32 $1.000000010e-01, v51;
	v5 =	vmul.f32 v50, v49  }
0x25b: {  	v55 =	vmul.f32 $8.999999760e-01, v44;
	v7 =	vadd.f32 v7, v14;
	[tilespmem:s0+$0xCC80] =	vst v3;
	v57 =	vmul.f32 $8.999999760e-01, v47;
	v54 =	vpop (erf)  }
0x25c: {  	[tilespmem:s0+$0xD280] =	vst v13;
	v4 =	vadd.f32 v46, v53;
	v5 =	vadd.f32 $2.000000030e-01, v5;
	v56 =	vpop (erf);
	v58 =	vmul.f32 $1.000000010e-01, v54  }
0x25d: {  	[tilespmem:s0+$0xCE80] =	vst v7;
	v61 =	vmul.f32 $8.999999760e-01, v52;
	v3 =	vmul.f32 v56, v54  }
0x25e: {  	[tilespmem:s0+$0xD080] =	vst v4;
	v5 =	vmax.f32 v5, $0.0e+00;
	v59 =	vpop (erf);
	v60 =	vmul.f32 $1.000000010e-01, v56;
	v62 =	vadd.f32 v55, v58  }
0x25f: {  	[tilespmem:s28+$0xD480] =	vst v5;
	v63 =	vmul.f32 $1.000000010e-01, v59;
	v3 =	vmul.f32 v59, v3  }
0x260: {  	v4 =	vadd.f32 v57, v60;
	[tilespmem:s28+$0xCC80] =	vst v62  }
0x261: {  	[tilespmem:s28+$0xD280] =	vst v3;
	v3 =	vadd.f32 v61, v63  }
0x262: {  	[tilespmem:s28+$0xCE80] =	vst v4  }
0x263: {  	s26 =	simm.s32 $0xCC80;
	[tilespmem:s28+$0xD080] =	vst v3  }
0x264: {  	[hbm4b:s18+s6] =	stream.linear.scatter [tilespmem:s26], [sflag:$0x1], $0x200, $0x38;
	[tilespmem:$0xD680] =	vst v63  }
0x265: {  	s28 =	simm.s32 $0xCE80  }
0x266: {  	[hbm4b:s19+s6] =	stream.linear.scatter [tilespmem:s28], [sflag:$0x1], $0x200, $0x38;
	[tilespmem:$0xD680] =	vst v63  }
0x267: {  	s29 =	simm.s32 $0xD080  }
0x268: {  	[hbm4b:s20+s6] =	stream.linear.scatter [tilespmem:s29], [sflag:$0x1], $0x200, $0x38;
	[tilespmem:$0xD680] =	vst v63  }
0x269: {  	_ = 	snop  }
0x26a: {  	[hbm4b:s21+s6] =	stream.linear.scatter [tilespmem:s30], [sflag:$0x1], $0x200, $0x38;
	[tilespmem:$0xD680] =	vst v63  }
0x26b: {  	_ = 	snop  }
0x26c: {  	[hbm4b:s22+s6] =	stream.linear.scatter [tilespmem:s1], [sflag:$0x1], $0x200, $0x38;
	[tilespmem:$0xD680] =	vst v63  }
0x26d: {  	_ =	swait.ge [sflag:s25], $0x7A20  }
0x26e: {  	[sflag:s25] =	ssyncset.done $0x0  }
0x26f: {  	[sflag:s25] =	ssyncadd.s32 $0xFFFF85E0  }
0x270: {  	_ =	swait.ge [sflag:s25], $0x200  }
0x271: {  	[sflag:s25] =	ssyncset.done $0x0  }
0x272: {  	[sflag:s25] =	ssyncadd.s32 $0xFFFFFE00  }
0x273: {  	_ =	swait.ge [sflag:s25], $0x200  }
0x274: {  	[sflag:s25] =	ssyncset.done $0x0  }
0x275: {  	[sflag:s25] =	ssyncadd.s32 $0xFFFFFE00  }
0x276: {  	_ =	swait.ge [sflag:s25], $0x200  }
0x277: {  	[sflag:s25] =	ssyncset.done $0x0  }
0x278: {  	s5 =	sadd.s32 $0x1, s5;
	[sflag:s25] =	ssyncadd.s32 $0xFFFFFE00  }
0x279: {  	p0 =	sne.s32 s5, s23;
	_ =	swait.ge [sflag:s25], $0x200  }
.Ltmp5:
0x27a: {  	[sflag:s25] =	ssyncset.done $0x0;
	(pc) =	sbr.rel @p0 .LBB2_1-.Ltmp5, $4  }
0x27b: {  	[sflag:s25] =	ssyncadd.s32 $0xFFFFFE00  }
0x27c: {  	_ =	swait.ge [sflag:s25], $0x200  }
0x27d: {  	[sflag:s25] =	ssyncset.done $0x0  }
0x27e: {  	[sflag:s25] =	ssyncadd.s32 $0xFFFFFE00  }
0x27f: {  	_ =	sfence.sel $0x180000  }
0x280: {  	[bflag:$0x0] =	sbarrier.arrive $0xFFFF  }
0x281: {  	_ =	strace $0x90000047  }
0x282: {  	s0 =	stileid.u32;
	[bflag:$0x2] =	sbarrier.arrive $0xFFFF  }
0x283: {  	p0 =	sne.s32 s0, $0x0;
	s0 =	rddreg [dreg:$0xd]  }
0x284: {  	s0 =	sadd.s32 @!p0 $0x100000, s0  }
0x285: {  	[sflag:s0] =	ssyncadd.tile.s32 @!p0 $0x1;
	_ =	shalt  }
.Lfunc_end2:
_tile_overlayer_lowered:
.L_overlay_start_2:
0x286: {  	(tag) =	ssettag $0x2  }
0x287: {  	s0 =	rddreg [dreg:$0x0];
	s2 =	stileid.u32  }
0x288: {  	s1 =	rddreg [dreg:$0x1];
	p0 =	sne.s32 s2, $0x0  }
0x289: {  	s3 =	rddreg [dreg:$0x2];
	[bflag:$0x3] =	sbarrier.arrive $0xFFFF;
	s2 =	simm.s32 @!p0 $0x1C02  }
0x28a: {  	[timem:s3], [sflag:s2] =	dma.local @!p0 [hbm:s0], s1  }
0x28b: {  	s0 =	simm.s32 @!p0 $0x2  }
0x28c: {  	_ =	swait.ge @!p0 [sflag:s0], s1  }
0x28d: {  	s1 =	ssub.s32 @!p0 $0x0, s1;
	[sflag:s0] =	ssyncset.done @!p0 $0x0  }
0x28e: {  	[sflag:s0] =	ssyncadd.s32 @!p0 s1  }
0x28f: {  	[bflag:$0x3] =	sbarrier.arrive $0xFFFF  }
0x290: {  	_ =	shalt  }

// kernel: kernel.8.cloned.1.call-start
scs
__scs_entry_jumppad:
0x0: {  	(pc) =	sbr.rel $0x88, $3  }
0x1: {  	(tag) =	ssettag $0x0;
	lr =	simm.s32 $0x1  }
0x2: {  	[smem:$0x3F95] =	sst lr;
	_ =	strace $0xD0000000  }
0x3: {  	_ = 	snop  }
0x4: {  	_ = 	snop  }
0x5: {  	_ = 	snop  }
0x6: {  	_ = 	snop  }
0x7: {  	_ = 	snop  }
__scs_overlays_trampoline_lowered:
0x8: {  	[smem:$0x3FA4] =	sst s0  }
0x9: {  	[smem:$0x3FA5] =	sst s1  }
0xa: {  	[smem:$0x3FA6] =	sst s2  }
0xb: {  	[smem:$0x3FA7] =	sst s3  }
0xc: {  	[smem:$0x3FA8] =	sst s4  }
0xd: {  	[smem:$0x3FA9] =	sst s5  }
0xe: {  	[smem:$0x3FAA] =	sst s6  }
0xf: {  	[smem:$0x3FAB] =	sst s7  }
0x10: {  	[smem:$0x3FAC] =	sst s8  }
0x11: {  	[smem:$0x3FAD] =	sst s9;
	s0 =	simm.s32 @!p0 $0x0  }
0x12: {  	s1 =	sld [smem:$0x3F93];
	s0 =	simm.s32 @p0 $0x1  }
0x13: {  	[smem:$0x3FAE] =	sst s0;
	s0 =	simm.s32 @!p1 $0x0  }
0x14: {  	s2 =	sld [smem:$0x3F92];
	s0 =	simm.s32 @p1 $0x1  }
0x15: {  	[smem:$0x3FAF] =	sst s0;
	s0 =	simm.s32 @!p2 $0x0  }
0x16: {  	s3 =	sld [smem:$0x3FDB];
	s0 =	simm.s32 @p2 $0x1  }
0x17: {  	s4 =	simm.s32 $0x1BF5;
	[smem:$0x3FB1] =	sst s0  }
0x18: {  	s0 =	sld [smem:$0x3F94];
	_ =	swait.ge [sflag:s4], $0x0  }
0x19: {  	s7 =	sld [smem:$0x3F95]  }
0x1a: {  	s8 =	sadd.s32 $0xFFFFE003, lr  }
0x1b: {  	s9 =	sadd.s32 $0xFFFFFEF7, lr;
	s5 =	simm.s32 $0xFFFFFFFF;
	p2 =	slt.u32 s8, $0xFFFFF086  }
0x1c: {  	p1 =	slt.u32 s9, $0xF7A;
	s5 =	simm.s32 @!p2 $0x0  }
0x1d: {  	s5 =	simm.s32 @p1 $0x1;
	p0 =	seq.s32 s7, s2  }
0x1e: {  	s7 =	smul.u32 @!p0 $0xF7A, s2;
	p2 =	seq.s32 @!p0 s5, $0x0  }
0x1f: {  	s9 =	smul.u32 $0xF7A, s1;
	s8 =	simm.s32 @!p0 $0x1BF5;
	p2 =	por !p2, p0  }
0x20: {  	[sflag:s8] =	ssyncset.s32 @!p0 $0xFFFFF086;
	s6 =	sadd.s32 @!p0 s3, s7;
	s7 =	simm.s32 @!p0 $0x108  }
0x21: {  	s3 =	sadd.s32 s3, s9;
	s6 =	sadd.s32 @!p0 $0x88, s6;
	s7 =	simm.s32 @p2 $0x1082  }
0x22: {  	[simem:s7], [sflag:s8] =	dma.local @!p0 [hbm:s6], $0xF7A  }
0x23: {  	s9 =	sor.u32 $0xD0000000, s2;
	s6 =	simm.s32 $0x108;
	_ =	swait.ge @!p0 [sflag:s8], $0x0  }
0x24: {  	s3 =	sadd.s32 $0x88, s3;
	s6 =	simm.s32 @!p1 $0x1082;
	[sflag:s4] =	ssyncset.s32 $0xFFFFF086  }
0x25: {  	[simem:s6], [sflag:s4] =	dma.local [hbm:s3], $0xF7A  }
0x26: {  	[smem:$0x3F95] =	sst s1;
	(tag) =	ssettag s2;
	_ =	strace s9  }
0x27: {  	s1 =	sld [smem:$0x3FA5]  }
0x28: {  	s2 =	sld [smem:$0x3FA6]  }
0x29: {  	s4 =	sld [smem:$0x3FA8]  }
0x2a: {  	p0 =	seq.s32 s5, $0x0;
	s5 =	sld [smem:$0x3FA9]  }
0x2b: {  	s6 =	sld [smem:$0x3FAA]  }
0x2c: {  	s7 =	sld [smem:$0x3FAB]  }
0x2d: {  	s3 =	simm.s32 $0x108;
	s8 =	sld [smem:$0x3FAC]  }
0x2e: {  	s3 =	simm.s32 @!p0 $0x1082;
	s9 =	sld [smem:$0x3FAD]  }
0x2f: {  	lr =	sadd.s32 s0, s3;
	s0 =	sld [smem:$0x3FA4]  }
0x30: {  	s3 =	sld [smem:$0x3FA7]  }
0x31: {  	[smem:$0x3FB0] =	sst s10  }
0x32: {  	s10 =	sld [smem:$0x3FAE];
	_ =	sdelay $0x3  }
0x33: {  	p0 =	seq.s32 s10, $0x1;
	s10 =	sld [smem:$0x3FB0];
	_ =	sdelay $0x3  }
0x34: {  	[smem:$0x3FB0] =	sst s10  }
0x35: {  	s10 =	sld [smem:$0x3FAF];
	_ =	sdelay $0x3  }
0x36: {  	p1 =	seq.s32 s10, $0x1;
	s10 =	sld [smem:$0x3FB0];
	_ =	sdelay $0x3  }
0x37: {  	[smem:$0x3FB0] =	sst s10  }
0x38: {  	s10 =	sld [smem:$0x3FB1]  }
0x39: {  	_ = 	snop;
	(pc) =	sbr.ind lr, $3  }
0x3a: {  	_ = 	snop  }
0x3b: {  	_ = 	snop  }
0x3c: {  	p2 =	seq.s32 s10, $0x1;
	s10 =	sld [smem:$0x3FB0]  }
0x3d: {  	_ =	shalt  }
0x3e: {  	_ =	shalt  }
0x3f: {  	_ =	shalt  }
0x40: {  	_ =	shalt  }
0x41: {  	_ =	shalt  }
0x42: {  	_ =	shalt  }
0x43: {  	_ =	shalt  }
0x44: {  	_ =	shalt  }
0x45: {  	_ =	shalt  }
0x46: {  	_ =	shalt  }
0x47: {  	_ =	shalt  }
0x48: {  	_ =	shalt  }
0x49: {  	_ =	shalt  }
0x4a: {  	_ =	shalt  }
0x4b: {  	_ =	shalt  }
0x4c: {  	_ =	shalt  }
0x4d: {  	_ =	shalt  }
0x4e: {  	_ =	shalt  }
0x4f: {  	_ =	shalt  }
0x50: {  	_ =	shalt  }
0x51: {  	_ =	shalt  }
0x52: {  	_ =	shalt  }
0x53: {  	_ =	shalt  }
0x54: {  	_ =	shalt  }
0x55: {  	_ =	shalt  }
0x56: {  	_ =	shalt  }
0x57: {  	_ =	shalt  }
0x58: {  	_ =	shalt  }
0x59: {  	_ =	shalt  }
0x5a: {  	_ =	shalt  }
0x5b: {  	_ =	shalt  }
0x5c: {  	_ =	shalt  }
0x5d: {  	_ =	shalt  }
0x5e: {  	_ =	shalt  }
0x5f: {  	_ =	shalt  }
0x60: {  	_ =	shalt  }
0x61: {  	_ =	shalt  }
0x62: {  	_ =	shalt  }
0x63: {  	_ =	shalt  }
0x64: {  	_ =	shalt  }
0x65: {  	_ =	shalt  }
0x66: {  	_ =	shalt  }
0x67: {  	_ =	shalt  }
0x68: {  	_ =	shalt  }
0x69: {  	_ =	shalt  }
0x6a: {  	_ =	shalt  }
0x6b: {  	_ =	shalt  }
0x6c: {  	_ =	shalt  }
0x6d: {  	_ =	shalt  }
0x6e: {  	_ =	shalt  }
0x6f: {  	_ =	shalt  }
0x70: {  	_ =	shalt  }
0x71: {  	_ =	shalt  }
0x72: {  	_ =	shalt  }
0x73: {  	_ =	shalt  }
0x74: {  	_ =	shalt  }
0x75: {  	_ =	shalt  }
0x76: {  	_ =	shalt  }
0x77: {  	_ =	shalt  }
0x78: {  	_ =	shalt  }
0x79: {  	_ =	shalt  }
0x7a: {  	_ =	shalt  }
0x7b: {  	_ =	shalt  }
0x7c: {  	_ =	shalt  }
0x7d: {  	_ =	shalt  }
0x7e: {  	_ =	shalt  }
0x7f: {  	_ =	shalt  }
0x80: {  	_ =	shalt  }
0x81: {  	_ =	shalt  }
0x82: {  	_ =	shalt  }
0x83: {  	_ =	shalt  }
0x84: {  	_ =	shalt  }
0x85: {  	_ =	shalt  }
0x86: {  	_ =	shalt  }
0x87: {  	_ =	shalt  }
.Lfunc_end0:
.L_simem_size_0:
called_computation.1_lowered:
.L_overlay_start_0:
0x88: {  	s2 =	sld [smem:$0x3FD9]  }
0x89: {  	s3 =	sld [smem:$0x3FFE];
	_ =	sdelay $0x1  }
0x8a: {  	s1 =	srdreg.scid  }
0x8b: {  	s0 =	sand.u32 $0x1, s1  }
0x8c: {  	s14 =	sshll.u32 s0, $0xA;
	s2 =	sadd.s32 s3, s2  }
0x8d: {  	s2 =	sadd.s32 s2, s14  }
0x8e: {  	[smem:$0x3FBC] =	sst s2  }
0x8f: {  	_ = 	snop  }
0x90: {  	s2 =	sld [smem:$0x3FD0]  }
0x91: {  	s15 =	sld [smem:$0x3FC3]  }
0x92: {  	s4 =	sld [smem:$0x3FBF]  }
0x93: {  	s6 =	simm.s32 $0xA;
	s7 =	simm.s32 $0x10;
	s5 =	sld [smem:$0x3FBE]  }
0x94: {  	[smem:s7], [sflag:s6] =	dma.local [hbm:s2], $0x1  }
0x95: {  	_ =	swait.eq [sflag:s6], $0x1  }
0x96: {  	s16 =	sld [smem:$0x11];
	[sflag:s6] =	ssyncset.done $0x0  }
0x97: {  	s17 =	sld [smem:$0x12];
	[sflag:s6] =	ssyncadd.s32 $0xFFFFFFFF  }
0x98: {  	s18 =	sld [smem:$0x13];
	(tm) =	ssettm $0x1  }
0x99: {  	s8 =	sld [smem:$0x3FFB];
	_ =	sdelay $0x3  }
0x9a: {  	_ =	strace s8  }
0x9b: {  	s8 =	sld [smem:$0x3FFC];
	_ =	sdelay $0x3  }
0x9c: {  	_ =	strace s8  }
0x9d: {  	s8 =	sld [smem:$0x3FFD];
	_ =	sdelay $0x3  }
0x9e: {  	_ =	strace s8  }
0x9f: {  	_ =	strace $0x8FFFFFFF  }
0xa0: {  	s19 =	sld [smem:$0x3FDB];
	_ =	sdelay $0x1  }
0xa1: {  	s9 =	simm.s32 $_scs_section_size  }
0xa2: {  	s10 =	simm.s32 $_size__tile_overlayer_lowered;
	s11 =	simm.s32 $_tile_overlayer_lowered  }
0xa3: {  	s22 =	simm.s32 $0x1BFF;
	s21 =	sshll.u32 s11, $0x1;
	s8 =	sadd.s32 s9, s19  }
0xa4: {  	s12 =	simm.s32 $0x0;
	s20 =	sshll.u32 s10, $0x1;
	s10 =	sadd.s32 s21, s8  }
0xa5: {  	[timem:s12], [sflag:s22] =	dma.local [hbm:s10], s20  }
0xa6: {  	_ =	swait.ge [sflag:s22], s20  }
0xa7: {  	s9 =	ssub.s32 $0x0, s20;
	[sflag:s22] =	ssyncset.done $0x0  }
0xa8: {  	[sflag:s22] =	ssyncadd.s32 s9;
	_ =	sdelay $0x1  }
0xa9: {  	s23 =	simm.s32 $0x1B8B  }
0xaa: {  	_ =	swait.ge [sflag:s23], $0x1  }
0xab: {  	[sflag:s23] =	ssyncset.done $0x0  }
0xac: {  	s25 =	simm.s32 $0x1B8E;
	s24 =	sld [smem:$0x3FFE];
	[sflag:s23] =	ssyncadd.s32 $0xFFFFFFFF  }
0xad: {  	s26 =	simm.s32 $execute0_lowered;
	[smem:$0x3FD2] =	sst s25  }
0xae: {  	s10 =	sshll.u32 s26, $0x1;
	_ =	strace $0x80000049;
	[dreg:$0x1] =	wrdreg $0xFFFFFFFF  }
0xaf: {  	s28 =	simm.s32 $_size_execute0_lowered;
	s8 =	sadd.s32 s8, s10;
	[dreg:$0x0] =	wrdreg $0x0  }
0xb0: {  	s10 =	sshll.u32 s28, $0x1;
	[dreg:$0x2] =	wrdreg s8  }
0xb1: {  	[dreg:$0x3] =	wrdreg s10  }
0xb2: {  	[dreg:$0x4] =	wrdreg $0xC0  }
0xb3: {  	_ =	task [dreg:s12], $0x5FFFF  }
0xb4: {  	[dreg:$0x1] =	wrdreg $0xFFFFFFFF  }
0xb5: {  	[dreg:$0x0] =	wrdreg $0x60  }
0xb6: {  	[dreg:$0x2] =	wrdreg s15  }
0xb7: {  	[dreg:$0x3] =	wrdreg s24  }
0xb8: {  	[dreg:$0x4] =	wrdreg s17  }
0xb9: {  	[dreg:$0x5] =	wrdreg s18  }
0xba: {  	[dreg:$0x6] =	wrdreg s4  }
0xbb: {  	[dreg:$0x7] =	wrdreg s5  }
0xbc: {  	[dreg:$0x8] =	wrdreg s16  }
0xbd: {  	[dreg:$0x9] =	wrdreg $0x9  }
0xbe: {  	_ =	task.clear_ibuf [dreg:s12], $0xAFFFF;
	_ =	strace $0x90000049  }
0xbf: {  	s29 =	simm.s32 $0x9;
	_ =	strace $0x8000004B  }
0xc0: {  	_ =	swait.ge [sflag:s29], $0x1  }
0xc1: {  	[sflag:s29] =	ssyncadd.s32 $0xFFFFFFFF  }
0xc2: {  	_ =	strace $0x9000004B  }
0xc3: {  	_ =	sfence  }
0xc4: {  	s30 =	sld [smem:$0x0];
	_ =	sdelay $0x2  }
0xc5: {  	s31 =	sshll.u32 s1, $0xD;
	s1 =	sshrl.u32 s1, $0x2  }
0xc6: {  	s3 =	sand.u32 $0x4000, s31;
	s1 =	sadd.s32 s1, s30  }
0xc7: {  	s0 =	sor.u32 s3, s0;
	s1 =	sshll.u32 s1, $0x11  }
0xc8: {  	s0 =	sor.u32 s1, s0  }
0xc9: {  	s0 =	sadd.s32 $0x8F2B, s0  }
0xca: {  	[sflag:s0] =	ssyncadd.remote.s32 $0x1  }
0xcb: {  	_ =	sfence.sel $0xFFFF  }
0xcc: {  	[dreg:$0x0] =	wrdreg $0xFFFFFFFF;
	(pc) =	sbr.abs _section_cstart, $3  }
0xcd: {  	[dreg:$0x1] =	wrdreg $0xFFFFFFFF  }
0xce: {  	_ =	task.clear_ibuf [dreg:s12], $0x2FFFF;
	_ =	strace $0x9FFFFFFF  }
0xcf: {  	(tm) =	ssettm $0x7FFFFFFF  }
tec
execute0_lowered:
.L_overlay_start_1:
0x0: {  	(tag) =	ssettag $0x1  }
0x1: {  	s0 =	rddreg [dreg:$0x0]  }
0x2: {  	s5 =	rddreg [dreg:$0x1]  }
0x3: {  	s1 =	rddreg [dreg:$0x2]  }
0x4: {  	s2 =	rddreg [dreg:$0x3]  }
0x5: {  	s3 =	rddreg [dreg:$0x4]  }
0x6: {  	s4 =	rddreg [dreg:$0x5]  }
0x7: {  	s12 =	rddreg [dreg:$0x6];
	s6 =	simm.s32 $0x0;
	s7 =	srdreg.scid  }
0x8: {  	s8 =	stileid.u32;
	s29 =	simm.s32 $0x1;
	s30 =	simm.s32 $0x200  }
0x9: {  	s31 =	simm.s32 $0x280;
	s28 =	simm.s32 $0x2;
	[smem:$0x7FF] =	sst s6  }
0xa: {  	s11 =	sand.u32 $0x1, s7;
	s9 =	sshll.u32 s8, $0x1;
	s7 =	sadd.s32 $0x2200, s5  }
0xb: {  	s8 =	sadd.s32 $0x2A00, s5;
	s10 =	sadd.s32 $0x1A00, s5;
	_ =	strace $0x8000004A  }
0xc: {  	s13 =	sor.u32 s11, s9;
	s9 =	sadd.s32 $0x1200, s5;
	s16 =	ssub.s32 $0x2, s11  }
0xd: {  	s14 =	sshll.u32 s13, $0x6;
	s13 =	sshll.u32 s13, $0x4;
	s26 =	sshrl.u32 s16, $0x1  }
0xe: {  	s15 =	sadd.s32 s14, s5;
	s5 =	sadd.s32 s13, s5;
	s11 =	sadd.s32 s0, s14  }
0xf: {  	s17 =	ssub.s32 s16, s26;
	s25 =	sadd.s32 s7, s14;
	s26 =	sadd.s32 s8, s14  }
0x10: {  	s12 =	sadd.s32 s12, s14;
	s0 =	simm.s32 $0x300;
	[dreg:$0xb] =	wrdreg s25  }
0x11: {  	s22 =	sadd.s32 $0x10, s11;
	s23 =	sadd.s32 $0x20, s11;
	[dreg:$0xc] =	wrdreg s26  }
0x12: {  	s24 =	sadd.s32 $0x30, s11;
	[dreg:$0xd] =	wrdreg s12;
	s18 =	sadd.s32 $0x3600, s15  }
0x13: {  	s19 =	sadd.s32 $0x3E00, s15;
	s20 =	sadd.s32 $0x3400, s5;
	[dreg:$0x8] =	wrdreg s22  }
0x14: {  	s21 =	sadd.s32 $0x3200, s5;
	s25 =	simm.s32 $0x180;
	[dreg:$0x9] =	wrdreg s23  }
0x15: {  	s5 =	simm.s32 $0x380;
	s26 =	simm.s32 $0x0;
	[dreg:$0xa] =	wrdreg s24  }
0x16: {  	s22 =	smax.u32 s17, $0x1;
	s23 =	simm.s32 $0x80;
	s24 =	simm.s32 $0x100  }
.LBB2_1:
0x17: {  	[tilespmem:s6], [sflag:$0x1] =	stream.linear.gather [hbm4b:s11+s6], $0x80, $0x38;
	[tilespmem:$0x1D00] =	vst v63  }
0x18: {  	s12 =	rddreg [dreg:$0x8]  }
0x19: {  	[tilespmem:s23], [sflag:$0x1] =	stream.linear.gather [hbm4b:s12+s6], $0x80, $0x38;
	[tilespmem:$0x1D00] =	vst v63  }
0x1a: {  	s15 =	rddreg [dreg:$0x9]  }
0x1b: {  	[tilespmem:s24], [sflag:$0x1] =	stream.linear.gather [hbm4b:s15+s6], $0x80, $0x38;
	[tilespmem:$0x1D00] =	vst v63  }
0x1c: {  	s16 =	rddreg [dreg:$0xa]  }
0x1d: {  	[tilespmem:s25], [sflag:$0x1] =	stream.linear.gather [hbm4b:s16+s6], $0x80, $0x38;
	[tilespmem:$0x1D00] =	vst v63  }
0x1e: {  	s17 =	rddreg [dreg:$0xb];
	s13 =	simm.s32 $0x400  }
0x1f: {  	[tilespmem:s13], [sflag:$0x1] =	stream.linear.gather [hbm4b:s17+s6], $0x200, $0x38;
	[tilespmem:$0x1D00] =	vst v63  }
0x20: {  	s14 =	simm.s32 $0x600;
	s13 =	rddreg [dreg:$0xc]  }
0x21: {  	[tilespmem:s14], [sflag:$0x1] =	stream.linear.gather [hbm4b:s13+s6], $0x200, $0x38;
	[tilespmem:$0x1D00] =	vst v63  }
0x22: {  	_ =	swait.ge [sflag:s29], $0x80  }
0x23: {  	[sflag:s29] =	ssyncset.done $0x0  }
0x24: {  	[sflag:s29] =	ssyncadd.s32 $0xFFFFFF80  }
0x25: {  	_ =	swait.ge [sflag:s29], $0x80  }
0x26: {  	[sflag:s29] =	ssyncset.done $0x0  }
0x27: {  	[sflag:s29] =	ssyncadd.s32 $0xFFFFFF80  }
0x28: {  	_ =	swait.ge [sflag:s29], $0x80  }
0x29: {  	[sflag:s29] =	ssyncset.done $0x0  }
0x2a: {  	[sflag:s29] =	ssyncadd.s32 $0xFFFFFF80  }
0x2b: {  	_ =	swait.ge [sflag:s29], $0x80  }
0x2c: {  	[sflag:s29] =	ssyncset.done $0x0  }
0x2d: {  	[sflag:s29] =	ssyncadd.s32 $0xFFFFFF80  }
0x2e: {  	_ =	swait.ge [sflag:s29], $0x200  }
0x2f: {  	[sflag:s29] =	ssyncset.done $0x0  }
0x30: {  	[sflag:s29] =	ssyncadd.s32 $0xFFFFFE00  }
0x31: {  	_ =	swait.ge [sflag:s29], $0x200  }
0x32: {  	[sflag:s29] =	ssyncset.done $0x0  }
0x33: {  	[sflag:s29] =	ssyncadd.s32 $0xFFFFFE00  }
0x34: {  	[tilespmem:s30], [sflag:$0x1] =	stream.indirect.gather [hbm4b:s2+s23], $0x1, s6, s23, $0xb8;
	[tilespmem:$0x1D00] =	vst v63  }
0x35: {  	_ = 	snop  }
0x36: {  	[tilespmem:s31], [sflag:$0x1] =	stream.indirect.gather [hbm4b:s2+s23], $0x1, s23, s23, $0xb8;
	[tilespmem:$0x1D00] =	vst v63  }
0x37: {  	_ = 	snop  }
0x38: {  	[tilespmem:s0], [sflag:$0x1] =	stream.indirect.gather [hbm4b:s2+s23], $0x1, s24, s23, $0xb8;
	[tilespmem:$0x1D00] =	vst v63  }
0x39: {  	_ = 	snop  }
0x3a: {  	[tilespmem:s5], [sflag:$0x1] =	stream.indirect.gather [hbm4b:s2+s23], $0x1, s25, s23, $0xb8;
	[tilespmem:$0x1D00] =	vst v63  }
0x3b: {  	_ =	swait.ge [sflag:s29], $0x80  }
0x3c: {  	[sflag:s29] =	ssyncset.done $0x0  }
0x3d: {  	[sflag:s29] =	ssyncadd.s32 $0xFFFFFF80  }
0x3e: {  	_ =	swait.ge [sflag:s29], $0x80  }
0x3f: {  	[sflag:s29] =	ssyncset.done $0x0  }
0x40: {  	[sflag:s29] =	ssyncadd.s32 $0xFFFFFF80  }
0x41: {  	_ =	swait.ge [sflag:s29], $0x80  }
0x42: {  	[sflag:s29] =	ssyncset.done $0x0  }
0x43: {  	[sflag:s29] =	ssyncadd.s32 $0xFFFFFF80  }
0x44: {  	_ =	swait.ge [sflag:s29], $0x80  }
0x45: {  	[sflag:s29] =	ssyncset.done $0x0  }
0x46: {  	s15 =	simm.s32 $0x800;
	[sflag:s29] =	ssyncadd.s32 $0xFFFFFF80  }
0x47: {  	[tilespmem:s15], [sflag:$0x1] =	stream.indirect.gather [hbm4b:s1+s23], $0x1, s30, s23, $0xb8;
	[tilespmem:$0x1D00] =	vst v63  }
0x48: {  	s16 =	simm.s32 $0xA00  }
0x49: {  	[tilespmem:s16], [sflag:$0x1] =	stream.indirect.gather [hbm4b:s9+s23], $0x1, s30, s23, $0xb8;
	[tilespmem:$0x1D00] =	vst v63  }
0x4a: {  	s17 =	simm.s32 $0xC00  }
0x4b: {  	[tilespmem:s17], [sflag:$0x1] =	stream.indirect.gather [hbm4b:s10+s23], $0x1, s30, s23, $0xb8;
	[tilespmem:$0x1D00] =	vst v63  }
0x4c: {  	s13 =	simm.s32 $0xE00  }
0x4d: {  	[tilespmem:s13], [sflag:$0x1] =	stream.indirect.gather [hbm4b:s7+s23], $0x1, s30, s23, $0xb8;
	[tilespmem:$0x1D00] =	vst v63  }
0x4e: {  	s14 =	simm.s32 $0x1000  }
0x4f: {  	[tilespmem:s14], [sflag:$0x1] =	stream.indirect.gather [hbm4b:s8+s23], $0x1, s30, s23, $0xb8;
	[tilespmem:$0x1D00] =	vst v63  }
0x50: {  	s15 =	simm.s32 $0x1200  }
0x51: {  	[tilespmem:s15], [sflag:$0x1] =	stream.indirect.gather [hbm4b:s3+s23], $0x1, s6, s23, $0xb8;
	[tilespmem:$0x1D00] =	vst v63  }
0x52: {  	s16 =	simm.s32 $0x1400  }
0x53: {  	[tilespmem:s16], [sflag:$0x1] =	stream.indirect.gather [hbm4b:s4+s23], $0x1, s6, s23, $0xb8;
	[tilespmem:$0x1D00] =	vst v63  }
0x54: {  	s17 =	simm.s32 $0x880  }
0x55: {  	[tilespmem:s17], [sflag:$0x1] =	stream.indirect.gather [hbm4b:s1+s23], $0x1, s31, s23, $0xb8;
	[tilespmem:$0x1D00] =	vst v63  }
0x56: {  	s13 =	simm.s32 $0xA80  }
0x57: {  	[tilespmem:s13], [sflag:$0x1] =	stream.indirect.gather [hbm4b:s9+s23], $0x1, s31, s23, $0xb8;
	[tilespmem:$0x1D00] =	vst v63  }
0x58: {  	s14 =	simm.s32 $0xC80  }
0x59: {  	[tilespmem:s14], [sflag:$0x1] =	stream.indirect.gather [hbm4b:s10+s23], $0x1, s31, s23, $0xb8;
	[tilespmem:$0x1D00] =	vst v63  }
0x5a: {  	s15 =	simm.s32 $0xE80  }
0x5b: {  	[tilespmem:s15], [sflag:$0x1] =	stream.indirect.gather [hbm4b:s7+s23], $0x1, s31, s23, $0xb8;
	[tilespmem:$0x1D00] =	vst v63  }
0x5c: {  	s16 =	simm.s32 $0x1080  }
0x5d: {  	[tilespmem:s16], [sflag:$0x1] =	stream.indirect.gather [hbm4b:s8+s23], $0x1, s31, s23, $0xb8;
	[tilespmem:$0x1D00] =	vst v63  }
0x5e: {  	s17 =	simm.s32 $0x1280  }
0x5f: {  	[tilespmem:s17], [sflag:$0x1] =	stream.indirect.gather [hbm4b:s3+s23], $0x1, s23, s23, $0xb8;
	[tilespmem:$0x1D00] =	vst v63  }
0x60: {  	s13 =	simm.s32 $0x1480  }
0x61: {  	[tilespmem:s13], [sflag:$0x1] =	stream.indirect.gather [hbm4b:s4+s23], $0x1, s23, s23, $0xb8;
	[tilespmem:$0x1D00] =	vst v63  }
0x62: {  	s14 =	simm.s32 $0x900  }
0x63: {  	[tilespmem:s14], [sflag:$0x1] =	stream.indirect.gather [hbm4b:s1+s23], $0x1, s0, s23, $0xb8;
	[tilespmem:$0x1D00] =	vst v63  }
0x64: {  	s15 =	simm.s32 $0xB00  }
0x65: {  	[tilespmem:s15], [sflag:$0x1] =	stream.indirect.gather [hbm4b:s9+s23], $0x1, s0, s23, $0xb8;
	[tilespmem:$0x1D00] =	vst v63  }
0x66: {  	s16 =	simm.s32 $0xD00  }
0x67: {  	[tilespmem:s16], [sflag:$0x1] =	stream.indirect.gather [hbm4b:s10+s23], $0x1, s0, s23, $0xb8;
	[tilespmem:$0x1D00] =	vst v63  }
0x68: {  	s17 =	simm.s32 $0xF00  }
0x69: {  	[tilespmem:s17], [sflag:$0x1] =	stream.indirect.gather [hbm4b:s7+s23], $0x1, s0, s23, $0xb8;
	[tilespmem:$0x1D00] =	vst v63  }
0x6a: {  	s13 =	simm.s32 $0x1100  }
0x6b: {  	[tilespmem:s13], [sflag:$0x1] =	stream.indirect.gather [hbm4b:s8+s23], $0x1, s0, s23, $0xb8;
	[tilespmem:$0x1D00] =	vst v63  }
0x6c: {  	s14 =	simm.s32 $0x1300  }
0x6d: {  	[tilespmem:s14], [sflag:$0x1] =	stream.indirect.gather [hbm4b:s3+s23], $0x1, s24, s23, $0xb8;
	[tilespmem:$0x1D00] =	vst v63  }
0x6e: {  	s15 =	simm.s32 $0x1500  }
0x6f: {  	[tilespmem:s15], [sflag:$0x1] =	stream.indirect.gather [hbm4b:s4+s23], $0x1, s24, s23, $0xb8;
	[tilespmem:$0x1D00] =	vst v63  }
0x70: {  	s16 =	simm.s32 $0x980  }
0x71: {  	[tilespmem:s16], [sflag:$0x1] =	stream.indirect.gather [hbm4b:s1+s23], $0x1, s5, s23, $0xb8;
	[tilespmem:$0x1D00] =	vst v63  }
0x72: {  	s17 =	simm.s32 $0xB80  }
0x73: {  	[tilespmem:s17], [sflag:$0x1] =	stream.indirect.gather [hbm4b:s9+s23], $0x1, s5, s23, $0xb8;
	[tilespmem:$0x1D00] =	vst v63  }
0x74: {  	s13 =	simm.s32 $0xD80  }
0x75: {  	[tilespmem:s13], [sflag:$0x1] =	stream.indirect.gather [hbm4b:s10+s23], $0x1, s5, s23, $0xb8;
	[tilespmem:$0x1D00] =	vst v63  }
0x76: {  	s14 =	simm.s32 $0xF80  }
0x77: {  	[tilespmem:s14], [sflag:$0x1] =	stream.indirect.gather [hbm4b:s7+s23], $0x1, s5, s23, $0xb8;
	[tilespmem:$0x1D00] =	vst v63  }
0x78: {  	s15 =	simm.s32 $0x1180  }
0x79: {  	[tilespmem:s15], [sflag:$0x1] =	stream.indirect.gather [hbm4b:s8+s23], $0x1, s5, s23, $0xb8;
	[tilespmem:$0x1D00] =	vst v63  }
0x7a: {  	s16 =	simm.s32 $0x1380  }
0x7b: {  	[tilespmem:s16], [sflag:$0x1] =	stream.indirect.gather [hbm4b:s3+s23], $0x1, s25, s23, $0xb8;
	[tilespmem:$0x1D00] =	vst v63  }
0x7c: {  	s17 =	simm.s32 $0x1580  }
0x7d: {  	[tilespmem:s17], [sflag:$0x1] =	stream.indirect.gather [hbm4b:s4+s23], $0x1, s25, s23, $0xb8;
	[tilespmem:$0x1D00] =	vst v63  }
0x7e: {  	_ =	swait.ge [sflag:s29], $0x80  }
0x7f: {  	[sflag:s29] =	ssyncset.done $0x0  }
0x80: {  	[sflag:s29] =	ssyncadd.s32 $0xFFFFFF80  }
0x81: {  	_ =	swait.ge [sflag:s29], $0x80  }
0x82: {  	[sflag:s29] =	ssyncset.done $0x0  }
0x83: {  	[sflag:s29] =	ssyncadd.s32 $0xFFFFFF80  }
0x84: {  	_ =	swait.ge [sflag:s29], $0x80  }
0x85: {  	[sflag:s29] =	ssyncset.done $0x0  }
0x86: {  	[sflag:s29] =	ssyncadd.s32 $0xFFFFFF80  }
0x87: {  	_ =	swait.ge [sflag:s29], $0x80  }
0x88: {  	[sflag:s29] =	ssyncset.done $0x0  }
0x89: {  	[sflag:s29] =	ssyncadd.s32 $0xFFFFFF80  }
0x8a: {  	_ =	swait.ge [sflag:s29], $0x80  }
0x8b: {  	[sflag:s29] =	ssyncset.done $0x0  }
0x8c: {  	[sflag:s29] =	ssyncadd.s32 $0xFFFFFF80  }
0x8d: {  	_ =	swait.ge [sflag:s29], $0x80  }
0x8e: {  	[sflag:s29] =	ssyncset.done $0x0  }
0x8f: {  	[sflag:s29] =	ssyncadd.s32 $0xFFFFFF80  }
0x90: {  	_ =	swait.ge [sflag:s29], $0x80  }
0x91: {  	[sflag:s29] =	ssyncset.done $0x0  }
0x92: {  	[sflag:s29] =	ssyncadd.s32 $0xFFFFFF80  }
0x93: {  	_ =	swait.ge [sflag:s29], $0x80  }
0x94: {  	[sflag:s29] =	ssyncset.done $0x0  }
0x95: {  	[sflag:s29] =	ssyncadd.s32 $0xFFFFFF80  }
0x96: {  	_ =	swait.ge [sflag:s29], $0x80  }
0x97: {  	[sflag:s29] =	ssyncset.done $0x0  }
0x98: {  	[sflag:s29] =	ssyncadd.s32 $0xFFFFFF80  }
0x99: {  	_ =	swait.ge [sflag:s29], $0x80  }
0x9a: {  	[sflag:s29] =	ssyncset.done $0x0  }
0x9b: {  	[sflag:s29] =	ssyncadd.s32 $0xFFFFFF80  }
0x9c: {  	_ =	swait.ge [sflag:s29], $0x80  }
0x9d: {  	[sflag:s29] =	ssyncset.done $0x0  }
0x9e: {  	[sflag:s29] =	ssyncadd.s32 $0xFFFFFF80  }
0x9f: {  	_ =	swait.ge [sflag:s29], $0x80  }
0xa0: {  	[sflag:s29] =	ssyncset.done $0x0  }
0xa1: {  	[sflag:s29] =	ssyncadd.s32 $0xFFFFFF80  }
0xa2: {  	_ =	swait.ge [sflag:s29], $0x80  }
0xa3: {  	[sflag:s29] =	ssyncset.done $0x0  }
0xa4: {  	[sflag:s29] =	ssyncadd.s32 $0xFFFFFF80  }
0xa5: {  	_ =	swait.ge [sflag:s29], $0x80  }
0xa6: {  	[sflag:s29] =	ssyncset.done $0x0  }
0xa7: {  	[sflag:s29] =	ssyncadd.s32 $0xFFFFFF80  }
0xa8: {  	_ =	swait.ge [sflag:s29], $0x80  }
0xa9: {  	[sflag:s29] =	ssyncset.done $0x0  }
0xaa: {  	[sflag:s29] =	ssyncadd.s32 $0xFFFFFF80  }
0xab: {  	_ =	swait.ge [sflag:s29], $0x80  }
0xac: {  	[sflag:s29] =	ssyncset.done $0x0  }
0xad: {  	[sflag:s29] =	ssyncadd.s32 $0xFFFFFF80  }
0xae: {  	_ =	swait.ge [sflag:s29], $0x80  }
0xaf: {  	[sflag:s29] =	ssyncset.done $0x0  }
0xb0: {  	[sflag:s29] =	ssyncadd.s32 $0xFFFFFF80  }
0xb1: {  	_ =	swait.ge [sflag:s29], $0x80  }
0xb2: {  	[sflag:s29] =	ssyncset.done $0x0  }
0xb3: {  	[sflag:s29] =	ssyncadd.s32 $0xFFFFFF80  }
0xb4: {  	_ =	swait.ge [sflag:s29], $0x80  }
0xb5: {  	[sflag:s29] =	ssyncset.done $0x0  }
0xb6: {  	[sflag:s29] =	ssyncadd.s32 $0xFFFFFF80  }
0xb7: {  	_ =	swait.ge [sflag:s29], $0x80  }
0xb8: {  	[sflag:s29] =	ssyncset.done $0x0  }
0xb9: {  	[sflag:s29] =	ssyncadd.s32 $0xFFFFFF80  }
0xba: {  	_ =	swait.ge [sflag:s29], $0x80  }
0xbb: {  	[sflag:s29] =	ssyncset.done $0x0  }
0xbc: {  	[sflag:s29] =	ssyncadd.s32 $0xFFFFFF80  }
0xbd: {  	_ =	swait.ge [sflag:s29], $0x80  }
0xbe: {  	[sflag:s29] =	ssyncset.done $0x0  }
0xbf: {  	[sflag:s29] =	ssyncadd.s32 $0xFFFFFF80  }
0xc0: {  	_ =	swait.ge [sflag:s29], $0x80  }
0xc1: {  	[sflag:s29] =	ssyncset.done $0x0  }
0xc2: {  	[sflag:s29] =	ssyncadd.s32 $0xFFFFFF80  }
0xc3: {  	_ =	swait.ge [sflag:s29], $0x80  }
0xc4: {  	[sflag:s29] =	ssyncset.done $0x0  }
0xc5: {  	[sflag:s29] =	ssyncadd.s32 $0xFFFFFF80  }
0xc6: {  	_ =	swait.ge [sflag:s29], $0x80  }
0xc7: {  	[sflag:s29] =	ssyncset.done $0x0  }
0xc8: {  	[sflag:s29] =	ssyncadd.s32 $0xFFFFFF80  }
0xc9: {  	_ =	swait.ge [sflag:s29], $0x80  }
0xca: {  	[sflag:s29] =	ssyncset.done $0x0  }
0xcb: {  	[sflag:s29] =	ssyncadd.s32 $0xFFFFFF80  }
0xcc: {  	_ =	swait.ge [sflag:s29], $0x80  }
0xcd: {  	[sflag:s29] =	ssyncset.done $0x0  }
0xce: {  	[sflag:s29] =	ssyncadd.s32 $0xFFFFFF80  }
0xcf: {  	_ =	swait.ge [sflag:s29], $0x80  }
0xd0: {  	[sflag:s29] =	ssyncset.done $0x0  }
0xd1: {  	s16 =	simm.s32 $0x0;
	[sflag:s29] =	ssyncadd.s32 $0xFFFFFF80  }
0xd2: {  	v0 =	vld [tilespmem:s16+$0x800]  }
0xd3: {  	v1 =	vld [tilespmem:s16+$0xA00];
	_ =	sdelay $0x1  }
0xd4: {  	v2 =	vld [tilespmem:s16+$0xC00];
	_ =	sdelay $0x2  }
0xd5: {  	v0 =	vmul.f32 v1, v0;
	_ =	sdelay $0x1  }
0xd6: {  	s15 =	simm.s32 $0x10;
	v0 =	vmul.f32 v2, v0  }
0xd7: {  	v1 =	vld [tilespmem:s15+$0x800]  }
0xd8: {  	(erf) = vrcp.f32 v0;
	v0 =	vld [tilespmem:s15+$0xA00];
	_ =	sdelay $0x1  }
0xd9: {  	v2 =	vld [tilespmem:s15+$0xC00];
	_ =	sdelay $0x2  }
0xda: {  	v3 =	vld [tilespmem:s16+$0xE00];
	v0 =	vmul.f32 v0, v1;
	_ =	sdelay $0x1  }
0xdb: {  	s13 =	simm.s32 $0x20;
	v1 =	vld [tilespmem:s16+$0x1400];
	v0 =	vmul.f32 v2, v0  }
0xdc: {  	v5 =	vld [tilespmem:s13+$0xA00]  }
0xdd: {  	v2 =	vld [tilespmem:s13+$0x800];
	v4 =	vpop (erf);
	(erf) = vrcp.f32 v0  }
0xde: {  	v0 =	vmul.f32 v4, v3  }
0xdf: {  	v8 =	vld [tilespmem:s13+$0xC00]  }
0xe0: {  	v10 =	vmul.f32 $8.999999760e-01, v1;
	v0 =	vmul.f32 $1.000000010e-01, v0  }
0xe1: {  	v11 =	vld [tilespmem:s16+$0x1000]  }
0xe2: {  	v1 =	vld [tilespmem:s15+$0xE00];
	v2 =	vmul.f32 v5, v2;
	v3 =	vadd.f32 v10, v0  }
0xe3: {  	v7 =	vld [tilespmem:s15+$0x1400]  }
0xe4: {  	s12 =	simm.s32 $0x30;
	v12 =	vld [tilespmem:s16+$0x1200];
	v2 =	vmul.f32 v8, v2;
	[tilespmem:s16+$0x1A00] =	vst v3;
	(erf) = vrcp.f32 v3  }
0xe5: {  	v14 =	vld [tilespmem:s12+$0x800]  }
0xe6: {  	v15 =	vld [tilespmem:s12+$0xA00];
	v3 =	vpop (erf);
	(erf) = vrcp.f32 v2  }
0xe7: {  	v6 =	vld [tilespmem:s16+$0x400];
	v9 =	vmul.f32 v3, v1  }
0xe8: {  	v16 =	vld [tilespmem:s12+$0xC00]  }
0xe9: {  	v5 =	vmul.f32 $8.999999760e-01, v7;
	v7 =	vld [tilespmem:s15+$0x1000];
	v9 =	vmul.f32 $1.000000010e-01, v9  }
0xea: {  	v0 =	vmul.f32 v11, v0;
	v10 =	vmul.f32 v12, v10;
	v13 =	vld [tilespmem:s13+$0xE00]  }
0xeb: {  	v1 =	vld [tilespmem:s16+$0x600];
	v8 =	vmul.f32 v15, v14;
	v11 =	vadd.f32 v5, v9  }
0xec: {  	v12 =	vld [tilespmem:s13+$0x1400];
	v15 =	vadd.f32 v10, v0  }
0xed: {  	s14 =	simm.s32 $0x40;
	v10 =	vld [tilespmem:s15+$0x1200];
	v14 =	vmul.f32 v16, v8;
	[tilespmem:s15+$0x1A00] =	vst v11;
	v2 =	vpop (erf);
	(erf) = vrcp.f32 v11  }
0xee: {  	s17 =	simm.s32 $0x140;
	v0 =	vimm.f32 $0.0e+00;
	v11 =	vld [tilespmem:s14+$0x800];
	v8 =	vmul.f32 v15, v2;
	v2 =	vimm.f32 $0.0e+00  }
.LBB2_2:
0xef: {  	p0 =	sne.s32 s17, $0x7C0;
	v15 =	vld [tilespmem:s14+$0xA00];
	(erf) = vrcp.f32 v14;
	v14 =	vpop (erf)  }
0xf0: {  	v16 =	vmul.f32 v4, v6;
	v13 =	vmul.f32 v14, v13;
	v6 =	vld [tilespmem:s15+$0x400];
	[tilespmem:s16+$0x1800] =	vst v8;
	v8 =	vsub.f32 v1, v8  }
0xf1: {  	v4 =	vmov v3;
	v3 =	vmov v14;
	v17 =	vld [tilespmem:s14+$0xC00];
	v12 =	vmul.f32 $8.999999760e-01, v12  }
0xf2: {  	v0 =	vadd.f32 v16, v0;
	v14 =	vmul.f32 $1.000000010e-01, v13;
	v1 =	vld [tilespmem:s15+$0x600];
	[tilespmem:s16+$0x1600] =	vst v16;
	v8 =	vmul.f32 v8, v16;
	s16 =	smov.u32 s15;
	s15 =	smov.u32 s13;
	s13 =	smov.u32 s12  }
.Ltmp0:
0xf3: {  	v16 =	vmul.f32 v7, v9;
	v10 =	vmul.f32 v10, v5;
	s12 =	smov.u32 s14;
	v7 =	vld [tilespmem:s15+$0x1000];
	v5 =	vmov v12;
	(pc) =	sbr.rel @p0 .LBB2_2-.Ltmp0, $4  }
0xf4: {  	v11 =	vmul.f32 v15, v11;
	v13 =	vld [tilespmem:s13+$0xE00];
	v18 =	vadd.f32 v5, v14;
	v2 =	vadd.f32 v8, v2;
	v9 =	vmovc v14  }
0xf5: {  	v8 =	vadd.f32 v10, v16;
	v12 =	vld [tilespmem:s13+$0x1400]  }
0xf6: {  	s14 =	sshra.s32 s17, $0x2;
	v14 =	vmul.f32 v17, v11;
	v10 =	vld [tilespmem:s15+$0x1200];
	[tilespmem:s15+$0x1A00] =	vst v18;
	(erf) = vrcp.f32 v18;
	v15 =	vpop (erf)  }
0xf7: {  	s17 =	sadd.s32 $0x40, s17;
	v11 =	vld [tilespmem:s14+$0x800];
	v8 =	vmul.f32 v8, v15  }
0xf8: {  	v15 =	vld [tilespmem:s14+$0xA00]  }
0xf9: {  	v16 =	vld [tilespmem:s15+$0x400];
	v17 =	vpop (erf);
	[tilespmem:s16+$0x1800] =	vst v8  }
0xfa: {  	v13 =	vmul.f32 v17, v13;
	v32 =	vld [tilespmem:s14+$0xC00]  }
0xfb: {  	(erf) = vrcp.f32 v14  }
0xfc: {  	v12 =	vmul.f32 $8.999999760e-01, v12;
	v13 =	vmul.f32 $1.000000010e-01, v13  }
0xfd: {  	v4 =	vmul.f32 v4, v6;
	v35 =	vmul.f32 v15, v11  }
0xfe: {  	v7 =	vmul.f32 v7, v9;
	v5 =	vmul.f32 v10, v5;
	v37 =	vadd.f32 v12, v13  }
0xff: {  	v33 =	vld [tilespmem:s15+$0x600];
	[tilespmem:s16+$0x1600] =	vst v4;
	v6 =	vmul.f32 v32, v35  }
0x100: {  	v36 =	vld [tilespmem:s12+$0xE00];
	v5 =	vadd.f32 v5, v7;
	(erf) = vrcp.f32 v37  }
0x101: {  	v34 =	vld [tilespmem:s13+$0x1000];
	v39 =	vpop (erf);
	(erf) = vrcp.f32 v6  }
0x102: {  	v18 =	vld [tilespmem:s12+$0x1400];
	v5 =	vmul.f32 v5, v39  }
0x103: {  	v38 =	vld [tilespmem:s13+$0x1200];
	v3 =	vmul.f32 v3, v16;
	[tilespmem:s13+$0x1A00] =	vst v37  }
0x104: {  	v40 =	vld [tilespmem:s13+$0x400];
	v41 =	vpop (erf);
	[tilespmem:s15+$0x1800] =	vst v5  }
0x105: {  	v11 =	vmul.f32 v41, v36;
	v42 =	vld [tilespmem:s13+$0x600];
	[tilespmem:s15+$0x1600] =	vst v3  }
0x106: {  	v43 =	vld [tilespmem:s14+$0xE00]  }
0x107: {  	v18 =	vmul.f32 $8.999999760e-01, v18;
	v11 =	vmul.f32 $1.000000010e-01, v11  }
0x108: {  	v9 =	vmul.f32 v34, v13;
	v7 =	vmul.f32 v38, v12;
	v44 =	vld [tilespmem:s14+$0x1400]  }
0x109: {  	v45 =	vadd.f32 v18, v11;
	v19 =	vpop (erf)  }
0x10a: {  	v7 =	vadd.f32 v7, v9;
	v46 =	vpop (erf)  }
0x10b: {  	v20 =	vld [tilespmem:s12+$0x1000];
	(erf) = vrcp.f32 v45;
	v16 =	vmul.f32 v46, v43  }
0x10c: {  	v21 =	vld [tilespmem:s12+$0x1200];
	v7 =	vmul.f32 v7, v19  }
0x10d: {  	v12 =	vmul.f32 $8.999999760e-01, v44;
	v16 =	vmul.f32 $1.000000010e-01, v16  }
0x10e: {  	v6 =	vmul.f32 v17, v40;
	[tilespmem:s12+$0x1A00] =	vst v45  }
0x10f: {  	v47 =	vld [tilespmem:s12+$0x400];
	[tilespmem:s13+$0x1800] =	vst v7;
	v49 =	vadd.f32 v12, v16  }
0x110: {  	v11 =	vmul.f32 v20, v11;
	v48 =	vld [tilespmem:s12+$0x600];
	[tilespmem:s13+$0x1600] =	vst v6  }
0x111: {  	v18 =	vmul.f32 v21, v18;
	v50 =	vld [tilespmem:s14+$0x1000];
	(erf) = vrcp.f32 v49  }
0x112: {  	v51 =	vld [tilespmem:s14+$0x1200]  }
0x113: {  	v11 =	vadd.f32 v18, v11  }
0x114: {  	v1 =	vsub.f32 v1, v8;
	v52 =	vpop (erf)  }
0x115: {  	v8 =	vmul.f32 v11, v52  }
0x116: {  	v1 =	vmul.f32 v1, v4;
	v5 =	vsub.f32 v33, v5;
	[tilespmem:s14+$0x1A00] =	vst v49  }
0x117: {  	v0 =	vadd.f32 v4, v0;
	v53 =	vld [tilespmem:s14+$0x400];
	v54 =	vmul.f32 v50, v16;
	v12 =	vmul.f32 v51, v12;
	[tilespmem:s12+$0x1800] =	vst v8  }
0x118: {  	v1 =	vadd.f32 v1, v2;
	v55 =	vmul.f32 v5, v3;
	v56 =	vsub.f32 v42, v7;
	v57 =	vld [tilespmem:s14+$0x600]  }
0x119: {  	v12 =	vadd.f32 v12, v54  }
0x11a: {  	v0 =	vadd.f32 v3, v0;
	v1 =	vadd.f32 v55, v1;
	v58 =	vmul.f32 v56, v6;
	v59 =	vpop (erf)  }
0x11b: {  	v60 =	vmul.f32 v41, v47;
	v8 =	vsub.f32 v48, v8;
	v4 =	vmul.f32 v12, v59  }
0x11c: {  	v0 =	vadd.f32 v6, v0;
	v1 =	vadd.f32 v58, v1  }
0x11d: {  	v62 =	vmul.f32 v46, v53;
	v61 =	vmul.f32 v8, v60;
	v7 =	vsub.f32 v57, v4  }
0x11e: {  	v0 =	vadd.f32 v60, v0  }
0x11f: {  	[tilespmem:s12+$0x1600] =	vst v60;
	v1 =	vadd.f32 v61, v1;
	v63 =	vmul.f32 v7, v62  }
0x120: {  	v0 =	vadd.f32 v62, v0;
	[tilespmem:s14+$0x1600] =	vst v62  }
0x121: {  	[tilespmem:s14+$0x1800] =	vst v4;
	v1 =	vadd.f32 v63, v1  }
0x122: {  	[tilespmem:$0x1C80] =	vst v0  }
0x123: {  	s17 =	simm.s32 $0x1600;
	s16 =	rddreg [dreg:$0xd];
	[tilespmem:$0x1C00] =	vst v1  }
0x124: {  	[hbm4b:s16+s6] =	stream.linear.scatter [tilespmem:s17], [sflag:$0x2], $0x200, $0x38;
	[tilespmem:$0x1D00] =	vst v63  }
0x125: {  	_ =	swait.ge [sflag:s28], $0x200  }
0x126: {  	[sflag:s28] =	ssyncset.done $0x0  }
0x127: {  	s14 =	simm.s32 $0x1800;
	[sflag:s28] =	ssyncadd.s32 $0xFFFFFE00  }
0x128: {  	[hbm4b:s18+s6] =	stream.linear.scatter [tilespmem:s14], [sflag:$0x2], $0x200, $0x38;
	[tilespmem:$0x1D00] =	vst v63  }
0x129: {  	_ =	swait.ge [sflag:s28], $0x200  }
0x12a: {  	[sflag:s28] =	ssyncset.done $0x0  }
0x12b: {  	s15 =	simm.s32 $0x1A00;
	[sflag:s28] =	ssyncadd.s32 $0xFFFFFE00  }
0x12c: {  	[hbm4b:s19+s6] =	stream.linear.scatter [tilespmem:s15], [sflag:$0x2], $0x200, $0x38;
	[tilespmem:$0x1D00] =	vst v63  }
0x12d: {  	_ =	swait.ge [sflag:s28], $0x200  }
0x12e: {  	[sflag:s28] =	ssyncset.done $0x0  }
0x12f: {  	s16 =	simm.s32 $0x1C00;
	[sflag:s28] =	ssyncadd.s32 $0xFFFFFE00  }
0x130: {  	[hbm4b:s20+s6] =	stream.linear.scatter [tilespmem:s16], [sflag:$0x2], $0x80, $0x38;
	[tilespmem:$0x1D00] =	vst v63  }
0x131: {  	s26 =	sadd.s32 $0x1, s26;
	_ =	swait.ge [sflag:s28], $0x80  }
0x132: {  	p0 =	sne.s32 s26, s22;
	[sflag:s28] =	ssyncset.done $0x0  }
.Ltmp1:
0x133: {  	s17 =	simm.s32 $0x1C80;
	[sflag:s28] =	ssyncadd.s32 $0xFFFFFF80;
	(pc) =	sbr.rel @p0 .LBB2_1-.Ltmp1, $4  }
0x134: {  	[hbm4b:s21+s6] =	stream.linear.scatter [tilespmem:s17], [sflag:$0x2], $0x80, $0x38;
	[tilespmem:$0x1D00] =	vst v63  }
0x135: {  	_ =	swait.ge [sflag:s28], $0x80  }
0x136: {  	[sflag:s28] =	ssyncset.done $0x0  }
0x137: {  	[sflag:s28] =	ssyncadd.s32 $0xFFFFFF80  }
0x138: {  	_ =	sfence.sel $0x180000  }
0x139: {  	[bflag:$0x0] =	sbarrier.arrive $0xFFFF  }
0x13a: {  	_ =	strace $0x9000004A  }
0x13b: {  	s0 =	stileid.u32;
	[bflag:$0x2] =	sbarrier.arrive $0xFFFF  }
0x13c: {  	p0 =	sne.s32 s0, $0x0;
	s0 =	rddreg [dreg:$0x7]  }
0x13d: {  	s0 =	sadd.s32 @!p0 $0x100000, s0  }
0x13e: {  	[sflag:s0] =	ssyncadd.tile.s32 @!p0 $0x1;
	_ =	shalt  }
.Lfunc_end2:
_tile_overlayer_lowered:
.L_overlay_start_2:
0x13f: {  	(tag) =	ssettag $0x2  }
0x140: {  	s0 =	rddreg [dreg:$0x0];
	s2 =	stileid.u32  }
0x141: {  	s1 =	rddreg [dreg:$0x1];
	p0 =	sne.s32 s2, $0x0  }
0x142: {  	s3 =	rddreg [dreg:$0x2];
	[bflag:$0x3] =	sbarrier.arrive $0xFFFF;
	s2 =	simm.s32 @!p0 $0x1C02  }
0x143: {  	[timem:s3], [sflag:s2] =	dma.local @!p0 [hbm:s0], s1  }
0x144: {  	s0 =	simm.s32 @!p0 $0x2  }
0x145: {  	_ =	swait.ge @!p0 [sflag:s0], s1  }
0x146: {  	s1 =	ssub.s32 @!p0 $0x0, s1;
	[sflag:s0] =	ssyncset.done @!p0 $0x0  }
0x147: {  	[sflag:s0] =	ssyncadd.s32 @!p0 s1  }
0x148: {  	[bflag:$0x3] =	sbarrier.arrive $0xFFFF  }
0x149: {  	_ =	shalt  }

</sc_bundles>
